<compile_context>
chip_gen: v7x
topology: tpu7x:2x2x1
jax: 0.10.2.dev20260603
libtpu: 0.0.44.dev20260713+nightly
codegen_flags: <defaults>
</compile_context>

<pallas_src>
import functools

import jax
import jax.numpy as jnp
from jax import lax
from jax.experimental import pallas as pl
from jax.experimental.pallas import tpu as pltpu
from jax.experimental.pallas import tpu_sc as plsc

BATCH = 4096
SEQ = 200
DIM = 64
PADW = 128
N = BATCH * SEQ
NC, NS = 2, 16
NW = NC * NS
SPW = BATCH // NW
LANES = 16
NBUF = 3


def _sc_body(ids_hbm, tok_hbm, pos_hbm, out_hbm, idx_v, g_v, pos_v,
             gsems, ssems):
    wid = lax.axis_index("s") * NC + lax.axis_index("c")

    pltpu.sync_copy(pos_hbm, pos_v)
    pltpu.sync_copy(ids_hbm.at[pl.ds(wid * SPW * SEQ, SPW * SEQ)], idx_v)

    def fire_gather(j, b):
        pltpu.async_copy(tok_hbm.at[idx_v.at[pl.ds(j * SEQ, SEQ)]],
                         g_v.at[b], gsems.at[b])

    def wait_gather(b):
        pltpu.make_async_copy(tok_hbm.at[idx_v.at[pl.ds(0, SEQ)]],
                              g_v.at[b], gsems.at[b]).wait()

    def fire_store(j, b):
        base = (wid * SPW + j) * SEQ
        pltpu.async_copy(g_v.at[b], out_hbm.at[pl.ds(base, SEQ)], ssems.at[b])

    def wait_store(b):
        pltpu.make_async_copy(g_v.at[b], out_hbm.at[pl.ds(0, SEQ)],
                              ssems.at[b]).wait()

    fire_gather(0, 0)

    @pl.loop(0, SPW + (-SPW) % NBUF, step=NBUF)
    def _grp(j0):
        for u in range(NBUF):
            b = u
            j = j0 + u

            @pl.when(j < SPW)
            def _():
                bn = (u + 1) % NBUF

                @pl.when(j + 1 < SPW)
                def _():
                    @pl.when(j >= 2)
                    def _():
                        wait_store(bn)
                    fire_gather(j + 1, bn)

                wait_gather(b)

                @pl.loop(0, SEQ, unroll=8)
                def _row(r):
                    pbase = (r % 2) * DIM
                    for c in range(DIM // LANES):
                        plsc.addupdate(
                            g_v.at[b, r, pl.ds(c * LANES, LANES)],
                            pos_v[r // 2, pl.ds(pbase + c * LANES, LANES)])

                fire_store(j, b)

    for b in range(NBUF):
        wait_store(b)


@functools.partial(jax.jit, static_argnames=())
def kernel(input_ids, token_table, pos_table):
    ids = input_ids.reshape(N).astype(jnp.int32)
    tok_p = jnp.pad(token_table, ((0, 0), (0, PADW - DIM)))
    pos2 = pos_table.reshape(SEQ // 2, 2 * DIM)
    mesh = plsc.VectorSubcoreMesh(core_axis_name="c", subcore_axis_name="s")
    out_p = pl.kernel(
        _sc_body,
        out_type=jax.ShapeDtypeStruct((N, PADW), jnp.float32),
        mesh=mesh,
        scratch_types=[
            pltpu.VMEM((SPW * SEQ,), jnp.int32),
            pltpu.VMEM((NBUF, SEQ, PADW), jnp.float32),
            pltpu.VMEM((SEQ // 2, 2 * DIM), jnp.float32),
            pltpu.SemaphoreType.DMA((NBUF,)),
            pltpu.SemaphoreType.DMA((NBUF,)),
        ],
    )(ids, tok_p, pos2)
    return out_p.reshape(BATCH, SEQ, PADW)[:, :, :DIM]

# --- scband reference (transcript-rebuilt; emitter-appended) ---
"""Pipeline reference for scband-token-position-embed-43903155700142 (READ-ONLY COPY).

The authoritative reference and input builder live on the scoring server;
editing this copy changes nothing except your own understanding.
"""

import jax, jax.numpy as jnp
import numpy as np

VOCAB = 1000000
DIM = 64
MAXLEN = 200
BATCH = 4096
SEQ = 200

def setup_inputs(seed: int = 0) -> dict:
    key = jax.random.key(seed)
    k1, k2, k3 = jax.random.split(key, 3)
    input_ids = jax.random.randint(k1, (BATCH, SEQ), 0, VOCAB, dtype=jnp.int64 if jax.config.read('jax_enable_x64') else jnp.int32)
    token_table = jax.random.normal(k2, (VOCAB, DIM), dtype=jnp.float32) * 0.02
    pos_table = jax.random.normal(k3, (MAXLEN, DIM), dtype=jnp.float32) * 0.02
    return {"input_ids": input_ids, "token_table": token_table, "pos_table": pos_table}

def reference(input_ids, token_table, pos_table):
    # token embedding: gather rows from token_table
    tok = jnp.take(token_table, input_ids, axis=0)            # [B, S, D]
    # position embedding: positions 0..S-1, broadcast over batch
    seq_len = input_ids.shape[-1]
    pos_ids = jnp.arange(seq_len)[None, :]                    # [1, S]
    pos = jnp.take(pos_table, pos_ids, axis=0)                # [1, S, D]
    return tok + pos

if __name__ == "__main__":
    import jax
    _d = setup_inputs()
    print(jax.jit(kernel)(*tuple(_d.values())))

</pallas_src>

<mosaic_0001>
#map = affine_map<(d0, d1) -> (0)>
#map1 = affine_map<(d0, d1) -> (0, 0)>
module attributes {stable_mosaic.version = 14 : i64} {
  func.func @_sc_body(%arg0: i32, %arg1: i32, %arg2: memref<819200xi32, #tpu.memory_space<hbm>>, %arg3: memref<1000000x128xf32, #tpu.memory_space<hbm>>, %arg4: memref<100x128xf32, #tpu.memory_space<hbm>>, %arg5: memref<819200x128xf32, #tpu.memory_space<hbm>>, %arg6: memref<25600xi32, #tpu.memory_space<vmem>>, %arg7: memref<3x200x128xf32, #tpu.memory_space<vmem>>, %arg8: memref<100x128xf32, #tpu.memory_space<vmem>>, %arg9: memref<3x!tpu.dma_semaphore, #tpu.memory_space<semaphore_mem>>, %arg10: memref<3x!tpu.dma_semaphore, #tpu.memory_space<semaphore_mem>>) attributes {dimension_semantics = [#tpu.dimension_semantics<core_parallel>, #tpu.dimension_semantics<subcore_parallel>], iteration_bounds = array<i64: 2, 16>, scalar_prefetch = 0 : i64, scratch_operands = 5 : i64, tpu.core_type = #tpu.core_type<sc_vector_subcore>, window_params = [{transform_indices = #map}, {transform_indices = #map1}, {transform_indices = #map1}, {transform_indices = #map1}]} {
    %mul3A = arith.constant 2 : i32
    %mul3A_0 = arith.muli %arg1, %mul3A : i32
    %add3A = arith.addi %mul3A_0, %arg0 : i32
    "tpu.region"() ({
      %run_scoped3A = tpu.sem_alloc : memref<!tpu.dma_semaphore, #tpu.memory_space<semaphore_mem>>
      tpu.enqueue_dma source(%arg4 : memref<100x128xf32, #tpu.memory_space<hbm>>) target(%arg8 : memref<100x128xf32, #tpu.memory_space<vmem>>) target_semaphore(%run_scoped3A : memref<!tpu.dma_semaphore, #tpu.memory_space<semaphore_mem>>)
      tpu.wait_dma2 semaphore(%run_scoped3A : memref<!tpu.dma_semaphore, #tpu.memory_space<semaphore_mem>>) src(%arg4 : memref<100x128xf32, #tpu.memory_space<hbm>>) dst(%arg8 : memref<100x128xf32, #tpu.memory_space<vmem>>)
      tpu.yield
    }) : () -> ()
    %mul3A_1 = arith.constant 128 : i32
    %mul3A_2 = arith.muli %add3A, %mul3A_1 : i32
    %mul3A_3 = arith.constant 200 : i32
    %mul3A_4 = arith.muli %mul3A_2, %mul3A_3 : i32
    "tpu.region"() ({
      %run_scoped3A = tpu.sem_alloc : memref<!tpu.dma_semaphore, #tpu.memory_space<semaphore_mem>>
      %dma_start3A_74 = tpu.memref_slice %arg2[%mul3A_4] : memref<819200xi32, #tpu.memory_space<hbm>> -> memref<25600xi32, #tpu.memory_space<hbm>>
      %dma_start3A_75 = tpu.memref_slice %arg2[%mul3A_4] : memref<819200xi32, #tpu.memory_space<hbm>> -> memref<25600xi32, #tpu.memory_space<hbm>>
      tpu.enqueue_dma source(%dma_start3A_75 : memref<25600xi32, #tpu.memory_space<hbm>>) target(%arg6 : memref<25600xi32, #tpu.memory_space<vmem>>) target_semaphore(%run_scoped3A : memref<!tpu.dma_semaphore, #tpu.memory_space<semaphore_mem>>)
      %dma_wait3A_76 = tpu.memref_slice %arg2[%mul3A_4] : memref<819200xi32, #tpu.memory_space<hbm>> -> memref<25600xi32, #tpu.memory_space<hbm>>
      %dma_wait3A_77 = tpu.memref_slice %arg2[%mul3A_4] : memref<819200xi32, #tpu.memory_space<hbm>> -> memref<25600xi32, #tpu.memory_space<hbm>>
      tpu.wait_dma2 semaphore(%run_scoped3A : memref<!tpu.dma_semaphore, #tpu.memory_space<semaphore_mem>>) src(%dma_wait3A_77 : memref<25600xi32, #tpu.memory_space<hbm>>) dst(%arg6 : memref<25600xi32, #tpu.memory_space<vmem>>)
      tpu.yield
    }) : () -> ()
    %dma_start3A = arith.constant 0 : i32
    %dma_start3A_5 = arith.constant 0 : i32
    %dma_start3A_6 = arith.constant 0 : i32
    %dma_start3A_7 = arith.constant 0 : i32
    %dma_start3A_8 = tpu.memref_slice %arg7[%dma_start3A, %dma_start3A_6, %dma_start3A_7] : memref<3x200x128xf32, #tpu.memory_space<vmem>> -> memref<1x200x128xf32, #tpu.memory_space<vmem>>
    %dma_start3A_9 = tpu.memref_squeeze %dma_start3A_8 : memref<1x200x128xf32, #tpu.memory_space<vmem>> -> memref<200x128xf32, #tpu.memory_space<vmem>>
    %dma_start3A_10 = arith.constant 0 : i32
    %dma_start3A_11 = tpu.memref_slice %arg6[%dma_start3A_10] : memref<25600xi32, #tpu.memory_space<vmem>> -> memref<200xi32, #tpu.memory_space<vmem>>
    %dma_start3A_12 = arith.constant 0 : i32
    %dma_start3A_13 = arith.constant 0 : i32
    %dma_start3A_14 = tpu.memref_slice %arg3[%dma_start3A_12, %dma_start3A_13] : memref<1000000x128xf32, #tpu.memory_space<hbm>> -> memref<1000000x128xf32, #tpu.memory_space<hbm>>
    %dma_start3A_15 = tpu.memref_slice %arg9[%dma_start3A_5] : memref<3x!tpu.dma_semaphore, #tpu.memory_space<semaphore_mem>> -> memref<1x!tpu.dma_semaphore, #tpu.memory_space<semaphore_mem>>
    %dma_start3A_16 = tpu.memref_squeeze %dma_start3A_15 : memref<1x!tpu.dma_semaphore, #tpu.memory_space<semaphore_mem>> -> memref<!tpu.dma_semaphore, #tpu.memory_space<semaphore_mem>>
    tpu.enqueue_indirect_dma source(%dma_start3A_14 : memref<1000000x128xf32, #tpu.memory_space<hbm>>) target(%dma_start3A_9 : memref<200x128xf32, #tpu.memory_space<vmem>>) offsets(%dma_start3A_11 : memref<200xi32, #tpu.memory_space<vmem>>) semaphore(%dma_start3A_16 : memref<!tpu.dma_semaphore, #tpu.memory_space<semaphore_mem>>)
    %scan3A = arith.constant 0 : i32
    %scan3A_17 = arith.constant 43 : i32
    %scan3A_18 = arith.addi %scan3A, %scan3A_17 : i32
    %scan3A_19 = arith.constant 1 : i32
    scf.for %scan3A_74 = %scan3A to %scan3A_18 step %scan3A_19  : i32 {
      %mul3A_75 = arith.constant 3 : i32
      %mul3A_76 = arith.muli %scan3A_74, %mul3A_75 : i32
      %add3A_77 = arith.constant 0 : i32
      %add3A_78 = arith.addi %add3A_77, %mul3A_76 : i32
      %add3A_79 = arith.constant 0 : i32
      %add3A_80 = arith.addi %add3A_78, %add3A_79 : i32
      %lt3A = arith.constant 128 : i32
      %lt3A_81 = arith.cmpi slt, %add3A_80, %lt3A : i32
      %convert_element_type3A = arith.extui %lt3A_81 : i1 to i32
      %cond3A = arith.constant 0 : i32
      %cond3A_82 = arith.cmpi ne, %convert_element_type3A, %cond3A : i32
      scf.if %cond3A_82 {
        %add3A_97 = arith.constant 1 : i32
        %add3A_98 = arith.addi %add3A_80, %add3A_97 : i32
        %lt3A_99 = arith.constant 128 : i32
        %lt3A_100 = arith.cmpi slt, %add3A_98, %lt3A_99 : i32
        %convert_element_type3A_101 = arith.extui %lt3A_100 : i1 to i32
        %cond3A_102 = arith.constant 0 : i32
        %cond3A_103 = arith.cmpi ne, %convert_element_type3A_101, %cond3A_102 : i32
        scf.if %cond3A_103 {
          %ge3A = arith.constant 2 : i32
          %ge3A_143 = arith.cmpi sge, %add3A_80, %ge3A : i32
          %convert_element_type3A_144 = arith.extui %ge3A_143 : i1 to i32
          %cond3A_145 = arith.constant 0 : i32
          %cond3A_146 = arith.cmpi ne, %convert_element_type3A_144, %cond3A_145 : i32
          scf.if %cond3A_146 {
            %dma_wait3A_163 = arith.constant 1 : i32
            %dma_wait3A_164 = arith.constant 1 : i32
            %dma_wait3A_165 = arith.constant 0 : i32
            %dma_wait3A_166 = arith.constant 0 : i32
            %dma_wait3A_167 = tpu.memref_slice %arg7[%dma_wait3A_163, %dma_wait3A_165, %dma_wait3A_166] : memref<3x200x128xf32, #tpu.memory_space<vmem>> -> memref<1x200x128xf32, #tpu.memory_space<vmem>>
            %dma_wait3A_168 = tpu.memref_squeeze %dma_wait3A_167 : memref<1x200x128xf32, #tpu.memory_space<vmem>> -> memref<200x128xf32, #tpu.memory_space<vmem>>
            %dma_wait3A_169 = arith.constant 0 : i32
            %dma_wait3A_170 = arith.constant 0 : i32
            %dma_wait3A_171 = tpu.memref_slice %arg5[%dma_wait3A_169, %dma_wait3A_170] : memref<819200x128xf32, #tpu.memory_space<hbm>> -> memref<200x128xf32, #tpu.memory_space<hbm>>
            %dma_wait3A_172 = tpu.memref_slice %arg10[%dma_wait3A_164] : memref<3x!tpu.dma_semaphore, #tpu.memory_space<semaphore_mem>> -> memref<1x!tpu.dma_semaphore, #tpu.memory_space<semaphore_mem>>
            %dma_wait3A_173 = tpu.memref_squeeze %dma_wait3A_172 : memref<1x!tpu.dma_semaphore, #tpu.memory_space<semaphore_mem>> -> memref<!tpu.dma_semaphore, #tpu.memory_space<semaphore_mem>>
            %dma_wait3A_174 = arith.constant 0 : i32
            %dma_wait3A_175 = arith.constant 0 : i32
            %dma_wait3A_176 = tpu.memref_slice %arg5[%dma_wait3A_174, %dma_wait3A_175] : memref<819200x128xf32, #tpu.memory_space<hbm>> -> memref<200x128xf32, #tpu.memory_space<hbm>>
            %dma_wait3A_177 = arith.constant 0 : i32
            %dma_wait3A_178 = arith.constant 0 : i32
            %dma_wait3A_179 = tpu.memref_slice %arg7[%dma_wait3A_163, %dma_wait3A_177, %dma_wait3A_178] : memref<3x200x128xf32, #tpu.memory_space<vmem>> -> memref<1x200x128xf32, #tpu.memory_space<vmem>>
            %dma_wait3A_180 = tpu.memref_squeeze %dma_wait3A_179 : memref<1x200x128xf32, #tpu.memory_space<vmem>> -> memref<200x128xf32, #tpu.memory_space<vmem>>
            tpu.wait_dma2 semaphore(%dma_wait3A_173 : memref<!tpu.dma_semaphore, #tpu.memory_space<semaphore_mem>>) src(%dma_wait3A_180 : memref<200x128xf32, #tpu.memory_space<vmem>>) dst(%dma_wait3A_176 : memref<200x128xf32, #tpu.memory_space<hbm>>)
          } else {
          }
          %add3A_147 = arith.constant 1 : i32
          %add3A_148 = arith.addi %add3A_80, %add3A_147 : i32
          %mul3A_149 = arith.constant 200 : i32
          %mul3A_150 = arith.muli %add3A_148, %mul3A_149 : i32
          %dma_start3A_151 = arith.constant 1 : i32
          %dma_start3A_152 = arith.constant 1 : i32
          %dma_start3A_153 = arith.constant 0 : i32
          %dma_start3A_154 = arith.constant 0 : i32
          %dma_start3A_155 = tpu.memref_slice %arg7[%dma_start3A_151, %dma_start3A_153, %dma_start3A_154] : memref<3x200x128xf32, #tpu.memory_space<vmem>> -> memref<1x200x128xf32, #tpu.memory_space<vmem>>
          %dma_start3A_156 = tpu.memref_squeeze %dma_start3A_155 : memref<1x200x128xf32, #tpu.memory_space<vmem>> -> memref<200x128xf32, #tpu.memory_space<vmem>>
          %dma_start3A_157 = tpu.memref_slice %arg6[%mul3A_150] : memref<25600xi32, #tpu.memory_space<vmem>> -> memref<200xi32, #tpu.memory_space<vmem>>
          %dma_start3A_158 = arith.constant 0 : i32
          %dma_start3A_159 = arith.constant 0 : i32
          %dma_start3A_160 = tpu.memref_slice %arg3[%dma_start3A_158, %dma_start3A_159] : memref<1000000x128xf32, #tpu.memory_space<hbm>> -> memref<1000000x128xf32, #tpu.memory_space<hbm>>
          %dma_start3A_161 = tpu.memref_slice %arg9[%dma_start3A_152] : memref<3x!tpu.dma_semaphore, #tpu.memory_space<semaphore_mem>> -> memref<1x!tpu.dma_semaphore, #tpu.memory_space<semaphore_mem>>
          %dma_start3A_162 = tpu.memref_squeeze %dma_start3A_161 : memref<1x!tpu.dma_semaphore, #tpu.memory_space<semaphore_mem>> -> memref<!tpu.dma_semaphore, #tpu.memory_space<semaphore_mem>>
          tpu.enqueue_indirect_dma source(%dma_start3A_160 : memref<1000000x128xf32, #tpu.memory_space<hbm>>) target(%dma_start3A_156 : memref<200x128xf32, #tpu.memory_space<vmem>>) offsets(%dma_start3A_157 : memref<200xi32, #tpu.memory_space<vmem>>) semaphore(%dma_start3A_162 : memref<!tpu.dma_semaphore, #tpu.memory_space<semaphore_mem>>)
        } else {
        }
        %dma_wait3A_104 = arith.constant 0 : i32
        %dma_wait3A_105 = arith.constant 0 : i32
        %dma_wait3A_106 = arith.constant 0 : i32
        %dma_wait3A_107 = arith.constant 0 : i32
        %dma_wait3A_108 = tpu.memref_slice %arg7[%dma_wait3A_104, %dma_wait3A_106, %dma_wait3A_107] : memref<3x200x128xf32, #tpu.memory_space<vmem>> -> memref<1x200x128xf32, #tpu.memory_space<vmem>>
        %dma_wait3A_109 = tpu.memref_squeeze %dma_wait3A_108 : memref<1x200x128xf32, #tpu.memory_space<vmem>> -> memref<200x128xf32, #tpu.memory_space<vmem>>
        %dma_wait3A_110 = arith.constant 0 : i32
        %dma_wait3A_111 = tpu.memref_slice %arg6[%dma_wait3A_110] : memref<25600xi32, #tpu.memory_space<vmem>> -> memref<200xi32, #tpu.memory_space<vmem>>
        %dma_wait3A_112 = arith.constant 0 : i32
        %dma_wait3A_113 = arith.constant 0 : i32
        %dma_wait3A_114 = tpu.memref_slice %arg3[%dma_wait3A_112, %dma_wait3A_113] : memref<1000000x128xf32, #tpu.memory_space<hbm>> -> memref<1000000x128xf32, #tpu.memory_space<hbm>>
        %dma_wait3A_115 = tpu.memref_slice %arg9[%dma_wait3A_105] : memref<3x!tpu.dma_semaphore, #tpu.memory_space<semaphore_mem>> -> memref<1x!tpu.dma_semaphore, #tpu.memory_space<semaphore_mem>>
        %dma_wait3A_116 = tpu.memref_squeeze %dma_wait3A_115 : memref<1x!tpu.dma_semaphore, #tpu.memory_space<semaphore_mem>> -> memref<!tpu.dma_semaphore, #tpu.memory_space<semaphore_mem>>
        tpu.wait_indirect_dma semaphore(%dma_wait3A_116 : memref<!tpu.dma_semaphore, #tpu.memory_space<semaphore_mem>>) src(%dma_wait3A_114 : memref<1000000x128xf32, #tpu.memory_space<hbm>>) dst(%dma_wait3A_109 : memref<200x128xf32, #tpu.memory_space<vmem>>)
        %scan3A_117 = arith.constant 0 : i32
        %scan3A_118 = arith.constant 200 : i32
        %scan3A_119 = arith.addi %scan3A_117, %scan3A_118 : i32
        %scan3A_120 = arith.constant 8 : i32
        scf.for %scan3A_143 = %scan3A_117 to %scan3A_119 step %scan3A_120  : i32 {
          %mul3A_144 = arith.constant 1 : i32
          %mul3A_145 = arith.muli %scan3A_143, %mul3A_144 : i32
          %add3A_146 = arith.constant 0 : i32
          %add3A_147 = arith.addi %add3A_146, %mul3A_145 : i32
          %jit3A = arith.constant 2 : i32
          %eq3A = arith.constant 0 : i32
          %eq3A_148 = arith.cmpi eq, %jit3A, %eq3A : i32
          %jit3A_149 = arith.constant 1 : i32
          %select_n3A = arith.select %eq3A_148, %jit3A_149, %jit3A : i32
          %rem3A = arith.remsi %add3A_147, %select_n3A : i32
          %ne3A = arith.constant 0 : i32
          %ne3A_150 = arith.cmpi ne, %rem3A, %ne3A : i32
          %lt3A_151 = arith.constant 0 : i32
          %lt3A_152 = arith.cmpi slt, %rem3A, %lt3A_151 : i32
          %lt3A_153 = arith.constant 0 : i32
          %lt3A_154 = arith.cmpi slt, %select_n3A, %lt3A_153 : i32
          %ne3A_155 = arith.xori %lt3A_152, %lt3A_154 : i1
          %and3A = arith.andi %ne3A_155, %ne3A_150 : i1
          %add3A_156 = arith.addi %rem3A, %select_n3A : i32
          %select_n3A_157 = arith.select %and3A, %add3A_156, %rem3A : i32
          %mul3A_158 = arith.constant 64 : i32
          %mul3A_159 = arith.muli %select_n3A_157, %mul3A_158 : i32
          %jit3A_160 = arith.constant 2 : i32
          %div3A = arith.divsi %add3A_147, %jit3A_160 : i32
          %sign3A = arith.constant 0 : i32
          %sign3A_161 = arith.cmpi sgt, %add3A_147, %sign3A : i32
          %sign3A_162 = arith.extui %sign3A_161 : i1 to i32
          %sign3A_163 = arith.constant 0 : i32
          %sign3A_164 = arith.cmpi slt, %add3A_147, %sign3A_163 : i32
          %sign3A_165 = arith.extui %sign3A_164 : i1 to i32
          %sign3A_166 = arith.subi %sign3A_162, %sign3A_165 : i32
          %sign3A_167 = arith.constant 0 : i32
          %sign3A_168 = arith.cmpi sgt, %jit3A_160, %sign3A_167 : i32
          %sign3A_169 = arith.extui %sign3A_168 : i1 to i32
          %sign3A_170 = arith.constant 0 : i32
          %sign3A_171 = arith.cmpi slt, %jit3A_160, %sign3A_170 : i32
          %sign3A_172 = arith.extui %sign3A_171 : i1 to i32
          %sign3A_173 = arith.subi %sign3A_169, %sign3A_172 : i32
          %ne3A_174 = arith.cmpi ne, %sign3A_166, %sign3A_173 : i32
          %rem3A_175 = arith.remsi %add3A_147, %jit3A_160 : i32
          %ne3A_176 = arith.constant 0 : i32
          %ne3A_177 = arith.cmpi ne, %rem3A_175, %ne3A_176 : i32
          %and3A_178 = arith.andi %ne3A_174, %ne3A_177 : i1
          %sub3A = arith.constant 1 : i32
          %sub3A_179 = arith.subi %div3A, %sub3A : i32
          %select_n3A_180 = arith.select %and3A_178, %sub3A_179, %div3A : i32
          %add3A_181 = arith.constant 0 : i32
          %add3A_182 = arith.addi %mul3A_159, %add3A_181 : i32
          %get3A = arith.index_cast %select_n3A_180 : i32 to index
          %get3A_183 = arith.index_cast %add3A_182 : i32 to index
          %get3A_184 = tpu.vector_load %arg8[%get3A, %get3A_183] {strides = array<i32>} : memref<100x128xf32, #tpu.memory_space<vmem>>, vector<1x16xf32>,
          %get3A_185 = vector.shape_cast %get3A_184 : vector<1x16xf32> to vector<16xf32>
          %swap3A = arith.constant 0 : i32
          %swap3A_186 = arith.index_cast %swap3A : i32 to index
          %swap3A_187 = arith.index_cast %add3A_147 : i32 to index
          %swap3A_188 = arith.constant 0 : index
          %swap3A_189 = tpu.vector_load %arg7[%swap3A_186, %swap3A_187, %swap3A_188] {strides = array<i32>} : memref<3x200x128xf32, #tpu.memory_space<vmem>>, vector<1x1x16xf32>,
          %swap3A_190 = vector.shape_cast %swap3A_189 : vector<1x1x16xf32> to vector<16xf32>
          %swap3A_191 = vector.shape_cast %get3A_185 : vector<16xf32> to vector<1x1x16xf32>
          tpu.vector_store %arg7[%swap3A_186, %swap3A_187, %swap3A_188], %swap3A_191 {add = true, strides = array<i32>} : memref<3x200x128xf32, #tpu.memory_space<vmem>>, vector<1x1x16xf32>,
          %jit3A_192 = arith.constant 2 : i32
          %div3A_193 = arith.divsi %add3A_147, %jit3A_192 : i32
          %sign3A_194 = arith.constant 0 : i32
          %sign3A_195 = arith.cmpi sgt, %add3A_147, %sign3A_194 : i32
          %sign3A_196 = arith.extui %sign3A_195 : i1 to i32
          %sign3A_197 = arith.constant 0 : i32
          %sign3A_198 = arith.cmpi slt, %add3A_147, %sign3A_197 : i32
          %sign3A_199 = arith.extui %sign3A_198 : i1 to i32
          %sign3A_200 = arith.subi %sign3A_196, %sign3A_199 : i32
          %sign3A_201 = arith.constant 0 : i32
          %sign3A_202 = arith.cmpi sgt, %jit3A_192, %sign3A_201 : i32
          %sign3A_203 = arith.extui %sign3A_202 : i1 to i32
          %sign3A_204 = arith.constant 0 : i32
          %sign3A_205 = arith.cmpi slt, %jit3A_192, %sign3A_204 : i32
          %sign3A_206 = arith.extui %sign3A_205 : i1 to i32
          %sign3A_207 = arith.subi %sign3A_203, %sign3A_206 : i32
          %ne3A_208 = arith.cmpi ne, %sign3A_200, %sign3A_207 : i32
          %rem3A_209 = arith.remsi %add3A_147, %jit3A_192 : i32
          %ne3A_210 = arith.constant 0 : i32
          %ne3A_211 = arith.cmpi ne, %rem3A_209, %ne3A_210 : i32
          %and3A_212 = arith.andi %ne3A_208, %ne3A_211 : i1
          %sub3A_213 = arith.constant 1 : i32
          %sub3A_214 = arith.subi %div3A_193, %sub3A_213 : i32
          %select_n3A_215 = arith.select %and3A_212, %sub3A_214, %div3A_193 : i32
          %add3A_216 = arith.constant 16 : i32
          %add3A_217 = arith.addi %mul3A_159, %add3A_216 : i32
          %get3A_218 = arith.index_cast %select_n3A_215 : i32 to index
          %get3A_219 = arith.index_cast %add3A_217 : i32 to index
          %get3A_220 = tpu.vector_load %arg8[%get3A_218, %get3A_219] {strides = array<i32>} : memref<100x128xf32, #tpu.memory_space<vmem>>, vector<1x16xf32>,
          %get3A_221 = vector.shape_cast %get3A_220 : vector<1x16xf32> to vector<16xf32>
          %swap3A_222 = arith.constant 0 : i32
          %swap3A_223 = arith.index_cast %swap3A_222 : i32 to index
          %swap3A_224 = arith.index_cast %add3A_147 : i32 to index
          %swap3A_225 = arith.constant 16 : index
          %swap3A_226 = tpu.vector_load %arg7[%swap3A_223, %swap3A_224, %swap3A_225] {strides = array<i32>} : memref<3x200x128xf32, #tpu.memory_space<vmem>>, vector<1x1x16xf32>,
          %swap3A_227 = vector.shape_cast %swap3A_226 : vector<1x1x16xf32> to vector<16xf32>
          %swap3A_228 = vector.shape_cast %get3A_221 : vector<16xf32> to vector<1x1x16xf32>
          tpu.vector_store %arg7[%swap3A_223, %swap3A_224, %swap3A_225], %swap3A_228 {add = true, strides = array<i32>} : memref<3x200x128xf32, #tpu.memory_space<vmem>>, vector<1x1x16xf32>,
          %jit3A_229 = arith.constant 2 : i32
          %div3A_230 = arith.divsi %add3A_147, %jit3A_229 : i32
          %sign3A_231 = arith.constant 0 : i32
          %sign3A_232 = arith.cmpi sgt, %add3A_147, %sign3A_231 : i32
          %sign3A_233 = arith.extui %sign3A_232 : i1 to i32
          %sign3A_234 = arith.constant 0 : i32
          %sign3A_235 = arith.cmpi slt, %add3A_147, %sign3A_234 : i32
          %sign3A_236 = arith.extui %sign3A_235 : i1 to i32
          %sign3A_237 = arith.subi %sign3A_233, %sign3A_236 : i32
          %sign3A_238 = arith.constant 0 : i32
          %sign3A_239 = arith.cmpi sgt, %jit3A_229, %sign3A_238 : i32
          %sign3A_240 = arith.extui %sign3A_239 : i1 to i32
          %sign3A_241 = arith.constant 0 : i32
          %sign3A_242 = arith.cmpi slt, %jit3A_229, %sign3A_241 : i32
          %sign3A_243 = arith.extui %sign3A_242 : i1 to i32
          %sign3A_244 = arith.subi %sign3A_240, %sign3A_243 : i32
          %ne3A_245 = arith.cmpi ne, %sign3A_237, %sign3A_244 : i32
          %rem3A_246 = arith.remsi %add3A_147, %jit3A_229 : i32
          %ne3A_247 = arith.constant 0 : i32
          %ne3A_248 = arith.cmpi ne, %rem3A_246, %ne3A_247 : i32
          %and3A_249 = arith.andi %ne3A_245, %ne3A_248 : i1
          %sub3A_250 = arith.constant 1 : i32
          %sub3A_251 = arith.subi %div3A_230, %sub3A_250 : i32
          %select_n3A_252 = arith.select %and3A_249, %sub3A_251, %div3A_230 : i32
          %add3A_253 = arith.constant 32 : i32
          %add3A_254 = arith.addi %mul3A_159, %add3A_253 : i32
          %get3A_255 = arith.index_cast %select_n3A_252 : i32 to index
          %get3A_256 = arith.index_cast %add3A_254 : i32 to index
          %get3A_257 = tpu.vector_load %arg8[%get3A_255, %get3A_256] {strides = array<i32>} : memref<100x128xf32, #tpu.memory_space<vmem>>, vector<1x16xf32>,
          %get3A_258 = vector.shape_cast %get3A_257 : vector<1x16xf32> to vector<16xf32>
          %swap3A_259 = arith.constant 0 : i32
          %swap3A_260 = arith.index_cast %swap3A_259 : i32 to index
          %swap3A_261 = arith.index_cast %add3A_147 : i32 to index
          %swap3A_262 = arith.constant 32 : index
          %swap3A_263 = tpu.vector_load %arg7[%swap3A_260, %swap3A_261, %swap3A_262] {strides = array<i32>} : memref<3x200x128xf32, #tpu.memory_space<vmem>>, vector<1x1x16xf32>,
          %swap3A_264 = vector.shape_cast %swap3A_263 : vector<1x1x16xf32> to vector<16xf32>
          %swap3A_265 = vector.shape_cast %get3A_258 : vector<16xf32> to vector<1x1x16xf32>
          tpu.vector_store %arg7[%swap3A_260, %swap3A_261, %swap3A_262], %swap3A_265 {add = true, strides = array<i32>} : memref<3x200x128xf32, #tpu.memory_space<vmem>>, vector<1x1x16xf32>,
          %jit3A_266 = arith.constant 2 : i32
          %div3A_267 = arith.divsi %add3A_147, %jit3A_266 : i32
          %sign3A_268 = arith.constant 0 : i32
          %sign3A_269 = arith.cmpi sgt, %add3A_147, %sign3A_268 : i32
          %sign3A_270 = arith.extui %sign3A_269 : i1 to i32
          %sign3A_271 = arith.constant 0 : i32
          %sign3A_272 = arith.cmpi slt, %add3A_147, %sign3A_271 : i32
          %sign3A_273 = arith.extui %sign3A_272 : i1 to i32
          %sign3A_274 = arith.subi %sign3A_270, %sign3A_273 : i32
          %sign3A_275 = arith.constant 0 : i32
          %sign3A_276 = arith.cmpi sgt, %jit3A_266, %sign3A_275 : i32
          %sign3A_277 = arith.extui %sign3A_276 : i1 to i32
          %sign3A_278 = arith.constant 0 : i32
          %sign3A_279 = arith.cmpi slt, %jit3A_266, %sign3A_278 : i32
          %sign3A_280 = arith.extui %sign3A_279 : i1 to i32
          %sign3A_281 = arith.subi %sign3A_277, %sign3A_280 : i32
          %ne3A_282 = arith.cmpi ne, %sign3A_274, %sign3A_281 : i32
          %rem3A_283 = arith.remsi %add3A_147, %jit3A_266 : i32
          %ne3A_284 = arith.constant 0 : i32
          %ne3A_285 = arith.cmpi ne, %rem3A_283, %ne3A_284 : i32
          %and3A_286 = arith.andi %ne3A_282, %ne3A_285 : i1
          %sub3A_287 = arith.constant 1 : i32
          %sub3A_288 = arith.subi %div3A_267, %sub3A_287 : i32
          %select_n3A_289 = arith.select %and3A_286, %sub3A_288, %div3A_267 : i32
          %add3A_290 = arith.constant 48 : i32
          %add3A_291 = arith.addi %mul3A_159, %add3A_290 : i32
          %get3A_292 = arith.index_cast %select_n3A_289 : i32 to index
          %get3A_293 = arith.index_cast %add3A_291 : i32 to index
          %get3A_294 = tpu.vector_load %arg8[%get3A_292, %get3A_293] {strides = array<i32>} : memref<100x128xf32, #tpu.memory_space<vmem>>, vector<1x16xf32>,
          %get3A_295 = vector.shape_cast %get3A_294 : vector<1x16xf32> to vector<16xf32>
          %swap3A_296 = arith.constant 0 : i32
          %swap3A_297 = arith.index_cast %swap3A_296 : i32 to index
          %swap3A_298 = arith.index_cast %add3A_147 : i32 to index
          %swap3A_299 = arith.constant 48 : index
          %swap3A_300 = tpu.vector_load %arg7[%swap3A_297, %swap3A_298, %swap3A_299] {strides = array<i32>} : memref<3x200x128xf32, #tpu.memory_space<vmem>>, vector<1x1x16xf32>,
          %swap3A_301 = vector.shape_cast %swap3A_300 : vector<1x1x16xf32> to vector<16xf32>
          %swap3A_302 = vector.shape_cast %get3A_295 : vector<16xf32> to vector<1x1x16xf32>
          tpu.vector_store %arg7[%swap3A_297, %swap3A_298, %swap3A_299], %swap3A_302 {add = true, strides = array<i32>} : memref<3x200x128xf32, #tpu.memory_space<vmem>>, vector<1x1x16xf32>,
          %scan3A_303 = arith.constant 1 : i32
          %scan3A_304 = arith.addi %scan3A_143, %scan3A_303 : i32
          %mul3A_305 = arith.constant 1 : i32
          %mul3A_306 = arith.muli %scan3A_304, %mul3A_305 : i32
          %add3A_307 = arith.constant 0 : i32
          %add3A_308 = arith.addi %add3A_307, %mul3A_306 : i32
          %jit3A_309 = arith.constant 2 : i32
          %eq3A_310 = arith.constant 0 : i32
          %eq3A_311 = arith.cmpi eq, %jit3A_309, %eq3A_310 : i32
          %jit3A_312 = arith.constant 1 : i32
          %select_n3A_313 = arith.select %eq3A_311, %jit3A_312, %jit3A_309 : i32
          %rem3A_314 = arith.remsi %add3A_308, %select_n3A_313 : i32
          %ne3A_315 = arith.constant 0 : i32
          %ne3A_316 = arith.cmpi ne, %rem3A_314, %ne3A_315 : i32
          %lt3A_317 = arith.constant 0 : i32
          %lt3A_318 = arith.cmpi slt, %rem3A_314, %lt3A_317 : i32
          %lt3A_319 = arith.constant 0 : i32
          %lt3A_320 = arith.cmpi slt, %select_n3A_313, %lt3A_319 : i32
          %ne3A_321 = arith.xori %lt3A_318, %lt3A_320 : i1
          %and3A_322 = arith.andi %ne3A_321, %ne3A_316 : i1
          %add3A_323 = arith.addi %rem3A_314, %select_n3A_313 : i32
          %select_n3A_324 = arith.select %and3A_322, %add3A_323, %rem3A_314 : i32
          %mul3A_325 = arith.constant 64 : i32
          %mul3A_326 = arith.muli %select_n3A_324, %mul3A_325 : i32
          %jit3A_327 = arith.constant 2 : i32
          %div3A_328 = arith.divsi %add3A_308, %jit3A_327 : i32
          %sign3A_329 = arith.constant 0 : i32
          %sign3A_330 = arith.cmpi sgt, %add3A_308, %sign3A_329 : i32
          %sign3A_331 = arith.extui %sign3A_330 : i1 to i32
          %sign3A_332 = arith.constant 0 : i32
          %sign3A_333 = arith.cmpi slt, %add3A_308, %sign3A_332 : i32
          %sign3A_334 = arith.extui %sign3A_333 : i1 to i32
          %sign3A_335 = arith.subi %sign3A_331, %sign3A_334 : i32
          %sign3A_336 = arith.constant 0 : i32
          %sign3A_337 = arith.cmpi sgt, %jit3A_327, %sign3A_336 : i32
          %sign3A_338 = arith.extui %sign3A_337 : i1 to i32
          %sign3A_339 = arith.constant 0 : i32
          %sign3A_340 = arith.cmpi slt, %jit3A_327, %sign3A_339 : i32
          %sign3A_341 = arith.extui %sign3A_340 : i1 to i32
          %sign3A_342 = arith.subi %sign3A_338, %sign3A_341 : i32
          %ne3A_343 = arith.cmpi ne, %sign3A_335, %sign3A_342 : i32
          %rem3A_344 = arith.remsi %add3A_308, %jit3A_327 : i32
          %ne3A_345 = arith.constant 0 : i32
          %ne3A_346 = arith.cmpi ne, %rem3A_344, %ne3A_345 : i32
          %and3A_347 = arith.andi %ne3A_343, %ne3A_346 : i1
          %sub3A_348 = arith.constant 1 : i32
          %sub3A_349 = arith.subi %div3A_328, %sub3A_348 : i32
          %select_n3A_350 = arith.select %and3A_347, %sub3A_349, %div3A_328 : i32
          %add3A_351 = arith.constant 0 : i32
          %add3A_352 = arith.addi %mul3A_326, %add3A_351 : i32
          %get3A_353 = arith.index_cast %select_n3A_350 : i32 to index
          %get3A_354 = arith.index_cast %add3A_352 : i32 to index
          %get3A_355 = tpu.vector_load %arg8[%get3A_353, %get3A_354] {strides = array<i32>} : memref<100x128xf32, #tpu.memory_space<vmem>>, vector<1x16xf32>,
          %get3A_356 = vector.shape_cast %get3A_355 : vector<1x16xf32> to vector<16xf32>
          %swap3A_357 = arith.constant 0 : i32
          %swap3A_358 = arith.index_cast %swap3A_357 : i32 to index
          %swap3A_359 = arith.index_cast %add3A_308 : i32 to index
          %swap3A_360 = arith.constant 0 : index
          %swap3A_361 = tpu.vector_load %arg7[%swap3A_358, %swap3A_359, %swap3A_360] {strides = array<i32>} : memref<3x200x128xf32, #tpu.memory_space<vmem>>, vector<1x1x16xf32>,
          %swap3A_362 = vector.shape_cast %swap3A_361 : vector<1x1x16xf32> to vector<16xf32>
          %swap3A_363 = vector.shape_cast %get3A_356 : vector<16xf32> to vector<1x1x16xf32>
          tpu.vector_store %arg7[%swap3A_358, %swap3A_359, %swap3A_360], %swap3A_363 {add = true, strides = array<i32>} : memref<3x200x128xf32, #tpu.memory_space<vmem>>, vector<1x1x16xf32>,
          %jit3A_364 = arith.constant 2 : i32
          %div3A_365 = arith.divsi %add3A_308, %jit3A_364 : i32
          %sign3A_366 = arith.constant 0 : i32
          %sign3A_367 = arith.cmpi sgt, %add3A_308, %sign3A_366 : i32
          %sign3A_368 = arith.extui %sign3A_367 : i1 to i32
          %sign3A_369 = arith.constant 0 : i32
          %sign3A_370 = arith.cmpi slt, %add3A_308, %sign3A_369 : i32
          %sign3A_371 = arith.extui %sign3A_370 : i1 to i32
          %sign3A_372 = arith.subi %sign3A_368, %sign3A_371 : i32
          %sign3A_373 = arith.constant 0 : i32
          %sign3A_374 = arith.cmpi sgt, %jit3A_364, %sign3A_373 : i32
          %sign3A_375 = arith.extui %sign3A_374 : i1 to i32
          %sign3A_376 = arith.constant 0 : i32
          %sign3A_377 = arith.cmpi slt, %jit3A_364, %sign3A_376 : i32
          %sign3A_378 = arith.extui %sign3A_377 : i1 to i32
          %sign3A_379 = arith.subi %sign3A_375, %sign3A_378 : i32
          %ne3A_380 = arith.cmpi ne, %sign3A_372, %sign3A_379 : i32
          %rem3A_381 = arith.remsi %add3A_308, %jit3A_364 : i32
          %ne3A_382 = arith.constant 0 : i32
          %ne3A_383 = arith.cmpi ne, %rem3A_381, %ne3A_382 : i32
          %and3A_384 = arith.andi %ne3A_380, %ne3A_383 : i1
          %sub3A_385 = arith.constant 1 : i32
          %sub3A_386 = arith.subi %div3A_365, %sub3A_385 : i32
          %select_n3A_387 = arith.select %and3A_384, %sub3A_386, %div3A_365 : i32
          %add3A_388 = arith.constant 16 : i32
          %add3A_389 = arith.addi %mul3A_326, %add3A_388 : i32
          %get3A_390 = arith.index_cast %select_n3A_387 : i32 to index
          %get3A_391 = arith.index_cast %add3A_389 : i32 to index
          %get3A_392 = tpu.vector_load %arg8[%get3A_390, %get3A_391] {strides = array<i32>} : memref<100x128xf32, #tpu.memory_space<vmem>>, vector<1x16xf32>,
          %get3A_393 = vector.shape_cast %get3A_392 : vector<1x16xf32> to vector<16xf32>
          %swap3A_394 = arith.constant 0 : i32
          %swap3A_395 = arith.index_cast %swap3A_394 : i32 to index
          %swap3A_396 = arith.index_cast %add3A_308 : i32 to index
          %swap3A_397 = arith.constant 16 : index
          %swap3A_398 = tpu.vector_load %arg7[%swap3A_395, %swap3A_396, %swap3A_397] {strides = array<i32>} : memref<3x200x128xf32, #tpu.memory_space<vmem>>, vector<1x1x16xf32>,
          %swap3A_399 = vector.shape_cast %swap3A_398 : vector<1x1x16xf32> to vector<16xf32>
          %swap3A_400 = vector.shape_cast %get3A_393 : vector<16xf32> to vector<1x1x16xf32>
          tpu.vector_store %arg7[%swap3A_395, %swap3A_396, %swap3A_397], %swap3A_400 {add = true, strides = array<i32>} : memref<3x200x128xf32, #tpu.memory_space<vmem>>, vector<1x1x16xf32>,
          %jit3A_401 = arith.constant 2 : i32
          %div3A_402 = arith.divsi %add3A_308, %jit3A_401 : i32
          %sign3A_403 = arith.constant 0 : i32
          %sign3A_404 = arith.cmpi sgt, %add3A_308, %sign3A_403 : i32
          %sign3A_405 = arith.extui %sign3A_404 : i1 to i32
          %sign3A_406 = arith.constant 0 : i32
          %sign3A_407 = arith.cmpi slt, %add3A_308, %sign3A_406 : i32
          %sign3A_408 = arith.extui %sign3A_407 : i1 to i32
          %sign3A_409 = arith.subi %sign3A_405, %sign3A_408 : i32
          %sign3A_410 = arith.constant 0 : i32
          %sign3A_411 = arith.cmpi sgt, %jit3A_401, %sign3A_410 : i32
          %sign3A_412 = arith.extui %sign3A_411 : i1 to i32
          %sign3A_413 = arith.constant 0 : i32
          %sign3A_414 = arith.cmpi slt, %jit3A_401, %sign3A_413 : i32
          %sign3A_415 = arith.extui %sign3A_414 : i1 to i32
          %sign3A_416 = arith.subi %sign3A_412, %sign3A_415 : i32
          %ne3A_417 = arith.cmpi ne, %sign3A_409, %sign3A_416 : i32
          %rem3A_418 = arith.remsi %add3A_308, %jit3A_401 : i32
          %ne3A_419 = arith.constant 0 : i32
          %ne3A_420 = arith.cmpi ne, %rem3A_418, %ne3A_419 : i32
          %and3A_421 = arith.andi %ne3A_417, %ne3A_420 : i1
          %sub3A_422 = arith.constant 1 : i32
          %sub3A_423 = arith.subi %div3A_402, %sub3A_422 : i32
          %select_n3A_424 = arith.select %and3A_421, %sub3A_423, %div3A_402 : i32
          %add3A_425 = arith.constant 32 : i32
          %add3A_426 = arith.addi %mul3A_326, %add3A_425 : i32
          %get3A_427 = arith.index_cast %select_n3A_424 : i32 to index
          %get3A_428 = arith.index_cast %add3A_426 : i32 to index
          %get3A_429 = tpu.vector_load %arg8[%get3A_427, %get3A_428] {strides = array<i32>} : memref<100x128xf32, #tpu.memory_space<vmem>>, vector<1x16xf32>,
          %get3A_430 = vector.shape_cast %get3A_429 : vector<1x16xf32> to vector<16xf32>
          %swap3A_431 = arith.constant 0 : i32
          %swap3A_432 = arith.index_cast %swap3A_431 : i32 to index
          %swap3A_433 = arith.index_cast %add3A_308 : i32 to index
          %swap3A_434 = arith.constant 32 : index
          %swap3A_435 = tpu.vector_load %arg7[%swap3A_432, %swap3A_433, %swap3A_434] {strides = array<i32>} : memref<3x200x128xf32, #tpu.memory_space<vmem>>, vector<1x1x16xf32>,
          %swap3A_436 = vector.shape_cast %swap3A_435 : vector<1x1x16xf32> to vector<16xf32>
          %swap3A_437 = vector.shape_cast %get3A_430 : vector<16xf32> to vector<1x1x16xf32>
          tpu.vector_store %arg7[%swap3A_432, %swap3A_433, %swap3A_434], %swap3A_437 {add = true, strides = array<i32>} : memref<3x200x128xf32, #tpu.memory_space<vmem>>, vector<1x1x16xf32>,
          %jit3A_438 = arith.constant 2 : i32
          %div3A_439 = arith.divsi %add3A_308, %jit3A_438 : i32
          %sign3A_440 = arith.constant 0 : i32
          %sign3A_441 = arith.cmpi sgt, %add3A_308, %sign3A_440 : i32
          %sign3A_442 = arith.extui %sign3A_441 : i1 to i32
          %sign3A_443 = arith.constant 0 : i32
          %sign3A_444 = arith.cmpi slt, %add3A_308, %sign3A_443 : i32
          %sign3A_445 = arith.extui %sign3A_444 : i1 to i32
          %sign3A_446 = arith.subi %sign3A_442, %sign3A_445 : i32
          %sign3A_447 = arith.constant 0 : i32
          %sign3A_448 = arith.cmpi sgt, %jit3A_438, %sign3A_447 : i32
          %sign3A_449 = arith.extui %sign3A_448 : i1 to i32
          %sign3A_450 = arith.constant 0 : i32
          %sign3A_451 = arith.cmpi slt, %jit3A_438, %sign3A_450 : i32
          %sign3A_452 = arith.extui %sign3A_451 : i1 to i32
          %sign3A_453 = arith.subi %sign3A_449, %sign3A_452 : i32
          %ne3A_454 = arith.cmpi ne, %sign3A_446, %sign3A_453 : i32
          %rem3A_455 = arith.remsi %add3A_308, %jit3A_438 : i32
          %ne3A_456 = arith.constant 0 : i32
          %ne3A_457 = arith.cmpi ne, %rem3A_455, %ne3A_456 : i32
          %and3A_458 = arith.andi %ne3A_454, %ne3A_457 : i1
          %sub3A_459 = arith.constant 1 : i32
          %sub3A_460 = arith.subi %div3A_439, %sub3A_459 : i32
          %select_n3A_461 = arith.select %and3A_458, %sub3A_460, %div3A_439 : i32
          %add3A_462 = arith.constant 48 : i32
          %add3A_463 = arith.addi %mul3A_326, %add3A_462 : i32
          %get3A_464 = arith.index_cast %select_n3A_461 : i32 to index
          %get3A_465 = arith.index_cast %add3A_463 : i32 to index
          %get3A_466 = tpu.vector_load %arg8[%get3A_464, %get3A_465] {strides = array<i32>} : memref<100x128xf32, #tpu.memory_space<vmem>>, vector<1x16xf32>,
          %get3A_467 = vector.shape_cast %get3A_466 : vector<1x16xf32> to vector<16xf32>
          %swap3A_468 = arith.constant 0 : i32
          %swap3A_469 = arith.index_cast %swap3A_468 : i32 to index
          %swap3A_470 = arith.index_cast %add3A_308 : i32 to index
          %swap3A_471 = arith.constant 48 : index
          %swap3A_472 = tpu.vector_load %arg7[%swap3A_469, %swap3A_470, %swap3A_471] {strides = array<i32>} : memref<3x200x128xf32, #tpu.memory_space<vmem>>, vector<1x1x16xf32>,
          %swap3A_473 = vector.shape_cast %swap3A_472 : vector<1x1x16xf32> to vector<16xf32>
          %swap3A_474 = vector.shape_cast %get3A_467 : vector<16xf32> to vector<1x1x16xf32>
          tpu.vector_store %arg7[%swap3A_469, %swap3A_470, %swap3A_471], %swap3A_474 {add = true, strides = array<i32>} : memref<3x200x128xf32, #tpu.memory_space<vmem>>, vector<1x1x16xf32>,
          %scan3A_475 = arith.constant 2 : i32
          %scan3A_476 = arith.addi %scan3A_143, %scan3A_475 : i32
          %mul3A_477 = arith.constant 1 : i32
          %mul3A_478 = arith.muli %scan3A_476, %mul3A_477 : i32
          %add3A_479 = arith.constant 0 : i32
          %add3A_480 = arith.addi %add3A_479, %mul3A_478 : i32
          %jit3A_481 = arith.constant 2 : i32
          %eq3A_482 = arith.constant 0 : i32
          %eq3A_483 = arith.cmpi eq, %jit3A_481, %eq3A_482 : i32
          %jit3A_484 = arith.constant 1 : i32
          %select_n3A_485 = arith.select %eq3A_483, %jit3A_484, %jit3A_481 : i32
          %rem3A_486 = arith.remsi %add3A_480, %select_n3A_485 : i32
          %ne3A_487 = arith.constant 0 : i32
          %ne3A_488 = arith.cmpi ne, %rem3A_486, %ne3A_487 : i32
          %lt3A_489 = arith.constant 0 : i32
          %lt3A_490 = arith.cmpi slt, %rem3A_486, %lt3A_489 : i32
          %lt3A_491 = arith.constant 0 : i32
          %lt3A_492 = arith.cmpi slt, %select_n3A_485, %lt3A_491 : i32
          %ne3A_493 = arith.xori %lt3A_490, %lt3A_492 : i1
          %and3A_494 = arith.andi %ne3A_493, %ne3A_488 : i1
          %add3A_495 = arith.addi %rem3A_486, %select_n3A_485 : i32
          %select_n3A_496 = arith.select %and3A_494, %add3A_495, %rem3A_486 : i32
          %mul3A_497 = arith.constant 64 : i32
          %mul3A_498 = arith.muli %select_n3A_496, %mul3A_497 : i32
          %jit3A_499 = arith.constant 2 : i32
          %div3A_500 = arith.divsi %add3A_480, %jit3A_499 : i32
          %sign3A_501 = arith.constant 0 : i32
          %sign3A_502 = arith.cmpi sgt, %add3A_480, %sign3A_501 : i32
          %sign3A_503 = arith.extui %sign3A_502 : i1 to i32
          %sign3A_504 = arith.constant 0 : i32
          %sign3A_505 = arith.cmpi slt, %add3A_480, %sign3A_504 : i32
          %sign3A_506 = arith.extui %sign3A_505 : i1 to i32
          %sign3A_507 = arith.subi %sign3A_503, %sign3A_506 : i32
          %sign3A_508 = arith.constant 0 : i32
          %sign3A_509 = arith.cmpi sgt, %jit3A_499, %sign3A_508 : i32
          %sign3A_510 = arith.extui %sign3A_509 : i1 to i32
          %sign3A_511 = arith.constant 0 : i32
          %sign3A_512 = arith.cmpi slt, %jit3A_499, %sign3A_511 : i32
          %sign3A_513 = arith.extui %sign3A_512 : i1 to i32
          %sign3A_514 = arith.subi %sign3A_510, %sign3A_513 : i32
          %ne3A_515 = arith.cmpi ne, %sign3A_507, %sign3A_514 : i32
          %rem3A_516 = arith.remsi %add3A_480, %jit3A_499 : i32
          %ne3A_517 = arith.constant 0 : i32
          %ne3A_518 = arith.cmpi ne, %rem3A_516, %ne3A_517 : i32
          %and3A_519 = arith.andi %ne3A_515, %ne3A_518 : i1
          %sub3A_520 = arith.constant 1 : i32
          %sub3A_521 = arith.subi %div3A_500, %sub3A_520 : i32
          %select_n3A_522 = arith.select %and3A_519, %sub3A_521, %div3A_500 : i32
          %add3A_523 = arith.constant 0 : i32
          %add3A_524 = arith.addi %mul3A_498, %add3A_523 : i32
          %get3A_525 = arith.index_cast %select_n3A_522 : i32 to index
          %get3A_526 = arith.index_cast %add3A_524 : i32 to index
          %get3A_527 = tpu.vector_load %arg8[%get3A_525, %get3A_526] {strides = array<i32>} : memref<100x128xf32, #tpu.memory_space<vmem>>, vector<1x16xf32>,
          %get3A_528 = vector.shape_cast %get3A_527 : vector<1x16xf32> to vector<16xf32>
          %swap3A_529 = arith.constant 0 : i32
          %swap3A_530 = arith.index_cast %swap3A_529 : i32 to index
          %swap3A_531 = arith.index_cast %add3A_480 : i32 to index
          %swap3A_532 = arith.constant 0 : index
          %swap3A_533 = tpu.vector_load %arg7[%swap3A_530, %swap3A_531, %swap3A_532] {strides = array<i32>} : memref<3x200x128xf32, #tpu.memory_space<vmem>>, vector<1x1x16xf32>,
          %swap3A_534 = vector.shape_cast %swap3A_533 : vector<1x1x16xf32> to vector<16xf32>
          %swap3A_535 = vector.shape_cast %get3A_528 : vector<16xf32> to vector<1x1x16xf32>
          tpu.vector_store %arg7[%swap3A_530, %swap3A_531, %swap3A_532], %swap3A_535 {add = true, strides = array<i32>} : memref<3x200x128xf32, #tpu.memory_space<vmem>>, vector<1x1x16xf32>,
          %jit3A_536 = arith.constant 2 : i32
          %div3A_537 = arith.divsi %add3A_480, %jit3A_536 : i32
          %sign3A_538 = arith.constant 0 : i32
          %sign3A_539 = arith.cmpi sgt, %add3A_480, %sign3A_538 : i32
          %sign3A_540 = arith.extui %sign3A_539 : i1 to i32
          %sign3A_541 = arith.constant 0 : i32
          %sign3A_542 = arith.cmpi slt, %add3A_480, %sign3A_541 : i32
          %sign3A_543 = arith.extui %sign3A_542 : i1 to i32
          %sign3A_544 = arith.subi %sign3A_540, %sign3A_543 : i32
          %sign3A_545 = arith.constant 0 : i32
          %sign3A_546 = arith.cmpi sgt, %jit3A_536, %sign3A_545 : i32
          %sign3A_547 = arith.extui %sign3A_546 : i1 to i32
          %sign3A_548 = arith.constant 0 : i32
          %sign3A_549 = arith.cmpi slt, %jit3A_536, %sign3A_548 : i32
          %sign3A_550 = arith.extui %sign3A_549 : i1 to i32
          %sign3A_551 = arith.subi %sign3A_547, %sign3A_550 : i32
          %ne3A_552 = arith.cmpi ne, %sign3A_544, %sign3A_551 : i32
          %rem3A_553 = arith.remsi %add3A_480, %jit3A_536 : i32
          %ne3A_554 = arith.constant 0 : i32
          %ne3A_555 = arith.cmpi ne, %rem3A_553, %ne3A_554 : i32
          %and3A_556 = arith.andi %ne3A_552, %ne3A_555 : i1
          %sub3A_557 = arith.constant 1 : i32
          %sub3A_558 = arith.subi %div3A_537, %sub3A_557 : i32
          %select_n3A_559 = arith.select %and3A_556, %sub3A_558, %div3A_537 : i32
          %add3A_560 = arith.constant 16 : i32
          %add3A_561 = arith.addi %mul3A_498, %add3A_560 : i32
          %get3A_562 = arith.index_cast %select_n3A_559 : i32 to index
          %get3A_563 = arith.index_cast %add3A_561 : i32 to index
          %get3A_564 = tpu.vector_load %arg8[%get3A_562, %get3A_563] {strides = array<i32>} : memref<100x128xf32, #tpu.memory_space<vmem>>, vector<1x16xf32>,
          %get3A_565 = vector.shape_cast %get3A_564 : vector<1x16xf32> to vector<16xf32>
          %swap3A_566 = arith.constant 0 : i32
          %swap3A_567 = arith.index_cast %swap3A_566 : i32 to index
          %swap3A_568 = arith.index_cast %add3A_480 : i32 to index
          %swap3A_569 = arith.constant 16 : index
          %swap3A_570 = tpu.vector_load %arg7[%swap3A_567, %swap3A_568, %swap3A_569] {strides = array<i32>} : memref<3x200x128xf32, #tpu.memory_space<vmem>>, vector<1x1x16xf32>,
          %swap3A_571 = vector.shape_cast %swap3A_570 : vector<1x1x16xf32> to vector<16xf32>
          %swap3A_572 = vector.shape_cast %get3A_565 : vector<16xf32> to vector<1x1x16xf32>
          tpu.vector_store %arg7[%swap3A_567, %swap3A_568, %swap3A_569], %swap3A_572 {add = true, strides = array<i32>} : memref<3x200x128xf32, #tpu.memory_space<vmem>>, vector<1x1x16xf32>,
          %jit3A_573 = arith.constant 2 : i32
          %div3A_574 = arith.divsi %add3A_480, %jit3A_573 : i32
          %sign3A_575 = arith.constant 0 : i32
          %sign3A_576 = arith.cmpi sgt, %add3A_480, %sign3A_575 : i32
          %sign3A_577 = arith.extui %sign3A_576 : i1 to i32
          %sign3A_578 = arith.constant 0 : i32
          %sign3A_579 = arith.cmpi slt, %add3A_480, %sign3A_578 : i32
          %sign3A_580 = arith.extui %sign3A_579 : i1 to i32
          %sign3A_581 = arith.subi %sign3A_577, %sign3A_580 : i32
          %sign3A_582 = arith.constant 0 : i32
          %sign3A_583 = arith.cmpi sgt, %jit3A_573, %sign3A_582 : i32
          %sign3A_584 = arith.extui %sign3A_583 : i1 to i32
          %sign3A_585 = arith.constant 0 : i32
          %sign3A_586 = arith.cmpi slt, %jit3A_573, %sign3A_585 : i32
          %sign3A_587 = arith.extui %sign3A_586 : i1 to i32
          %sign3A_588 = arith.subi %sign3A_584, %sign3A_587 : i32
          %ne3A_589 = arith.cmpi ne, %sign3A_581, %sign3A_588 : i32
          %rem3A_590 = arith.remsi %add3A_480, %jit3A_573 : i32
          %ne3A_591 = arith.constant 0 : i32
          %ne3A_592 = arith.cmpi ne, %rem3A_590, %ne3A_591 : i32
          %and3A_593 = arith.andi %ne3A_589, %ne3A_592 : i1
          %sub3A_594 = arith.constant 1 : i32
          %sub3A_595 = arith.subi %div3A_574, %sub3A_594 : i32
          %select_n3A_596 = arith.select %and3A_593, %sub3A_595, %div3A_574 : i32
          %add3A_597 = arith.constant 32 : i32
          %add3A_598 = arith.addi %mul3A_498, %add3A_597 : i32
          %get3A_599 = arith.index_cast %select_n3A_596 : i32 to index
          %get3A_600 = arith.index_cast %add3A_598 : i32 to index
          %get3A_601 = tpu.vector_load %arg8[%get3A_599, %get3A_600] {strides = array<i32>} : memref<100x128xf32, #tpu.memory_space<vmem>>, vector<1x16xf32>,
          %get3A_602 = vector.shape_cast %get3A_601 : vector<1x16xf32> to vector<16xf32>
          %swap3A_603 = arith.constant 0 : i32
          %swap3A_604 = arith.index_cast %swap3A_603 : i32 to index
          %swap3A_605 = arith.index_cast %add3A_480 : i32 to index
          %swap3A_606 = arith.constant 32 : index
          %swap3A_607 = tpu.vector_load %arg7[%swap3A_604, %swap3A_605, %swap3A_606] {strides = array<i32>} : memref<3x200x128xf32, #tpu.memory_space<vmem>>, vector<1x1x16xf32>,
          %swap3A_608 = vector.shape_cast %swap3A_607 : vector<1x1x16xf32> to vector<16xf32>
          %swap3A_609 = vector.shape_cast %get3A_602 : vector<16xf32> to vector<1x1x16xf32>
          tpu.vector_store %arg7[%swap3A_604, %swap3A_605, %swap3A_606], %swap3A_609 {add = true, strides = array<i32>} : memref<3x200x128xf32, #tpu.memory_space<vmem>>, vector<1x1x16xf32>,
          %jit3A_610 = arith.constant 2 : i32
          %div3A_611 = arith.divsi %add3A_480, %jit3A_610 : i32
          %sign3A_612 = arith.constant 0 : i32
          %sign3A_613 = arith.cmpi sgt, %add3A_480, %sign3A_612 : i32
          %sign3A_614 = arith.extui %sign3A_613 : i1 to i32
          %sign3A_615 = arith.constant 0 : i32
          %sign3A_616 = arith.cmpi slt, %add3A_480, %sign3A_615 : i32
          %sign3A_617 = arith.extui %sign3A_616 : i1 to i32
          %sign3A_618 = arith.subi %sign3A_614, %sign3A_617 : i32
          %sign3A_619 = arith.constant 0 : i32
          %sign3A_620 = arith.cmpi sgt, %jit3A_610, %sign3A_619 : i32
          %sign3A_621 = arith.extui %sign3A_620 : i1 to i32
          %sign3A_622 = arith.constant 0 : i32
          %sign3A_623 = arith.cmpi slt, %jit3A_610, %sign3A_622 : i32
          %sign3A_624 = arith.extui %sign3A_623 : i1 to i32
          %sign3A_625 = arith.subi %sign3A_621, %sign3A_624 : i32
          %ne3A_626 = arith.cmpi ne, %sign3A_618, %sign3A_625 : i32
          %rem3A_627 = arith.remsi %add3A_480, %jit3A_610 : i32
          %ne3A_628 = arith.constant 0 : i32
          %ne3A_629 = arith.cmpi ne, %rem3A_627, %ne3A_628 : i32
          %and3A_630 = arith.andi %ne3A_626, %ne3A_629 : i1
          %sub3A_631 = arith.constant 1 : i32
          %sub3A_632 = arith.subi %div3A_611, %sub3A_631 : i32
          %select_n3A_633 = arith.select %and3A_630, %sub3A_632, %div3A_611 : i32
          %add3A_634 = arith.constant 48 : i32
          %add3A_635 = arith.addi %mul3A_498, %add3A_634 : i32
          %get3A_636 = arith.index_cast %select_n3A_633 : i32 to index
          %get3A_637 = arith.index_cast %add3A_635 : i32 to index
          %get3A_638 = tpu.vector_load %arg8[%get3A_636, %get3A_637] {strides = array<i32>} : memref<100x128xf32, #tpu.memory_space<vmem>>, vector<1x16xf32>,
          %get3A_639 = vector.shape_cast %get3A_638 : vector<1x16xf32> to vector<16xf32>
          %swap3A_640 = arith.constant 0 : i32
          %swap3A_641 = arith.index_cast %swap3A_640 : i32 to index
          %swap3A_642 = arith.index_cast %add3A_480 : i32 to index
          %swap3A_643 = arith.constant 48 : index
          %swap3A_644 = tpu.vector_load %arg7[%swap3A_641, %swap3A_642, %swap3A_643] {strides = array<i32>} : memref<3x200x128xf32, #tpu.memory_space<vmem>>, vector<1x1x16xf32>,
          %swap3A_645 = vector.shape_cast %swap3A_644 : vector<1x1x16xf32> to vector<16xf32>
          %swap3A_646 = vector.shape_cast %get3A_639 : vector<16xf32> to vector<1x1x16xf32>
          tpu.vector_store %arg7[%swap3A_641, %swap3A_642, %swap3A_643], %swap3A_646 {add = true, strides = array<i32>} : memref<3x200x128xf32, #tpu.memory_space<vmem>>, vector<1x1x16xf32>,
          %scan3A_647 = arith.constant 3 : i32
          %scan3A_648 = arith.addi %scan3A_143, %scan3A_647 : i32
          %mul3A_649 = arith.constant 1 : i32
          %mul3A_650 = arith.muli %scan3A_648, %mul3A_649 : i32
          %add3A_651 = arith.constant 0 : i32
          %add3A_652 = arith.addi %add3A_651, %mul3A_650 : i32
          %jit3A_653 = arith.constant 2 : i32
          %eq3A_654 = arith.constant 0 : i32
          %eq3A_655 = arith.cmpi eq, %jit3A_653, %eq3A_654 : i32
          %jit3A_656 = arith.constant 1 : i32
          %select_n3A_657 = arith.select %eq3A_655, %jit3A_656, %jit3A_653 : i32
          %rem3A_658 = arith.remsi %add3A_652, %select_n3A_657 : i32
          %ne3A_659 = arith.constant 0 : i32
          %ne3A_660 = arith.cmpi ne, %rem3A_658, %ne3A_659 : i32
          %lt3A_661 = arith.constant 0 : i32
          %lt3A_662 = arith.cmpi slt, %rem3A_658, %lt3A_661 : i32
          %lt3A_663 = arith.constant 0 : i32
          %lt3A_664 = arith.cmpi slt, %select_n3A_657, %lt3A_663 : i32
          %ne3A_665 = arith.xori %lt3A_662, %lt3A_664 : i1
          %and3A_666 = arith.andi %ne3A_665, %ne3A_660 : i1
          %add3A_667 = arith.addi %rem3A_658, %select_n3A_657 : i32
          %select_n3A_668 = arith.select %and3A_666, %add3A_667, %rem3A_658 : i32
          %mul3A_669 = arith.constant 64 : i32
          %mul3A_670 = arith.muli %select_n3A_668, %mul3A_669 : i32
          %jit3A_671 = arith.constant 2 : i32
          %div3A_672 = arith.divsi %add3A_652, %jit3A_671 : i32
          %sign3A_673 = arith.constant 0 : i32
          %sign3A_674 = arith.cmpi sgt, %add3A_652, %sign3A_673 : i32
          %sign3A_675 = arith.extui %sign3A_674 : i1 to i32
          %sign3A_676 = arith.constant 0 : i32
          %sign3A_677 = arith.cmpi slt, %add3A_652, %sign3A_676 : i32
          %sign3A_678 = arith.extui %sign3A_677 : i1 to i32
          %sign3A_679 = arith.subi %sign3A_675, %sign3A_678 : i32
          %sign3A_680 = arith.constant 0 : i32
          %sign3A_681 = arith.cmpi sgt, %jit3A_671, %sign3A_680 : i32
          %sign3A_682 = arith.extui %sign3A_681 : i1 to i32
          %sign3A_683 = arith.constant 0 : i32
          %sign3A_684 = arith.cmpi slt, %jit3A_671, %sign3A_683 : i32
          %sign3A_685 = arith.extui %sign3A_684 : i1 to i32
          %sign3A_686 = arith.subi %sign3A_682, %sign3A_685 : i32
          %ne3A_687 = arith.cmpi ne, %sign3A_679, %sign3A_686 : i32
          %rem3A_688 = arith.remsi %add3A_652, %jit3A_671 : i32
          %ne3A_689 = arith.constant 0 : i32
          %ne3A_690 = arith.cmpi ne, %rem3A_688, %ne3A_689 : i32
          %and3A_691 = arith.andi %ne3A_687, %ne3A_690 : i1
          %sub3A_692 = arith.constant 1 : i32
          %sub3A_693 = arith.subi %div3A_672, %sub3A_692 : i32
          %select_n3A_694 = arith.select %and3A_691, %sub3A_693, %div3A_672 : i32
          %add3A_695 = arith.constant 0 : i32
          %add3A_696 = arith.addi %mul3A_670, %add3A_695 : i32
          %get3A_697 = arith.index_cast %select_n3A_694 : i32 to index
          %get3A_698 = arith.index_cast %add3A_696 : i32 to index
          %get3A_699 = tpu.vector_load %arg8[%get3A_697, %get3A_698] {strides = array<i32>} : memref<100x128xf32, #tpu.memory_space<vmem>>, vector<1x16xf32>,
          %get3A_700 = vector.shape_cast %get3A_699 : vector<1x16xf32> to vector<16xf32>
          %swap3A_701 = arith.constant 0 : i32
          %swap3A_702 = arith.index_cast %swap3A_701 : i32 to index
          %swap3A_703 = arith.index_cast %add3A_652 : i32 to index
          %swap3A_704 = arith.constant 0 : index
          %swap3A_705 = tpu.vector_load %arg7[%swap3A_702, %swap3A_703, %swap3A_704] {strides = array<i32>} : memref<3x200x128xf32, #tpu.memory_space<vmem>>, vector<1x1x16xf32>,
          %swap3A_706 = vector.shape_cast %swap3A_705 : vector<1x1x16xf32> to vector<16xf32>
          %swap3A_707 = vector.shape_cast %get3A_700 : vector<16xf32> to vector<1x1x16xf32>
          tpu.vector_store %arg7[%swap3A_702, %swap3A_703, %swap3A_704], %swap3A_707 {add = true, strides = array<i32>} : memref<3x200x128xf32, #tpu.memory_space<vmem>>, vector<1x1x16xf32>,
          %jit3A_708 = arith.constant 2 : i32
          %div3A_709 = arith.divsi %add3A_652, %jit3A_708 : i32
          %sign3A_710 = arith.constant 0 : i32
          %sign3A_711 = arith.cmpi sgt, %add3A_652, %sign3A_710 : i32
          %sign3A_712 = arith.extui %sign3A_711 : i1 to i32
          %sign3A_713 = arith.constant 0 : i32
          %sign3A_714 = arith.cmpi slt, %add3A_652, %sign3A_713 : i32
          %sign3A_715 = arith.extui %sign3A_714 : i1 to i32
          %sign3A_716 = arith.subi %sign3A_712, %sign3A_715 : i32
          %sign3A_717 = arith.constant 0 : i32
          %sign3A_718 = arith.cmpi sgt, %jit3A_708, %sign3A_717 : i32
          %sign3A_719 = arith.extui %sign3A_718 : i1 to i32
          %sign3A_720 = arith.constant 0 : i32
          %sign3A_721 = arith.cmpi slt, %jit3A_708, %sign3A_720 : i32
          %sign3A_722 = arith.extui %sign3A_721 : i1 to i32
          %sign3A_723 = arith.subi %sign3A_719, %sign3A_722 : i32
          %ne3A_724 = arith.cmpi ne, %sign3A_716, %sign3A_723 : i32
          %rem3A_725 = arith.remsi %add3A_652, %jit3A_708 : i32
          %ne3A_726 = arith.constant 0 : i32
          %ne3A_727 = arith.cmpi ne, %rem3A_725, %ne3A_726 : i32
          %and3A_728 = arith.andi %ne3A_724, %ne3A_727 : i1
          %sub3A_729 = arith.constant 1 : i32
          %sub3A_730 = arith.subi %div3A_709, %sub3A_729 : i32
          %select_n3A_731 = arith.select %and3A_728, %sub3A_730, %div3A_709 : i32
          %add3A_732 = arith.constant 16 : i32
          %add3A_733 = arith.addi %mul3A_670, %add3A_732 : i32
          %get3A_734 = arith.index_cast %select_n3A_731 : i32 to index
          %get3A_735 = arith.index_cast %add3A_733 : i32 to index
          %get3A_736 = tpu.vector_load %arg8[%get3A_734, %get3A_735] {strides = array<i32>} : memref<100x128xf32, #tpu.memory_space<vmem>>, vector<1x16xf32>,
          %get3A_737 = vector.shape_cast %get3A_736 : vector<1x16xf32> to vector<16xf32>
          %swap3A_738 = arith.constant 0 : i32
          %swap3A_739 = arith.index_cast %swap3A_738 : i32 to index
          %swap3A_740 = arith.index_cast %add3A_652 : i32 to index
          %swap3A_741 = arith.constant 16 : index
          %swap3A_742 = tpu.vector_load %arg7[%swap3A_739, %swap3A_740, %swap3A_741] {strides = array<i32>} : memref<3x200x128xf32, #tpu.memory_space<vmem>>, vector<1x1x16xf32>,
          %swap3A_743 = vector.shape_cast %swap3A_742 : vector<1x1x16xf32> to vector<16xf32>
          %swap3A_744 = vector.shape_cast %get3A_737 : vector<16xf32> to vector<1x1x16xf32>
          tpu.vector_store %arg7[%swap3A_739, %swap3A_740, %swap3A_741], %swap3A_744 {add = true, strides = array<i32>} : memref<3x200x128xf32, #tpu.memory_space<vmem>>, vector<1x1x16xf32>,
          %jit3A_745 = arith.constant 2 : i32
          %div3A_746 = arith.divsi %add3A_652, %jit3A_745 : i32
          %sign3A_747 = arith.constant 0 : i32
          %sign3A_748 = arith.cmpi sgt, %add3A_652, %sign3A_747 : i32
          %sign3A_749 = arith.extui %sign3A_748 : i1 to i32
          %sign3A_750 = arith.constant 0 : i32
          %sign3A_751 = arith.cmpi slt, %add3A_652, %sign3A_750 : i32
          %sign3A_752 = arith.extui %sign3A_751 : i1 to i32
          %sign3A_753 = arith.subi %sign3A_749, %sign3A_752 : i32
          %sign3A_754 = arith.constant 0 : i32
          %sign3A_755 = arith.cmpi sgt, %jit3A_745, %sign3A_754 : i32
          %sign3A_756 = arith.extui %sign3A_755 : i1 to i32
          %sign3A_757 = arith.constant 0 : i32
          %sign3A_758 = arith.cmpi slt, %jit3A_745, %sign3A_757 : i32
          %sign3A_759 = arith.extui %sign3A_758 : i1 to i32
          %sign3A_760 = arith.subi %sign3A_756, %sign3A_759 : i32
          %ne3A_761 = arith.cmpi ne, %sign3A_753, %sign3A_760 : i32
          %rem3A_762 = arith.remsi %add3A_652, %jit3A_745 : i32
          %ne3A_763 = arith.constant 0 : i32
          %ne3A_764 = arith.cmpi ne, %rem3A_762, %ne3A_763 : i32
          %and3A_765 = arith.andi %ne3A_761, %ne3A_764 : i1
          %sub3A_766 = arith.constant 1 : i32
          %sub3A_767 = arith.subi %div3A_746, %sub3A_766 : i32
          %select_n3A_768 = arith.select %and3A_765, %sub3A_767, %div3A_746 : i32
          %add3A_769 = arith.constant 32 : i32
          %add3A_770 = arith.addi %mul3A_670, %add3A_769 : i32
          %get3A_771 = arith.index_cast %select_n3A_768 : i32 to index
          %get3A_772 = arith.index_cast %add3A_770 : i32 to index
          %get3A_773 = tpu.vector_load %arg8[%get3A_771, %get3A_772] {strides = array<i32>} : memref<100x128xf32, #tpu.memory_space<vmem>>, vector<1x16xf32>,
          %get3A_774 = vector.shape_cast %get3A_773 : vector<1x16xf32> to vector<16xf32>
          %swap3A_775 = arith.constant 0 : i32
          %swap3A_776 = arith.index_cast %swap3A_775 : i32 to index
          %swap3A_777 = arith.index_cast %add3A_652 : i32 to index
          %swap3A_778 = arith.constant 32 : index
          %swap3A_779 = tpu.vector_load %arg7[%swap3A_776, %swap3A_777, %swap3A_778] {strides = array<i32>} : memref<3x200x128xf32, #tpu.memory_space<vmem>>, vector<1x1x16xf32>,
          %swap3A_780 = vector.shape_cast %swap3A_779 : vector<1x1x16xf32> to vector<16xf32>
          %swap3A_781 = vector.shape_cast %get3A_774 : vector<16xf32> to vector<1x1x16xf32>
          tpu.vector_store %arg7[%swap3A_776, %swap3A_777, %swap3A_778], %swap3A_781 {add = true, strides = array<i32>} : memref<3x200x128xf32, #tpu.memory_space<vmem>>, vector<1x1x16xf32>,
          %jit3A_782 = arith.constant 2 : i32
          %div3A_783 = arith.divsi %add3A_652, %jit3A_782 : i32
          %sign3A_784 = arith.constant 0 : i32
          %sign3A_785 = arith.cmpi sgt, %add3A_652, %sign3A_784 : i32
          %sign3A_786 = arith.extui %sign3A_785 : i1 to i32
          %sign3A_787 = arith.constant 0 : i32
          %sign3A_788 = arith.cmpi slt, %add3A_652, %sign3A_787 : i32
          %sign3A_789 = arith.extui %sign3A_788 : i1 to i32
          %sign3A_790 = arith.subi %sign3A_786, %sign3A_789 : i32
          %sign3A_791 = arith.constant 0 : i32
          %sign3A_792 = arith.cmpi sgt, %jit3A_782, %sign3A_791 : i32
          %sign3A_793 = arith.extui %sign3A_792 : i1 to i32
          %sign3A_794 = arith.constant 0 : i32
          %sign3A_795 = arith.cmpi slt, %jit3A_782, %sign3A_794 : i32
          %sign3A_796 = arith.extui %sign3A_795 : i1 to i32
          %sign3A_797 = arith.subi %sign3A_793, %sign3A_796 : i32
          %ne3A_798 = arith.cmpi ne, %sign3A_790, %sign3A_797 : i32
          %rem3A_799 = arith.remsi %add3A_652, %jit3A_782 : i32
          %ne3A_800 = arith.constant 0 : i32
          %ne3A_801 = arith.cmpi ne, %rem3A_799, %ne3A_800 : i32
          %and3A_802 = arith.andi %ne3A_798, %ne3A_801 : i1
          %sub3A_803 = arith.constant 1 : i32
          %sub3A_804 = arith.subi %div3A_783, %sub3A_803 : i32
          %select_n3A_805 = arith.select %and3A_802, %sub3A_804, %div3A_783 : i32
          %add3A_806 = arith.constant 48 : i32
          %add3A_807 = arith.addi %mul3A_670, %add3A_806 : i32
          %get3A_808 = arith.index_cast %select_n3A_805 : i32 to index
          %get3A_809 = arith.index_cast %add3A_807 : i32 to index
          %get3A_810 = tpu.vector_load %arg8[%get3A_808, %get3A_809] {strides = array<i32>} : memref<100x128xf32, #tpu.memory_space<vmem>>, vector<1x16xf32>,
          %get3A_811 = vector.shape_cast %get3A_810 : vector<1x16xf32> to vector<16xf32>
          %swap3A_812 = arith.constant 0 : i32
          %swap3A_813 = arith.index_cast %swap3A_812 : i32 to index
          %swap3A_814 = arith.index_cast %add3A_652 : i32 to index
          %swap3A_815 = arith.constant 48 : index
          %swap3A_816 = tpu.vector_load %arg7[%swap3A_813, %swap3A_814, %swap3A_815] {strides = array<i32>} : memref<3x200x128xf32, #tpu.memory_space<vmem>>, vector<1x1x16xf32>,
          %swap3A_817 = vector.shape_cast %swap3A_816 : vector<1x1x16xf32> to vector<16xf32>
          %swap3A_818 = vector.shape_cast %get3A_811 : vector<16xf32> to vector<1x1x16xf32>
          tpu.vector_store %arg7[%swap3A_813, %swap3A_814, %swap3A_815], %swap3A_818 {add = true, strides = array<i32>} : memref<3x200x128xf32, #tpu.memory_space<vmem>>, vector<1x1x16xf32>,
          %scan3A_819 = arith.constant 4 : i32
          %scan3A_820 = arith.addi %scan3A_143, %scan3A_819 : i32
          %mul3A_821 = arith.constant 1 : i32
          %mul3A_822 = arith.muli %scan3A_820, %mul3A_821 : i32
          %add3A_823 = arith.constant 0 : i32
          %add3A_824 = arith.addi %add3A_823, %mul3A_822 : i32
          %jit3A_825 = arith.constant 2 : i32
          %eq3A_826 = arith.constant 0 : i32
          %eq3A_827 = arith.cmpi eq, %jit3A_825, %eq3A_826 : i32
          %jit3A_828 = arith.constant 1 : i32
          %select_n3A_829 = arith.select %eq3A_827, %jit3A_828, %jit3A_825 : i32
          %rem3A_830 = arith.remsi %add3A_824, %select_n3A_829 : i32
          %ne3A_831 = arith.constant 0 : i32
          %ne3A_832 = arith.cmpi ne, %rem3A_830, %ne3A_831 : i32
          %lt3A_833 = arith.constant 0 : i32
          %lt3A_834 = arith.cmpi slt, %rem3A_830, %lt3A_833 : i32
          %lt3A_835 = arith.constant 0 : i32
          %lt3A_836 = arith.cmpi slt, %select_n3A_829, %lt3A_835 : i32
          %ne3A_837 = arith.xori %lt3A_834, %lt3A_836 : i1
          %and3A_838 = arith.andi %ne3A_837, %ne3A_832 : i1
          %add3A_839 = arith.addi %rem3A_830, %select_n3A_829 : i32
          %select_n3A_840 = arith.select %and3A_838, %add3A_839, %rem3A_830 : i32
          %mul3A_841 = arith.constant 64 : i32
          %mul3A_842 = arith.muli %select_n3A_840, %mul3A_841 : i32
          %jit3A_843 = arith.constant 2 : i32
          %div3A_844 = arith.divsi %add3A_824, %jit3A_843 : i32
          %sign3A_845 = arith.constant 0 : i32
          %sign3A_846 = arith.cmpi sgt, %add3A_824, %sign3A_845 : i32
          %sign3A_847 = arith.extui %sign3A_846 : i1 to i32
          %sign3A_848 = arith.constant 0 : i32
          %sign3A_849 = arith.cmpi slt, %add3A_824, %sign3A_848 : i32
          %sign3A_850 = arith.extui %sign3A_849 : i1 to i32
          %sign3A_851 = arith.subi %sign3A_847, %sign3A_850 : i32
          %sign3A_852 = arith.constant 0 : i32
          %sign3A_853 = arith.cmpi sgt, %jit3A_843, %sign3A_852 : i32
          %sign3A_854 = arith.extui %sign3A_853 : i1 to i32
          %sign3A_855 = arith.constant 0 : i32
          %sign3A_856 = arith.cmpi slt, %jit3A_843, %sign3A_855 : i32
          %sign3A_857 = arith.extui %sign3A_856 : i1 to i32
          %sign3A_858 = arith.subi %sign3A_854, %sign3A_857 : i32
          %ne3A_859 = arith.cmpi ne, %sign3A_851, %sign3A_858 : i32
          %rem3A_860 = arith.remsi %add3A_824, %jit3A_843 : i32
          %ne3A_861 = arith.constant 0 : i32
          %ne3A_862 = arith.cmpi ne, %rem3A_860, %ne3A_861 : i32
          %and3A_863 = arith.andi %ne3A_859, %ne3A_862 : i1
          %sub3A_864 = arith.constant 1 : i32
          %sub3A_865 = arith.subi %div3A_844, %sub3A_864 : i32
          %select_n3A_866 = arith.select %and3A_863, %sub3A_865, %div3A_844 : i32
          %add3A_867 = arith.constant 0 : i32
          %add3A_868 = arith.addi %mul3A_842, %add3A_867 : i32
          %get3A_869 = arith.index_cast %select_n3A_866 : i32 to index
          %get3A_870 = arith.index_cast %add3A_868 : i32 to index
          %get3A_871 = tpu.vector_load %arg8[%get3A_869, %get3A_870] {strides = array<i32>} : memref<100x128xf32, #tpu.memory_space<vmem>>, vector<1x16xf32>,
          %get3A_872 = vector.shape_cast %get3A_871 : vector<1x16xf32> to vector<16xf32>
          %swap3A_873 = arith.constant 0 : i32
          %swap3A_874 = arith.index_cast %swap3A_873 : i32 to index
          %swap3A_875 = arith.index_cast %add3A_824 : i32 to index
          %swap3A_876 = arith.constant 0 : index
          %swap3A_877 = tpu.vector_load %arg7[%swap3A_874, %swap3A_875, %swap3A_876] {strides = array<i32>} : memref<3x200x128xf32, #tpu.memory_space<vmem>>, vector<1x1x16xf32>,
          %swap3A_878 = vector.shape_cast %swap3A_877 : vector<1x1x16xf32> to vector<16xf32>
          %swap3A_879 = vector.shape_cast %get3A_872 : vector<16xf32> to vector<1x1x16xf32>
          tpu.vector_store %arg7[%swap3A_874, %swap3A_875, %swap3A_876], %swap3A_879 {add = true, strides = array<i32>} : memref<3x200x128xf32, #tpu.memory_space<vmem>>, vector<1x1x16xf32>,
          %jit3A_880 = arith.constant 2 : i32
          %div3A_881 = arith.divsi %add3A_824, %jit3A_880 : i32
          %sign3A_882 = arith.constant 0 : i32
          %sign3A_883 = arith.cmpi sgt, %add3A_824, %sign3A_882 : i32
          %sign3A_884 = arith.extui %sign3A_883 : i1 to i32
          %sign3A_885 = arith.constant 0 : i32
          %sign3A_886 = arith.cmpi slt, %add3A_824, %sign3A_885 : i32
          %sign3A_887 = arith.extui %sign3A_886 : i1 to i32
          %sign3A_888 = arith.subi %sign3A_884, %sign3A_887 : i32
          %sign3A_889 = arith.constant 0 : i32
          %sign3A_890 = arith.cmpi sgt, %jit3A_880, %sign3A_889 : i32
          %sign3A_891 = arith.extui %sign3A_890 : i1 to i32
          %sign3A_892 = arith.constant 0 : i32
          %sign3A_893 = arith.cmpi slt, %jit3A_880, %sign3A_892 : i32
          %sign3A_894 = arith.extui %sign3A_893 : i1 to i32
          %sign3A_895 = arith.subi %sign3A_891, %sign3A_894 : i32
          %ne3A_896 = arith.cmpi ne, %sign3A_888, %sign3A_895 : i32
          %rem3A_897 = arith.remsi %add3A_824, %jit3A_880 : i32
          %ne3A_898 = arith.constant 0 : i32
          %ne3A_899 = arith.cmpi ne, %rem3A_897, %ne3A_898 : i32
          %and3A_900 = arith.andi %ne3A_896, %ne3A_899 : i1
          %sub3A_901 = arith.constant 1 : i32
          %sub3A_902 = arith.subi %div3A_881, %sub3A_901 : i32
          %select_n3A_903 = arith.select %and3A_900, %sub3A_902, %div3A_881 : i32
          %add3A_904 = arith.constant 16 : i32
          %add3A_905 = arith.addi %mul3A_842, %add3A_904 : i32
          %get3A_906 = arith.index_cast %select_n3A_903 : i32 to index
          %get3A_907 = arith.index_cast %add3A_905 : i32 to index
          %get3A_908 = tpu.vector_load %arg8[%get3A_906, %get3A_907] {strides = array<i32>} : memref<100x128xf32, #tpu.memory_space<vmem>>, vector<1x16xf32>,
          %get3A_909 = vector.shape_cast %get3A_908 : vector<1x16xf32> to vector<16xf32>
          %swap3A_910 = arith.constant 0 : i32
          %swap3A_911 = arith.index_cast %swap3A_910 : i32 to index
          %swap3A_912 = arith.index_cast %add3A_824 : i32 to index
          %swap3A_913 = arith.constant 16 : index
          %swap3A_914 = tpu.vector_load %arg7[%swap3A_911, %swap3A_912, %swap3A_913] {strides = array<i32>} : memref<3x200x128xf32, #tpu.memory_space<vmem>>, vector<1x1x16xf32>,
          %swap3A_915 = vector.shape_cast %swap3A_914 : vector<1x1x16xf32> to vector<16xf32>
          %swap3A_916 = vector.shape_cast %get3A_909 : vector<16xf32> to vector<1x1x16xf32>
          tpu.vector_store %arg7[%swap3A_911, %swap3A_912, %swap3A_913], %swap3A_916 {add = true, strides = array<i32>} : memref<3x200x128xf32, #tpu.memory_space<vmem>>, vector<1x1x16xf32>,
          %jit3A_917 = arith.constant 2 : i32
          %div3A_918 = arith.divsi %add3A_824, %jit3A_917 : i32
          %sign3A_919 = arith.constant 0 : i32
          %sign3A_920 = arith.cmpi sgt, %add3A_824, %sign3A_919 : i32
          %sign3A_921 = arith.extui %sign3A_920 : i1 to i32
          %sign3A_922 = arith.constant 0 : i32
          %sign3A_923 = arith.cmpi slt, %add3A_824, %sign3A_922 : i32
          %sign3A_924 = arith.extui %sign3A_923 : i1 to i32
          %sign3A_925 = arith.subi %sign3A_921, %sign3A_924 : i32
          %sign3A_926 = arith.constant 0 : i32
          %sign3A_927 = arith.cmpi sgt, %jit3A_917, %sign3A_926 : i32
          %sign3A_928 = arith.extui %sign3A_927 : i1 to i32
          %sign3A_929 = arith.constant 0 : i32
          %sign3A_930 = arith.cmpi slt, %jit3A_917, %sign3A_929 : i32
          %sign3A_931 = arith.extui %sign3A_930 : i1 to i32
          %sign3A_932 = arith.subi %sign3A_928, %sign3A_931 : i32
          %ne3A_933 = arith.cmpi ne, %sign3A_925, %sign3A_932 : i32
          %rem3A_934 = arith.remsi %add3A_824, %jit3A_917 : i32
          %ne3A_935 = arith.constant 0 : i32
          %ne3A_936 = arith.cmpi ne, %rem3A_934, %ne3A_935 : i32
          %and3A_937 = arith.andi %ne3A_933, %ne3A_936 : i1
          %sub3A_938 = arith.constant 1 : i32
          %sub3A_939 = arith.subi %div3A_918, %sub3A_938 : i32
          %select_n3A_940 = arith.select %and3A_937, %sub3A_939, %div3A_918 : i32
          %add3A_941 = arith.constant 32 : i32
          %add3A_942 = arith.addi %mul3A_842, %add3A_941 : i32
          %get3A_943 = arith.index_cast %select_n3A_940 : i32 to index
          %get3A_944 = arith.index_cast %add3A_942 : i32 to index
          %get3A_945 = tpu.vector_load %arg8[%get3A_943, %get3A_944] {strides = array<i32>} : memref<100x128xf32, #tpu.memory_space<vmem>>, vector<1x16xf32>,
          %get3A_946 = vector.shape_cast %get3A_945 : vector<1x16xf32> to vector<16xf32>
          %swap3A_947 = arith.constant 0 : i32
          %swap3A_948 = arith.index_cast %swap3A_947 : i32 to index
          %swap3A_949 = arith.index_cast %add3A_824 : i32 to index
          %swap3A_950 = arith.constant 32 : index
          %swap3A_951 = tpu.vector_load %arg7[%swap3A_948, %swap3A_949, %swap3A_950] {strides = array<i32>} : memref<3x200x128xf32, #tpu.memory_space<vmem>>, vector<1x1x16xf32>,
          %swap3A_952 = vector.shape_cast %swap3A_951 : vector<1x1x16xf32> to vector<16xf32>
          %swap3A_953 = vector.shape_cast %get3A_946 : vector<16xf32> to vector<1x1x16xf32>
          tpu.vector_store %arg7[%swap3A_948, %swap3A_949, %swap3A_950], %swap3A_953 {add = true, strides = array<i32>} : memref<3x200x128xf32, #tpu.memory_space<vmem>>, vector<1x1x16xf32>,
          %jit3A_954 = arith.constant 2 : i32
          %div3A_955 = arith.divsi %add3A_824, %jit3A_954 : i32
          %sign3A_956 = arith.constant 0 : i32
          %sign3A_957 = arith.cmpi sgt, %add3A_824, %sign3A_956 : i32
          %sign3A_958 = arith.extui %sign3A_957 : i1 to i32
          %sign3A_959 = arith.constant 0 : i32
          %sign3A_960 = arith.cmpi slt, %add3A_824, %sign3A_959 : i32
          %sign3A_961 = arith.extui %sign3A_960 : i1 to i32
          %sign3A_962 = arith.subi %sign3A_958, %sign3A_961 : i32
          %sign3A_963 = arith.constant 0 : i32
          %sign3A_964 = arith.cmpi sgt, %jit3A_954, %sign3A_963 : i32
          %sign3A_965 = arith.extui %sign3A_964 : i1 to i32
          %sign3A_966 = arith.constant 0 : i32
          %sign3A_967 = arith.cmpi slt, %jit3A_954, %sign3A_966 : i32
          %sign3A_968 = arith.extui %sign3A_967 : i1 to i32
          %sign3A_969 = arith.subi %sign3A_965, %sign3A_968 : i32
          %ne3A_970 = arith.cmpi ne, %sign3A_962, %sign3A_969 : i32
          %rem3A_971 = arith.remsi %add3A_824, %jit3A_954 : i32
          %ne3A_972 = arith.constant 0 : i32
          %ne3A_973 = arith.cmpi ne, %rem3A_971, %ne3A_972 : i32
          %and3A_974 = arith.andi %ne3A_970, %ne3A_973 : i1
          %sub3A_975 = arith.constant 1 : i32
          %sub3A_976 = arith.subi %div3A_955, %sub3A_975 : i32
          %select_n3A_977 = arith.select %and3A_974, %sub3A_976, %div3A_955 : i32
          %add3A_978 = arith.constant 48 : i32
          %add3A_979 = arith.addi %mul3A_842, %add3A_978 : i32
          %get3A_980 = arith.index_cast %select_n3A_977 : i32 to index
          %get3A_981 = arith.index_cast %add3A_979 : i32 to index
          %get3A_982 = tpu.vector_load %arg8[%get3A_980, %get3A_981] {strides = array<i32>} : memref<100x128xf32, #tpu.memory_space<vmem>>, vector<1x16xf32>,
          %get3A_983 = vector.shape_cast %get3A_982 : vector<1x16xf32> to vector<16xf32>
          %swap3A_984 = arith.constant 0 : i32
          %swap3A_985 = arith.index_cast %swap3A_984 : i32 to index
          %swap3A_986 = arith.index_cast %add3A_824 : i32 to index
          %swap3A_987 = arith.constant 48 : index
          %swap3A_988 = tpu.vector_load %arg7[%swap3A_985, %swap3A_986, %swap3A_987] {strides = array<i32>} : memref<3x200x128xf32, #tpu.memory_space<vmem>>, vector<1x1x16xf32>,
          %swap3A_989 = vector.shape_cast %swap3A_988 : vector<1x1x16xf32> to vector<16xf32>
          %swap3A_990 = vector.shape_cast %get3A_983 : vector<16xf32> to vector<1x1x16xf32>
          tpu.vector_store %arg7[%swap3A_985, %swap3A_986, %swap3A_987], %swap3A_990 {add = true, strides = array<i32>} : memref<3x200x128xf32, #tpu.memory_space<vmem>>, vector<1x1x16xf32>,
          %scan3A_991 = arith.constant 5 : i32
          %scan3A_992 = arith.addi %scan3A_143, %scan3A_991 : i32
          %mul3A_993 = arith.constant 1 : i32
          %mul3A_994 = arith.muli %scan3A_992, %mul3A_993 : i32
          %add3A_995 = arith.constant 0 : i32
          %add3A_996 = arith.addi %add3A_995, %mul3A_994 : i32
          %jit3A_997 = arith.constant 2 : i32
          %eq3A_998 = arith.constant 0 : i32
          %eq3A_999 = arith.cmpi eq, %jit3A_997, %eq3A_998 : i32
          %jit3A_1000 = arith.constant 1 : i32
          %select_n3A_1001 = arith.select %eq3A_999, %jit3A_1000, %jit3A_997 : i32
          %rem3A_1002 = arith.remsi %add3A_996, %select_n3A_1001 : i32
          %ne3A_1003 = arith.constant 0 : i32
          %ne3A_1004 = arith.cmpi ne, %rem3A_1002, %ne3A_1003 : i32
          %lt3A_1005 = arith.constant 0 : i32
          %lt3A_1006 = arith.cmpi slt, %rem3A_1002, %lt3A_1005 : i32
          %lt3A_1007 = arith.constant 0 : i32
          %lt3A_1008 = arith.cmpi slt, %select_n3A_1001, %lt3A_1007 : i32
          %ne3A_1009 = arith.xori %lt3A_1006, %lt3A_1008 : i1
          %and3A_1010 = arith.andi %ne3A_1009, %ne3A_1004 : i1
          %add3A_1011 = arith.addi %rem3A_1002, %select_n3A_1001 : i32
          %select_n3A_1012 = arith.select %and3A_1010, %add3A_1011, %rem3A_1002 : i32
          %mul3A_1013 = arith.constant 64 : i32
          %mul3A_1014 = arith.muli %select_n3A_1012, %mul3A_1013 : i32
          %jit3A_1015 = arith.constant 2 : i32
          %div3A_1016 = arith.divsi %add3A_996, %jit3A_1015 : i32
          %sign3A_1017 = arith.constant 0 : i32
          %sign3A_1018 = arith.cmpi sgt, %add3A_996, %sign3A_1017 : i32
          %sign3A_1019 = arith.extui %sign3A_1018 : i1 to i32
          %sign3A_1020 = arith.constant 0 : i32
          %sign3A_1021 = arith.cmpi slt, %add3A_996, %sign3A_1020 : i32
          %sign3A_1022 = arith.extui %sign3A_1021 : i1 to i32
          %sign3A_1023 = arith.subi %sign3A_1019, %sign3A_1022 : i32
          %sign3A_1024 = arith.constant 0 : i32
          %sign3A_1025 = arith.cmpi sgt, %jit3A_1015, %sign3A_1024 : i32
          %sign3A_1026 = arith.extui %sign3A_1025 : i1 to i32
          %sign3A_1027 = arith.constant 0 : i32
          %sign3A_1028 = arith.cmpi slt, %jit3A_1015, %sign3A_1027 : i32
          %sign3A_1029 = arith.extui %sign3A_1028 : i1 to i32
          %sign3A_1030 = arith.subi %sign3A_1026, %sign3A_1029 : i32
          %ne3A_1031 = arith.cmpi ne, %sign3A_1023, %sign3A_1030 : i32
          %rem3A_1032 = arith.remsi %add3A_996, %jit3A_1015 : i32
          %ne3A_1033 = arith.constant 0 : i32
          %ne3A_1034 = arith.cmpi ne, %rem3A_1032, %ne3A_1033 : i32
          %and3A_1035 = arith.andi %ne3A_1031, %ne3A_1034 : i1
          %sub3A_1036 = arith.constant 1 : i32
          %sub3A_1037 = arith.subi %div3A_1016, %sub3A_1036 : i32
          %select_n3A_1038 = arith.select %and3A_1035, %sub3A_1037, %div3A_1016 : i32
          %add3A_1039 = arith.constant 0 : i32
          %add3A_1040 = arith.addi %mul3A_1014, %add3A_1039 : i32
          %get3A_1041 = arith.index_cast %select_n3A_1038 : i32 to index
          %get3A_1042 = arith.index_cast %add3A_1040 : i32 to index
          %get3A_1043 = tpu.vector_load %arg8[%get3A_1041, %get3A_1042] {strides = array<i32>} : memref<100x128xf32, #tpu.memory_space<vmem>>, vector<1x16xf32>,
          %get3A_1044 = vector.shape_cast %get3A_1043 : vector<1x16xf32> to vector<16xf32>
          %swap3A_1045 = arith.constant 0 : i32
          %swap3A_1046 = arith.index_cast %swap3A_1045 : i32 to index
          %swap3A_1047 = arith.index_cast %add3A_996 : i32 to index
          %swap3A_1048 = arith.constant 0 : index
          %swap3A_1049 = tpu.vector_load %arg7[%swap3A_1046, %swap3A_1047, %swap3A_1048] {strides = array<i32>} : memref<3x200x128xf32, #tpu.memory_space<vmem>>, vector<1x1x16xf32>,
          %swap3A_1050 = vector.shape_cast %swap3A_1049 : vector<1x1x16xf32> to vector<16xf32>
          %swap3A_1051 = vector.shape_cast %get3A_1044 : vector<16xf32> to vector<1x1x16xf32>
          tpu.vector_store %arg7[%swap3A_1046, %swap3A_1047, %swap3A_1048], %swap3A_1051 {add = true, strides = array<i32>} : memref<3x200x128xf32, #tpu.memory_space<vmem>>, vector<1x1x16xf32>,
          %jit3A_1052 = arith.constant 2 : i32
          %div3A_1053 = arith.divsi %add3A_996, %jit3A_1052 : i32
          %sign3A_1054 = arith.constant 0 : i32
          %sign3A_1055 = arith.cmpi sgt, %add3A_996, %sign3A_1054 : i32
          %sign3A_1056 = arith.extui %sign3A_1055 : i1 to i32
          %sign3A_1057 = arith.constant 0 : i32
          %sign3A_1058 = arith.cmpi slt, %add3A_996, %sign3A_1057 : i32
          %sign3A_1059 = arith.extui %sign3A_1058 : i1 to i32
          %sign3A_1060 = arith.subi %sign3A_1056, %sign3A_1059 : i32
          %sign3A_1061 = arith.constant 0 : i32
          %sign3A_1062 = arith.cmpi sgt, %jit3A_1052, %sign3A_1061 : i32
          %sign3A_1063 = arith.extui %sign3A_1062 : i1 to i32
          %sign3A_1064 = arith.constant 0 : i32
          %sign3A_1065 = arith.cmpi slt, %jit3A_1052, %sign3A_1064 : i32
          %sign3A_1066 = arith.extui %sign3A_1065 : i1 to i32
          %sign3A_1067 = arith.subi %sign3A_1063, %sign3A_1066 : i32
          %ne3A_1068 = arith.cmpi ne, %sign3A_1060, %sign3A_1067 : i32
          %rem3A_1069 = arith.remsi %add3A_996, %jit3A_1052 : i32
          %ne3A_1070 = arith.constant 0 : i32
          %ne3A_1071 = arith.cmpi ne, %rem3A_1069, %ne3A_1070 : i32
          %and3A_1072 = arith.andi %ne3A_1068, %ne3A_1071 : i1
          %sub3A_1073 = arith.constant 1 : i32
          %sub3A_1074 = arith.subi %div3A_1053, %sub3A_1073 : i32
          %select_n3A_1075 = arith.select %and3A_1072, %sub3A_1074, %div3A_1053 : i32
          %add3A_1076 = arith.constant 16 : i32
          %add3A_1077 = arith.addi %mul3A_1014, %add3A_1076 : i32
          %get3A_1078 = arith.index_cast %select_n3A_1075 : i32 to index
          %get3A_1079 = arith.index_cast %add3A_1077 : i32 to index
          %get3A_1080 = tpu.vector_load %arg8[%get3A_1078, %get3A_1079] {strides = array<i32>} : memref<100x128xf32, #tpu.memory_space<vmem>>, vector<1x16xf32>,
          %get3A_1081 = vector.shape_cast %get3A_1080 : vector<1x16xf32> to vector<16xf32>
          %swap3A_1082 = arith.constant 0 : i32
          %swap3A_1083 = arith.index_cast %swap3A_1082 : i32 to index
          %swap3A_1084 = arith.index_cast %add3A_996 : i32 to index
          %swap3A_1085 = arith.constant 16 : index
          %swap3A_1086 = tpu.vector_load %arg7[%swap3A_1083, %swap3A_1084, %swap3A_1085] {strides = array<i32>} : memref<3x200x128xf32, #tpu.memory_space<vmem>>, vector<1x1x16xf32>,
          %swap3A_1087 = vector.shape_cast %swap3A_1086 : vector<1x1x16xf32> to vector<16xf32>
          %swap3A_1088 = vector.shape_cast %get3A_1081 : vector<16xf32> to vector<1x1x16xf32>
          tpu.vector_store %arg7[%swap3A_1083, %swap3A_1084, %swap3A_1085], %swap3A_1088 {add = true, strides = array<i32>} : memref<3x200x128xf32, #tpu.memory_space<vmem>>, vector<1x1x16xf32>,
          %jit3A_1089 = arith.constant 2 : i32
          %div3A_1090 = arith.divsi %add3A_996, %jit3A_1089 : i32
          %sign3A_1091 = arith.constant 0 : i32
          %sign3A_1092 = arith.cmpi sgt, %add3A_996, %sign3A_1091 : i32
          %sign3A_1093 = arith.extui %sign3A_1092 : i1 to i32
          %sign3A_1094 = arith.constant 0 : i32
          %sign3A_1095 = arith.cmpi slt, %add3A_996, %sign3A_1094 : i32
          %sign3A_1096 = arith.extui %sign3A_1095 : i1 to i32
          %sign3A_1097 = arith.subi %sign3A_1093, %sign3A_1096 : i32
          %sign3A_1098 = arith.constant 0 : i32
          %sign3A_1099 = arith.cmpi sgt, %jit3A_1089, %sign3A_1098 : i32
          %sign3A_1100 = arith.extui %sign3A_1099 : i1 to i32
          %sign3A_1101 = arith.constant 0 : i32
          %sign3A_1102 = arith.cmpi slt, %jit3A_1089, %sign3A_1101 : i32
          %sign3A_1103 = arith.extui %sign3A_1102 : i1 to i32
          %sign3A_1104 = arith.subi %sign3A_1100, %sign3A_1103 : i32
          %ne3A_1105 = arith.cmpi ne, %sign3A_1097, %sign3A_1104 : i32
          %rem3A_1106 = arith.remsi %add3A_996, %jit3A_1089 : i32
          %ne3A_1107 = arith.constant 0 : i32
          %ne3A_1108 = arith.cmpi ne, %rem3A_1106, %ne3A_1107 : i32
          %and3A_1109 = arith.andi %ne3A_1105, %ne3A_1108 : i1
          %sub3A_1110 = arith.constant 1 : i32
          %sub3A_1111 = arith.subi %div3A_1090, %sub3A_1110 : i32
          %select_n3A_1112 = arith.select %and3A_1109, %sub3A_1111, %div3A_1090 : i32
          %add3A_1113 = arith.constant 32 : i32
          %add3A_1114 = arith.addi %mul3A_1014, %add3A_1113 : i32
          %get3A_1115 = arith.index_cast %select_n3A_1112 : i32 to index
          %get3A_1116 = arith.index_cast %add3A_1114 : i32 to index
          %get3A_1117 = tpu.vector_load %arg8[%get3A_1115, %get3A_1116] {strides = array<i32>} : memref<100x128xf32, #tpu.memory_space<vmem>>, vector<1x16xf32>,
          %get3A_1118 = vector.shape_cast %get3A_1117 : vector<1x16xf32> to vector<16xf32>
          %swap3A_1119 = arith.constant 0 : i32
          %swap3A_1120 = arith.index_cast %swap3A_1119 : i32 to index
          %swap3A_1121 = arith.index_cast %add3A_996 : i32 to index
          %swap3A_1122 = arith.constant 32 : index
          %swap3A_1123 = tpu.vector_load %arg7[%swap3A_1120, %swap3A_1121, %swap3A_1122] {strides = array<i32>} : memref<3x200x128xf32, #tpu.memory_space<vmem>>, vector<1x1x16xf32>,
          %swap3A_1124 = vector.shape_cast %swap3A_1123 : vector<1x1x16xf32> to vector<16xf32>
          %swap3A_1125 = vector.shape_cast %get3A_1118 : vector<16xf32> to vector<1x1x16xf32>
          tpu.vector_store %arg7[%swap3A_1120, %swap3A_1121, %swap3A_1122], %swap3A_1125 {add = true, strides = array<i32>} : memref<3x200x128xf32, #tpu.memory_space<vmem>>, vector<1x1x16xf32>,
          %jit3A_1126 = arith.constant 2 : i32
          %div3A_1127 = arith.divsi %add3A_996, %jit3A_1126 : i32
          %sign3A_1128 = arith.constant 0 : i32
          %sign3A_1129 = arith.cmpi sgt, %add3A_996, %sign3A_1128 : i32
          %sign3A_1130 = arith.extui %sign3A_1129 : i1 to i32
          %sign3A_1131 = arith.constant 0 : i32
          %sign3A_1132 = arith.cmpi slt, %add3A_996, %sign3A_1131 : i32
          %sign3A_1133 = arith.extui %sign3A_1132 : i1 to i32
          %sign3A_1134 = arith.subi %sign3A_1130, %sign3A_1133 : i32
          %sign3A_1135 = arith.constant 0 : i32
          %sign3A_1136 = arith.cmpi sgt, %jit3A_1126, %sign3A_1135 : i32
          %sign3A_1137 = arith.extui %sign3A_1136 : i1 to i32
          %sign3A_1138 = arith.constant 0 : i32
          %sign3A_1139 = arith.cmpi slt, %jit3A_1126, %sign3A_1138 : i32
          %sign3A_1140 = arith.extui %sign3A_1139 : i1 to i32
          %sign3A_1141 = arith.subi %sign3A_1137, %sign3A_1140 : i32
          %ne3A_1142 = arith.cmpi ne, %sign3A_1134, %sign3A_1141 : i32
          %rem3A_1143 = arith.remsi %add3A_996, %jit3A_1126 : i32
          %ne3A_1144 = arith.constant 0 : i32
          %ne3A_1145 = arith.cmpi ne, %rem3A_1143, %ne3A_1144 : i32
          %and3A_1146 = arith.andi %ne3A_1142, %ne3A_1145 : i1
          %sub3A_1147 = arith.constant 1 : i32
          %sub3A_1148 = arith.subi %div3A_1127, %sub3A_1147 : i32
          %select_n3A_1149 = arith.select %and3A_1146, %sub3A_1148, %div3A_1127 : i32
          %add3A_1150 = arith.constant 48 : i32
          %add3A_1151 = arith.addi %mul3A_1014, %add3A_1150 : i32
          %get3A_1152 = arith.index_cast %select_n3A_1149 : i32 to index
          %get3A_1153 = arith.index_cast %add3A_1151 : i32 to index
          %get3A_1154 = tpu.vector_load %arg8[%get3A_1152, %get3A_1153] {strides = array<i32>} : memref<100x128xf32, #tpu.memory_space<vmem>>, vector<1x16xf32>,
          %get3A_1155 = vector.shape_cast %get3A_1154 : vector<1x16xf32> to vector<16xf32>
          %swap3A_1156 = arith.constant 0 : i32
          %swap3A_1157 = arith.index_cast %swap3A_1156 : i32 to index
          %swap3A_1158 = arith.index_cast %add3A_996 : i32 to index
          %swap3A_1159 = arith.constant 48 : index
          %swap3A_1160 = tpu.vector_load %arg7[%swap3A_1157, %swap3A_1158, %swap3A_1159] {strides = array<i32>} : memref<3x200x128xf32, #tpu.memory_space<vmem>>, vector<1x1x16xf32>,
          %swap3A_1161 = vector.shape_cast %swap3A_1160 : vector<1x1x16xf32> to vector<16xf32>
          %swap3A_1162 = vector.shape_cast %get3A_1155 : vector<16xf32> to vector<1x1x16xf32>
          tpu.vector_store %arg7[%swap3A_1157, %swap3A_1158, %swap3A_1159], %swap3A_1162 {add = true, strides = array<i32>} : memref<3x200x128xf32, #tpu.memory_space<vmem>>, vector<1x1x16xf32>,
          %scan3A_1163 = arith.constant 6 : i32
          %scan3A_1164 = arith.addi %scan3A_143, %scan3A_1163 : i32
          %mul3A_1165 = arith.constant 1 : i32
          %mul3A_1166 = arith.muli %scan3A_1164, %mul3A_1165 : i32
          %add3A_1167 = arith.constant 0 : i32
          %add3A_1168 = arith.addi %add3A_1167, %mul3A_1166 : i32
          %jit3A_1169 = arith.constant 2 : i32
          %eq3A_1170 = arith.constant 0 : i32
          %eq3A_1171 = arith.cmpi eq, %jit3A_1169, %eq3A_1170 : i32
          %jit3A_1172 = arith.constant 1 : i32
          %select_n3A_1173 = arith.select %eq3A_1171, %jit3A_1172, %jit3A_1169 : i32
          %rem3A_1174 = arith.remsi %add3A_1168, %select_n3A_1173 : i32
          %ne3A_1175 = arith.constant 0 : i32
          %ne3A_1176 = arith.cmpi ne, %rem3A_1174, %ne3A_1175 : i32
          %lt3A_1177 = arith.constant 0 : i32
          %lt3A_1178 = arith.cmpi slt, %rem3A_1174, %lt3A_1177 : i32
          %lt3A_1179 = arith.constant 0 : i32
          %lt3A_1180 = arith.cmpi slt, %select_n3A_1173, %lt3A_1179 : i32
          %ne3A_1181 = arith.xori %lt3A_1178, %lt3A_1180 : i1
          %and3A_1182 = arith.andi %ne3A_1181, %ne3A_1176 : i1
          %add3A_1183 = arith.addi %rem3A_1174, %select_n3A_1173 : i32
          %select_n3A_1184 = arith.select %and3A_1182, %add3A_1183, %rem3A_1174 : i32
          %mul3A_1185 = arith.constant 64 : i32
          %mul3A_1186 = arith.muli %select_n3A_1184, %mul3A_1185 : i32
          %jit3A_1187 = arith.constant 2 : i32
          %div3A_1188 = arith.divsi %add3A_1168, %jit3A_1187 : i32
          %sign3A_1189 = arith.constant 0 : i32
          %sign3A_1190 = arith.cmpi sgt, %add3A_1168, %sign3A_1189 : i32
          %sign3A_1191 = arith.extui %sign3A_1190 : i1 to i32
          %sign3A_1192 = arith.constant 0 : i32
          %sign3A_1193 = arith.cmpi slt, %add3A_1168, %sign3A_1192 : i32
          %sign3A_1194 = arith.extui %sign3A_1193 : i1 to i32
          %sign3A_1195 = arith.subi %sign3A_1191, %sign3A_1194 : i32
          %sign3A_1196 = arith.constant 0 : i32
          %sign3A_1197 = arith.cmpi sgt, %jit3A_1187, %sign3A_1196 : i32
          %sign3A_1198 = arith.extui %sign3A_1197 : i1 to i32
          %sign3A_1199 = arith.constant 0 : i32
          %sign3A_1200 = arith.cmpi slt, %jit3A_1187, %sign3A_1199 : i32
          %sign3A_1201 = arith.extui %sign3A_1200 : i1 to i32
          %sign3A_1202 = arith.subi %sign3A_1198, %sign3A_1201 : i32
          %ne3A_1203 = arith.cmpi ne, %sign3A_1195, %sign3A_1202 : i32
          %rem3A_1204 = arith.remsi %add3A_1168, %jit3A_1187 : i32
          %ne3A_1205 = arith.constant 0 : i32
          %ne3A_1206 = arith.cmpi ne, %rem3A_1204, %ne3A_1205 : i32
          %and3A_1207 = arith.andi %ne3A_1203, %ne3A_1206 : i1
          %sub3A_1208 = arith.constant 1 : i32
          %sub3A_1209 = arith.subi %div3A_1188, %sub3A_1208 : i32
          %select_n3A_1210 = arith.select %and3A_1207, %sub3A_1209, %div3A_1188 : i32
          %add3A_1211 = arith.constant 0 : i32
          %add3A_1212 = arith.addi %mul3A_1186, %add3A_1211 : i32
          %get3A_1213 = arith.index_cast %select_n3A_1210 : i32 to index
          %get3A_1214 = arith.index_cast %add3A_1212 : i32 to index
          %get3A_1215 = tpu.vector_load %arg8[%get3A_1213, %get3A_1214] {strides = array<i32>} : memref<100x128xf32, #tpu.memory_space<vmem>>, vector<1x16xf32>,
          %get3A_1216 = vector.shape_cast %get3A_1215 : vector<1x16xf32> to vector<16xf32>
          %swap3A_1217 = arith.constant 0 : i32
          %swap3A_1218 = arith.index_cast %swap3A_1217 : i32 to index
          %swap3A_1219 = arith.index_cast %add3A_1168 : i32 to index
          %swap3A_1220 = arith.constant 0 : index
          %swap3A_1221 = tpu.vector_load %arg7[%swap3A_1218, %swap3A_1219, %swap3A_1220] {strides = array<i32>} : memref<3x200x128xf32, #tpu.memory_space<vmem>>, vector<1x1x16xf32>,
          %swap3A_1222 = vector.shape_cast %swap3A_1221 : vector<1x1x16xf32> to vector<16xf32>
          %swap3A_1223 = vector.shape_cast %get3A_1216 : vector<16xf32> to vector<1x1x16xf32>
          tpu.vector_store %arg7[%swap3A_1218, %swap3A_1219, %swap3A_1220], %swap3A_1223 {add = true, strides = array<i32>} : memref<3x200x128xf32, #tpu.memory_space<vmem>>, vector<1x1x16xf32>,
          %jit3A_1224 = arith.constant 2 : i32
          %div3A_1225 = arith.divsi %add3A_1168, %jit3A_1224 : i32
          %sign3A_1226 = arith.constant 0 : i32
          %sign3A_1227 = arith.cmpi sgt, %add3A_1168, %sign3A_1226 : i32
          %sign3A_1228 = arith.extui %sign3A_1227 : i1 to i32
          %sign3A_1229 = arith.constant 0 : i32
          %sign3A_1230 = arith.cmpi slt, %add3A_1168, %sign3A_1229 : i32
          %sign3A_1231 = arith.extui %sign3A_1230 : i1 to i32
          %sign3A_1232 = arith.subi %sign3A_1228, %sign3A_1231 : i32
          %sign3A_1233 = arith.constant 0 : i32
          %sign3A_1234 = arith.cmpi sgt, %jit3A_1224, %sign3A_1233 : i32
          %sign3A_1235 = arith.extui %sign3A_1234 : i1 to i32
          %sign3A_1236 = arith.constant 0 : i32
          %sign3A_1237 = arith.cmpi slt, %jit3A_1224, %sign3A_1236 : i32
          %sign3A_1238 = arith.extui %sign3A_1237 : i1 to i32
          %sign3A_1239 = arith.subi %sign3A_1235, %sign3A_1238 : i32
          %ne3A_1240 = arith.cmpi ne, %sign3A_1232, %sign3A_1239 : i32
          %rem3A_1241 = arith.remsi %add3A_1168, %jit3A_1224 : i32
          %ne3A_1242 = arith.constant 0 : i32
          %ne3A_1243 = arith.cmpi ne, %rem3A_1241, %ne3A_1242 : i32
          %and3A_1244 = arith.andi %ne3A_1240, %ne3A_1243 : i1
          %sub3A_1245 = arith.constant 1 : i32
          %sub3A_1246 = arith.subi %div3A_1225, %sub3A_1245 : i32
          %select_n3A_1247 = arith.select %and3A_1244, %sub3A_1246, %div3A_1225 : i32
          %add3A_1248 = arith.constant 16 : i32
          %add3A_1249 = arith.addi %mul3A_1186, %add3A_1248 : i32
          %get3A_1250 = arith.index_cast %select_n3A_1247 : i32 to index
          %get3A_1251 = arith.index_cast %add3A_1249 : i32 to index
          %get3A_1252 = tpu.vector_load %arg8[%get3A_1250, %get3A_1251] {strides = array<i32>} : memref<100x128xf32, #tpu.memory_space<vmem>>, vector<1x16xf32>,
          %get3A_1253 = vector.shape_cast %get3A_1252 : vector<1x16xf32> to vector<16xf32>
          %swap3A_1254 = arith.constant 0 : i32
          %swap3A_1255 = arith.index_cast %swap3A_1254 : i32 to index
          %swap3A_1256 = arith.index_cast %add3A_1168 : i32 to index
          %swap3A_1257 = arith.constant 16 : index
          %swap3A_1258 = tpu.vector_load %arg7[%swap3A_1255, %swap3A_1256, %swap3A_1257] {strides = array<i32>} : memref<3x200x128xf32, #tpu.memory_space<vmem>>, vector<1x1x16xf32>,
          %swap3A_1259 = vector.shape_cast %swap3A_1258 : vector<1x1x16xf32> to vector<16xf32>
          %swap3A_1260 = vector.shape_cast %get3A_1253 : vector<16xf32> to vector<1x1x16xf32>
          tpu.vector_store %arg7[%swap3A_1255, %swap3A_1256, %swap3A_1257], %swap3A_1260 {add = true, strides = array<i32>} : memref<3x200x128xf32, #tpu.memory_space<vmem>>, vector<1x1x16xf32>,
          %jit3A_1261 = arith.constant 2 : i32
          %div3A_1262 = arith.divsi %add3A_1168, %jit3A_1261 : i32
          %sign3A_1263 = arith.constant 0 : i32
          %sign3A_1264 = arith.cmpi sgt, %add3A_1168, %sign3A_1263 : i32
          %sign3A_1265 = arith.extui %sign3A_1264 : i1 to i32
          %sign3A_1266 = arith.constant 0 : i32
          %sign3A_1267 = arith.cmpi slt, %add3A_1168, %sign3A_1266 : i32
          %sign3A_1268 = arith.extui %sign3A_1267 : i1 to i32
          %sign3A_1269 = arith.subi %sign3A_1265, %sign3A_1268 : i32
          %sign3A_1270 = arith.constant 0 : i32
          %sign3A_1271 = arith.cmpi sgt, %jit3A_1261, %sign3A_1270 : i32
          %sign3A_1272 = arith.extui %sign3A_1271 : i1 to i32
          %sign3A_1273 = arith.constant 0 : i32
          %sign3A_1274 = arith.cmpi slt, %jit3A_1261, %sign3A_1273 : i32
          %sign3A_1275 = arith.extui %sign3A_1274 : i1 to i32
          %sign3A_1276 = arith.subi %sign3A_1272, %sign3A_1275 : i32
          %ne3A_1277 = arith.cmpi ne, %sign3A_1269, %sign3A_1276 : i32
          %rem3A_1278 = arith.remsi %add3A_1168, %jit3A_1261 : i32
          %ne3A_1279 = arith.constant 0 : i32
          %ne3A_1280 = arith.cmpi ne, %rem3A_1278, %ne3A_1279 : i32
          %and3A_1281 = arith.andi %ne3A_1277, %ne3A_1280 : i1
          %sub3A_1282 = arith.constant 1 : i32
          %sub3A_1283 = arith.subi %div3A_1262, %sub3A_1282 : i32
          %select_n3A_1284 = arith.select %and3A_1281, %sub3A_1283, %div3A_1262 : i32
          %add3A_1285 = arith.constant 32 : i32
          %add3A_1286 = arith.addi %mul3A_1186, %add3A_1285 : i32
          %get3A_1287 = arith.index_cast %select_n3A_1284 : i32 to index
          %get3A_1288 = arith.index_cast %add3A_1286 : i32 to index
          %get3A_1289 = tpu.vector_load %arg8[%get3A_1287, %get3A_1288] {strides = array<i32>} : memref<100x128xf32, #tpu.memory_space<vmem>>, vector<1x16xf32>,
          %get3A_1290 = vector.shape_cast %get3A_1289 : vector<1x16xf32> to vector<16xf32>
          %swap3A_1291 = arith.constant 0 : i32
          %swap3A_1292 = arith.index_cast %swap3A_1291 : i32 to index
          %swap3A_1293 = arith.index_cast %add3A_1168 : i32 to index
          %swap3A_1294 = arith.constant 32 : index
          %swap3A_1295 = tpu.vector_load %arg7[%swap3A_1292, %swap3A_1293, %swap3A_1294] {strides = array<i32>} : memref<3x200x128xf32, #tpu.memory_space<vmem>>, vector<1x1x16xf32>,
          %swap3A_1296 = vector.shape_cast %swap3A_1295 : vector<1x1x16xf32> to vector<16xf32>
          %swap3A_1297 = vector.shape_cast %get3A_1290 : vector<16xf32> to vector<1x1x16xf32>
          tpu.vector_store %arg7[%swap3A_1292, %swap3A_1293, %swap3A_1294], %swap3A_1297 {add = true, strides = array<i32>} : memref<3x200x128xf32, #tpu.memory_space<vmem>>, vector<1x1x16xf32>,
          %jit3A_1298 = arith.constant 2 : i32
          %div3A_1299 = arith.divsi %add3A_1168, %jit3A_1298 : i32
          %sign3A_1300 = arith.constant 0 : i32
          %sign3A_1301 = arith.cmpi sgt, %add3A_1168, %sign3A_1300 : i32
          %sign3A_1302 = arith.extui %sign3A_1301 : i1 to i32
          %sign3A_1303 = arith.constant 0 : i32
          %sign3A_1304 = arith.cmpi slt, %add3A_1168, %sign3A_1303 : i32
          %sign3A_1305 = arith.extui %sign3A_1304 : i1 to i32
          %sign3A_1306 = arith.subi %sign3A_1302, %sign3A_1305 : i32
          %sign3A_1307 = arith.constant 0 : i32
          %sign3A_1308 = arith.cmpi sgt, %jit3A_1298, %sign3A_1307 : i32
          %sign3A_1309 = arith.extui %sign3A_1308 : i1 to i32
          %sign3A_1310 = arith.constant 0 : i32
          %sign3A_1311 = arith.cmpi slt, %jit3A_1298, %sign3A_1310 : i32
          %sign3A_1312 = arith.extui %sign3A_1311 : i1 to i32
          %sign3A_1313 = arith.subi %sign3A_1309, %sign3A_1312 : i32
          %ne3A_1314 = arith.cmpi ne, %sign3A_1306, %sign3A_1313 : i32
          %rem3A_1315 = arith.remsi %add3A_1168, %jit3A_1298 : i32
          %ne3A_1316 = arith.constant 0 : i32
          %ne3A_1317 = arith.cmpi ne, %rem3A_1315, %ne3A_1316 : i32
          %and3A_1318 = arith.andi %ne3A_1314, %ne3A_1317 : i1
          %sub3A_1319 = arith.constant 1 : i32
          %sub3A_1320 = arith.subi %div3A_1299, %sub3A_1319 : i32
          %select_n3A_1321 = arith.select %and3A_1318, %sub3A_1320, %div3A_1299 : i32
          %add3A_1322 = arith.constant 48 : i32
          %add3A_1323 = arith.addi %mul3A_1186, %add3A_1322 : i32
          %get3A_1324 = arith.index_cast %select_n3A_1321 : i32 to index
          %get3A_1325 = arith.index_cast %add3A_1323 : i32 to index
          %get3A_1326 = tpu.vector_load %arg8[%get3A_1324, %get3A_1325] {strides = array<i32>} : memref<100x128xf32, #tpu.memory_space<vmem>>, vector<1x16xf32>,
          %get3A_1327 = vector.shape_cast %get3A_1326 : vector<1x16xf32> to vector<16xf32>
          %swap3A_1328 = arith.constant 0 : i32
          %swap3A_1329 = arith.index_cast %swap3A_1328 : i32 to index
          %swap3A_1330 = arith.index_cast %add3A_1168 : i32 to index
          %swap3A_1331 = arith.constant 48 : index
          %swap3A_1332 = tpu.vector_load %arg7[%swap3A_1329, %swap3A_1330, %swap3A_1331] {strides = array<i32>} : memref<3x200x128xf32, #tpu.memory_space<vmem>>, vector<1x1x16xf32>,
          %swap3A_1333 = vector.shape_cast %swap3A_1332 : vector<1x1x16xf32> to vector<16xf32>
          %swap3A_1334 = vector.shape_cast %get3A_1327 : vector<16xf32> to vector<1x1x16xf32>
          tpu.vector_store %arg7[%swap3A_1329, %swap3A_1330, %swap3A_1331], %swap3A_1334 {add = true, strides = array<i32>} : memref<3x200x128xf32, #tpu.memory_space<vmem>>, vector<1x1x16xf32>,
          %scan3A_1335 = arith.constant 7 : i32
          %scan3A_1336 = arith.addi %scan3A_143, %scan3A_1335 : i32
          %mul3A_1337 = arith.constant 1 : i32
          %mul3A_1338 = arith.muli %scan3A_1336, %mul3A_1337 : i32
          %add3A_1339 = arith.constant 0 : i32
          %add3A_1340 = arith.addi %add3A_1339, %mul3A_1338 : i32
          %jit3A_1341 = arith.constant 2 : i32
          %eq3A_1342 = arith.constant 0 : i32
          %eq3A_1343 = arith.cmpi eq, %jit3A_1341, %eq3A_1342 : i32
          %jit3A_1344 = arith.constant 1 : i32
          %select_n3A_1345 = arith.select %eq3A_1343, %jit3A_1344, %jit3A_1341 : i32
          %rem3A_1346 = arith.remsi %add3A_1340, %select_n3A_1345 : i32
          %ne3A_1347 = arith.constant 0 : i32
          %ne3A_1348 = arith.cmpi ne, %rem3A_1346, %ne3A_1347 : i32
          %lt3A_1349 = arith.constant 0 : i32
          %lt3A_1350 = arith.cmpi slt, %rem3A_1346, %lt3A_1349 : i32
          %lt3A_1351 = arith.constant 0 : i32
          %lt3A_1352 = arith.cmpi slt, %select_n3A_1345, %lt3A_1351 : i32
          %ne3A_1353 = arith.xori %lt3A_1350, %lt3A_1352 : i1
          %and3A_1354 = arith.andi %ne3A_1353, %ne3A_1348 : i1
          %add3A_1355 = arith.addi %rem3A_1346, %select_n3A_1345 : i32
          %select_n3A_1356 = arith.select %and3A_1354, %add3A_1355, %rem3A_1346 : i32
          %mul3A_1357 = arith.constant 64 : i32
          %mul3A_1358 = arith.muli %select_n3A_1356, %mul3A_1357 : i32
          %jit3A_1359 = arith.constant 2 : i32
          %div3A_1360 = arith.divsi %add3A_1340, %jit3A_1359 : i32
          %sign3A_1361 = arith.constant 0 : i32
          %sign3A_1362 = arith.cmpi sgt, %add3A_1340, %sign3A_1361 : i32
          %sign3A_1363 = arith.extui %sign3A_1362 : i1 to i32
          %sign3A_1364 = arith.constant 0 : i32
          %sign3A_1365 = arith.cmpi slt, %add3A_1340, %sign3A_1364 : i32
          %sign3A_1366 = arith.extui %sign3A_1365 : i1 to i32
          %sign3A_1367 = arith.subi %sign3A_1363, %sign3A_1366 : i32
          %sign3A_1368 = arith.constant 0 : i32
          %sign3A_1369 = arith.cmpi sgt, %jit3A_1359, %sign3A_1368 : i32
          %sign3A_1370 = arith.extui %sign3A_1369 : i1 to i32
          %sign3A_1371 = arith.constant 0 : i32
          %sign3A_1372 = arith.cmpi slt, %jit3A_1359, %sign3A_1371 : i32
          %sign3A_1373 = arith.extui %sign3A_1372 : i1 to i32
          %sign3A_1374 = arith.subi %sign3A_1370, %sign3A_1373 : i32
          %ne3A_1375 = arith.cmpi ne, %sign3A_1367, %sign3A_1374 : i32
          %rem3A_1376 = arith.remsi %add3A_1340, %jit3A_1359 : i32
          %ne3A_1377 = arith.constant 0 : i32
          %ne3A_1378 = arith.cmpi ne, %rem3A_1376, %ne3A_1377 : i32
          %and3A_1379 = arith.andi %ne3A_1375, %ne3A_1378 : i1
          %sub3A_1380 = arith.constant 1 : i32
          %sub3A_1381 = arith.subi %div3A_1360, %sub3A_1380 : i32
          %select_n3A_1382 = arith.select %and3A_1379, %sub3A_1381, %div3A_1360 : i32
          %add3A_1383 = arith.constant 0 : i32
          %add3A_1384 = arith.addi %mul3A_1358, %add3A_1383 : i32
          %get3A_1385 = arith.index_cast %select_n3A_1382 : i32 to index
          %get3A_1386 = arith.index_cast %add3A_1384 : i32 to index
          %get3A_1387 = tpu.vector_load %arg8[%get3A_1385, %get3A_1386] {strides = array<i32>} : memref<100x128xf32, #tpu.memory_space<vmem>>, vector<1x16xf32>,
          %get3A_1388 = vector.shape_cast %get3A_1387 : vector<1x16xf32> to vector<16xf32>
          %swap3A_1389 = arith.constant 0 : i32
          %swap3A_1390 = arith.index_cast %swap3A_1389 : i32 to index
          %swap3A_1391 = arith.index_cast %add3A_1340 : i32 to index
          %swap3A_1392 = arith.constant 0 : index
          %swap3A_1393 = tpu.vector_load %arg7[%swap3A_1390, %swap3A_1391, %swap3A_1392] {strides = array<i32>} : memref<3x200x128xf32, #tpu.memory_space<vmem>>, vector<1x1x16xf32>,
          %swap3A_1394 = vector.shape_cast %swap3A_1393 : vector<1x1x16xf32> to vector<16xf32>
          %swap3A_1395 = vector.shape_cast %get3A_1388 : vector<16xf32> to vector<1x1x16xf32>
          tpu.vector_store %arg7[%swap3A_1390, %swap3A_1391, %swap3A_1392], %swap3A_1395 {add = true, strides = array<i32>} : memref<3x200x128xf32, #tpu.memory_space<vmem>>, vector<1x1x16xf32>,
          %jit3A_1396 = arith.constant 2 : i32
          %div3A_1397 = arith.divsi %add3A_1340, %jit3A_1396 : i32
          %sign3A_1398 = arith.constant 0 : i32
          %sign3A_1399 = arith.cmpi sgt, %add3A_1340, %sign3A_1398 : i32
          %sign3A_1400 = arith.extui %sign3A_1399 : i1 to i32
          %sign3A_1401 = arith.constant 0 : i32
          %sign3A_1402 = arith.cmpi slt, %add3A_1340, %sign3A_1401 : i32
          %sign3A_1403 = arith.extui %sign3A_1402 : i1 to i32
          %sign3A_1404 = arith.subi %sign3A_1400, %sign3A_1403 : i32
          %sign3A_1405 = arith.constant 0 : i32
          %sign3A_1406 = arith.cmpi sgt, %jit3A_1396, %sign3A_1405 : i32
          %sign3A_1407 = arith.extui %sign3A_1406 : i1 to i32
          %sign3A_1408 = arith.constant 0 : i32
          %sign3A_1409 = arith.cmpi slt, %jit3A_1396, %sign3A_1408 : i32
          %sign3A_1410 = arith.extui %sign3A_1409 : i1 to i32
          %sign3A_1411 = arith.subi %sign3A_1407, %sign3A_1410 : i32
          %ne3A_1412 = arith.cmpi ne, %sign3A_1404, %sign3A_1411 : i32
          %rem3A_1413 = arith.remsi %add3A_1340, %jit3A_1396 : i32
          %ne3A_1414 = arith.constant 0 : i32
          %ne3A_1415 = arith.cmpi ne, %rem3A_1413, %ne3A_1414 : i32
          %and3A_1416 = arith.andi %ne3A_1412, %ne3A_1415 : i1
          %sub3A_1417 = arith.constant 1 : i32
          %sub3A_1418 = arith.subi %div3A_1397, %sub3A_1417 : i32
          %select_n3A_1419 = arith.select %and3A_1416, %sub3A_1418, %div3A_1397 : i32
          %add3A_1420 = arith.constant 16 : i32
          %add3A_1421 = arith.addi %mul3A_1358, %add3A_1420 : i32
          %get3A_1422 = arith.index_cast %select_n3A_1419 : i32 to index
          %get3A_1423 = arith.index_cast %add3A_1421 : i32 to index
          %get3A_1424 = tpu.vector_load %arg8[%get3A_1422, %get3A_1423] {strides = array<i32>} : memref<100x128xf32, #tpu.memory_space<vmem>>, vector<1x16xf32>,
          %get3A_1425 = vector.shape_cast %get3A_1424 : vector<1x16xf32> to vector<16xf32>
          %swap3A_1426 = arith.constant 0 : i32
          %swap3A_1427 = arith.index_cast %swap3A_1426 : i32 to index
          %swap3A_1428 = arith.index_cast %add3A_1340 : i32 to index
          %swap3A_1429 = arith.constant 16 : index
          %swap3A_1430 = tpu.vector_load %arg7[%swap3A_1427, %swap3A_1428, %swap3A_1429] {strides = array<i32>} : memref<3x200x128xf32, #tpu.memory_space<vmem>>, vector<1x1x16xf32>,
          %swap3A_1431 = vector.shape_cast %swap3A_1430 : vector<1x1x16xf32> to vector<16xf32>
          %swap3A_1432 = vector.shape_cast %get3A_1425 : vector<16xf32> to vector<1x1x16xf32>
          tpu.vector_store %arg7[%swap3A_1427, %swap3A_1428, %swap3A_1429], %swap3A_1432 {add = true, strides = array<i32>} : memref<3x200x128xf32, #tpu.memory_space<vmem>>, vector<1x1x16xf32>,
          %jit3A_1433 = arith.constant 2 : i32
          %div3A_1434 = arith.divsi %add3A_1340, %jit3A_1433 : i32
          %sign3A_1435 = arith.constant 0 : i32
          %sign3A_1436 = arith.cmpi sgt, %add3A_1340, %sign3A_1435 : i32
          %sign3A_1437 = arith.extui %sign3A_1436 : i1 to i32
          %sign3A_1438 = arith.constant 0 : i32
          %sign3A_1439 = arith.cmpi slt, %add3A_1340, %sign3A_1438 : i32
          %sign3A_1440 = arith.extui %sign3A_1439 : i1 to i32
          %sign3A_1441 = arith.subi %sign3A_1437, %sign3A_1440 : i32
          %sign3A_1442 = arith.constant 0 : i32
          %sign3A_1443 = arith.cmpi sgt, %jit3A_1433, %sign3A_1442 : i32
          %sign3A_1444 = arith.extui %sign3A_1443 : i1 to i32
          %sign3A_1445 = arith.constant 0 : i32
          %sign3A_1446 = arith.cmpi slt, %jit3A_1433, %sign3A_1445 : i32
          %sign3A_1447 = arith.extui %sign3A_1446 : i1 to i32
          %sign3A_1448 = arith.subi %sign3A_1444, %sign3A_1447 : i32
          %ne3A_1449 = arith.cmpi ne, %sign3A_1441, %sign3A_1448 : i32
          %rem3A_1450 = arith.remsi %add3A_1340, %jit3A_1433 : i32
          %ne3A_1451 = arith.constant 0 : i32
          %ne3A_1452 = arith.cmpi ne, %rem3A_1450, %ne3A_1451 : i32
          %and3A_1453 = arith.andi %ne3A_1449, %ne3A_1452 : i1
          %sub3A_1454 = arith.constant 1 : i32
          %sub3A_1455 = arith.subi %div3A_1434, %sub3A_1454 : i32
          %select_n3A_1456 = arith.select %and3A_1453, %sub3A_1455, %div3A_1434 : i32
          %add3A_1457 = arith.constant 32 : i32
          %add3A_1458 = arith.addi %mul3A_1358, %add3A_1457 : i32
          %get3A_1459 = arith.index_cast %select_n3A_1456 : i32 to index
          %get3A_1460 = arith.index_cast %add3A_1458 : i32 to index
          %get3A_1461 = tpu.vector_load %arg8[%get3A_1459, %get3A_1460] {strides = array<i32>} : memref<100x128xf32, #tpu.memory_space<vmem>>, vector<1x16xf32>,
          %get3A_1462 = vector.shape_cast %get3A_1461 : vector<1x16xf32> to vector<16xf32>
          %swap3A_1463 = arith.constant 0 : i32
          %swap3A_1464 = arith.index_cast %swap3A_1463 : i32 to index
          %swap3A_1465 = arith.index_cast %add3A_1340 : i32 to index
          %swap3A_1466 = arith.constant 32 : index
          %swap3A_1467 = tpu.vector_load %arg7[%swap3A_1464, %swap3A_1465, %swap3A_1466] {strides = array<i32>} : memref<3x200x128xf32, #tpu.memory_space<vmem>>, vector<1x1x16xf32>,
          %swap3A_1468 = vector.shape_cast %swap3A_1467 : vector<1x1x16xf32> to vector<16xf32>
          %swap3A_1469 = vector.shape_cast %get3A_1462 : vector<16xf32> to vector<1x1x16xf32>
          tpu.vector_store %arg7[%swap3A_1464, %swap3A_1465, %swap3A_1466], %swap3A_1469 {add = true, strides = array<i32>} : memref<3x200x128xf32, #tpu.memory_space<vmem>>, vector<1x1x16xf32>,
          %jit3A_1470 = arith.constant 2 : i32
          %div3A_1471 = arith.divsi %add3A_1340, %jit3A_1470 : i32
          %sign3A_1472 = arith.constant 0 : i32
          %sign3A_1473 = arith.cmpi sgt, %add3A_1340, %sign3A_1472 : i32
          %sign3A_1474 = arith.extui %sign3A_1473 : i1 to i32
          %sign3A_1475 = arith.constant 0 : i32
          %sign3A_1476 = arith.cmpi slt, %add3A_1340, %sign3A_1475 : i32
          %sign3A_1477 = arith.extui %sign3A_1476 : i1 to i32
          %sign3A_1478 = arith.subi %sign3A_1474, %sign3A_1477 : i32
          %sign3A_1479 = arith.constant 0 : i32
          %sign3A_1480 = arith.cmpi sgt, %jit3A_1470, %sign3A_1479 : i32
          %sign3A_1481 = arith.extui %sign3A_1480 : i1 to i32
          %sign3A_1482 = arith.constant 0 : i32
          %sign3A_1483 = arith.cmpi slt, %jit3A_1470, %sign3A_1482 : i32
          %sign3A_1484 = arith.extui %sign3A_1483 : i1 to i32
          %sign3A_1485 = arith.subi %sign3A_1481, %sign3A_1484 : i32
          %ne3A_1486 = arith.cmpi ne, %sign3A_1478, %sign3A_1485 : i32
          %rem3A_1487 = arith.remsi %add3A_1340, %jit3A_1470 : i32
          %ne3A_1488 = arith.constant 0 : i32
          %ne3A_1489 = arith.cmpi ne, %rem3A_1487, %ne3A_1488 : i32
          %and3A_1490 = arith.andi %ne3A_1486, %ne3A_1489 : i1
          %sub3A_1491 = arith.constant 1 : i32
          %sub3A_1492 = arith.subi %div3A_1471, %sub3A_1491 : i32
          %select_n3A_1493 = arith.select %and3A_1490, %sub3A_1492, %div3A_1471 : i32
          %add3A_1494 = arith.constant 48 : i32
          %add3A_1495 = arith.addi %mul3A_1358, %add3A_1494 : i32
          %get3A_1496 = arith.index_cast %select_n3A_1493 : i32 to index
          %get3A_1497 = arith.index_cast %add3A_1495 : i32 to index
          %get3A_1498 = tpu.vector_load %arg8[%get3A_1496, %get3A_1497] {strides = array<i32>} : memref<100x128xf32, #tpu.memory_space<vmem>>, vector<1x16xf32>,
          %get3A_1499 = vector.shape_cast %get3A_1498 : vector<1x16xf32> to vector<16xf32>
          %swap3A_1500 = arith.constant 0 : i32
          %swap3A_1501 = arith.index_cast %swap3A_1500 : i32 to index
          %swap3A_1502 = arith.index_cast %add3A_1340 : i32 to index
          %swap3A_1503 = arith.constant 48 : index
          %swap3A_1504 = tpu.vector_load %arg7[%swap3A_1501, %swap3A_1502, %swap3A_1503] {strides = array<i32>} : memref<3x200x128xf32, #tpu.memory_space<vmem>>, vector<1x1x16xf32>,
          %swap3A_1505 = vector.shape_cast %swap3A_1504 : vector<1x1x16xf32> to vector<16xf32>
          %swap3A_1506 = vector.shape_cast %get3A_1499 : vector<16xf32> to vector<1x1x16xf32>
          tpu.vector_store %arg7[%swap3A_1501, %swap3A_1502, %swap3A_1503], %swap3A_1506 {add = true, strides = array<i32>} : memref<3x200x128xf32, #tpu.memory_space<vmem>>, vector<1x1x16xf32>,
        }
        %scan3A_121 = arith.constant 200 : i32
        %mul3A_122 = arith.constant 128 : i32
        %mul3A_123 = arith.muli %add3A, %mul3A_122 : i32
        %add3A_124 = arith.addi %mul3A_123, %add3A_80 : i32
        %mul3A_125 = arith.constant 200 : i32
        %mul3A_126 = arith.muli %add3A_124, %mul3A_125 : i32
        %dma_start3A_127 = arith.constant 0 : i32
        %dma_start3A_128 = arith.constant 0 : i32
        %dma_start3A_129 = arith.constant 0 : i32
        %dma_start3A_130 = arith.constant 0 : i32
        %dma_start3A_131 = tpu.memref_slice %arg7[%dma_start3A_127, %dma_start3A_129, %dma_start3A_130] : memref<3x200x128xf32, #tpu.memory_space<vmem>> -> memref<1x200x128xf32, #tpu.memory_space<vmem>>
        %dma_start3A_132 = tpu.memref_squeeze %dma_start3A_131 : memref<1x200x128xf32, #tpu.memory_space<vmem>> -> memref<200x128xf32, #tpu.memory_space<vmem>>
        %dma_start3A_133 = arith.constant 0 : i32
        %dma_start3A_134 = tpu.memref_slice %arg5[%mul3A_126, %dma_start3A_133] : memref<819200x128xf32, #tpu.memory_space<hbm>> -> memref<200x128xf32, #tpu.memory_space<hbm>>
        %dma_start3A_135 = tpu.memref_slice %arg10[%dma_start3A_128] : memref<3x!tpu.dma_semaphore, #tpu.memory_space<semaphore_mem>> -> memref<1x!tpu.dma_semaphore, #tpu.memory_space<semaphore_mem>>
        %dma_start3A_136 = tpu.memref_squeeze %dma_start3A_135 : memref<1x!tpu.dma_semaphore, #tpu.memory_space<semaphore_mem>> -> memref<!tpu.dma_semaphore, #tpu.memory_space<semaphore_mem>>
        %dma_start3A_137 = arith.constant 0 : i32
        %dma_start3A_138 = tpu.memref_slice %arg5[%mul3A_126, %dma_start3A_137] : memref<819200x128xf32, #tpu.memory_space<hbm>> -> memref<200x128xf32, #tpu.memory_space<hbm>>
        %dma_start3A_139 = arith.constant 0 : i32
        %dma_start3A_140 = arith.constant 0 : i32
        %dma_start3A_141 = tpu.memref_slice %arg7[%dma_start3A_127, %dma_start3A_139, %dma_start3A_140] : memref<3x200x128xf32, #tpu.memory_space<vmem>> -> memref<1x200x128xf32, #tpu.memory_space<vmem>>
        %dma_start3A_142 = tpu.memref_squeeze %dma_start3A_141 : memref<1x200x128xf32, #tpu.memory_space<vmem>> -> memref<200x128xf32, #tpu.memory_space<vmem>>
        tpu.enqueue_dma source(%dma_start3A_142 : memref<200x128xf32, #tpu.memory_space<vmem>>) target(%dma_start3A_138 : memref<200x128xf32, #tpu.memory_space<hbm>>) target_semaphore(%dma_start3A_136 : memref<!tpu.dma_semaphore, #tpu.memory_space<semaphore_mem>>)
      } else {
      }
      %add3A_83 = arith.constant 1 : i32
      %add3A_84 = arith.addi %add3A_78, %add3A_83 : i32
      %lt3A_85 = arith.constant 128 : i32
      %lt3A_86 = arith.cmpi slt, %add3A_84, %lt3A_85 : i32
      %convert_element_type3A_87 = arith.extui %lt3A_86 : i1 to i32
      %cond3A_88 = arith.constant 0 : i32
      %cond3A_89 = arith.cmpi ne, %convert_element_type3A_87, %cond3A_88 : i32
      scf.if %cond3A_89 {
        %add3A_97 = arith.constant 1 : i32
        %add3A_98 = arith.addi %add3A_84, %add3A_97 : i32
        %lt3A_99 = arith.constant 128 : i32
        %lt3A_100 = arith.cmpi slt, %add3A_98, %lt3A_99 : i32
        %convert_element_type3A_101 = arith.extui %lt3A_100 : i1 to i32
        %cond3A_102 = arith.constant 0 : i32
        %cond3A_103 = arith.cmpi ne, %convert_element_type3A_101, %cond3A_102 : i32
        scf.if %cond3A_103 {
          %ge3A = arith.constant 2 : i32
          %ge3A_143 = arith.cmpi sge, %add3A_84, %ge3A : i32
          %convert_element_type3A_144 = arith.extui %ge3A_143 : i1 to i32
          %cond3A_145 = arith.constant 0 : i32
          %cond3A_146 = arith.cmpi ne, %convert_element_type3A_144, %cond3A_145 : i32
          scf.if %cond3A_146 {
            %dma_wait3A_163 = arith.constant 2 : i32
            %dma_wait3A_164 = arith.constant 2 : i32
            %dma_wait3A_165 = arith.constant 0 : i32
            %dma_wait3A_166 = arith.constant 0 : i32
            %dma_wait3A_167 = tpu.memref_slice %arg7[%dma_wait3A_163, %dma_wait3A_165, %dma_wait3A_166] : memref<3x200x128xf32, #tpu.memory_space<vmem>> -> memref<1x200x128xf32, #tpu.memory_space<vmem>>
            %dma_wait3A_168 = tpu.memref_squeeze %dma_wait3A_167 : memref<1x200x128xf32, #tpu.memory_space<vmem>> -> memref<200x128xf32, #tpu.memory_space<vmem>>
            %dma_wait3A_169 = arith.constant 0 : i32
            %dma_wait3A_170 = arith.constant 0 : i32
            %dma_wait3A_171 = tpu.memref_slice %arg5[%dma_wait3A_169, %dma_wait3A_170] : memref<819200x128xf32, #tpu.memory_space<hbm>> -> memref<200x128xf32, #tpu.memory_space<hbm>>
            %dma_wait3A_172 = tpu.memref_slice %arg10[%dma_wait3A_164] : memref<3x!tpu.dma_semaphore, #tpu.memory_space<semaphore_mem>> -> memref<1x!tpu.dma_semaphore, #tpu.memory_space<semaphore_mem>>
            %dma_wait3A_173 = tpu.memref_squeeze %dma_wait3A_172 : memref<1x!tpu.dma_semaphore, #tpu.memory_space<semaphore_mem>> -> memref<!tpu.dma_semaphore, #tpu.memory_space<semaphore_mem>>
            %dma_wait3A_174 = arith.constant 0 : i32
            %dma_wait3A_175 = arith.constant 0 : i32
            %dma_wait3A_176 = tpu.memref_slice %arg5[%dma_wait3A_174, %dma_wait3A_175] : memref<819200x128xf32, #tpu.memory_space<hbm>> -> memref<200x128xf32, #tpu.memory_space<hbm>>
            %dma_wait3A_177 = arith.constant 0 : i32
            %dma_wait3A_178 = arith.constant 0 : i32
            %dma_wait3A_179 = tpu.memref_slice %arg7[%dma_wait3A_163, %dma_wait3A_177, %dma_wait3A_178] : memref<3x200x128xf32, #tpu.memory_space<vmem>> -> memref<1x200x128xf32, #tpu.memory_space<vmem>>
            %dma_wait3A_180 = tpu.memref_squeeze %dma_wait3A_179 : memref<1x200x128xf32, #tpu.memory_space<vmem>> -> memref<200x128xf32, #tpu.memory_space<vmem>>
            tpu.wait_dma2 semaphore(%dma_wait3A_173 : memref<!tpu.dma_semaphore, #tpu.memory_space<semaphore_mem>>) src(%dma_wait3A_180 : memref<200x128xf32, #tpu.memory_space<vmem>>) dst(%dma_wait3A_176 : memref<200x128xf32, #tpu.memory_space<hbm>>)
          } else {
          }
          %add3A_147 = arith.constant 1 : i32
          %add3A_148 = arith.addi %add3A_84, %add3A_147 : i32
          %mul3A_149 = arith.constant 200 : i32
          %mul3A_150 = arith.muli %add3A_148, %mul3A_149 : i32
          %dma_start3A_151 = arith.constant 2 : i32
          %dma_start3A_152 = arith.constant 2 : i32
          %dma_start3A_153 = arith.constant 0 : i32
          %dma_start3A_154 = arith.constant 0 : i32
          %dma_start3A_155 = tpu.memref_slice %arg7[%dma_start3A_151, %dma_start3A_153, %dma_start3A_154] : memref<3x200x128xf32, #tpu.memory_space<vmem>> -> memref<1x200x128xf32, #tpu.memory_space<vmem>>
          %dma_start3A_156 = tpu.memref_squeeze %dma_start3A_155 : memref<1x200x128xf32, #tpu.memory_space<vmem>> -> memref<200x128xf32, #tpu.memory_space<vmem>>
          %dma_start3A_157 = tpu.memref_slice %arg6[%mul3A_150] : memref<25600xi32, #tpu.memory_space<vmem>> -> memref<200xi32, #tpu.memory_space<vmem>>
          %dma_start3A_158 = arith.constant 0 : i32
          %dma_start3A_159 = arith.constant 0 : i32
          %dma_start3A_160 = tpu.memref_slice %arg3[%dma_start3A_158, %dma_start3A_159] : memref<1000000x128xf32, #tpu.memory_space<hbm>> -> memref<1000000x128xf32, #tpu.memory_space<hbm>>
          %dma_start3A_161 = tpu.memref_slice %arg9[%dma_start3A_152] : memref<3x!tpu.dma_semaphore, #tpu.memory_space<semaphore_mem>> -> memref<1x!tpu.dma_semaphore, #tpu.memory_space<semaphore_mem>>
          %dma_start3A_162 = tpu.memref_squeeze %dma_start3A_161 : memref<1x!tpu.dma_semaphore, #tpu.memory_space<semaphore_mem>> -> memref<!tpu.dma_semaphore, #tpu.memory_space<semaphore_mem>>
          tpu.enqueue_indirect_dma source(%dma_start3A_160 : memref<1000000x128xf32, #tpu.memory_space<hbm>>) target(%dma_start3A_156 : memref<200x128xf32, #tpu.memory_space<vmem>>) offsets(%dma_start3A_157 : memref<200xi32, #tpu.memory_space<vmem>>) semaphore(%dma_start3A_162 : memref<!tpu.dma_semaphore, #tpu.memory_space<semaphore_mem>>)
        } else {
        }
        %dma_wait3A_104 = arith.constant 1 : i32
        %dma_wait3A_105 = arith.constant 1 : i32
        %dma_wait3A_106 = arith.constant 0 : i32
        %dma_wait3A_107 = arith.constant 0 : i32
        %dma_wait3A_108 = tpu.memref_slice %arg7[%dma_wait3A_104, %dma_wait3A_106, %dma_wait3A_107] : memref<3x200x128xf32, #tpu.memory_space<vmem>> -> memref<1x200x128xf32, #tpu.memory_space<vmem>>
        %dma_wait3A_109 = tpu.memref_squeeze %dma_wait3A_108 : memref<1x200x128xf32, #tpu.memory_space<vmem>> -> memref<200x128xf32, #tpu.memory_space<vmem>>
        %dma_wait3A_110 = arith.constant 0 : i32
        %dma_wait3A_111 = tpu.memref_slice %arg6[%dma_wait3A_110] : memref<25600xi32, #tpu.memory_space<vmem>> -> memref<200xi32, #tpu.memory_space<vmem>>
        %dma_wait3A_112 = arith.constant 0 : i32
        %dma_wait3A_113 = arith.constant 0 : i32
        %dma_wait3A_114 = tpu.memref_slice %arg3[%dma_wait3A_112, %dma_wait3A_113] : memref<1000000x128xf32, #tpu.memory_space<hbm>> -> memref<1000000x128xf32, #tpu.memory_space<hbm>>
        %dma_wait3A_115 = tpu.memref_slice %arg9[%dma_wait3A_105] : memref<3x!tpu.dma_semaphore, #tpu.memory_space<semaphore_mem>> -> memref<1x!tpu.dma_semaphore, #tpu.memory_space<semaphore_mem>>
        %dma_wait3A_116 = tpu.memref_squeeze %dma_wait3A_115 : memref<1x!tpu.dma_semaphore, #tpu.memory_space<semaphore_mem>> -> memref<!tpu.dma_semaphore, #tpu.memory_space<semaphore_mem>>
        tpu.wait_indirect_dma semaphore(%dma_wait3A_116 : memref<!tpu.dma_semaphore, #tpu.memory_space<semaphore_mem>>) src(%dma_wait3A_114 : memref<1000000x128xf32, #tpu.memory_space<hbm>>) dst(%dma_wait3A_109 : memref<200x128xf32, #tpu.memory_space<vmem>>)
        %scan3A_117 = arith.constant 0 : i32
        %scan3A_118 = arith.constant 200 : i32
        %scan3A_119 = arith.addi %scan3A_117, %scan3A_118 : i32
        %scan3A_120 = arith.constant 8 : i32
        scf.for %scan3A_143 = %scan3A_117 to %scan3A_119 step %scan3A_120  : i32 {
          %mul3A_144 = arith.constant 1 : i32
          %mul3A_145 = arith.muli %scan3A_143, %mul3A_144 : i32
          %add3A_146 = arith.constant 0 : i32
          %add3A_147 = arith.addi %add3A_146, %mul3A_145 : i32
          %jit3A = arith.constant 2 : i32
          %eq3A = arith.constant 0 : i32
          %eq3A_148 = arith.cmpi eq, %jit3A, %eq3A : i32
          %jit3A_149 = arith.constant 1 : i32
          %select_n3A = arith.select %eq3A_148, %jit3A_149, %jit3A : i32
          %rem3A = arith.remsi %add3A_147, %select_n3A : i32
          %ne3A = arith.constant 0 : i32
          %ne3A_150 = arith.cmpi ne, %rem3A, %ne3A : i32
          %lt3A_151 = arith.constant 0 : i32
          %lt3A_152 = arith.cmpi slt, %rem3A, %lt3A_151 : i32
          %lt3A_153 = arith.constant 0 : i32
          %lt3A_154 = arith.cmpi slt, %select_n3A, %lt3A_153 : i32
          %ne3A_155 = arith.xori %lt3A_152, %lt3A_154 : i1
          %and3A = arith.andi %ne3A_155, %ne3A_150 : i1
          %add3A_156 = arith.addi %rem3A, %select_n3A : i32
          %select_n3A_157 = arith.select %and3A, %add3A_156, %rem3A : i32
          %mul3A_158 = arith.constant 64 : i32
          %mul3A_159 = arith.muli %select_n3A_157, %mul3A_158 : i32
          %jit3A_160 = arith.constant 2 : i32
          %div3A = arith.divsi %add3A_147, %jit3A_160 : i32
          %sign3A = arith.constant 0 : i32
          %sign3A_161 = arith.cmpi sgt, %add3A_147, %sign3A : i32
          %sign3A_162 = arith.extui %sign3A_161 : i1 to i32
          %sign3A_163 = arith.constant 0 : i32
          %sign3A_164 = arith.cmpi slt, %add3A_147, %sign3A_163 : i32
          %sign3A_165 = arith.extui %sign3A_164 : i1 to i32
          %sign3A_166 = arith.subi %sign3A_162, %sign3A_165 : i32
          %sign3A_167 = arith.constant 0 : i32
          %sign3A_168 = arith.cmpi sgt, %jit3A_160, %sign3A_167 : i32
          %sign3A_169 = arith.extui %sign3A_168 : i1 to i32
          %sign3A_170 = arith.constant 0 : i32
          %sign3A_171 = arith.cmpi slt, %jit3A_160, %sign3A_170 : i32
          %sign3A_172 = arith.extui %sign3A_171 : i1 to i32
          %sign3A_173 = arith.subi %sign3A_169, %sign3A_172 : i32
          %ne3A_174 = arith.cmpi ne, %sign3A_166, %sign3A_173 : i32
          %rem3A_175 = arith.remsi %add3A_147, %jit3A_160 : i32
          %ne3A_176 = arith.constant 0 : i32
          %ne3A_177 = arith.cmpi ne, %rem3A_175, %ne3A_176 : i32
          %and3A_178 = arith.andi %ne3A_174, %ne3A_177 : i1
          %sub3A = arith.constant 1 : i32
          %sub3A_179 = arith.subi %div3A, %sub3A : i32
          %select_n3A_180 = arith.select %and3A_178, %sub3A_179, %div3A : i32
          %add3A_181 = arith.constant 0 : i32
          %add3A_182 = arith.addi %mul3A_159, %add3A_181 : i32
          %get3A = arith.index_cast %select_n3A_180 : i32 to index
          %get3A_183 = arith.index_cast %add3A_182 : i32 to index
          %get3A_184 = tpu.vector_load %arg8[%get3A, %get3A_183] {strides = array<i32>} : memref<100x128xf32, #tpu.memory_space<vmem>>, vector<1x16xf32>,
          %get3A_185 = vector.shape_cast %get3A_184 : vector<1x16xf32> to vector<16xf32>
          %swap3A = arith.constant 1 : i32
          %swap3A_186 = arith.index_cast %swap3A : i32 to index
          %swap3A_187 = arith.index_cast %add3A_147 : i32 to index
          %swap3A_188 = arith.constant 0 : index
          %swap3A_189 = tpu.vector_load %arg7[%swap3A_186, %swap3A_187, %swap3A_188] {strides = array<i32>} : memref<3x200x128xf32, #tpu.memory_space<vmem>>, vector<1x1x16xf32>,
          %swap3A_190 = vector.shape_cast %swap3A_189 : vector<1x1x16xf32> to vector<16xf32>
          %swap3A_191 = vector.shape_cast %get3A_185 : vector<16xf32> to vector<1x1x16xf32>
          tpu.vector_store %arg7[%swap3A_186, %swap3A_187, %swap3A_188], %swap3A_191 {add = true, strides = array<i32>} : memref<3x200x128xf32, #tpu.memory_space<vmem>>, vector<1x1x16xf32>,
          %jit3A_192 = arith.constant 2 : i32
          %div3A_193 = arith.divsi %add3A_147, %jit3A_192 : i32
          %sign3A_194 = arith.constant 0 : i32
          %sign3A_195 = arith.cmpi sgt, %add3A_147, %sign3A_194 : i32
          %sign3A_196 = arith.extui %sign3A_195 : i1 to i32
          %sign3A_197 = arith.constant 0 : i32
          %sign3A_198 = arith.cmpi slt, %add3A_147, %sign3A_197 : i32
          %sign3A_199 = arith.extui %sign3A_198 : i1 to i32
          %sign3A_200 = arith.subi %sign3A_196, %sign3A_199 : i32
          %sign3A_201 = arith.constant 0 : i32
          %sign3A_202 = arith.cmpi sgt, %jit3A_192, %sign3A_201 : i32
          %sign3A_203 = arith.extui %sign3A_202 : i1 to i32
          %sign3A_204 = arith.constant 0 : i32
          %sign3A_205 = arith.cmpi slt, %jit3A_192, %sign3A_204 : i32
          %sign3A_206 = arith.extui %sign3A_205 : i1 to i32
          %sign3A_207 = arith.subi %sign3A_203, %sign3A_206 : i32
          %ne3A_208 = arith.cmpi ne, %sign3A_200, %sign3A_207 : i32
          %rem3A_209 = arith.remsi %add3A_147, %jit3A_192 : i32
          %ne3A_210 = arith.constant 0 : i32
          %ne3A_211 = arith.cmpi ne, %rem3A_209, %ne3A_210 : i32
          %and3A_212 = arith.andi %ne3A_208, %ne3A_211 : i1
          %sub3A_213 = arith.constant 1 : i32
          %sub3A_214 = arith.subi %div3A_193, %sub3A_213 : i32
          %select_n3A_215 = arith.select %and3A_212, %sub3A_214, %div3A_193 : i32
          %add3A_216 = arith.constant 16 : i32
          %add3A_217 = arith.addi %mul3A_159, %add3A_216 : i32
          %get3A_218 = arith.index_cast %select_n3A_215 : i32 to index
          %get3A_219 = arith.index_cast %add3A_217 : i32 to index
          %get3A_220 = tpu.vector_load %arg8[%get3A_218, %get3A_219] {strides = array<i32>} : memref<100x128xf32, #tpu.memory_space<vmem>>, vector<1x16xf32>,
          %get3A_221 = vector.shape_cast %get3A_220 : vector<1x16xf32> to vector<16xf32>
          %swap3A_222 = arith.constant 1 : i32
          %swap3A_223 = arith.index_cast %swap3A_222 : i32 to index
          %swap3A_224 = arith.index_cast %add3A_147 : i32 to index
          %swap3A_225 = arith.constant 16 : index
          %swap3A_226 = tpu.vector_load %arg7[%swap3A_223, %swap3A_224, %swap3A_225] {strides = array<i32>} : memref<3x200x128xf32, #tpu.memory_space<vmem>>, vector<1x1x16xf32>,
          %swap3A_227 = vector.shape_cast %swap3A_226 : vector<1x1x16xf32> to vector<16xf32>
          %swap3A_228 = vector.shape_cast %get3A_221 : vector<16xf32> to vector<1x1x16xf32>
          tpu.vector_store %arg7[%swap3A_223, %swap3A_224, %swap3A_225], %swap3A_228 {add = true, strides = array<i32>} : memref<3x200x128xf32, #tpu.memory_space<vmem>>, vector<1x1x16xf32>,
          %jit3A_229 = arith.constant 2 : i32
          %div3A_230 = arith.divsi %add3A_147, %jit3A_229 : i32
          %sign3A_231 = arith.constant 0 : i32
          %sign3A_232 = arith.cmpi sgt, %add3A_147, %sign3A_231 : i32
          %sign3A_233 = arith.extui %sign3A_232 : i1 to i32
          %sign3A_234 = arith.constant 0 : i32
          %sign3A_235 = arith.cmpi slt, %add3A_147, %sign3A_234 : i32
          %sign3A_236 = arith.extui %sign3A_235 : i1 to i32
          %sign3A_237 = arith.subi %sign3A_233, %sign3A_236 : i32
          %sign3A_238 = arith.constant 0 : i32
          %sign3A_239 = arith.cmpi sgt, %jit3A_229, %sign3A_238 : i32
          %sign3A_240 = arith.extui %sign3A_239 : i1 to i32
          %sign3A_241 = arith.constant 0 : i32
          %sign3A_242 = arith.cmpi slt, %jit3A_229, %sign3A_241 : i32
          %sign3A_243 = arith.extui %sign3A_242 : i1 to i32
          %sign3A_244 = arith.subi %sign3A_240, %sign3A_243 : i32
          %ne3A_245 = arith.cmpi ne, %sign3A_237, %sign3A_244 : i32
          %rem3A_246 = arith.remsi %add3A_147, %jit3A_229 : i32
          %ne3A_247 = arith.constant 0 : i32
          %ne3A_248 = arith.cmpi ne, %rem3A_246, %ne3A_247 : i32
          %and3A_249 = arith.andi %ne3A_245, %ne3A_248 : i1
          %sub3A_250 = arith.constant 1 : i32
          %sub3A_251 = arith.subi %div3A_230, %sub3A_250 : i32
          %select_n3A_252 = arith.select %and3A_249, %sub3A_251, %div3A_230 : i32
          %add3A_253 = arith.constant 32 : i32
          %add3A_254 = arith.addi %mul3A_159, %add3A_253 : i32
          %get3A_255 = arith.index_cast %select_n3A_252 : i32 to index
          %get3A_256 = arith.index_cast %add3A_254 : i32 to index
          %get3A_257 = tpu.vector_load %arg8[%get3A_255, %get3A_256] {strides = array<i32>} : memref<100x128xf32, #tpu.memory_space<vmem>>, vector<1x16xf32>,
          %get3A_258 = vector.shape_cast %get3A_257 : vector<1x16xf32> to vector<16xf32>
          %swap3A_259 = arith.constant 1 : i32
          %swap3A_260 = arith.index_cast %swap3A_259 : i32 to index
          %swap3A_261 = arith.index_cast %add3A_147 : i32 to index
          %swap3A_262 = arith.constant 32 : index
          %swap3A_263 = tpu.vector_load %arg7[%swap3A_260, %swap3A_261, %swap3A_262] {strides = array<i32>} : memref<3x200x128xf32, #tpu.memory_space<vmem>>, vector<1x1x16xf32>,
          %swap3A_264 = vector.shape_cast %swap3A_263 : vector<1x1x16xf32> to vector<16xf32>
          %swap3A_265 = vector.shape_cast %get3A_258 : vector<16xf32> to vector<1x1x16xf32>
          tpu.vector_store %arg7[%swap3A_260, %swap3A_261, %swap3A_262], %swap3A_265 {add = true, strides = array<i32>} : memref<3x200x128xf32, #tpu.memory_space<vmem>>, vector<1x1x16xf32>,
          %jit3A_266 = arith.constant 2 : i32
          %div3A_267 = arith.divsi %add3A_147, %jit3A_266 : i32
          %sign3A_268 = arith.constant 0 : i32
          %sign3A_269 = arith.cmpi sgt, %add3A_147, %sign3A_268 : i32
          %sign3A_270 = arith.extui %sign3A_269 : i1 to i32
          %sign3A_271 = arith.constant 0 : i32
          %sign3A_272 = arith.cmpi slt, %add3A_147, %sign3A_271 : i32
          %sign3A_273 = arith.extui %sign3A_272 : i1 to i32
          %sign3A_274 = arith.subi %sign3A_270, %sign3A_273 : i32
          %sign3A_275 = arith.constant 0 : i32
          %sign3A_276 = arith.cmpi sgt, %jit3A_266, %sign3A_275 : i32
          %sign3A_277 = arith.extui %sign3A_276 : i1 to i32
          %sign3A_278 = arith.constant 0 : i32
          %sign3A_279 = arith.cmpi slt, %jit3A_266, %sign3A_278 : i32
          %sign3A_280 = arith.extui %sign3A_279 : i1 to i32
          %sign3A_281 = arith.subi %sign3A_277, %sign3A_280 : i32
          %ne3A_282 = arith.cmpi ne, %sign3A_274, %sign3A_281 : i32
          %rem3A_283 = arith.remsi %add3A_147, %jit3A_266 : i32
          %ne3A_284 = arith.constant 0 : i32
          %ne3A_285 = arith.cmpi ne, %rem3A_283, %ne3A_284 : i32
          %and3A_286 = arith.andi %ne3A_282, %ne3A_285 : i1
          %sub3A_287 = arith.constant 1 : i32
          %sub3A_288 = arith.subi %div3A_267, %sub3A_287 : i32
          %select_n3A_289 = arith.select %and3A_286, %sub3A_288, %div3A_267 : i32
          %add3A_290 = arith.constant 48 : i32
          %add3A_291 = arith.addi %mul3A_159, %add3A_290 : i32
          %get3A_292 = arith.index_cast %select_n3A_289 : i32 to index
          %get3A_293 = arith.index_cast %add3A_291 : i32 to index
          %get3A_294 = tpu.vector_load %arg8[%get3A_292, %get3A_293] {strides = array<i32>} : memref<100x128xf32, #tpu.memory_space<vmem>>, vector<1x16xf32>,
          %get3A_295 = vector.shape_cast %get3A_294 : vector<1x16xf32> to vector<16xf32>
          %swap3A_296 = arith.constant 1 : i32
          %swap3A_297 = arith.index_cast %swap3A_296 : i32 to index
          %swap3A_298 = arith.index_cast %add3A_147 : i32 to index
          %swap3A_299 = arith.constant 48 : index
          %swap3A_300 = tpu.vector_load %arg7[%swap3A_297, %swap3A_298, %swap3A_299] {strides = array<i32>} : memref<3x200x128xf32, #tpu.memory_space<vmem>>, vector<1x1x16xf32>,
          %swap3A_301 = vector.shape_cast %swap3A_300 : vector<1x1x16xf32> to vector<16xf32>
          %swap3A_302 = vector.shape_cast %get3A_295 : vector<16xf32> to vector<1x1x16xf32>
          tpu.vector_store %arg7[%swap3A_297, %swap3A_298, %swap3A_299], %swap3A_302 {add = true, strides = array<i32>} : memref<3x200x128xf32, #tpu.memory_space<vmem>>, vector<1x1x16xf32>,
          %scan3A_303 = arith.constant 1 : i32
          %scan3A_304 = arith.addi %scan3A_143, %scan3A_303 : i32
          %mul3A_305 = arith.constant 1 : i32
          %mul3A_306 = arith.muli %scan3A_304, %mul3A_305 : i32
          %add3A_307 = arith.constant 0 : i32
          %add3A_308 = arith.addi %add3A_307, %mul3A_306 : i32
          %jit3A_309 = arith.constant 2 : i32
          %eq3A_310 = arith.constant 0 : i32
          %eq3A_311 = arith.cmpi eq, %jit3A_309, %eq3A_310 : i32
          %jit3A_312 = arith.constant 1 : i32
          %select_n3A_313 = arith.select %eq3A_311, %jit3A_312, %jit3A_309 : i32
          %rem3A_314 = arith.remsi %add3A_308, %select_n3A_313 : i32
          %ne3A_315 = arith.constant 0 : i32
          %ne3A_316 = arith.cmpi ne, %rem3A_314, %ne3A_315 : i32
          %lt3A_317 = arith.constant 0 : i32
          %lt3A_318 = arith.cmpi slt, %rem3A_314, %lt3A_317 : i32
          %lt3A_319 = arith.constant 0 : i32
          %lt3A_320 = arith.cmpi slt, %select_n3A_313, %lt3A_319 : i32
          %ne3A_321 = arith.xori %lt3A_318, %lt3A_320 : i1
          %and3A_322 = arith.andi %ne3A_321, %ne3A_316 : i1
          %add3A_323 = arith.addi %rem3A_314, %select_n3A_313 : i32
          %select_n3A_324 = arith.select %and3A_322, %add3A_323, %rem3A_314 : i32
          %mul3A_325 = arith.constant 64 : i32
          %mul3A_326 = arith.muli %select_n3A_324, %mul3A_325 : i32
          %jit3A_327 = arith.constant 2 : i32
          %div3A_328 = arith.divsi %add3A_308, %jit3A_327 : i32
          %sign3A_329 = arith.constant 0 : i32
          %sign3A_330 = arith.cmpi sgt, %add3A_308, %sign3A_329 : i32
          %sign3A_331 = arith.extui %sign3A_330 : i1 to i32
          %sign3A_332 = arith.constant 0 : i32
          %sign3A_333 = arith.cmpi slt, %add3A_308, %sign3A_332 : i32
          %sign3A_334 = arith.extui %sign3A_333 : i1 to i32
          %sign3A_335 = arith.subi %sign3A_331, %sign3A_334 : i32
          %sign3A_336 = arith.constant 0 : i32
          %sign3A_337 = arith.cmpi sgt, %jit3A_327, %sign3A_336 : i32
          %sign3A_338 = arith.extui %sign3A_337 : i1 to i32
          %sign3A_339 = arith.constant 0 : i32
          %sign3A_340 = arith.cmpi slt, %jit3A_327, %sign3A_339 : i32
          %sign3A_341 = arith.extui %sign3A_340 : i1 to i32
          %sign3A_342 = arith.subi %sign3A_338, %sign3A_341 : i32
          %ne3A_343 = arith.cmpi ne, %sign3A_335, %sign3A_342 : i32
          %rem3A_344 = arith.remsi %add3A_308, %jit3A_327 : i32
          %ne3A_345 = arith.constant 0 : i32
          %ne3A_346 = arith.cmpi ne, %rem3A_344, %ne3A_345 : i32
          %and3A_347 = arith.andi %ne3A_343, %ne3A_346 : i1
          %sub3A_348 = arith.constant 1 : i32
          %sub3A_349 = arith.subi %div3A_328, %sub3A_348 : i32
          %select_n3A_350 = arith.select %and3A_347, %sub3A_349, %div3A_328 : i32
          %add3A_351 = arith.constant 0 : i32
          %add3A_352 = arith.addi %mul3A_326, %add3A_351 : i32
          %get3A_353 = arith.index_cast %select_n3A_350 : i32 to index
          %get3A_354 = arith.index_cast %add3A_352 : i32 to index
          %get3A_355 = tpu.vector_load %arg8[%get3A_353, %get3A_354] {strides = array<i32>} : memref<100x128xf32, #tpu.memory_space<vmem>>, vector<1x16xf32>,
          %get3A_356 = vector.shape_cast %get3A_355 : vector<1x16xf32> to vector<16xf32>
          %swap3A_357 = arith.constant 1 : i32
          %swap3A_358 = arith.index_cast %swap3A_357 : i32 to index
          %swap3A_359 = arith.index_cast %add3A_308 : i32 to index
          %swap3A_360 = arith.constant 0 : index
          %swap3A_361 = tpu.vector_load %arg7[%swap3A_358, %swap3A_359, %swap3A_360] {strides = array<i32>} : memref<3x200x128xf32, #tpu.memory_space<vmem>>, vector<1x1x16xf32>,
          %swap3A_362 = vector.shape_cast %swap3A_361 : vector<1x1x16xf32> to vector<16xf32>
          %swap3A_363 = vector.shape_cast %get3A_356 : vector<16xf32> to vector<1x1x16xf32>
          tpu.vector_store %arg7[%swap3A_358, %swap3A_359, %swap3A_360], %swap3A_363 {add = true, strides = array<i32>} : memref<3x200x128xf32, #tpu.memory_space<vmem>>, vector<1x1x16xf32>,
          %jit3A_364 = arith.constant 2 : i32
          %div3A_365 = arith.divsi %add3A_308, %jit3A_364 : i32
          %sign3A_366 = arith.constant 0 : i32
          %sign3A_367 = arith.cmpi sgt, %add3A_308, %sign3A_366 : i32
          %sign3A_368 = arith.extui %sign3A_367 : i1 to i32
          %sign3A_369 = arith.constant 0 : i32
          %sign3A_370 = arith.cmpi slt, %add3A_308, %sign3A_369 : i32
          %sign3A_371 = arith.extui %sign3A_370 : i1 to i32
          %sign3A_372 = arith.subi %sign3A_368, %sign3A_371 : i32
          %sign3A_373 = arith.constant 0 : i32
          %sign3A_374 = arith.cmpi sgt, %jit3A_364, %sign3A_373 : i32
          %sign3A_375 = arith.extui %sign3A_374 : i1 to i32
          %sign3A_376 = arith.constant 0 : i32
          %sign3A_377 = arith.cmpi slt, %jit3A_364, %sign3A_376 : i32
          %sign3A_378 = arith.extui %sign3A_377 : i1 to i32
          %sign3A_379 = arith.subi %sign3A_375, %sign3A_378 : i32
          %ne3A_380 = arith.cmpi ne, %sign3A_372, %sign3A_379 : i32
          %rem3A_381 = arith.remsi %add3A_308, %jit3A_364 : i32
          %ne3A_382 = arith.constant 0 : i32
          %ne3A_383 = arith.cmpi ne, %rem3A_381, %ne3A_382 : i32
          %and3A_384 = arith.andi %ne3A_380, %ne3A_383 : i1
          %sub3A_385 = arith.constant 1 : i32
          %sub3A_386 = arith.subi %div3A_365, %sub3A_385 : i32
          %select_n3A_387 = arith.select %and3A_384, %sub3A_386, %div3A_365 : i32
          %add3A_388 = arith.constant 16 : i32
          %add3A_389 = arith.addi %mul3A_326, %add3A_388 : i32
          %get3A_390 = arith.index_cast %select_n3A_387 : i32 to index
          %get3A_391 = arith.index_cast %add3A_389 : i32 to index
          %get3A_392 = tpu.vector_load %arg8[%get3A_390, %get3A_391] {strides = array<i32>} : memref<100x128xf32, #tpu.memory_space<vmem>>, vector<1x16xf32>,
          %get3A_393 = vector.shape_cast %get3A_392 : vector<1x16xf32> to vector<16xf32>
          %swap3A_394 = arith.constant 1 : i32
          %swap3A_395 = arith.index_cast %swap3A_394 : i32 to index
          %swap3A_396 = arith.index_cast %add3A_308 : i32 to index
          %swap3A_397 = arith.constant 16 : index
          %swap3A_398 = tpu.vector_load %arg7[%swap3A_395, %swap3A_396, %swap3A_397] {strides = array<i32>} : memref<3x200x128xf32, #tpu.memory_space<vmem>>, vector<1x1x16xf32>,
          %swap3A_399 = vector.shape_cast %swap3A_398 : vector<1x1x16xf32> to vector<16xf32>
          %swap3A_400 = vector.shape_cast %get3A_393 : vector<16xf32> to vector<1x1x16xf32>
          tpu.vector_store %arg7[%swap3A_395, %swap3A_396, %swap3A_397], %swap3A_400 {add = true, strides = array<i32>} : memref<3x200x128xf32, #tpu.memory_space<vmem>>, vector<1x1x16xf32>,
          %jit3A_401 = arith.constant 2 : i32
          %div3A_402 = arith.divsi %add3A_308, %jit3A_401 : i32
          %sign3A_403 = arith.constant 0 : i32
          %sign3A_404 = arith.cmpi sgt, %add3A_308, %sign3A_403 : i32
          %sign3A_405 = arith.extui %sign3A_404 : i1 to i32
          %sign3A_406 = arith.constant 0 : i32
          %sign3A_407 = arith.cmpi slt, %add3A_308, %sign3A_406 : i32
          %sign3A_408 = arith.extui %sign3A_407 : i1 to i32
          %sign3A_409 = arith.subi %sign3A_405, %sign3A_408 : i32
          %sign3A_410 = arith.constant 0 : i32
          %sign3A_411 = arith.cmpi sgt, %jit3A_401, %sign3A_410 : i32
          %sign3A_412 = arith.extui %sign3A_411 : i1 to i32
          %sign3A_413 = arith.constant 0 : i32
          %sign3A_414 = arith.cmpi slt, %jit3A_401, %sign3A_413 : i32
          %sign3A_415 = arith.extui %sign3A_414 : i1 to i32
          %sign3A_416 = arith.subi %sign3A_412, %sign3A_415 : i32
          %ne3A_417 = arith.cmpi ne, %sign3A_409, %sign3A_416 : i32
          %rem3A_418 = arith.remsi %add3A_308, %jit3A_401 : i32
          %ne3A_419 = arith.constant 0 : i32
          %ne3A_420 = arith.cmpi ne, %rem3A_418, %ne3A_419 : i32
          %and3A_421 = arith.andi %ne3A_417, %ne3A_420 : i1
          %sub3A_422 = arith.constant 1 : i32
          %sub3A_423 = arith.subi %div3A_402, %sub3A_422 : i32
          %select_n3A_424 = arith.select %and3A_421, %sub3A_423, %div3A_402 : i32
          %add3A_425 = arith.constant 32 : i32
          %add3A_426 = arith.addi %mul3A_326, %add3A_425 : i32
          %get3A_427 = arith.index_cast %select_n3A_424 : i32 to index
          %get3A_428 = arith.index_cast %add3A_426 : i32 to index
          %get3A_429 = tpu.vector_load %arg8[%get3A_427, %get3A_428] {strides = array<i32>} : memref<100x128xf32, #tpu.memory_space<vmem>>, vector<1x16xf32>,
          %get3A_430 = vector.shape_cast %get3A_429 : vector<1x16xf32> to vector<16xf32>
          %swap3A_431 = arith.constant 1 : i32
          %swap3A_432 = arith.index_cast %swap3A_431 : i32 to index
          %swap3A_433 = arith.index_cast %add3A_308 : i32 to index
          %swap3A_434 = arith.constant 32 : index
          %swap3A_435 = tpu.vector_load %arg7[%swap3A_432, %swap3A_433, %swap3A_434] {strides = array<i32>} : memref<3x200x128xf32, #tpu.memory_space<vmem>>, vector<1x1x16xf32>,
          %swap3A_436 = vector.shape_cast %swap3A_435 : vector<1x1x16xf32> to vector<16xf32>
          %swap3A_437 = vector.shape_cast %get3A_430 : vector<16xf32> to vector<1x1x16xf32>
          tpu.vector_store %arg7[%swap3A_432, %swap3A_433, %swap3A_434], %swap3A_437 {add = true, strides = array<i32>} : memref<3x200x128xf32, #tpu.memory_space<vmem>>, vector<1x1x16xf32>,
          %jit3A_438 = arith.constant 2 : i32
          %div3A_439 = arith.divsi %add3A_308, %jit3A_438 : i32
          %sign3A_440 = arith.constant 0 : i32
          %sign3A_441 = arith.cmpi sgt, %add3A_308, %sign3A_440 : i32
          %sign3A_442 = arith.extui %sign3A_441 : i1 to i32
          %sign3A_443 = arith.constant 0 : i32
          %sign3A_444 = arith.cmpi slt, %add3A_308, %sign3A_443 : i32
          %sign3A_445 = arith.extui %sign3A_444 : i1 to i32
          %sign3A_446 = arith.subi %sign3A_442, %sign3A_445 : i32
          %sign3A_447 = arith.constant 0 : i32
          %sign3A_448 = arith.cmpi sgt, %jit3A_438, %sign3A_447 : i32
          %sign3A_449 = arith.extui %sign3A_448 : i1 to i32
          %sign3A_450 = arith.constant 0 : i32
          %sign3A_451 = arith.cmpi slt, %jit3A_438, %sign3A_450 : i32
          %sign3A_452 = arith.extui %sign3A_451 : i1 to i32
          %sign3A_453 = arith.subi %sign3A_449, %sign3A_452 : i32
          %ne3A_454 = arith.cmpi ne, %sign3A_446, %sign3A_453 : i32
          %rem3A_455 = arith.remsi %add3A_308, %jit3A_438 : i32
          %ne3A_456 = arith.constant 0 : i32
          %ne3A_457 = arith.cmpi ne, %rem3A_455, %ne3A_456 : i32
          %and3A_458 = arith.andi %ne3A_454, %ne3A_457 : i1
          %sub3A_459 = arith.constant 1 : i32
          %sub3A_460 = arith.subi %div3A_439, %sub3A_459 : i32
          %select_n3A_461 = arith.select %and3A_458, %sub3A_460, %div3A_439 : i32
          %add3A_462 = arith.constant 48 : i32
          %add3A_463 = arith.addi %mul3A_326, %add3A_462 : i32
          %get3A_464 = arith.index_cast %select_n3A_461 : i32 to index
          %get3A_465 = arith.index_cast %add3A_463 : i32 to index
          %get3A_466 = tpu.vector_load %arg8[%get3A_464, %get3A_465] {strides = array<i32>} : memref<100x128xf32, #tpu.memory_space<vmem>>, vector<1x16xf32>,
          %get3A_467 = vector.shape_cast %get3A_466 : vector<1x16xf32> to vector<16xf32>
          %swap3A_468 = arith.constant 1 : i32
          %swap3A_469 = arith.index_cast %swap3A_468 : i32 to index
          %swap3A_470 = arith.index_cast %add3A_308 : i32 to index
          %swap3A_471 = arith.constant 48 : index
          %swap3A_472 = tpu.vector_load %arg7[%swap3A_469, %swap3A_470, %swap3A_471] {strides = array<i32>} : memref<3x200x128xf32, #tpu.memory_space<vmem>>, vector<1x1x16xf32>,
          %swap3A_473 = vector.shape_cast %swap3A_472 : vector<1x1x16xf32> to vector<16xf32>
          %swap3A_474 = vector.shape_cast %get3A_467 : vector<16xf32> to vector<1x1x16xf32>
          tpu.vector_store %arg7[%swap3A_469, %swap3A_470, %swap3A_471], %swap3A_474 {add = true, strides = array<i32>} : memref<3x200x128xf32, #tpu.memory_space<vmem>>, vector<1x1x16xf32>,
          %scan3A_475 = arith.constant 2 : i32
          %scan3A_476 = arith.addi %scan3A_143, %scan3A_475 : i32
          %mul3A_477 = arith.constant 1 : i32
          %mul3A_478 = arith.muli %scan3A_476, %mul3A_477 : i32
          %add3A_479 = arith.constant 0 : i32
          %add3A_480 = arith.addi %add3A_479, %mul3A_478 : i32
          %jit3A_481 = arith.constant 2 : i32
          %eq3A_482 = arith.constant 0 : i32
          %eq3A_483 = arith.cmpi eq, %jit3A_481, %eq3A_482 : i32
          %jit3A_484 = arith.constant 1 : i32
          %select_n3A_485 = arith.select %eq3A_483, %jit3A_484, %jit3A_481 : i32
          %rem3A_486 = arith.remsi %add3A_480, %select_n3A_485 : i32
          %ne3A_487 = arith.constant 0 : i32
          %ne3A_488 = arith.cmpi ne, %rem3A_486, %ne3A_487 : i32
          %lt3A_489 = arith.constant 0 : i32
          %lt3A_490 = arith.cmpi slt, %rem3A_486, %lt3A_489 : i32
          %lt3A_491 = arith.constant 0 : i32
          %lt3A_492 = arith.cmpi slt, %select_n3A_485, %lt3A_491 : i32
          %ne3A_493 = arith.xori %lt3A_490, %lt3A_492 : i1
          %and3A_494 = arith.andi %ne3A_493, %ne3A_488 : i1
          %add3A_495 = arith.addi %rem3A_486, %select_n3A_485 : i32
          %select_n3A_496 = arith.select %and3A_494, %add3A_495, %rem3A_486 : i32
          %mul3A_497 = arith.constant 64 : i32
          %mul3A_498 = arith.muli %select_n3A_496, %mul3A_497 : i32
          %jit3A_499 = arith.constant 2 : i32
          %div3A_500 = arith.divsi %add3A_480, %jit3A_499 : i32
          %sign3A_501 = arith.constant 0 : i32
          %sign3A_502 = arith.cmpi sgt, %add3A_480, %sign3A_501 : i32
          %sign3A_503 = arith.extui %sign3A_502 : i1 to i32
          %sign3A_504 = arith.constant 0 : i32
          %sign3A_505 = arith.cmpi slt, %add3A_480, %sign3A_504 : i32
          %sign3A_506 = arith.extui %sign3A_505 : i1 to i32
          %sign3A_507 = arith.subi %sign3A_503, %sign3A_506 : i32
          %sign3A_508 = arith.constant 0 : i32
          %sign3A_509 = arith.cmpi sgt, %jit3A_499, %sign3A_508 : i32
          %sign3A_510 = arith.extui %sign3A_509 : i1 to i32
          %sign3A_511 = arith.constant 0 : i32
          %sign3A_512 = arith.cmpi slt, %jit3A_499, %sign3A_511 : i32
          %sign3A_513 = arith.extui %sign3A_512 : i1 to i32
          %sign3A_514 = arith.subi %sign3A_510, %sign3A_513 : i32
          %ne3A_515 = arith.cmpi ne, %sign3A_507, %sign3A_514 : i32
          %rem3A_516 = arith.remsi %add3A_480, %jit3A_499 : i32
          %ne3A_517 = arith.constant 0 : i32
          %ne3A_518 = arith.cmpi ne, %rem3A_516, %ne3A_517 : i32
          %and3A_519 = arith.andi %ne3A_515, %ne3A_518 : i1
          %sub3A_520 = arith.constant 1 : i32
          %sub3A_521 = arith.subi %div3A_500, %sub3A_520 : i32
          %select_n3A_522 = arith.select %and3A_519, %sub3A_521, %div3A_500 : i32
          %add3A_523 = arith.constant 0 : i32
          %add3A_524 = arith.addi %mul3A_498, %add3A_523 : i32
          %get3A_525 = arith.index_cast %select_n3A_522 : i32 to index
          %get3A_526 = arith.index_cast %add3A_524 : i32 to index
          %get3A_527 = tpu.vector_load %arg8[%get3A_525, %get3A_526] {strides = array<i32>} : memref<100x128xf32, #tpu.memory_space<vmem>>, vector<1x16xf32>,
          %get3A_528 = vector.shape_cast %get3A_527 : vector<1x16xf32> to vector<16xf32>
          %swap3A_529 = arith.constant 1 : i32
          %swap3A_530 = arith.index_cast %swap3A_529 : i32 to index
          %swap3A_531 = arith.index_cast %add3A_480 : i32 to index
          %swap3A_532 = arith.constant 0 : index
          %swap3A_533 = tpu.vector_load %arg7[%swap3A_530, %swap3A_531, %swap3A_532] {strides = array<i32>} : memref<3x200x128xf32, #tpu.memory_space<vmem>>, vector<1x1x16xf32>,
          %swap3A_534 = vector.shape_cast %swap3A_533 : vector<1x1x16xf32> to vector<16xf32>
          %swap3A_535 = vector.shape_cast %get3A_528 : vector<16xf32> to vector<1x1x16xf32>
          tpu.vector_store %arg7[%swap3A_530, %swap3A_531, %swap3A_532], %swap3A_535 {add = true, strides = array<i32>} : memref<3x200x128xf32, #tpu.memory_space<vmem>>, vector<1x1x16xf32>,
          %jit3A_536 = arith.constant 2 : i32
          %div3A_537 = arith.divsi %add3A_480, %jit3A_536 : i32
          %sign3A_538 = arith.constant 0 : i32
          %sign3A_539 = arith.cmpi sgt, %add3A_480, %sign3A_538 : i32
          %sign3A_540 = arith.extui %sign3A_539 : i1 to i32
          %sign3A_541 = arith.constant 0 : i32
          %sign3A_542 = arith.cmpi slt, %add3A_480, %sign3A_541 : i32
          %sign3A_543 = arith.extui %sign3A_542 : i1 to i32
          %sign3A_544 = arith.subi %sign3A_540, %sign3A_543 : i32
          %sign3A_545 = arith.constant 0 : i32
          %sign3A_546 = arith.cmpi sgt, %jit3A_536, %sign3A_545 : i32
          %sign3A_547 = arith.extui %sign3A_546 : i1 to i32
          %sign3A_548 = arith.constant 0 : i32
          %sign3A_549 = arith.cmpi slt, %jit3A_536, %sign3A_548 : i32
          %sign3A_550 = arith.extui %sign3A_549 : i1 to i32
          %sign3A_551 = arith.subi %sign3A_547, %sign3A_550 : i32
          %ne3A_552 = arith.cmpi ne, %sign3A_544, %sign3A_551 : i32
          %rem3A_553 = arith.remsi %add3A_480, %jit3A_536 : i32
          %ne3A_554 = arith.constant 0 : i32
          %ne3A_555 = arith.cmpi ne, %rem3A_553, %ne3A_554 : i32
          %and3A_556 = arith.andi %ne3A_552, %ne3A_555 : i1
          %sub3A_557 = arith.constant 1 : i32
          %sub3A_558 = arith.subi %div3A_537, %sub3A_557 : i32
          %select_n3A_559 = arith.select %and3A_556, %sub3A_558, %div3A_537 : i32
          %add3A_560 = arith.constant 16 : i32
          %add3A_561 = arith.addi %mul3A_498, %add3A_560 : i32
          %get3A_562 = arith.index_cast %select_n3A_559 : i32 to index
          %get3A_563 = arith.index_cast %add3A_561 : i32 to index
          %get3A_564 = tpu.vector_load %arg8[%get3A_562, %get3A_563] {strides = array<i32>} : memref<100x128xf32, #tpu.memory_space<vmem>>, vector<1x16xf32>,
          %get3A_565 = vector.shape_cast %get3A_564 : vector<1x16xf32> to vector<16xf32>
          %swap3A_566 = arith.constant 1 : i32
          %swap3A_567 = arith.index_cast %swap3A_566 : i32 to index
          %swap3A_568 = arith.index_cast %add3A_480 : i32 to index
          %swap3A_569 = arith.constant 16 : index
          %swap3A_570 = tpu.vector_load %arg7[%swap3A_567, %swap3A_568, %swap3A_569] {strides = array<i32>} : memref<3x200x128xf32, #tpu.memory_space<vmem>>, vector<1x1x16xf32>,
          %swap3A_571 = vector.shape_cast %swap3A_570 : vector<1x1x16xf32> to vector<16xf32>
          %swap3A_572 = vector.shape_cast %get3A_565 : vector<16xf32> to vector<1x1x16xf32>
          tpu.vector_store %arg7[%swap3A_567, %swap3A_568, %swap3A_569], %swap3A_572 {add = true, strides = array<i32>} : memref<3x200x128xf32, #tpu.memory_space<vmem>>, vector<1x1x16xf32>,
          %jit3A_573 = arith.constant 2 : i32
          %div3A_574 = arith.divsi %add3A_480, %jit3A_573 : i32
          %sign3A_575 = arith.constant 0 : i32
          %sign3A_576 = arith.cmpi sgt, %add3A_480, %sign3A_575 : i32
          %sign3A_577 = arith.extui %sign3A_576 : i1 to i32
          %sign3A_578 = arith.constant 0 : i32
          %sign3A_579 = arith.cmpi slt, %add3A_480, %sign3A_578 : i32
          %sign3A_580 = arith.extui %sign3A_579 : i1 to i32
          %sign3A_581 = arith.subi %sign3A_577, %sign3A_580 : i32
          %sign3A_582 = arith.constant 0 : i32
          %sign3A_583 = arith.cmpi sgt, %jit3A_573, %sign3A_582 : i32
          %sign3A_584 = arith.extui %sign3A_583 : i1 to i32
          %sign3A_585 = arith.constant 0 : i32
          %sign3A_586 = arith.cmpi slt, %jit3A_573, %sign3A_585 : i32
          %sign3A_587 = arith.extui %sign3A_586 : i1 to i32
          %sign3A_588 = arith.subi %sign3A_584, %sign3A_587 : i32
          %ne3A_589 = arith.cmpi ne, %sign3A_581, %sign3A_588 : i32
          %rem3A_590 = arith.remsi %add3A_480, %jit3A_573 : i32
          %ne3A_591 = arith.constant 0 : i32
          %ne3A_592 = arith.cmpi ne, %rem3A_590, %ne3A_591 : i32
          %and3A_593 = arith.andi %ne3A_589, %ne3A_592 : i1
          %sub3A_594 = arith.constant 1 : i32
          %sub3A_595 = arith.subi %div3A_574, %sub3A_594 : i32
          %select_n3A_596 = arith.select %and3A_593, %sub3A_595, %div3A_574 : i32
          %add3A_597 = arith.constant 32 : i32
          %add3A_598 = arith.addi %mul3A_498, %add3A_597 : i32
          %get3A_599 = arith.index_cast %select_n3A_596 : i32 to index
          %get3A_600 = arith.index_cast %add3A_598 : i32 to index
          %get3A_601 = tpu.vector_load %arg8[%get3A_599, %get3A_600] {strides = array<i32>} : memref<100x128xf32, #tpu.memory_space<vmem>>, vector<1x16xf32>,
          %get3A_602 = vector.shape_cast %get3A_601 : vector<1x16xf32> to vector<16xf32>
          %swap3A_603 = arith.constant 1 : i32
          %swap3A_604 = arith.index_cast %swap3A_603 : i32 to index
          %swap3A_605 = arith.index_cast %add3A_480 : i32 to index
          %swap3A_606 = arith.constant 32 : index
          %swap3A_607 = tpu.vector_load %arg7[%swap3A_604, %swap3A_605, %swap3A_606] {strides = array<i32>} : memref<3x200x128xf32, #tpu.memory_space<vmem>>, vector<1x1x16xf32>,
          %swap3A_608 = vector.shape_cast %swap3A_607 : vector<1x1x16xf32> to vector<16xf32>
          %swap3A_609 = vector.shape_cast %get3A_602 : vector<16xf32> to vector<1x1x16xf32>
          tpu.vector_store %arg7[%swap3A_604, %swap3A_605, %swap3A_606], %swap3A_609 {add = true, strides = array<i32>} : memref<3x200x128xf32, #tpu.memory_space<vmem>>, vector<1x1x16xf32>,
          %jit3A_610 = arith.constant 2 : i32
          %div3A_611 = arith.divsi %add3A_480, %jit3A_610 : i32
          %sign3A_612 = arith.constant 0 : i32
          %sign3A_613 = arith.cmpi sgt, %add3A_480, %sign3A_612 : i32
          %sign3A_614 = arith.extui %sign3A_613 : i1 to i32
          %sign3A_615 = arith.constant 0 : i32
          %sign3A_616 = arith.cmpi slt, %add3A_480, %sign3A_615 : i32
          %sign3A_617 = arith.extui %sign3A_616 : i1 to i32
          %sign3A_618 = arith.subi %sign3A_614, %sign3A_617 : i32
          %sign3A_619 = arith.constant 0 : i32
          %sign3A_620 = arith.cmpi sgt, %jit3A_610, %sign3A_619 : i32
          %sign3A_621 = arith.extui %sign3A_620 : i1 to i32
          %sign3A_622 = arith.constant 0 : i32
          %sign3A_623 = arith.cmpi slt, %jit3A_610, %sign3A_622 : i32
          %sign3A_624 = arith.extui %sign3A_623 : i1 to i32
          %sign3A_625 = arith.subi %sign3A_621, %sign3A_624 : i32
          %ne3A_626 = arith.cmpi ne, %sign3A_618, %sign3A_625 : i32
          %rem3A_627 = arith.remsi %add3A_480, %jit3A_610 : i32
          %ne3A_628 = arith.constant 0 : i32
          %ne3A_629 = arith.cmpi ne, %rem3A_627, %ne3A_628 : i32
          %and3A_630 = arith.andi %ne3A_626, %ne3A_629 : i1
          %sub3A_631 = arith.constant 1 : i32
          %sub3A_632 = arith.subi %div3A_611, %sub3A_631 : i32
          %select_n3A_633 = arith.select %and3A_630, %sub3A_632, %div3A_611 : i32
          %add3A_634 = arith.constant 48 : i32
          %add3A_635 = arith.addi %mul3A_498, %add3A_634 : i32
          %get3A_636 = arith.index_cast %select_n3A_633 : i32 to index
          %get3A_637 = arith.index_cast %add3A_635 : i32 to index
          %get3A_638 = tpu.vector_load %arg8[%get3A_636, %get3A_637] {strides = array<i32>} : memref<100x128xf32, #tpu.memory_space<vmem>>, vector<1x16xf32>,
          %get3A_639 = vector.shape_cast %get3A_638 : vector<1x16xf32> to vector<16xf32>
          %swap3A_640 = arith.constant 1 : i32
          %swap3A_641 = arith.index_cast %swap3A_640 : i32 to index
          %swap3A_642 = arith.index_cast %add3A_480 : i32 to index
          %swap3A_643 = arith.constant 48 : index
          %swap3A_644 = tpu.vector_load %arg7[%swap3A_641, %swap3A_642, %swap3A_643] {strides = array<i32>} : memref<3x200x128xf32, #tpu.memory_space<vmem>>, vector<1x1x16xf32>,
          %swap3A_645 = vector.shape_cast %swap3A_644 : vector<1x1x16xf32> to vector<16xf32>
          %swap3A_646 = vector.shape_cast %get3A_639 : vector<16xf32> to vector<1x1x16xf32>
          tpu.vector_store %arg7[%swap3A_641, %swap3A_642, %swap3A_643], %swap3A_646 {add = true, strides = array<i32>} : memref<3x200x128xf32, #tpu.memory_space<vmem>>, vector<1x1x16xf32>,
          %scan3A_647 = arith.constant 3 : i32
          %scan3A_648 = arith.addi %scan3A_143, %scan3A_647 : i32
          %mul3A_649 = arith.constant 1 : i32
          %mul3A_650 = arith.muli %scan3A_648, %mul3A_649 : i32
          %add3A_651 = arith.constant 0 : i32
          %add3A_652 = arith.addi %add3A_651, %mul3A_650 : i32
          %jit3A_653 = arith.constant 2 : i32
          %eq3A_654 = arith.constant 0 : i32
          %eq3A_655 = arith.cmpi eq, %jit3A_653, %eq3A_654 : i32
          %jit3A_656 = arith.constant 1 : i32
          %select_n3A_657 = arith.select %eq3A_655, %jit3A_656, %jit3A_653 : i32
          %rem3A_658 = arith.remsi %add3A_652, %select_n3A_657 : i32
          %ne3A_659 = arith.constant 0 : i32
          %ne3A_660 = arith.cmpi ne, %rem3A_658, %ne3A_659 : i32
          %lt3A_661 = arith.constant 0 : i32
          %lt3A_662 = arith.cmpi slt, %rem3A_658, %lt3A_661 : i32
          %lt3A_663 = arith.constant 0 : i32
          %lt3A_664 = arith.cmpi slt, %select_n3A_657, %lt3A_663 : i32
          %ne3A_665 = arith.xori %lt3A_662, %lt3A_664 : i1
          %and3A_666 = arith.andi %ne3A_665, %ne3A_660 : i1
          %add3A_667 = arith.addi %rem3A_658, %select_n3A_657 : i32
          %select_n3A_668 = arith.select %and3A_666, %add3A_667, %rem3A_658 : i32
          %mul3A_669 = arith.constant 64 : i32
          %mul3A_670 = arith.muli %select_n3A_668, %mul3A_669 : i32
          %jit3A_671 = arith.constant 2 : i32
          %div3A_672 = arith.divsi %add3A_652, %jit3A_671 : i32
          %sign3A_673 = arith.constant 0 : i32
          %sign3A_674 = arith.cmpi sgt, %add3A_652, %sign3A_673 : i32
          %sign3A_675 = arith.extui %sign3A_674 : i1 to i32
          %sign3A_676 = arith.constant 0 : i32
          %sign3A_677 = arith.cmpi slt, %add3A_652, %sign3A_676 : i32
          %sign3A_678 = arith.extui %sign3A_677 : i1 to i32
          %sign3A_679 = arith.subi %sign3A_675, %sign3A_678 : i32
          %sign3A_680 = arith.constant 0 : i32
          %sign3A_681 = arith.cmpi sgt, %jit3A_671, %sign3A_680 : i32
          %sign3A_682 = arith.extui %sign3A_681 : i1 to i32
          %sign3A_683 = arith.constant 0 : i32
          %sign3A_684 = arith.cmpi slt, %jit3A_671, %sign3A_683 : i32
          %sign3A_685 = arith.extui %sign3A_684 : i1 to i32
          %sign3A_686 = arith.subi %sign3A_682, %sign3A_685 : i32
          %ne3A_687 = arith.cmpi ne, %sign3A_679, %sign3A_686 : i32
          %rem3A_688 = arith.remsi %add3A_652, %jit3A_671 : i32
          %ne3A_689 = arith.constant 0 : i32
          %ne3A_690 = arith.cmpi ne, %rem3A_688, %ne3A_689 : i32
          %and3A_691 = arith.andi %ne3A_687, %ne3A_690 : i1
          %sub3A_692 = arith.constant 1 : i32
          %sub3A_693 = arith.subi %div3A_672, %sub3A_692 : i32
          %select_n3A_694 = arith.select %and3A_691, %sub3A_693, %div3A_672 : i32
          %add3A_695 = arith.constant 0 : i32
          %add3A_696 = arith.addi %mul3A_670, %add3A_695 : i32
          %get3A_697 = arith.index_cast %select_n3A_694 : i32 to index
          %get3A_698 = arith.index_cast %add3A_696 : i32 to index
          %get3A_699 = tpu.vector_load %arg8[%get3A_697, %get3A_698] {strides = array<i32>} : memref<100x128xf32, #tpu.memory_space<vmem>>, vector<1x16xf32>,
          %get3A_700 = vector.shape_cast %get3A_699 : vector<1x16xf32> to vector<16xf32>
          %swap3A_701 = arith.constant 1 : i32
          %swap3A_702 = arith.index_cast %swap3A_701 : i32 to index
          %swap3A_703 = arith.index_cast %add3A_652 : i32 to index
          %swap3A_704 = arith.constant 0 : index
          %swap3A_705 = tpu.vector_load %arg7[%swap3A_702, %swap3A_703, %swap3A_704] {strides = array<i32>} : memref<3x200x128xf32, #tpu.memory_space<vmem>>, vector<1x1x16xf32>,
          %swap3A_706 = vector.shape_cast %swap3A_705 : vector<1x1x16xf32> to vector<16xf32>
          %swap3A_707 = vector.shape_cast %get3A_700 : vector<16xf32> to vector<1x1x16xf32>
          tpu.vector_store %arg7[%swap3A_702, %swap3A_703, %swap3A_704], %swap3A_707 {add = true, strides = array<i32>} : memref<3x200x128xf32, #tpu.memory_space<vmem>>, vector<1x1x16xf32>,
          %jit3A_708 = arith.constant 2 : i32
          %div3A_709 = arith.divsi %add3A_652, %jit3A_708 : i32
          %sign3A_710 = arith.constant 0 : i32
          %sign3A_711 = arith.cmpi sgt, %add3A_652, %sign3A_710 : i32
          %sign3A_712 = arith.extui %sign3A_711 : i1 to i32
          %sign3A_713 = arith.constant 0 : i32
          %sign3A_714 = arith.cmpi slt, %add3A_652, %sign3A_713 : i32
          %sign3A_715 = arith.extui %sign3A_714 : i1 to i32
          %sign3A_716 = arith.subi %sign3A_712, %sign3A_715 : i32
          %sign3A_717 = arith.constant 0 : i32
          %sign3A_718 = arith.cmpi sgt, %jit3A_708, %sign3A_717 : i32
          %sign3A_719 = arith.extui %sign3A_718 : i1 to i32
          %sign3A_720 = arith.constant 0 : i32
          %sign3A_721 = arith.cmpi slt, %jit3A_708, %sign3A_720 : i32
          %sign3A_722 = arith.extui %sign3A_721 : i1 to i32
          %sign3A_723 = arith.subi %sign3A_719, %sign3A_722 : i32
          %ne3A_724 = arith.cmpi ne, %sign3A_716, %sign3A_723 : i32
          %rem3A_725 = arith.remsi %add3A_652, %jit3A_708 : i32
          %ne3A_726 = arith.constant 0 : i32
          %ne3A_727 = arith.cmpi ne, %rem3A_725, %ne3A_726 : i32
          %and3A_728 = arith.andi %ne3A_724, %ne3A_727 : i1
          %sub3A_729 = arith.constant 1 : i32
          %sub3A_730 = arith.subi %div3A_709, %sub3A_729 : i32
          %select_n3A_731 = arith.select %and3A_728, %sub3A_730, %div3A_709 : i32
          %add3A_732 = arith.constant 16 : i32
          %add3A_733 = arith.addi %mul3A_670, %add3A_732 : i32
          %get3A_734 = arith.index_cast %select_n3A_731 : i32 to index
          %get3A_735 = arith.index_cast %add3A_733 : i32 to index
          %get3A_736 = tpu.vector_load %arg8[%get3A_734, %get3A_735] {strides = array<i32>} : memref<100x128xf32, #tpu.memory_space<vmem>>, vector<1x16xf32>,
          %get3A_737 = vector.shape_cast %get3A_736 : vector<1x16xf32> to vector<16xf32>
          %swap3A_738 = arith.constant 1 : i32
          %swap3A_739 = arith.index_cast %swap3A_738 : i32 to index
          %swap3A_740 = arith.index_cast %add3A_652 : i32 to index
          %swap3A_741 = arith.constant 16 : index
          %swap3A_742 = tpu.vector_load %arg7[%swap3A_739, %swap3A_740, %swap3A_741] {strides = array<i32>} : memref<3x200x128xf32, #tpu.memory_space<vmem>>, vector<1x1x16xf32>,
          %swap3A_743 = vector.shape_cast %swap3A_742 : vector<1x1x16xf32> to vector<16xf32>
          %swap3A_744 = vector.shape_cast %get3A_737 : vector<16xf32> to vector<1x1x16xf32>
          tpu.vector_store %arg7[%swap3A_739, %swap3A_740, %swap3A_741], %swap3A_744 {add = true, strides = array<i32>} : memref<3x200x128xf32, #tpu.memory_space<vmem>>, vector<1x1x16xf32>,
          %jit3A_745 = arith.constant 2 : i32
          %div3A_746 = arith.divsi %add3A_652, %jit3A_745 : i32
          %sign3A_747 = arith.constant 0 : i32
          %sign3A_748 = arith.cmpi sgt, %add3A_652, %sign3A_747 : i32
          %sign3A_749 = arith.extui %sign3A_748 : i1 to i32
          %sign3A_750 = arith.constant 0 : i32
          %sign3A_751 = arith.cmpi slt, %add3A_652, %sign3A_750 : i32
          %sign3A_752 = arith.extui %sign3A_751 : i1 to i32
          %sign3A_753 = arith.subi %sign3A_749, %sign3A_752 : i32
          %sign3A_754 = arith.constant 0 : i32
          %sign3A_755 = arith.cmpi sgt, %jit3A_745, %sign3A_754 : i32
          %sign3A_756 = arith.extui %sign3A_755 : i1 to i32
          %sign3A_757 = arith.constant 0 : i32
          %sign3A_758 = arith.cmpi slt, %jit3A_745, %sign3A_757 : i32
          %sign3A_759 = arith.extui %sign3A_758 : i1 to i32
          %sign3A_760 = arith.subi %sign3A_756, %sign3A_759 : i32
          %ne3A_761 = arith.cmpi ne, %sign3A_753, %sign3A_760 : i32
          %rem3A_762 = arith.remsi %add3A_652, %jit3A_745 : i32
          %ne3A_763 = arith.constant 0 : i32
          %ne3A_764 = arith.cmpi ne, %rem3A_762, %ne3A_763 : i32
          %and3A_765 = arith.andi %ne3A_761, %ne3A_764 : i1
          %sub3A_766 = arith.constant 1 : i32
          %sub3A_767 = arith.subi %div3A_746, %sub3A_766 : i32
          %select_n3A_768 = arith.select %and3A_765, %sub3A_767, %div3A_746 : i32
          %add3A_769 = arith.constant 32 : i32
          %add3A_770 = arith.addi %mul3A_670, %add3A_769 : i32
          %get3A_771 = arith.index_cast %select_n3A_768 : i32 to index
          %get3A_772 = arith.index_cast %add3A_770 : i32 to index
          %get3A_773 = tpu.vector_load %arg8[%get3A_771, %get3A_772] {strides = array<i32>} : memref<100x128xf32, #tpu.memory_space<vmem>>, vector<1x16xf32>,
          %get3A_774 = vector.shape_cast %get3A_773 : vector<1x16xf32> to vector<16xf32>
          %swap3A_775 = arith.constant 1 : i32
          %swap3A_776 = arith.index_cast %swap3A_775 : i32 to index
          %swap3A_777 = arith.index_cast %add3A_652 : i32 to index
          %swap3A_778 = arith.constant 32 : index
          %swap3A_779 = tpu.vector_load %arg7[%swap3A_776, %swap3A_777, %swap3A_778] {strides = array<i32>} : memref<3x200x128xf32, #tpu.memory_space<vmem>>, vector<1x1x16xf32>,
          %swap3A_780 = vector.shape_cast %swap3A_779 : vector<1x1x16xf32> to vector<16xf32>
          %swap3A_781 = vector.shape_cast %get3A_774 : vector<16xf32> to vector<1x1x16xf32>
          tpu.vector_store %arg7[%swap3A_776, %swap3A_777, %swap3A_778], %swap3A_781 {add = true, strides = array<i32>} : memref<3x200x128xf32, #tpu.memory_space<vmem>>, vector<1x1x16xf32>,
          %jit3A_782 = arith.constant 2 : i32
          %div3A_783 = arith.divsi %add3A_652, %jit3A_782 : i32
          %sign3A_784 = arith.constant 0 : i32
          %sign3A_785 = arith.cmpi sgt, %add3A_652, %sign3A_784 : i32
          %sign3A_786 = arith.extui %sign3A_785 : i1 to i32
          %sign3A_787 = arith.constant 0 : i32
          %sign3A_788 = arith.cmpi slt, %add3A_652, %sign3A_787 : i32
          %sign3A_789 = arith.extui %sign3A_788 : i1 to i32
          %sign3A_790 = arith.subi %sign3A_786, %sign3A_789 : i32
          %sign3A_791 = arith.constant 0 : i32
          %sign3A_792 = arith.cmpi sgt, %jit3A_782, %sign3A_791 : i32
          %sign3A_793 = arith.extui %sign3A_792 : i1 to i32
          %sign3A_794 = arith.constant 0 : i32
          %sign3A_795 = arith.cmpi slt, %jit3A_782, %sign3A_794 : i32
          %sign3A_796 = arith.extui %sign3A_795 : i1 to i32
          %sign3A_797 = arith.subi %sign3A_793, %sign3A_796 : i32
          %ne3A_798 = arith.cmpi ne, %sign3A_790, %sign3A_797 : i32
          %rem3A_799 = arith.remsi %add3A_652, %jit3A_782 : i32
          %ne3A_800 = arith.constant 0 : i32
          %ne3A_801 = arith.cmpi ne, %rem3A_799, %ne3A_800 : i32
          %and3A_802 = arith.andi %ne3A_798, %ne3A_801 : i1
          %sub3A_803 = arith.constant 1 : i32
          %sub3A_804 = arith.subi %div3A_783, %sub3A_803 : i32
          %select_n3A_805 = arith.select %and3A_802, %sub3A_804, %div3A_783 : i32
          %add3A_806 = arith.constant 48 : i32
          %add3A_807 = arith.addi %mul3A_670, %add3A_806 : i32
          %get3A_808 = arith.index_cast %select_n3A_805 : i32 to index
          %get3A_809 = arith.index_cast %add3A_807 : i32 to index
          %get3A_810 = tpu.vector_load %arg8[%get3A_808, %get3A_809] {strides = array<i32>} : memref<100x128xf32, #tpu.memory_space<vmem>>, vector<1x16xf32>,
          %get3A_811 = vector.shape_cast %get3A_810 : vector<1x16xf32> to vector<16xf32>
          %swap3A_812 = arith.constant 1 : i32
          %swap3A_813 = arith.index_cast %swap3A_812 : i32 to index
          %swap3A_814 = arith.index_cast %add3A_652 : i32 to index
          %swap3A_815 = arith.constant 48 : index
          %swap3A_816 = tpu.vector_load %arg7[%swap3A_813, %swap3A_814, %swap3A_815] {strides = array<i32>} : memref<3x200x128xf32, #tpu.memory_space<vmem>>, vector<1x1x16xf32>,
          %swap3A_817 = vector.shape_cast %swap3A_816 : vector<1x1x16xf32> to vector<16xf32>
          %swap3A_818 = vector.shape_cast %get3A_811 : vector<16xf32> to vector<1x1x16xf32>
          tpu.vector_store %arg7[%swap3A_813, %swap3A_814, %swap3A_815], %swap3A_818 {add = true, strides = array<i32>} : memref<3x200x128xf32, #tpu.memory_space<vmem>>, vector<1x1x16xf32>,
          %scan3A_819 = arith.constant 4 : i32
          %scan3A_820 = arith.addi %scan3A_143, %scan3A_819 : i32
          %mul3A_821 = arith.constant 1 : i32
          %mul3A_822 = arith.muli %scan3A_820, %mul3A_821 : i32
          %add3A_823 = arith.constant 0 : i32
          %add3A_824 = arith.addi %add3A_823, %mul3A_822 : i32
          %jit3A_825 = arith.constant 2 : i32
          %eq3A_826 = arith.constant 0 : i32
          %eq3A_827 = arith.cmpi eq, %jit3A_825, %eq3A_826 : i32
          %jit3A_828 = arith.constant 1 : i32
          %select_n3A_829 = arith.select %eq3A_827, %jit3A_828, %jit3A_825 : i32
          %rem3A_830 = arith.remsi %add3A_824, %select_n3A_829 : i32
          %ne3A_831 = arith.constant 0 : i32
          %ne3A_832 = arith.cmpi ne, %rem3A_830, %ne3A_831 : i32
          %lt3A_833 = arith.constant 0 : i32
          %lt3A_834 = arith.cmpi slt, %rem3A_830, %lt3A_833 : i32
          %lt3A_835 = arith.constant 0 : i32
          %lt3A_836 = arith.cmpi slt, %select_n3A_829, %lt3A_835 : i32
          %ne3A_837 = arith.xori %lt3A_834, %lt3A_836 : i1
          %and3A_838 = arith.andi %ne3A_837, %ne3A_832 : i1
          %add3A_839 = arith.addi %rem3A_830, %select_n3A_829 : i32
          %select_n3A_840 = arith.select %and3A_838, %add3A_839, %rem3A_830 : i32
          %mul3A_841 = arith.constant 64 : i32
          %mul3A_842 = arith.muli %select_n3A_840, %mul3A_841 : i32
          %jit3A_843 = arith.constant 2 : i32
          %div3A_844 = arith.divsi %add3A_824, %jit3A_843 : i32
          %sign3A_845 = arith.constant 0 : i32
          %sign3A_846 = arith.cmpi sgt, %add3A_824, %sign3A_845 : i32
          %sign3A_847 = arith.extui %sign3A_846 : i1 to i32
          %sign3A_848 = arith.constant 0 : i32
          %sign3A_849 = arith.cmpi slt, %add3A_824, %sign3A_848 : i32
          %sign3A_850 = arith.extui %sign3A_849 : i1 to i32
          %sign3A_851 = arith.subi %sign3A_847, %sign3A_850 : i32
          %sign3A_852 = arith.constant 0 : i32
          %sign3A_853 = arith.cmpi sgt, %jit3A_843, %sign3A_852 : i32
          %sign3A_854 = arith.extui %sign3A_853 : i1 to i32
          %sign3A_855 = arith.constant 0 : i32
          %sign3A_856 = arith.cmpi slt, %jit3A_843, %sign3A_855 : i32
          %sign3A_857 = arith.extui %sign3A_856 : i1 to i32
          %sign3A_858 = arith.subi %sign3A_854, %sign3A_857 : i32
          %ne3A_859 = arith.cmpi ne, %sign3A_851, %sign3A_858 : i32
          %rem3A_860 = arith.remsi %add3A_824, %jit3A_843 : i32
          %ne3A_861 = arith.constant 0 : i32
          %ne3A_862 = arith.cmpi ne, %rem3A_860, %ne3A_861 : i32
          %and3A_863 = arith.andi %ne3A_859, %ne3A_862 : i1
          %sub3A_864 = arith.constant 1 : i32
          %sub3A_865 = arith.subi %div3A_844, %sub3A_864 : i32
          %select_n3A_866 = arith.select %and3A_863, %sub3A_865, %div3A_844 : i32
          %add3A_867 = arith.constant 0 : i32
          %add3A_868 = arith.addi %mul3A_842, %add3A_867 : i32
          %get3A_869 = arith.index_cast %select_n3A_866 : i32 to index
          %get3A_870 = arith.index_cast %add3A_868 : i32 to index
          %get3A_871 = tpu.vector_load %arg8[%get3A_869, %get3A_870] {strides = array<i32>} : memref<100x128xf32, #tpu.memory_space<vmem>>, vector<1x16xf32>,
          %get3A_872 = vector.shape_cast %get3A_871 : vector<1x16xf32> to vector<16xf32>
          %swap3A_873 = arith.constant 1 : i32
          %swap3A_874 = arith.index_cast %swap3A_873 : i32 to index
          %swap3A_875 = arith.index_cast %add3A_824 : i32 to index
          %swap3A_876 = arith.constant 0 : index
          %swap3A_877 = tpu.vector_load %arg7[%swap3A_874, %swap3A_875, %swap3A_876] {strides = array<i32>} : memref<3x200x128xf32, #tpu.memory_space<vmem>>, vector<1x1x16xf32>,
          %swap3A_878 = vector.shape_cast %swap3A_877 : vector<1x1x16xf32> to vector<16xf32>
          %swap3A_879 = vector.shape_cast %get3A_872 : vector<16xf32> to vector<1x1x16xf32>
          tpu.vector_store %arg7[%swap3A_874, %swap3A_875, %swap3A_876], %swap3A_879 {add = true, strides = array<i32>} : memref<3x200x128xf32, #tpu.memory_space<vmem>>, vector<1x1x16xf32>,
          %jit3A_880 = arith.constant 2 : i32
          %div3A_881 = arith.divsi %add3A_824, %jit3A_880 : i32
          %sign3A_882 = arith.constant 0 : i32
          %sign3A_883 = arith.cmpi sgt, %add3A_824, %sign3A_882 : i32
          %sign3A_884 = arith.extui %sign3A_883 : i1 to i32
          %sign3A_885 = arith.constant 0 : i32
          %sign3A_886 = arith.cmpi slt, %add3A_824, %sign3A_885 : i32
          %sign3A_887 = arith.extui %sign3A_886 : i1 to i32
          %sign3A_888 = arith.subi %sign3A_884, %sign3A_887 : i32
          %sign3A_889 = arith.constant 0 : i32
          %sign3A_890 = arith.cmpi sgt, %jit3A_880, %sign3A_889 : i32
          %sign3A_891 = arith.extui %sign3A_890 : i1 to i32
          %sign3A_892 = arith.constant 0 : i32
          %sign3A_893 = arith.cmpi slt, %jit3A_880, %sign3A_892 : i32
          %sign3A_894 = arith.extui %sign3A_893 : i1 to i32
          %sign3A_895 = arith.subi %sign3A_891, %sign3A_894 : i32
          %ne3A_896 = arith.cmpi ne, %sign3A_888, %sign3A_895 : i32
          %rem3A_897 = arith.remsi %add3A_824, %jit3A_880 : i32
          %ne3A_898 = arith.constant 0 : i32
          %ne3A_899 = arith.cmpi ne, %rem3A_897, %ne3A_898 : i32
          %and3A_900 = arith.andi %ne3A_896, %ne3A_899 : i1
          %sub3A_901 = arith.constant 1 : i32
          %sub3A_902 = arith.subi %div3A_881, %sub3A_901 : i32
          %select_n3A_903 = arith.select %and3A_900, %sub3A_902, %div3A_881 : i32
          %add3A_904 = arith.constant 16 : i32
          %add3A_905 = arith.addi %mul3A_842, %add3A_904 : i32
          %get3A_906 = arith.index_cast %select_n3A_903 : i32 to index
          %get3A_907 = arith.index_cast %add3A_905 : i32 to index
          %get3A_908 = tpu.vector_load %arg8[%get3A_906, %get3A_907] {strides = array<i32>} : memref<100x128xf32, #tpu.memory_space<vmem>>, vector<1x16xf32>,
          %get3A_909 = vector.shape_cast %get3A_908 : vector<1x16xf32> to vector<16xf32>
          %swap3A_910 = arith.constant 1 : i32
          %swap3A_911 = arith.index_cast %swap3A_910 : i32 to index
          %swap3A_912 = arith.index_cast %add3A_824 : i32 to index
          %swap3A_913 = arith.constant 16 : index
          %swap3A_914 = tpu.vector_load %arg7[%swap3A_911, %swap3A_912, %swap3A_913] {strides = array<i32>} : memref<3x200x128xf32, #tpu.memory_space<vmem>>, vector<1x1x16xf32>,
          %swap3A_915 = vector.shape_cast %swap3A_914 : vector<1x1x16xf32> to vector<16xf32>
          %swap3A_916 = vector.shape_cast %get3A_909 : vector<16xf32> to vector<1x1x16xf32>
          tpu.vector_store %arg7[%swap3A_911, %swap3A_912, %swap3A_913], %swap3A_916 {add = true, strides = array<i32>} : memref<3x200x128xf32, #tpu.memory_space<vmem>>, vector<1x1x16xf32>,
          %jit3A_917 = arith.constant 2 : i32
          %div3A_918 = arith.divsi %add3A_824, %jit3A_917 : i32
          %sign3A_919 = arith.constant 0 : i32
          %sign3A_920 = arith.cmpi sgt, %add3A_824, %sign3A_919 : i32
          %sign3A_921 = arith.extui %sign3A_920 : i1 to i32
          %sign3A_922 = arith.constant 0 : i32
          %sign3A_923 = arith.cmpi slt, %add3A_824, %sign3A_922 : i32
          %sign3A_924 = arith.extui %sign3A_923 : i1 to i32
          %sign3A_925 = arith.subi %sign3A_921, %sign3A_924 : i32
          %sign3A_926 = arith.constant 0 : i32
          %sign3A_927 = arith.cmpi sgt, %jit3A_917, %sign3A_926 : i32
          %sign3A_928 = arith.extui %sign3A_927 : i1 to i32
          %sign3A_929 = arith.constant 0 : i32
          %sign3A_930 = arith.cmpi slt, %jit3A_917, %sign3A_929 : i32
          %sign3A_931 = arith.extui %sign3A_930 : i1 to i32
          %sign3A_932 = arith.subi %sign3A_928, %sign3A_931 : i32
          %ne3A_933 = arith.cmpi ne, %sign3A_925, %sign3A_932 : i32
          %rem3A_934 = arith.remsi %add3A_824, %jit3A_917 : i32
          %ne3A_935 = arith.constant 0 : i32
          %ne3A_936 = arith.cmpi ne, %rem3A_934, %ne3A_935 : i32
          %and3A_937 = arith.andi %ne3A_933, %ne3A_936 : i1
          %sub3A_938 = arith.constant 1 : i32
          %sub3A_939 = arith.subi %div3A_918, %sub3A_938 : i32
          %select_n3A_940 = arith.select %and3A_937, %sub3A_939, %div3A_918 : i32
          %add3A_941 = arith.constant 32 : i32
          %add3A_942 = arith.addi %mul3A_842, %add3A_941 : i32
          %get3A_943 = arith.index_cast %select_n3A_940 : i32 to index
          %get3A_944 = arith.index_cast %add3A_942 : i32 to index
          %get3A_945 = tpu.vector_load %arg8[%get3A_943, %get3A_944] {strides = array<i32>} : memref<100x128xf32, #tpu.memory_space<vmem>>, vector<1x16xf32>,
          %get3A_946 = vector.shape_cast %get3A_945 : vector<1x16xf32> to vector<16xf32>
          %swap3A_947 = arith.constant 1 : i32
          %swap3A_948 = arith.index_cast %swap3A_947 : i32 to index
          %swap3A_949 = arith.index_cast %add3A_824 : i32 to index
          %swap3A_950 = arith.constant 32 : index
          %swap3A_951 = tpu.vector_load %arg7[%swap3A_948, %swap3A_949, %swap3A_950] {strides = array<i32>} : memref<3x200x128xf32, #tpu.memory_space<vmem>>, vector<1x1x16xf32>,
          %swap3A_952 = vector.shape_cast %swap3A_951 : vector<1x1x16xf32> to vector<16xf32>
          %swap3A_953 = vector.shape_cast %get3A_946 : vector<16xf32> to vector<1x1x16xf32>
          tpu.vector_store %arg7[%swap3A_948, %swap3A_949, %swap3A_950], %swap3A_953 {add = true, strides = array<i32>} : memref<3x200x128xf32, #tpu.memory_space<vmem>>, vector<1x1x16xf32>,
          %jit3A_954 = arith.constant 2 : i32
          %div3A_955 = arith.divsi %add3A_824, %jit3A_954 : i32
          %sign3A_956 = arith.constant 0 : i32
          %sign3A_957 = arith.cmpi sgt, %add3A_824, %sign3A_956 : i32
          %sign3A_958 = arith.extui %sign3A_957 : i1 to i32
          %sign3A_959 = arith.constant 0 : i32
          %sign3A_960 = arith.cmpi slt, %add3A_824, %sign3A_959 : i32
          %sign3A_961 = arith.extui %sign3A_960 : i1 to i32
          %sign3A_962 = arith.subi %sign3A_958, %sign3A_961 : i32
          %sign3A_963 = arith.constant 0 : i32
          %sign3A_964 = arith.cmpi sgt, %jit3A_954, %sign3A_963 : i32
          %sign3A_965 = arith.extui %sign3A_964 : i1 to i32
          %sign3A_966 = arith.constant 0 : i32
          %sign3A_967 = arith.cmpi slt, %jit3A_954, %sign3A_966 : i32
          %sign3A_968 = arith.extui %sign3A_967 : i1 to i32
          %sign3A_969 = arith.subi %sign3A_965, %sign3A_968 : i32
          %ne3A_970 = arith.cmpi ne, %sign3A_962, %sign3A_969 : i32
          %rem3A_971 = arith.remsi %add3A_824, %jit3A_954 : i32
          %ne3A_972 = arith.constant 0 : i32
          %ne3A_973 = arith.cmpi ne, %rem3A_971, %ne3A_972 : i32
          %and3A_974 = arith.andi %ne3A_970, %ne3A_973 : i1
          %sub3A_975 = arith.constant 1 : i32
          %sub3A_976 = arith.subi %div3A_955, %sub3A_975 : i32
          %select_n3A_977 = arith.select %and3A_974, %sub3A_976, %div3A_955 : i32
          %add3A_978 = arith.constant 48 : i32
          %add3A_979 = arith.addi %mul3A_842, %add3A_978 : i32
          %get3A_980 = arith.index_cast %select_n3A_977 : i32 to index
          %get3A_981 = arith.index_cast %add3A_979 : i32 to index
          %get3A_982 = tpu.vector_load %arg8[%get3A_980, %get3A_981] {strides = array<i32>} : memref<100x128xf32, #tpu.memory_space<vmem>>, vector<1x16xf32>,
          %get3A_983 = vector.shape_cast %get3A_982 : vector<1x16xf32> to vector<16xf32>
          %swap3A_984 = arith.constant 1 : i32
          %swap3A_985 = arith.index_cast %swap3A_984 : i32 to index
          %swap3A_986 = arith.index_cast %add3A_824 : i32 to index
          %swap3A_987 = arith.constant 48 : index
          %swap3A_988 = tpu.vector_load %arg7[%swap3A_985, %swap3A_986, %swap3A_987] {strides = array<i32>} : memref<3x200x128xf32, #tpu.memory_space<vmem>>, vector<1x1x16xf32>,
          %swap3A_989 = vector.shape_cast %swap3A_988 : vector<1x1x16xf32> to vector<16xf32>
          %swap3A_990 = vector.shape_cast %get3A_983 : vector<16xf32> to vector<1x1x16xf32>
          tpu.vector_store %arg7[%swap3A_985, %swap3A_986, %swap3A_987], %swap3A_990 {add = true, strides = array<i32>} : memref<3x200x128xf32, #tpu.memory_space<vmem>>, vector<1x1x16xf32>,
          %scan3A_991 = arith.constant 5 : i32
          %scan3A_992 = arith.addi %scan3A_143, %scan3A_991 : i32
          %mul3A_993 = arith.constant 1 : i32
          %mul3A_994 = arith.muli %scan3A_992, %mul3A_993 : i32
          %add3A_995 = arith.constant 0 : i32
          %add3A_996 = arith.addi %add3A_995, %mul3A_994 : i32
          %jit3A_997 = arith.constant 2 : i32
          %eq3A_998 = arith.constant 0 : i32
          %eq3A_999 = arith.cmpi eq, %jit3A_997, %eq3A_998 : i32
          %jit3A_1000 = arith.constant 1 : i32
          %select_n3A_1001 = arith.select %eq3A_999, %jit3A_1000, %jit3A_997 : i32
          %rem3A_1002 = arith.remsi %add3A_996, %select_n3A_1001 : i32
          %ne3A_1003 = arith.constant 0 : i32
          %ne3A_1004 = arith.cmpi ne, %rem3A_1002, %ne3A_1003 : i32
          %lt3A_1005 = arith.constant 0 : i32
          %lt3A_1006 = arith.cmpi slt, %rem3A_1002, %lt3A_1005 : i32
          %lt3A_1007 = arith.constant 0 : i32
          %lt3A_1008 = arith.cmpi slt, %select_n3A_1001, %lt3A_1007 : i32
          %ne3A_1009 = arith.xori %lt3A_1006, %lt3A_1008 : i1
          %and3A_1010 = arith.andi %ne3A_1009, %ne3A_1004 : i1
          %add3A_1011 = arith.addi %rem3A_1002, %select_n3A_1001 : i32
          %select_n3A_1012 = arith.select %and3A_1010, %add3A_1011, %rem3A_1002 : i32
          %mul3A_1013 = arith.constant 64 : i32
          %mul3A_1014 = arith.muli %select_n3A_1012, %mul3A_1013 : i32
          %jit3A_1015 = arith.constant 2 : i32
          %div3A_1016 = arith.divsi %add3A_996, %jit3A_1015 : i32
          %sign3A_1017 = arith.constant 0 : i32
          %sign3A_1018 = arith.cmpi sgt, %add3A_996, %sign3A_1017 : i32
          %sign3A_1019 = arith.extui %sign3A_1018 : i1 to i32
          %sign3A_1020 = arith.constant 0 : i32
          %sign3A_1021 = arith.cmpi slt, %add3A_996, %sign3A_1020 : i32
          %sign3A_1022 = arith.extui %sign3A_1021 : i1 to i32
          %sign3A_1023 = arith.subi %sign3A_1019, %sign3A_1022 : i32
          %sign3A_1024 = arith.constant 0 : i32
          %sign3A_1025 = arith.cmpi sgt, %jit3A_1015, %sign3A_1024 : i32
          %sign3A_1026 = arith.extui %sign3A_1025 : i1 to i32
          %sign3A_1027 = arith.constant 0 : i32
          %sign3A_1028 = arith.cmpi slt, %jit3A_1015, %sign3A_1027 : i32
          %sign3A_1029 = arith.extui %sign3A_1028 : i1 to i32
          %sign3A_1030 = arith.subi %sign3A_1026, %sign3A_1029 : i32
          %ne3A_1031 = arith.cmpi ne, %sign3A_1023, %sign3A_1030 : i32
          %rem3A_1032 = arith.remsi %add3A_996, %jit3A_1015 : i32
          %ne3A_1033 = arith.constant 0 : i32
          %ne3A_1034 = arith.cmpi ne, %rem3A_1032, %ne3A_1033 : i32
          %and3A_1035 = arith.andi %ne3A_1031, %ne3A_1034 : i1
          %sub3A_1036 = arith.constant 1 : i32
          %sub3A_1037 = arith.subi %div3A_1016, %sub3A_1036 : i32
          %select_n3A_1038 = arith.select %and3A_1035, %sub3A_1037, %div3A_1016 : i32
          %add3A_1039 = arith.constant 0 : i32
          %add3A_1040 = arith.addi %mul3A_1014, %add3A_1039 : i32
          %get3A_1041 = arith.index_cast %select_n3A_1038 : i32 to index
          %get3A_1042 = arith.index_cast %add3A_1040 : i32 to index
          %get3A_1043 = tpu.vector_load %arg8[%get3A_1041, %get3A_1042] {strides = array<i32>} : memref<100x128xf32, #tpu.memory_space<vmem>>, vector<1x16xf32>,
          %get3A_1044 = vector.shape_cast %get3A_1043 : vector<1x16xf32> to vector<16xf32>
          %swap3A_1045 = arith.constant 1 : i32
          %swap3A_1046 = arith.index_cast %swap3A_1045 : i32 to index
          %swap3A_1047 = arith.index_cast %add3A_996 : i32 to index
          %swap3A_1048 = arith.constant 0 : index
          %swap3A_1049 = tpu.vector_load %arg7[%swap3A_1046, %swap3A_1047, %swap3A_1048] {strides = array<i32>} : memref<3x200x128xf32, #tpu.memory_space<vmem>>, vector<1x1x16xf32>,
          %swap3A_1050 = vector.shape_cast %swap3A_1049 : vector<1x1x16xf32> to vector<16xf32>
          %swap3A_1051 = vector.shape_cast %get3A_1044 : vector<16xf32> to vector<1x1x16xf32>
          tpu.vector_store %arg7[%swap3A_1046, %swap3A_1047, %swap3A_1048], %swap3A_1051 {add = true, strides = array<i32>} : memref<3x200x128xf32, #tpu.memory_space<vmem>>, vector<1x1x16xf32>,
          %jit3A_1052 = arith.constant 2 : i32
          %div3A_1053 = arith.divsi %add3A_996, %jit3A_1052 : i32
          %sign3A_1054 = arith.constant 0 : i32
          %sign3A_1055 = arith.cmpi sgt, %add3A_996, %sign3A_1054 : i32
          %sign3A_1056 = arith.extui %sign3A_1055 : i1 to i32
          %sign3A_1057 = arith.constant 0 : i32
          %sign3A_1058 = arith.cmpi slt, %add3A_996, %sign3A_1057 : i32
          %sign3A_1059 = arith.extui %sign3A_1058 : i1 to i32
          %sign3A_1060 = arith.subi %sign3A_1056, %sign3A_1059 : i32
          %sign3A_1061 = arith.constant 0 : i32
          %sign3A_1062 = arith.cmpi sgt, %jit3A_1052, %sign3A_1061 : i32
          %sign3A_1063 = arith.extui %sign3A_1062 : i1 to i32
          %sign3A_1064 = arith.constant 0 : i32
          %sign3A_1065 = arith.cmpi slt, %jit3A_1052, %sign3A_1064 : i32
          %sign3A_1066 = arith.extui %sign3A_1065 : i1 to i32
          %sign3A_1067 = arith.subi %sign3A_1063, %sign3A_1066 : i32
          %ne3A_1068 = arith.cmpi ne, %sign3A_1060, %sign3A_1067 : i32
          %rem3A_1069 = arith.remsi %add3A_996, %jit3A_1052 : i32
          %ne3A_1070 = arith.constant 0 : i32
          %ne3A_1071 = arith.cmpi ne, %rem3A_1069, %ne3A_1070 : i32
          %and3A_1072 = arith.andi %ne3A_1068, %ne3A_1071 : i1
          %sub3A_1073 = arith.constant 1 : i32
          %sub3A_1074 = arith.subi %div3A_1053, %sub3A_1073 : i32
          %select_n3A_1075 = arith.select %and3A_1072, %sub3A_1074, %div3A_1053 : i32
          %add3A_1076 = arith.constant 16 : i32
          %add3A_1077 = arith.addi %mul3A_1014, %add3A_1076 : i32
          %get3A_1078 = arith.index_cast %select_n3A_1075 : i32 to index
          %get3A_1079 = arith.index_cast %add3A_1077 : i32 to index
          %get3A_1080 = tpu.vector_load %arg8[%get3A_1078, %get3A_1079] {strides = array<i32>} : memref<100x128xf32, #tpu.memory_space<vmem>>, vector<1x16xf32>,
          %get3A_1081 = vector.shape_cast %get3A_1080 : vector<1x16xf32> to vector<16xf32>
          %swap3A_1082 = arith.constant 1 : i32
          %swap3A_1083 = arith.index_cast %swap3A_1082 : i32 to index
          %swap3A_1084 = arith.index_cast %add3A_996 : i32 to index
          %swap3A_1085 = arith.constant 16 : index
          %swap3A_1086 = tpu.vector_load %arg7[%swap3A_1083, %swap3A_1084, %swap3A_1085] {strides = array<i32>} : memref<3x200x128xf32, #tpu.memory_space<vmem>>, vector<1x1x16xf32>,
          %swap3A_1087 = vector.shape_cast %swap3A_1086 : vector<1x1x16xf32> to vector<16xf32>
          %swap3A_1088 = vector.shape_cast %get3A_1081 : vector<16xf32> to vector<1x1x16xf32>
          tpu.vector_store %arg7[%swap3A_1083, %swap3A_1084, %swap3A_1085], %swap3A_1088 {add = true, strides = array<i32>} : memref<3x200x128xf32, #tpu.memory_space<vmem>>, vector<1x1x16xf32>,
          %jit3A_1089 = arith.constant 2 : i32
          %div3A_1090 = arith.divsi %add3A_996, %jit3A_1089 : i32
          %sign3A_1091 = arith.constant 0 : i32
          %sign3A_1092 = arith.cmpi sgt, %add3A_996, %sign3A_1091 : i32
          %sign3A_1093 = arith.extui %sign3A_1092 : i1 to i32
          %sign3A_1094 = arith.constant 0 : i32
          %sign3A_1095 = arith.cmpi slt, %add3A_996, %sign3A_1094 : i32
          %sign3A_1096 = arith.extui %sign3A_1095 : i1 to i32
          %sign3A_1097 = arith.subi %sign3A_1093, %sign3A_1096 : i32
          %sign3A_1098 = arith.constant 0 : i32
          %sign3A_1099 = arith.cmpi sgt, %jit3A_1089, %sign3A_1098 : i32
          %sign3A_1100 = arith.extui %sign3A_1099 : i1 to i32
          %sign3A_1101 = arith.constant 0 : i32
          %sign3A_1102 = arith.cmpi slt, %jit3A_1089, %sign3A_1101 : i32
          %sign3A_1103 = arith.extui %sign3A_1102 : i1 to i32
          %sign3A_1104 = arith.subi %sign3A_1100, %sign3A_1103 : i32
          %ne3A_1105 = arith.cmpi ne, %sign3A_1097, %sign3A_1104 : i32
          %rem3A_1106 = arith.remsi %add3A_996, %jit3A_1089 : i32
          %ne3A_1107 = arith.constant 0 : i32
          %ne3A_1108 = arith.cmpi ne, %rem3A_1106, %ne3A_1107 : i32
          %and3A_1109 = arith.andi %ne3A_1105, %ne3A_1108 : i1
          %sub3A_1110 = arith.constant 1 : i32
          %sub3A_1111 = arith.subi %div3A_1090, %sub3A_1110 : i32
          %select_n3A_1112 = arith.select %and3A_1109, %sub3A_1111, %div3A_1090 : i32
          %add3A_1113 = arith.constant 32 : i32
          %add3A_1114 = arith.addi %mul3A_1014, %add3A_1113 : i32
          %get3A_1115 = arith.index_cast %select_n3A_1112 : i32 to index
          %get3A_1116 = arith.index_cast %add3A_1114 : i32 to index
          %get3A_1117 = tpu.vector_load %arg8[%get3A_1115, %get3A_1116] {strides = array<i32>} : memref<100x128xf32, #tpu.memory_space<vmem>>, vector<1x16xf32>,
          %get3A_1118 = vector.shape_cast %get3A_1117 : vector<1x16xf32> to vector<16xf32>
          %swap3A_1119 = arith.constant 1 : i32
          %swap3A_1120 = arith.index_cast %swap3A_1119 : i32 to index
          %swap3A_1121 = arith.index_cast %add3A_996 : i32 to index
          %swap3A_1122 = arith.constant 32 : index
          %swap3A_1123 = tpu.vector_load %arg7[%swap3A_1120, %swap3A_1121, %swap3A_1122] {strides = array<i32>} : memref<3x200x128xf32, #tpu.memory_space<vmem>>, vector<1x1x16xf32>,
          %swap3A_1124 = vector.shape_cast %swap3A_1123 : vector<1x1x16xf32> to vector<16xf32>
          %swap3A_1125 = vector.shape_cast %get3A_1118 : vector<16xf32> to vector<1x1x16xf32>
          tpu.vector_store %arg7[%swap3A_1120, %swap3A_1121, %swap3A_1122], %swap3A_1125 {add = true, strides = array<i32>} : memref<3x200x128xf32, #tpu.memory_space<vmem>>, vector<1x1x16xf32>,
          %jit3A_1126 = arith.constant 2 : i32
          %div3A_1127 = arith.divsi %add3A_996, %jit3A_1126 : i32
          %sign3A_1128 = arith.constant 0 : i32
          %sign3A_1129 = arith.cmpi sgt, %add3A_996, %sign3A_1128 : i32
          %sign3A_1130 = arith.extui %sign3A_1129 : i1 to i32
          %sign3A_1131 = arith.constant 0 : i32
          %sign3A_1132 = arith.cmpi slt, %add3A_996, %sign3A_1131 : i32
          %sign3A_1133 = arith.extui %sign3A_1132 : i1 to i32
          %sign3A_1134 = arith.subi %sign3A_1130, %sign3A_1133 : i32
          %sign3A_1135 = arith.constant 0 : i32
          %sign3A_1136 = arith.cmpi sgt, %jit3A_1126, %sign3A_1135 : i32
          %sign3A_1137 = arith.extui %sign3A_1136 : i1 to i32
          %sign3A_1138 = arith.constant 0 : i32
          %sign3A_1139 = arith.cmpi slt, %jit3A_1126, %sign3A_1138 : i32
          %sign3A_1140 = arith.extui %sign3A_1139 : i1 to i32
          %sign3A_1141 = arith.subi %sign3A_1137, %sign3A_1140 : i32
          %ne3A_1142 = arith.cmpi ne, %sign3A_1134, %sign3A_1141 : i32
          %rem3A_1143 = arith.remsi %add3A_996, %jit3A_1126 : i32
          %ne3A_1144 = arith.constant 0 : i32
          %ne3A_1145 = arith.cmpi ne, %rem3A_1143, %ne3A_1144 : i32
          %and3A_1146 = arith.andi %ne3A_1142, %ne3A_1145 : i1
          %sub3A_1147 = arith.constant 1 : i32
          %sub3A_1148 = arith.subi %div3A_1127, %sub3A_1147 : i32
          %select_n3A_1149 = arith.select %and3A_1146, %sub3A_1148, %div3A_1127 : i32
          %add3A_1150 = arith.constant 48 : i32
          %add3A_1151 = arith.addi %mul3A_1014, %add3A_1150 : i32
          %get3A_1152 = arith.index_cast %select_n3A_1149 : i32 to index
          %get3A_1153 = arith.index_cast %add3A_1151 : i32 to index
          %get3A_1154 = tpu.vector_load %arg8[%get3A_1152, %get3A_1153] {strides = array<i32>} : memref<100x128xf32, #tpu.memory_space<vmem>>, vector<1x16xf32>,
          %get3A_1155 = vector.shape_cast %get3A_1154 : vector<1x16xf32> to vector<16xf32>
          %swap3A_1156 = arith.constant 1 : i32
          %swap3A_1157 = arith.index_cast %swap3A_1156 : i32 to index
          %swap3A_1158 = arith.index_cast %add3A_996 : i32 to index
          %swap3A_1159 = arith.constant 48 : index
          %swap3A_1160 = tpu.vector_load %arg7[%swap3A_1157, %swap3A_1158, %swap3A_1159] {strides = array<i32>} : memref<3x200x128xf32, #tpu.memory_space<vmem>>, vector<1x1x16xf32>,
          %swap3A_1161 = vector.shape_cast %swap3A_1160 : vector<1x1x16xf32> to vector<16xf32>
          %swap3A_1162 = vector.shape_cast %get3A_1155 : vector<16xf32> to vector<1x1x16xf32>
          tpu.vector_store %arg7[%swap3A_1157, %swap3A_1158, %swap3A_1159], %swap3A_1162 {add = true, strides = array<i32>} : memref<3x200x128xf32, #tpu.memory_space<vmem>>, vector<1x1x16xf32>,
          %scan3A_1163 = arith.constant 6 : i32
          %scan3A_1164 = arith.addi %scan3A_143, %scan3A_1163 : i32
          %mul3A_1165 = arith.constant 1 : i32
          %mul3A_1166 = arith.muli %scan3A_1164, %mul3A_1165 : i32
          %add3A_1167 = arith.constant 0 : i32
          %add3A_1168 = arith.addi %add3A_1167, %mul3A_1166 : i32
          %jit3A_1169 = arith.constant 2 : i32
          %eq3A_1170 = arith.constant 0 : i32
          %eq3A_1171 = arith.cmpi eq, %jit3A_1169, %eq3A_1170 : i32
          %jit3A_1172 = arith.constant 1 : i32
          %select_n3A_1173 = arith.select %eq3A_1171, %jit3A_1172, %jit3A_1169 : i32
          %rem3A_1174 = arith.remsi %add3A_1168, %select_n3A_1173 : i32
          %ne3A_1175 = arith.constant 0 : i32
          %ne3A_1176 = arith.cmpi ne, %rem3A_1174, %ne3A_1175 : i32
          %lt3A_1177 = arith.constant 0 : i32
          %lt3A_1178 = arith.cmpi slt, %rem3A_1174, %lt3A_1177 : i32
          %lt3A_1179 = arith.constant 0 : i32
          %lt3A_1180 = arith.cmpi slt, %select_n3A_1173, %lt3A_1179 : i32
          %ne3A_1181 = arith.xori %lt3A_1178, %lt3A_1180 : i1
          %and3A_1182 = arith.andi %ne3A_1181, %ne3A_1176 : i1
          %add3A_1183 = arith.addi %rem3A_1174, %select_n3A_1173 : i32
          %select_n3A_1184 = arith.select %and3A_1182, %add3A_1183, %rem3A_1174 : i32
          %mul3A_1185 = arith.constant 64 : i32
          %mul3A_1186 = arith.muli %select_n3A_1184, %mul3A_1185 : i32
          %jit3A_1187 = arith.constant 2 : i32
          %div3A_1188 = arith.divsi %add3A_1168, %jit3A_1187 : i32
          %sign3A_1189 = arith.constant 0 : i32
          %sign3A_1190 = arith.cmpi sgt, %add3A_1168, %sign3A_1189 : i32
          %sign3A_1191 = arith.extui %sign3A_1190 : i1 to i32
          %sign3A_1192 = arith.constant 0 : i32
          %sign3A_1193 = arith.cmpi slt, %add3A_1168, %sign3A_1192 : i32
          %sign3A_1194 = arith.extui %sign3A_1193 : i1 to i32
          %sign3A_1195 = arith.subi %sign3A_1191, %sign3A_1194 : i32
          %sign3A_1196 = arith.constant 0 : i32
          %sign3A_1197 = arith.cmpi sgt, %jit3A_1187, %sign3A_1196 : i32
          %sign3A_1198 = arith.extui %sign3A_1197 : i1 to i32
          %sign3A_1199 = arith.constant 0 : i32
          %sign3A_1200 = arith.cmpi slt, %jit3A_1187, %sign3A_1199 : i32
          %sign3A_1201 = arith.extui %sign3A_1200 : i1 to i32
          %sign3A_1202 = arith.subi %sign3A_1198, %sign3A_1201 : i32
          %ne3A_1203 = arith.cmpi ne, %sign3A_1195, %sign3A_1202 : i32
          %rem3A_1204 = arith.remsi %add3A_1168, %jit3A_1187 : i32
          %ne3A_1205 = arith.constant 0 : i32
          %ne3A_1206 = arith.cmpi ne, %rem3A_1204, %ne3A_1205 : i32
          %and3A_1207 = arith.andi %ne3A_1203, %ne3A_1206 : i1
          %sub3A_1208 = arith.constant 1 : i32
          %sub3A_1209 = arith.subi %div3A_1188, %sub3A_1208 : i32
          %select_n3A_1210 = arith.select %and3A_1207, %sub3A_1209, %div3A_1188 : i32
          %add3A_1211 = arith.constant 0 : i32
          %add3A_1212 = arith.addi %mul3A_1186, %add3A_1211 : i32
          %get3A_1213 = arith.index_cast %select_n3A_1210 : i32 to index
          %get3A_1214 = arith.index_cast %add3A_1212 : i32 to index
          %get3A_1215 = tpu.vector_load %arg8[%get3A_1213, %get3A_1214] {strides = array<i32>} : memref<100x128xf32, #tpu.memory_space<vmem>>, vector<1x16xf32>,
          %get3A_1216 = vector.shape_cast %get3A_1215 : vector<1x16xf32> to vector<16xf32>
          %swap3A_1217 = arith.constant 1 : i32
          %swap3A_1218 = arith.index_cast %swap3A_1217 : i32 to index
          %swap3A_1219 = arith.index_cast %add3A_1168 : i32 to index
          %swap3A_1220 = arith.constant 0 : index
          %swap3A_1221 = tpu.vector_load %arg7[%swap3A_1218, %swap3A_1219, %swap3A_1220] {strides = array<i32>} : memref<3x200x128xf32, #tpu.memory_space<vmem>>, vector<1x1x16xf32>,
          %swap3A_1222 = vector.shape_cast %swap3A_1221 : vector<1x1x16xf32> to vector<16xf32>
          %swap3A_1223 = vector.shape_cast %get3A_1216 : vector<16xf32> to vector<1x1x16xf32>
          tpu.vector_store %arg7[%swap3A_1218, %swap3A_1219, %swap3A_1220], %swap3A_1223 {add = true, strides = array<i32>} : memref<3x200x128xf32, #tpu.memory_space<vmem>>, vector<1x1x16xf32>,
          %jit3A_1224 = arith.constant 2 : i32
          %div3A_1225 = arith.divsi %add3A_1168, %jit3A_1224 : i32
          %sign3A_1226 = arith.constant 0 : i32
          %sign3A_1227 = arith.cmpi sgt, %add3A_1168, %sign3A_1226 : i32
          %sign3A_1228 = arith.extui %sign3A_1227 : i1 to i32
          %sign3A_1229 = arith.constant 0 : i32
          %sign3A_1230 = arith.cmpi slt, %add3A_1168, %sign3A_1229 : i32
          %sign3A_1231 = arith.extui %sign3A_1230 : i1 to i32
          %sign3A_1232 = arith.subi %sign3A_1228, %sign3A_1231 : i32
          %sign3A_1233 = arith.constant 0 : i32
          %sign3A_1234 = arith.cmpi sgt, %jit3A_1224, %sign3A_1233 : i32
          %sign3A_1235 = arith.extui %sign3A_1234 : i1 to i32
          %sign3A_1236 = arith.constant 0 : i32
          %sign3A_1237 = arith.cmpi slt, %jit3A_1224, %sign3A_1236 : i32
          %sign3A_1238 = arith.extui %sign3A_1237 : i1 to i32
          %sign3A_1239 = arith.subi %sign3A_1235, %sign3A_1238 : i32
          %ne3A_1240 = arith.cmpi ne, %sign3A_1232, %sign3A_1239 : i32
          %rem3A_1241 = arith.remsi %add3A_1168, %jit3A_1224 : i32
          %ne3A_1242 = arith.constant 0 : i32
          %ne3A_1243 = arith.cmpi ne, %rem3A_1241, %ne3A_1242 : i32
          %and3A_1244 = arith.andi %ne3A_1240, %ne3A_1243 : i1
          %sub3A_1245 = arith.constant 1 : i32
          %sub3A_1246 = arith.subi %div3A_1225, %sub3A_1245 : i32
          %select_n3A_1247 = arith.select %and3A_1244, %sub3A_1246, %div3A_1225 : i32
          %add3A_1248 = arith.constant 16 : i32
          %add3A_1249 = arith.addi %mul3A_1186, %add3A_1248 : i32
          %get3A_1250 = arith.index_cast %select_n3A_1247 : i32 to index
          %get3A_1251 = arith.index_cast %add3A_1249 : i32 to index
          %get3A_1252 = tpu.vector_load %arg8[%get3A_1250, %get3A_1251] {strides = array<i32>} : memref<100x128xf32, #tpu.memory_space<vmem>>, vector<1x16xf32>,
          %get3A_1253 = vector.shape_cast %get3A_1252 : vector<1x16xf32> to vector<16xf32>
          %swap3A_1254 = arith.constant 1 : i32
          %swap3A_1255 = arith.index_cast %swap3A_1254 : i32 to index
          %swap3A_1256 = arith.index_cast %add3A_1168 : i32 to index
          %swap3A_1257 = arith.constant 16 : index
          %swap3A_1258 = tpu.vector_load %arg7[%swap3A_1255, %swap3A_1256, %swap3A_1257] {strides = array<i32>} : memref<3x200x128xf32, #tpu.memory_space<vmem>>, vector<1x1x16xf32>,
          %swap3A_1259 = vector.shape_cast %swap3A_1258 : vector<1x1x16xf32> to vector<16xf32>
          %swap3A_1260 = vector.shape_cast %get3A_1253 : vector<16xf32> to vector<1x1x16xf32>
          tpu.vector_store %arg7[%swap3A_1255, %swap3A_1256, %swap3A_1257], %swap3A_1260 {add = true, strides = array<i32>} : memref<3x200x128xf32, #tpu.memory_space<vmem>>, vector<1x1x16xf32>,
          %jit3A_1261 = arith.constant 2 : i32
          %div3A_1262 = arith.divsi %add3A_1168, %jit3A_1261 : i32
          %sign3A_1263 = arith.constant 0 : i32
          %sign3A_1264 = arith.cmpi sgt, %add3A_1168, %sign3A_1263 : i32
          %sign3A_1265 = arith.extui %sign3A_1264 : i1 to i32
          %sign3A_1266 = arith.constant 0 : i32
          %sign3A_1267 = arith.cmpi slt, %add3A_1168, %sign3A_1266 : i32
          %sign3A_1268 = arith.extui %sign3A_1267 : i1 to i32
          %sign3A_1269 = arith.subi %sign3A_1265, %sign3A_1268 : i32
          %sign3A_1270 = arith.constant 0 : i32
          %sign3A_1271 = arith.cmpi sgt, %jit3A_1261, %sign3A_1270 : i32
          %sign3A_1272 = arith.extui %sign3A_1271 : i1 to i32
          %sign3A_1273 = arith.constant 0 : i32
          %sign3A_1274 = arith.cmpi slt, %jit3A_1261, %sign3A_1273 : i32
          %sign3A_1275 = arith.extui %sign3A_1274 : i1 to i32
          %sign3A_1276 = arith.subi %sign3A_1272, %sign3A_1275 : i32
          %ne3A_1277 = arith.cmpi ne, %sign3A_1269, %sign3A_1276 : i32
          %rem3A_1278 = arith.remsi %add3A_1168, %jit3A_1261 : i32
          %ne3A_1279 = arith.constant 0 : i32
          %ne3A_1280 = arith.cmpi ne, %rem3A_1278, %ne3A_1279 : i32
          %and3A_1281 = arith.andi %ne3A_1277, %ne3A_1280 : i1
          %sub3A_1282 = arith.constant 1 : i32
          %sub3A_1283 = arith.subi %div3A_1262, %sub3A_1282 : i32
          %select_n3A_1284 = arith.select %and3A_1281, %sub3A_1283, %div3A_1262 : i32
          %add3A_1285 = arith.constant 32 : i32
          %add3A_1286 = arith.addi %mul3A_1186, %add3A_1285 : i32
          %get3A_1287 = arith.index_cast %select_n3A_1284 : i32 to index
          %get3A_1288 = arith.index_cast %add3A_1286 : i32 to index
          %get3A_1289 = tpu.vector_load %arg8[%get3A_1287, %get3A_1288] {strides = array<i32>} : memref<100x128xf32, #tpu.memory_space<vmem>>, vector<1x16xf32>,
          %get3A_1290 = vector.shape_cast %get3A_1289 : vector<1x16xf32> to vector<16xf32>
          %swap3A_1291 = arith.constant 1 : i32
          %swap3A_1292 = arith.index_cast %swap3A_1291 : i32 to index
          %swap3A_1293 = arith.index_cast %add3A_1168 : i32 to index
          %swap3A_1294 = arith.constant 32 : index
          %swap3A_1295 = tpu.vector_load %arg7[%swap3A_1292, %swap3A_1293, %swap3A_1294] {strides = array<i32>} : memref<3x200x128xf32, #tpu.memory_space<vmem>>, vector<1x1x16xf32>,
          %swap3A_1296 = vector.shape_cast %swap3A_1295 : vector<1x1x16xf32> to vector<16xf32>
          %swap3A_1297 = vector.shape_cast %get3A_1290 : vector<16xf32> to vector<1x1x16xf32>
          tpu.vector_store %arg7[%swap3A_1292, %swap3A_1293, %swap3A_1294], %swap3A_1297 {add = true, strides = array<i32>} : memref<3x200x128xf32, #tpu.memory_space<vmem>>, vector<1x1x16xf32>,
          %jit3A_1298 = arith.constant 2 : i32
          %div3A_1299 = arith.divsi %add3A_1168, %jit3A_1298 : i32
          %sign3A_1300 = arith.constant 0 : i32
          %sign3A_1301 = arith.cmpi sgt, %add3A_1168, %sign3A_1300 : i32
          %sign3A_1302 = arith.extui %sign3A_1301 : i1 to i32
          %sign3A_1303 = arith.constant 0 : i32
          %sign3A_1304 = arith.cmpi slt, %add3A_1168, %sign3A_1303 : i32
          %sign3A_1305 = arith.extui %sign3A_1304 : i1 to i32
          %sign3A_1306 = arith.subi %sign3A_1302, %sign3A_1305 : i32
          %sign3A_1307 = arith.constant 0 : i32
          %sign3A_1308 = arith.cmpi sgt, %jit3A_1298, %sign3A_1307 : i32
          %sign3A_1309 = arith.extui %sign3A_1308 : i1 to i32
          %sign3A_1310 = arith.constant 0 : i32
          %sign3A_1311 = arith.cmpi slt, %jit3A_1298, %sign3A_1310 : i32
          %sign3A_1312 = arith.extui %sign3A_1311 : i1 to i32
          %sign3A_1313 = arith.subi %sign3A_1309, %sign3A_1312 : i32
          %ne3A_1314 = arith.cmpi ne, %sign3A_1306, %sign3A_1313 : i32
          %rem3A_1315 = arith.remsi %add3A_1168, %jit3A_1298 : i32
          %ne3A_1316 = arith.constant 0 : i32
          %ne3A_1317 = arith.cmpi ne, %rem3A_1315, %ne3A_1316 : i32
          %and3A_1318 = arith.andi %ne3A_1314, %ne3A_1317 : i1
          %sub3A_1319 = arith.constant 1 : i32
          %sub3A_1320 = arith.subi %div3A_1299, %sub3A_1319 : i32
          %select_n3A_1321 = arith.select %and3A_1318, %sub3A_1320, %div3A_1299 : i32
          %add3A_1322 = arith.constant 48 : i32
          %add3A_1323 = arith.addi %mul3A_1186, %add3A_1322 : i32
          %get3A_1324 = arith.index_cast %select_n3A_1321 : i32 to index
          %get3A_1325 = arith.index_cast %add3A_1323 : i32 to index
          %get3A_1326 = tpu.vector_load %arg8[%get3A_1324, %get3A_1325] {strides = array<i32>} : memref<100x128xf32, #tpu.memory_space<vmem>>, vector<1x16xf32>,
          %get3A_1327 = vector.shape_cast %get3A_1326 : vector<1x16xf32> to vector<16xf32>
          %swap3A_1328 = arith.constant 1 : i32
          %swap3A_1329 = arith.index_cast %swap3A_1328 : i32 to index
          %swap3A_1330 = arith.index_cast %add3A_1168 : i32 to index
          %swap3A_1331 = arith.constant 48 : index
          %swap3A_1332 = tpu.vector_load %arg7[%swap3A_1329, %swap3A_1330, %swap3A_1331] {strides = array<i32>} : memref<3x200x128xf32, #tpu.memory_space<vmem>>, vector<1x1x16xf32>,
          %swap3A_1333 = vector.shape_cast %swap3A_1332 : vector<1x1x16xf32> to vector<16xf32>
          %swap3A_1334 = vector.shape_cast %get3A_1327 : vector<16xf32> to vector<1x1x16xf32>
          tpu.vector_store %arg7[%swap3A_1329, %swap3A_1330, %swap3A_1331], %swap3A_1334 {add = true, strides = array<i32>} : memref<3x200x128xf32, #tpu.memory_space<vmem>>, vector<1x1x16xf32>,
          %scan3A_1335 = arith.constant 7 : i32
          %scan3A_1336 = arith.addi %scan3A_143, %scan3A_1335 : i32
          %mul3A_1337 = arith.constant 1 : i32
          %mul3A_1338 = arith.muli %scan3A_1336, %mul3A_1337 : i32
          %add3A_1339 = arith.constant 0 : i32
          %add3A_1340 = arith.addi %add3A_1339, %mul3A_1338 : i32
          %jit3A_1341 = arith.constant 2 : i32
          %eq3A_1342 = arith.constant 0 : i32
          %eq3A_1343 = arith.cmpi eq, %jit3A_1341, %eq3A_1342 : i32
          %jit3A_1344 = arith.constant 1 : i32
          %select_n3A_1345 = arith.select %eq3A_1343, %jit3A_1344, %jit3A_1341 : i32
          %rem3A_1346 = arith.remsi %add3A_1340, %select_n3A_1345 : i32
          %ne3A_1347 = arith.constant 0 : i32
          %ne3A_1348 = arith.cmpi ne, %rem3A_1346, %ne3A_1347 : i32
          %lt3A_1349 = arith.constant 0 : i32
          %lt3A_1350 = arith.cmpi slt, %rem3A_1346, %lt3A_1349 : i32
          %lt3A_1351 = arith.constant 0 : i32
          %lt3A_1352 = arith.cmpi slt, %select_n3A_1345, %lt3A_1351 : i32
          %ne3A_1353 = arith.xori %lt3A_1350, %lt3A_1352 : i1
          %and3A_1354 = arith.andi %ne3A_1353, %ne3A_1348 : i1
          %add3A_1355 = arith.addi %rem3A_1346, %select_n3A_1345 : i32
          %select_n3A_1356 = arith.select %and3A_1354, %add3A_1355, %rem3A_1346 : i32
          %mul3A_1357 = arith.constant 64 : i32
          %mul3A_1358 = arith.muli %select_n3A_1356, %mul3A_1357 : i32
          %jit3A_1359 = arith.constant 2 : i32
          %div3A_1360 = arith.divsi %add3A_1340, %jit3A_1359 : i32
          %sign3A_1361 = arith.constant 0 : i32
          %sign3A_1362 = arith.cmpi sgt, %add3A_1340, %sign3A_1361 : i32
          %sign3A_1363 = arith.extui %sign3A_1362 : i1 to i32
          %sign3A_1364 = arith.constant 0 : i32
          %sign3A_1365 = arith.cmpi slt, %add3A_1340, %sign3A_1364 : i32
          %sign3A_1366 = arith.extui %sign3A_1365 : i1 to i32
          %sign3A_1367 = arith.subi %sign3A_1363, %sign3A_1366 : i32
          %sign3A_1368 = arith.constant 0 : i32
          %sign3A_1369 = arith.cmpi sgt, %jit3A_1359, %sign3A_1368 : i32
          %sign3A_1370 = arith.extui %sign3A_1369 : i1 to i32
          %sign3A_1371 = arith.constant 0 : i32
          %sign3A_1372 = arith.cmpi slt, %jit3A_1359, %sign3A_1371 : i32
          %sign3A_1373 = arith.extui %sign3A_1372 : i1 to i32
          %sign3A_1374 = arith.subi %sign3A_1370, %sign3A_1373 : i32
          %ne3A_1375 = arith.cmpi ne, %sign3A_1367, %sign3A_1374 : i32
          %rem3A_1376 = arith.remsi %add3A_1340, %jit3A_1359 : i32
          %ne3A_1377 = arith.constant 0 : i32
          %ne3A_1378 = arith.cmpi ne, %rem3A_1376, %ne3A_1377 : i32
          %and3A_1379 = arith.andi %ne3A_1375, %ne3A_1378 : i1
          %sub3A_1380 = arith.constant 1 : i32
          %sub3A_1381 = arith.subi %div3A_1360, %sub3A_1380 : i32
          %select_n3A_1382 = arith.select %and3A_1379, %sub3A_1381, %div3A_1360 : i32
          %add3A_1383 = arith.constant 0 : i32
          %add3A_1384 = arith.addi %mul3A_1358, %add3A_1383 : i32
          %get3A_1385 = arith.index_cast %select_n3A_1382 : i32 to index
          %get3A_1386 = arith.index_cast %add3A_1384 : i32 to index
          %get3A_1387 = tpu.vector_load %arg8[%get3A_1385, %get3A_1386] {strides = array<i32>} : memref<100x128xf32, #tpu.memory_space<vmem>>, vector<1x16xf32>,
          %get3A_1388 = vector.shape_cast %get3A_1387 : vector<1x16xf32> to vector<16xf32>
          %swap3A_1389 = arith.constant 1 : i32
          %swap3A_1390 = arith.index_cast %swap3A_1389 : i32 to index
          %swap3A_1391 = arith.index_cast %add3A_1340 : i32 to index
          %swap3A_1392 = arith.constant 0 : index
          %swap3A_1393 = tpu.vector_load %arg7[%swap3A_1390, %swap3A_1391, %swap3A_1392] {strides = array<i32>} : memref<3x200x128xf32, #tpu.memory_space<vmem>>, vector<1x1x16xf32>,
          %swap3A_1394 = vector.shape_cast %swap3A_1393 : vector<1x1x16xf32> to vector<16xf32>
          %swap3A_1395 = vector.shape_cast %get3A_1388 : vector<16xf32> to vector<1x1x16xf32>
          tpu.vector_store %arg7[%swap3A_1390, %swap3A_1391, %swap3A_1392], %swap3A_1395 {add = true, strides = array<i32>} : memref<3x200x128xf32, #tpu.memory_space<vmem>>, vector<1x1x16xf32>,
          %jit3A_1396 = arith.constant 2 : i32
          %div3A_1397 = arith.divsi %add3A_1340, %jit3A_1396 : i32
          %sign3A_1398 = arith.constant 0 : i32
          %sign3A_1399 = arith.cmpi sgt, %add3A_1340, %sign3A_1398 : i32
          %sign3A_1400 = arith.extui %sign3A_1399 : i1 to i32
          %sign3A_1401 = arith.constant 0 : i32
          %sign3A_1402 = arith.cmpi slt, %add3A_1340, %sign3A_1401 : i32
          %sign3A_1403 = arith.extui %sign3A_1402 : i1 to i32
          %sign3A_1404 = arith.subi %sign3A_1400, %sign3A_1403 : i32
          %sign3A_1405 = arith.constant 0 : i32
          %sign3A_1406 = arith.cmpi sgt, %jit3A_1396, %sign3A_1405 : i32
          %sign3A_1407 = arith.extui %sign3A_1406 : i1 to i32
          %sign3A_1408 = arith.constant 0 : i32
          %sign3A_1409 = arith.cmpi slt, %jit3A_1396, %sign3A_1408 : i32
          %sign3A_1410 = arith.extui %sign3A_1409 : i1 to i32
          %sign3A_1411 = arith.subi %sign3A_1407, %sign3A_1410 : i32
          %ne3A_1412 = arith.cmpi ne, %sign3A_1404, %sign3A_1411 : i32
          %rem3A_1413 = arith.remsi %add3A_1340, %jit3A_1396 : i32
          %ne3A_1414 = arith.constant 0 : i32
          %ne3A_1415 = arith.cmpi ne, %rem3A_1413, %ne3A_1414 : i32
          %and3A_1416 = arith.andi %ne3A_1412, %ne3A_1415 : i1
          %sub3A_1417 = arith.constant 1 : i32
          %sub3A_1418 = arith.subi %div3A_1397, %sub3A_1417 : i32
          %select_n3A_1419 = arith.select %and3A_1416, %sub3A_1418, %div3A_1397 : i32
          %add3A_1420 = arith.constant 16 : i32
          %add3A_1421 = arith.addi %mul3A_1358, %add3A_1420 : i32
          %get3A_1422 = arith.index_cast %select_n3A_1419 : i32 to index
          %get3A_1423 = arith.index_cast %add3A_1421 : i32 to index
          %get3A_1424 = tpu.vector_load %arg8[%get3A_1422, %get3A_1423] {strides = array<i32>} : memref<100x128xf32, #tpu.memory_space<vmem>>, vector<1x16xf32>,
          %get3A_1425 = vector.shape_cast %get3A_1424 : vector<1x16xf32> to vector<16xf32>
          %swap3A_1426 = arith.constant 1 : i32
          %swap3A_1427 = arith.index_cast %swap3A_1426 : i32 to index
          %swap3A_1428 = arith.index_cast %add3A_1340 : i32 to index
          %swap3A_1429 = arith.constant 16 : index
          %swap3A_1430 = tpu.vector_load %arg7[%swap3A_1427, %swap3A_1428, %swap3A_1429] {strides = array<i32>} : memref<3x200x128xf32, #tpu.memory_space<vmem>>, vector<1x1x16xf32>,
          %swap3A_1431 = vector.shape_cast %swap3A_1430 : vector<1x1x16xf32> to vector<16xf32>
          %swap3A_1432 = vector.shape_cast %get3A_1425 : vector<16xf32> to vector<1x1x16xf32>
          tpu.vector_store %arg7[%swap3A_1427, %swap3A_1428, %swap3A_1429], %swap3A_1432 {add = true, strides = array<i32>} : memref<3x200x128xf32, #tpu.memory_space<vmem>>, vector<1x1x16xf32>,
          %jit3A_1433 = arith.constant 2 : i32
          %div3A_1434 = arith.divsi %add3A_1340, %jit3A_1433 : i32
          %sign3A_1435 = arith.constant 0 : i32
          %sign3A_1436 = arith.cmpi sgt, %add3A_1340, %sign3A_1435 : i32
          %sign3A_1437 = arith.extui %sign3A_1436 : i1 to i32
          %sign3A_1438 = arith.constant 0 : i32
          %sign3A_1439 = arith.cmpi slt, %add3A_1340, %sign3A_1438 : i32
          %sign3A_1440 = arith.extui %sign3A_1439 : i1 to i32
          %sign3A_1441 = arith.subi %sign3A_1437, %sign3A_1440 : i32
          %sign3A_1442 = arith.constant 0 : i32
          %sign3A_1443 = arith.cmpi sgt, %jit3A_1433, %sign3A_1442 : i32
          %sign3A_1444 = arith.extui %sign3A_1443 : i1 to i32
          %sign3A_1445 = arith.constant 0 : i32
          %sign3A_1446 = arith.cmpi slt, %jit3A_1433, %sign3A_1445 : i32
          %sign3A_1447 = arith.extui %sign3A_1446 : i1 to i32
          %sign3A_1448 = arith.subi %sign3A_1444, %sign3A_1447 : i32
          %ne3A_1449 = arith.cmpi ne, %sign3A_1441, %sign3A_1448 : i32
          %rem3A_1450 = arith.remsi %add3A_1340, %jit3A_1433 : i32
          %ne3A_1451 = arith.constant 0 : i32
          %ne3A_1452 = arith.cmpi ne, %rem3A_1450, %ne3A_1451 : i32
          %and3A_1453 = arith.andi %ne3A_1449, %ne3A_1452 : i1
          %sub3A_1454 = arith.constant 1 : i32
          %sub3A_1455 = arith.subi %div3A_1434, %sub3A_1454 : i32
          %select_n3A_1456 = arith.select %and3A_1453, %sub3A_1455, %div3A_1434 : i32
          %add3A_1457 = arith.constant 32 : i32
          %add3A_1458 = arith.addi %mul3A_1358, %add3A_1457 : i32
          %get3A_1459 = arith.index_cast %select_n3A_1456 : i32 to index
          %get3A_1460 = arith.index_cast %add3A_1458 : i32 to index
          %get3A_1461 = tpu.vector_load %arg8[%get3A_1459, %get3A_1460] {strides = array<i32>} : memref<100x128xf32, #tpu.memory_space<vmem>>, vector<1x16xf32>,
          %get3A_1462 = vector.shape_cast %get3A_1461 : vector<1x16xf32> to vector<16xf32>
          %swap3A_1463 = arith.constant 1 : i32
          %swap3A_1464 = arith.index_cast %swap3A_1463 : i32 to index
          %swap3A_1465 = arith.index_cast %add3A_1340 : i32 to index
          %swap3A_1466 = arith.constant 32 : index
          %swap3A_1467 = tpu.vector_load %arg7[%swap3A_1464, %swap3A_1465, %swap3A_1466] {strides = array<i32>} : memref<3x200x128xf32, #tpu.memory_space<vmem>>, vector<1x1x16xf32>,
          %swap3A_1468 = vector.shape_cast %swap3A_1467 : vector<1x1x16xf32> to vector<16xf32>
          %swap3A_1469 = vector.shape_cast %get3A_1462 : vector<16xf32> to vector<1x1x16xf32>
          tpu.vector_store %arg7[%swap3A_1464, %swap3A_1465, %swap3A_1466], %swap3A_1469 {add = true, strides = array<i32>} : memref<3x200x128xf32, #tpu.memory_space<vmem>>, vector<1x1x16xf32>,
          %jit3A_1470 = arith.constant 2 : i32
          %div3A_1471 = arith.divsi %add3A_1340, %jit3A_1470 : i32
          %sign3A_1472 = arith.constant 0 : i32
          %sign3A_1473 = arith.cmpi sgt, %add3A_1340, %sign3A_1472 : i32
          %sign3A_1474 = arith.extui %sign3A_1473 : i1 to i32
          %sign3A_1475 = arith.constant 0 : i32
          %sign3A_1476 = arith.cmpi slt, %add3A_1340, %sign3A_1475 : i32
          %sign3A_1477 = arith.extui %sign3A_1476 : i1 to i32
          %sign3A_1478 = arith.subi %sign3A_1474, %sign3A_1477 : i32
          %sign3A_1479 = arith.constant 0 : i32
          %sign3A_1480 = arith.cmpi sgt, %jit3A_1470, %sign3A_1479 : i32
          %sign3A_1481 = arith.extui %sign3A_1480 : i1 to i32
          %sign3A_1482 = arith.constant 0 : i32
          %sign3A_1483 = arith.cmpi slt, %jit3A_1470, %sign3A_1482 : i32
          %sign3A_1484 = arith.extui %sign3A_1483 : i1 to i32
          %sign3A_1485 = arith.subi %sign3A_1481, %sign3A_1484 : i32
          %ne3A_1486 = arith.cmpi ne, %sign3A_1478, %sign3A_1485 : i32
          %rem3A_1487 = arith.remsi %add3A_1340, %jit3A_1470 : i32
          %ne3A_1488 = arith.constant 0 : i32
          %ne3A_1489 = arith.cmpi ne, %rem3A_1487, %ne3A_1488 : i32
          %and3A_1490 = arith.andi %ne3A_1486, %ne3A_1489 : i1
          %sub3A_1491 = arith.constant 1 : i32
          %sub3A_1492 = arith.subi %div3A_1471, %sub3A_1491 : i32
          %select_n3A_1493 = arith.select %and3A_1490, %sub3A_1492, %div3A_1471 : i32
          %add3A_1494 = arith.constant 48 : i32
          %add3A_1495 = arith.addi %mul3A_1358, %add3A_1494 : i32
          %get3A_1496 = arith.index_cast %select_n3A_1493 : i32 to index
          %get3A_1497 = arith.index_cast %add3A_1495 : i32 to index
          %get3A_1498 = tpu.vector_load %arg8[%get3A_1496, %get3A_1497] {strides = array<i32>} : memref<100x128xf32, #tpu.memory_space<vmem>>, vector<1x16xf32>,
          %get3A_1499 = vector.shape_cast %get3A_1498 : vector<1x16xf32> to vector<16xf32>
          %swap3A_1500 = arith.constant 1 : i32
          %swap3A_1501 = arith.index_cast %swap3A_1500 : i32 to index
          %swap3A_1502 = arith.index_cast %add3A_1340 : i32 to index
          %swap3A_1503 = arith.constant 48 : index
          %swap3A_1504 = tpu.vector_load %arg7[%swap3A_1501, %swap3A_1502, %swap3A_1503] {strides = array<i32>} : memref<3x200x128xf32, #tpu.memory_space<vmem>>, vector<1x1x16xf32>,
          %swap3A_1505 = vector.shape_cast %swap3A_1504 : vector<1x1x16xf32> to vector<16xf32>
          %swap3A_1506 = vector.shape_cast %get3A_1499 : vector<16xf32> to vector<1x1x16xf32>
          tpu.vector_store %arg7[%swap3A_1501, %swap3A_1502, %swap3A_1503], %swap3A_1506 {add = true, strides = array<i32>} : memref<3x200x128xf32, #tpu.memory_space<vmem>>, vector<1x1x16xf32>,
        }
        %scan3A_121 = arith.constant 200 : i32
        %mul3A_122 = arith.constant 128 : i32
        %mul3A_123 = arith.muli %add3A, %mul3A_122 : i32
        %add3A_124 = arith.addi %mul3A_123, %add3A_84 : i32
        %mul3A_125 = arith.constant 200 : i32
        %mul3A_126 = arith.muli %add3A_124, %mul3A_125 : i32
        %dma_start3A_127 = arith.constant 1 : i32
        %dma_start3A_128 = arith.constant 1 : i32
        %dma_start3A_129 = arith.constant 0 : i32
        %dma_start3A_130 = arith.constant 0 : i32
        %dma_start3A_131 = tpu.memref_slice %arg7[%dma_start3A_127, %dma_start3A_129, %dma_start3A_130] : memref<3x200x128xf32, #tpu.memory_space<vmem>> -> memref<1x200x128xf32, #tpu.memory_space<vmem>>
        %dma_start3A_132 = tpu.memref_squeeze %dma_start3A_131 : memref<1x200x128xf32, #tpu.memory_space<vmem>> -> memref<200x128xf32, #tpu.memory_space<vmem>>
        %dma_start3A_133 = arith.constant 0 : i32
        %dma_start3A_134 = tpu.memref_slice %arg5[%mul3A_126, %dma_start3A_133] : memref<819200x128xf32, #tpu.memory_space<hbm>> -> memref<200x128xf32, #tpu.memory_space<hbm>>
        %dma_start3A_135 = tpu.memref_slice %arg10[%dma_start3A_128] : memref<3x!tpu.dma_semaphore, #tpu.memory_space<semaphore_mem>> -> memref<1x!tpu.dma_semaphore, #tpu.memory_space<semaphore_mem>>
        %dma_start3A_136 = tpu.memref_squeeze %dma_start3A_135 : memref<1x!tpu.dma_semaphore, #tpu.memory_space<semaphore_mem>> -> memref<!tpu.dma_semaphore, #tpu.memory_space<semaphore_mem>>
        %dma_start3A_137 = arith.constant 0 : i32
        %dma_start3A_138 = tpu.memref_slice %arg5[%mul3A_126, %dma_start3A_137] : memref<819200x128xf32, #tpu.memory_space<hbm>> -> memref<200x128xf32, #tpu.memory_space<hbm>>
        %dma_start3A_139 = arith.constant 0 : i32
        %dma_start3A_140 = arith.constant 0 : i32
        %dma_start3A_141 = tpu.memref_slice %arg7[%dma_start3A_127, %dma_start3A_139, %dma_start3A_140] : memref<3x200x128xf32, #tpu.memory_space<vmem>> -> memref<1x200x128xf32, #tpu.memory_space<vmem>>
        %dma_start3A_142 = tpu.memref_squeeze %dma_start3A_141 : memref<1x200x128xf32, #tpu.memory_space<vmem>> -> memref<200x128xf32, #tpu.memory_space<vmem>>
        tpu.enqueue_dma source(%dma_start3A_142 : memref<200x128xf32, #tpu.memory_space<vmem>>) target(%dma_start3A_138 : memref<200x128xf32, #tpu.memory_space<hbm>>) target_semaphore(%dma_start3A_136 : memref<!tpu.dma_semaphore, #tpu.memory_space<semaphore_mem>>)
      } else {
      }
      %add3A_90 = arith.constant 2 : i32
      %add3A_91 = arith.addi %add3A_78, %add3A_90 : i32
      %lt3A_92 = arith.constant 128 : i32
      %lt3A_93 = arith.cmpi slt, %add3A_91, %lt3A_92 : i32
      %convert_element_type3A_94 = arith.extui %lt3A_93 : i1 to i32
      %cond3A_95 = arith.constant 0 : i32
      %cond3A_96 = arith.cmpi ne, %convert_element_type3A_94, %cond3A_95 : i32
      scf.if %cond3A_96 {
        %add3A_97 = arith.constant 1 : i32
        %add3A_98 = arith.addi %add3A_91, %add3A_97 : i32
        %lt3A_99 = arith.constant 128 : i32
        %lt3A_100 = arith.cmpi slt, %add3A_98, %lt3A_99 : i32
        %convert_element_type3A_101 = arith.extui %lt3A_100 : i1 to i32
        %cond3A_102 = arith.constant 0 : i32
        %cond3A_103 = arith.cmpi ne, %convert_element_type3A_101, %cond3A_102 : i32
        scf.if %cond3A_103 {
          %ge3A = arith.constant 2 : i32
          %ge3A_143 = arith.cmpi sge, %add3A_91, %ge3A : i32
          %convert_element_type3A_144 = arith.extui %ge3A_143 : i1 to i32
          %cond3A_145 = arith.constant 0 : i32
          %cond3A_146 = arith.cmpi ne, %convert_element_type3A_144, %cond3A_145 : i32
          scf.if %cond3A_146 {
            %dma_wait3A_163 = arith.constant 0 : i32
            %dma_wait3A_164 = arith.constant 0 : i32
            %dma_wait3A_165 = arith.constant 0 : i32
            %dma_wait3A_166 = arith.constant 0 : i32
            %dma_wait3A_167 = tpu.memref_slice %arg7[%dma_wait3A_163, %dma_wait3A_165, %dma_wait3A_166] : memref<3x200x128xf32, #tpu.memory_space<vmem>> -> memref<1x200x128xf32, #tpu.memory_space<vmem>>
            %dma_wait3A_168 = tpu.memref_squeeze %dma_wait3A_167 : memref<1x200x128xf32, #tpu.memory_space<vmem>> -> memref<200x128xf32, #tpu.memory_space<vmem>>
            %dma_wait3A_169 = arith.constant 0 : i32
            %dma_wait3A_170 = arith.constant 0 : i32
            %dma_wait3A_171 = tpu.memref_slice %arg5[%dma_wait3A_169, %dma_wait3A_170] : memref<819200x128xf32, #tpu.memory_space<hbm>> -> memref<200x128xf32, #tpu.memory_space<hbm>>
            %dma_wait3A_172 = tpu.memref_slice %arg10[%dma_wait3A_164] : memref<3x!tpu.dma_semaphore, #tpu.memory_space<semaphore_mem>> -> memref<1x!tpu.dma_semaphore, #tpu.memory_space<semaphore_mem>>
            %dma_wait3A_173 = tpu.memref_squeeze %dma_wait3A_172 : memref<1x!tpu.dma_semaphore, #tpu.memory_space<semaphore_mem>> -> memref<!tpu.dma_semaphore, #tpu.memory_space<semaphore_mem>>
            %dma_wait3A_174 = arith.constant 0 : i32
            %dma_wait3A_175 = arith.constant 0 : i32
            %dma_wait3A_176 = tpu.memref_slice %arg5[%dma_wait3A_174, %dma_wait3A_175] : memref<819200x128xf32, #tpu.memory_space<hbm>> -> memref<200x128xf32, #tpu.memory_space<hbm>>
            %dma_wait3A_177 = arith.constant 0 : i32
            %dma_wait3A_178 = arith.constant 0 : i32
            %dma_wait3A_179 = tpu.memref_slice %arg7[%dma_wait3A_163, %dma_wait3A_177, %dma_wait3A_178] : memref<3x200x128xf32, #tpu.memory_space<vmem>> -> memref<1x200x128xf32, #tpu.memory_space<vmem>>
            %dma_wait3A_180 = tpu.memref_squeeze %dma_wait3A_179 : memref<1x200x128xf32, #tpu.memory_space<vmem>> -> memref<200x128xf32, #tpu.memory_space<vmem>>
            tpu.wait_dma2 semaphore(%dma_wait3A_173 : memref<!tpu.dma_semaphore, #tpu.memory_space<semaphore_mem>>) src(%dma_wait3A_180 : memref<200x128xf32, #tpu.memory_space<vmem>>) dst(%dma_wait3A_176 : memref<200x128xf32, #tpu.memory_space<hbm>>)
          } else {
          }
          %add3A_147 = arith.constant 1 : i32
          %add3A_148 = arith.addi %add3A_91, %add3A_147 : i32
          %mul3A_149 = arith.constant 200 : i32
          %mul3A_150 = arith.muli %add3A_148, %mul3A_149 : i32
          %dma_start3A_151 = arith.constant 0 : i32
          %dma_start3A_152 = arith.constant 0 : i32
          %dma_start3A_153 = arith.constant 0 : i32
          %dma_start3A_154 = arith.constant 0 : i32
          %dma_start3A_155 = tpu.memref_slice %arg7[%dma_start3A_151, %dma_start3A_153, %dma_start3A_154] : memref<3x200x128xf32, #tpu.memory_space<vmem>> -> memref<1x200x128xf32, #tpu.memory_space<vmem>>
          %dma_start3A_156 = tpu.memref_squeeze %dma_start3A_155 : memref<1x200x128xf32, #tpu.memory_space<vmem>> -> memref<200x128xf32, #tpu.memory_space<vmem>>
          %dma_start3A_157 = tpu.memref_slice %arg6[%mul3A_150] : memref<25600xi32, #tpu.memory_space<vmem>> -> memref<200xi32, #tpu.memory_space<vmem>>
          %dma_start3A_158 = arith.constant 0 : i32
          %dma_start3A_159 = arith.constant 0 : i32
          %dma_start3A_160 = tpu.memref_slice %arg3[%dma_start3A_158, %dma_start3A_159] : memref<1000000x128xf32, #tpu.memory_space<hbm>> -> memref<1000000x128xf32, #tpu.memory_space<hbm>>
          %dma_start3A_161 = tpu.memref_slice %arg9[%dma_start3A_152] : memref<3x!tpu.dma_semaphore, #tpu.memory_space<semaphore_mem>> -> memref<1x!tpu.dma_semaphore, #tpu.memory_space<semaphore_mem>>
          %dma_start3A_162 = tpu.memref_squeeze %dma_start3A_161 : memref<1x!tpu.dma_semaphore, #tpu.memory_space<semaphore_mem>> -> memref<!tpu.dma_semaphore, #tpu.memory_space<semaphore_mem>>
          tpu.enqueue_indirect_dma source(%dma_start3A_160 : memref<1000000x128xf32, #tpu.memory_space<hbm>>) target(%dma_start3A_156 : memref<200x128xf32, #tpu.memory_space<vmem>>) offsets(%dma_start3A_157 : memref<200xi32, #tpu.memory_space<vmem>>) semaphore(%dma_start3A_162 : memref<!tpu.dma_semaphore, #tpu.memory_space<semaphore_mem>>)
        } else {
        }
        %dma_wait3A_104 = arith.constant 2 : i32
        %dma_wait3A_105 = arith.constant 2 : i32
        %dma_wait3A_106 = arith.constant 0 : i32
        %dma_wait3A_107 = arith.constant 0 : i32
        %dma_wait3A_108 = tpu.memref_slice %arg7[%dma_wait3A_104, %dma_wait3A_106, %dma_wait3A_107] : memref<3x200x128xf32, #tpu.memory_space<vmem>> -> memref<1x200x128xf32, #tpu.memory_space<vmem>>
        %dma_wait3A_109 = tpu.memref_squeeze %dma_wait3A_108 : memref<1x200x128xf32, #tpu.memory_space<vmem>> -> memref<200x128xf32, #tpu.memory_space<vmem>>
        %dma_wait3A_110 = arith.constant 0 : i32
        %dma_wait3A_111 = tpu.memref_slice %arg6[%dma_wait3A_110] : memref<25600xi32, #tpu.memory_space<vmem>> -> memref<200xi32, #tpu.memory_space<vmem>>
        %dma_wait3A_112 = arith.constant 0 : i32
        %dma_wait3A_113 = arith.constant 0 : i32
        %dma_wait3A_114 = tpu.memref_slice %arg3[%dma_wait3A_112, %dma_wait3A_113] : memref<1000000x128xf32, #tpu.memory_space<hbm>> -> memref<1000000x128xf32, #tpu.memory_space<hbm>>
        %dma_wait3A_115 = tpu.memref_slice %arg9[%dma_wait3A_105] : memref<3x!tpu.dma_semaphore, #tpu.memory_space<semaphore_mem>> -> memref<1x!tpu.dma_semaphore, #tpu.memory_space<semaphore_mem>>
        %dma_wait3A_116 = tpu.memref_squeeze %dma_wait3A_115 : memref<1x!tpu.dma_semaphore, #tpu.memory_space<semaphore_mem>> -> memref<!tpu.dma_semaphore, #tpu.memory_space<semaphore_mem>>
        tpu.wait_indirect_dma semaphore(%dma_wait3A_116 : memref<!tpu.dma_semaphore, #tpu.memory_space<semaphore_mem>>) src(%dma_wait3A_114 : memref<1000000x128xf32, #tpu.memory_space<hbm>>) dst(%dma_wait3A_109 : memref<200x128xf32, #tpu.memory_space<vmem>>)
        %scan3A_117 = arith.constant 0 : i32
        %scan3A_118 = arith.constant 200 : i32
        %scan3A_119 = arith.addi %scan3A_117, %scan3A_118 : i32
        %scan3A_120 = arith.constant 8 : i32
        scf.for %scan3A_143 = %scan3A_117 to %scan3A_119 step %scan3A_120  : i32 {
          %mul3A_144 = arith.constant 1 : i32
          %mul3A_145 = arith.muli %scan3A_143, %mul3A_144 : i32
          %add3A_146 = arith.constant 0 : i32
          %add3A_147 = arith.addi %add3A_146, %mul3A_145 : i32
          %jit3A = arith.constant 2 : i32
          %eq3A = arith.constant 0 : i32
          %eq3A_148 = arith.cmpi eq, %jit3A, %eq3A : i32
          %jit3A_149 = arith.constant 1 : i32
          %select_n3A = arith.select %eq3A_148, %jit3A_149, %jit3A : i32
          %rem3A = arith.remsi %add3A_147, %select_n3A : i32
          %ne3A = arith.constant 0 : i32
          %ne3A_150 = arith.cmpi ne, %rem3A, %ne3A : i32
          %lt3A_151 = arith.constant 0 : i32
          %lt3A_152 = arith.cmpi slt, %rem3A, %lt3A_151 : i32
          %lt3A_153 = arith.constant 0 : i32
          %lt3A_154 = arith.cmpi slt, %select_n3A, %lt3A_153 : i32
          %ne3A_155 = arith.xori %lt3A_152, %lt3A_154 : i1
          %and3A = arith.andi %ne3A_155, %ne3A_150 : i1
          %add3A_156 = arith.addi %rem3A, %select_n3A : i32
          %select_n3A_157 = arith.select %and3A, %add3A_156, %rem3A : i32
          %mul3A_158 = arith.constant 64 : i32
          %mul3A_159 = arith.muli %select_n3A_157, %mul3A_158 : i32
          %jit3A_160 = arith.constant 2 : i32
          %div3A = arith.divsi %add3A_147, %jit3A_160 : i32
          %sign3A = arith.constant 0 : i32
          %sign3A_161 = arith.cmpi sgt, %add3A_147, %sign3A : i32
          %sign3A_162 = arith.extui %sign3A_161 : i1 to i32
          %sign3A_163 = arith.constant 0 : i32
          %sign3A_164 = arith.cmpi slt, %add3A_147, %sign3A_163 : i32
          %sign3A_165 = arith.extui %sign3A_164 : i1 to i32
          %sign3A_166 = arith.subi %sign3A_162, %sign3A_165 : i32
          %sign3A_167 = arith.constant 0 : i32
          %sign3A_168 = arith.cmpi sgt, %jit3A_160, %sign3A_167 : i32
          %sign3A_169 = arith.extui %sign3A_168 : i1 to i32
          %sign3A_170 = arith.constant 0 : i32
          %sign3A_171 = arith.cmpi slt, %jit3A_160, %sign3A_170 : i32
          %sign3A_172 = arith.extui %sign3A_171 : i1 to i32
          %sign3A_173 = arith.subi %sign3A_169, %sign3A_172 : i32
          %ne3A_174 = arith.cmpi ne, %sign3A_166, %sign3A_173 : i32
          %rem3A_175 = arith.remsi %add3A_147, %jit3A_160 : i32
          %ne3A_176 = arith.constant 0 : i32
          %ne3A_177 = arith.cmpi ne, %rem3A_175, %ne3A_176 : i32
          %and3A_178 = arith.andi %ne3A_174, %ne3A_177 : i1
          %sub3A = arith.constant 1 : i32
          %sub3A_179 = arith.subi %div3A, %sub3A : i32
          %select_n3A_180 = arith.select %and3A_178, %sub3A_179, %div3A : i32
          %add3A_181 = arith.constant 0 : i32
          %add3A_182 = arith.addi %mul3A_159, %add3A_181 : i32
          %get3A = arith.index_cast %select_n3A_180 : i32 to index
          %get3A_183 = arith.index_cast %add3A_182 : i32 to index
          %get3A_184 = tpu.vector_load %arg8[%get3A, %get3A_183] {strides = array<i32>} : memref<100x128xf32, #tpu.memory_space<vmem>>, vector<1x16xf32>,
          %get3A_185 = vector.shape_cast %get3A_184 : vector<1x16xf32> to vector<16xf32>
          %swap3A = arith.constant 2 : i32
          %swap3A_186 = arith.index_cast %swap3A : i32 to index
          %swap3A_187 = arith.index_cast %add3A_147 : i32 to index
          %swap3A_188 = arith.constant 0 : index
          %swap3A_189 = tpu.vector_load %arg7[%swap3A_186, %swap3A_187, %swap3A_188] {strides = array<i32>} : memref<3x200x128xf32, #tpu.memory_space<vmem>>, vector<1x1x16xf32>,
          %swap3A_190 = vector.shape_cast %swap3A_189 : vector<1x1x16xf32> to vector<16xf32>
          %swap3A_191 = vector.shape_cast %get3A_185 : vector<16xf32> to vector<1x1x16xf32>
          tpu.vector_store %arg7[%swap3A_186, %swap3A_187, %swap3A_188], %swap3A_191 {add = true, strides = array<i32>} : memref<3x200x128xf32, #tpu.memory_space<vmem>>, vector<1x1x16xf32>,
          %jit3A_192 = arith.constant 2 : i32
          %div3A_193 = arith.divsi %add3A_147, %jit3A_192 : i32
          %sign3A_194 = arith.constant 0 : i32
          %sign3A_195 = arith.cmpi sgt, %add3A_147, %sign3A_194 : i32
          %sign3A_196 = arith.extui %sign3A_195 : i1 to i32
          %sign3A_197 = arith.constant 0 : i32
          %sign3A_198 = arith.cmpi slt, %add3A_147, %sign3A_197 : i32
          %sign3A_199 = arith.extui %sign3A_198 : i1 to i32
          %sign3A_200 = arith.subi %sign3A_196, %sign3A_199 : i32
          %sign3A_201 = arith.constant 0 : i32
          %sign3A_202 = arith.cmpi sgt, %jit3A_192, %sign3A_201 : i32
          %sign3A_203 = arith.extui %sign3A_202 : i1 to i32
          %sign3A_204 = arith.constant 0 : i32
          %sign3A_205 = arith.cmpi slt, %jit3A_192, %sign3A_204 : i32
          %sign3A_206 = arith.extui %sign3A_205 : i1 to i32
          %sign3A_207 = arith.subi %sign3A_203, %sign3A_206 : i32
          %ne3A_208 = arith.cmpi ne, %sign3A_200, %sign3A_207 : i32
          %rem3A_209 = arith.remsi %add3A_147, %jit3A_192 : i32
          %ne3A_210 = arith.constant 0 : i32
          %ne3A_211 = arith.cmpi ne, %rem3A_209, %ne3A_210 : i32
          %and3A_212 = arith.andi %ne3A_208, %ne3A_211 : i1
          %sub3A_213 = arith.constant 1 : i32
          %sub3A_214 = arith.subi %div3A_193, %sub3A_213 : i32
          %select_n3A_215 = arith.select %and3A_212, %sub3A_214, %div3A_193 : i32
          %add3A_216 = arith.constant 16 : i32
          %add3A_217 = arith.addi %mul3A_159, %add3A_216 : i32
          %get3A_218 = arith.index_cast %select_n3A_215 : i32 to index
          %get3A_219 = arith.index_cast %add3A_217 : i32 to index
          %get3A_220 = tpu.vector_load %arg8[%get3A_218, %get3A_219] {strides = array<i32>} : memref<100x128xf32, #tpu.memory_space<vmem>>, vector<1x16xf32>,
          %get3A_221 = vector.shape_cast %get3A_220 : vector<1x16xf32> to vector<16xf32>
          %swap3A_222 = arith.constant 2 : i32
          %swap3A_223 = arith.index_cast %swap3A_222 : i32 to index
          %swap3A_224 = arith.index_cast %add3A_147 : i32 to index
          %swap3A_225 = arith.constant 16 : index
          %swap3A_226 = tpu.vector_load %arg7[%swap3A_223, %swap3A_224, %swap3A_225] {strides = array<i32>} : memref<3x200x128xf32, #tpu.memory_space<vmem>>, vector<1x1x16xf32>,
          %swap3A_227 = vector.shape_cast %swap3A_226 : vector<1x1x16xf32> to vector<16xf32>
          %swap3A_228 = vector.shape_cast %get3A_221 : vector<16xf32> to vector<1x1x16xf32>
          tpu.vector_store %arg7[%swap3A_223, %swap3A_224, %swap3A_225], %swap3A_228 {add = true, strides = array<i32>} : memref<3x200x128xf32, #tpu.memory_space<vmem>>, vector<1x1x16xf32>,
          %jit3A_229 = arith.constant 2 : i32
          %div3A_230 = arith.divsi %add3A_147, %jit3A_229 : i32
          %sign3A_231 = arith.constant 0 : i32
          %sign3A_232 = arith.cmpi sgt, %add3A_147, %sign3A_231 : i32
          %sign3A_233 = arith.extui %sign3A_232 : i1 to i32
          %sign3A_234 = arith.constant 0 : i32
          %sign3A_235 = arith.cmpi slt, %add3A_147, %sign3A_234 : i32
          %sign3A_236 = arith.extui %sign3A_235 : i1 to i32
          %sign3A_237 = arith.subi %sign3A_233, %sign3A_236 : i32
          %sign3A_238 = arith.constant 0 : i32
          %sign3A_239 = arith.cmpi sgt, %jit3A_229, %sign3A_238 : i32
          %sign3A_240 = arith.extui %sign3A_239 : i1 to i32
          %sign3A_241 = arith.constant 0 : i32
          %sign3A_242 = arith.cmpi slt, %jit3A_229, %sign3A_241 : i32
          %sign3A_243 = arith.extui %sign3A_242 : i1 to i32
          %sign3A_244 = arith.subi %sign3A_240, %sign3A_243 : i32
          %ne3A_245 = arith.cmpi ne, %sign3A_237, %sign3A_244 : i32
          %rem3A_246 = arith.remsi %add3A_147, %jit3A_229 : i32
          %ne3A_247 = arith.constant 0 : i32
          %ne3A_248 = arith.cmpi ne, %rem3A_246, %ne3A_247 : i32
          %and3A_249 = arith.andi %ne3A_245, %ne3A_248 : i1
          %sub3A_250 = arith.constant 1 : i32
          %sub3A_251 = arith.subi %div3A_230, %sub3A_250 : i32
          %select_n3A_252 = arith.select %and3A_249, %sub3A_251, %div3A_230 : i32
          %add3A_253 = arith.constant 32 : i32
          %add3A_254 = arith.addi %mul3A_159, %add3A_253 : i32
          %get3A_255 = arith.index_cast %select_n3A_252 : i32 to index
          %get3A_256 = arith.index_cast %add3A_254 : i32 to index
          %get3A_257 = tpu.vector_load %arg8[%get3A_255, %get3A_256] {strides = array<i32>} : memref<100x128xf32, #tpu.memory_space<vmem>>, vector<1x16xf32>,
          %get3A_258 = vector.shape_cast %get3A_257 : vector<1x16xf32> to vector<16xf32>
          %swap3A_259 = arith.constant 2 : i32
          %swap3A_260 = arith.index_cast %swap3A_259 : i32 to index
          %swap3A_261 = arith.index_cast %add3A_147 : i32 to index
          %swap3A_262 = arith.constant 32 : index
          %swap3A_263 = tpu.vector_load %arg7[%swap3A_260, %swap3A_261, %swap3A_262] {strides = array<i32>} : memref<3x200x128xf32, #tpu.memory_space<vmem>>, vector<1x1x16xf32>,
          %swap3A_264 = vector.shape_cast %swap3A_263 : vector<1x1x16xf32> to vector<16xf32>
          %swap3A_265 = vector.shape_cast %get3A_258 : vector<16xf32> to vector<1x1x16xf32>
          tpu.vector_store %arg7[%swap3A_260, %swap3A_261, %swap3A_262], %swap3A_265 {add = true, strides = array<i32>} : memref<3x200x128xf32, #tpu.memory_space<vmem>>, vector<1x1x16xf32>,
          %jit3A_266 = arith.constant 2 : i32
          %div3A_267 = arith.divsi %add3A_147, %jit3A_266 : i32
          %sign3A_268 = arith.constant 0 : i32
          %sign3A_269 = arith.cmpi sgt, %add3A_147, %sign3A_268 : i32
          %sign3A_270 = arith.extui %sign3A_269 : i1 to i32
          %sign3A_271 = arith.constant 0 : i32
          %sign3A_272 = arith.cmpi slt, %add3A_147, %sign3A_271 : i32
          %sign3A_273 = arith.extui %sign3A_272 : i1 to i32
          %sign3A_274 = arith.subi %sign3A_270, %sign3A_273 : i32
          %sign3A_275 = arith.constant 0 : i32
          %sign3A_276 = arith.cmpi sgt, %jit3A_266, %sign3A_275 : i32
          %sign3A_277 = arith.extui %sign3A_276 : i1 to i32
          %sign3A_278 = arith.constant 0 : i32
          %sign3A_279 = arith.cmpi slt, %jit3A_266, %sign3A_278 : i32
          %sign3A_280 = arith.extui %sign3A_279 : i1 to i32
          %sign3A_281 = arith.subi %sign3A_277, %sign3A_280 : i32
          %ne3A_282 = arith.cmpi ne, %sign3A_274, %sign3A_281 : i32
          %rem3A_283 = arith.remsi %add3A_147, %jit3A_266 : i32
          %ne3A_284 = arith.constant 0 : i32
          %ne3A_285 = arith.cmpi ne, %rem3A_283, %ne3A_284 : i32
          %and3A_286 = arith.andi %ne3A_282, %ne3A_285 : i1
          %sub3A_287 = arith.constant 1 : i32
          %sub3A_288 = arith.subi %div3A_267, %sub3A_287 : i32
          %select_n3A_289 = arith.select %and3A_286, %sub3A_288, %div3A_267 : i32
          %add3A_290 = arith.constant 48 : i32
          %add3A_291 = arith.addi %mul3A_159, %add3A_290 : i32
          %get3A_292 = arith.index_cast %select_n3A_289 : i32 to index
          %get3A_293 = arith.index_cast %add3A_291 : i32 to index
          %get3A_294 = tpu.vector_load %arg8[%get3A_292, %get3A_293] {strides = array<i32>} : memref<100x128xf32, #tpu.memory_space<vmem>>, vector<1x16xf32>,
          %get3A_295 = vector.shape_cast %get3A_294 : vector<1x16xf32> to vector<16xf32>
          %swap3A_296 = arith.constant 2 : i32
          %swap3A_297 = arith.index_cast %swap3A_296 : i32 to index
          %swap3A_298 = arith.index_cast %add3A_147 : i32 to index
          %swap3A_299 = arith.constant 48 : index
          %swap3A_300 = tpu.vector_load %arg7[%swap3A_297, %swap3A_298, %swap3A_299] {strides = array<i32>} : memref<3x200x128xf32, #tpu.memory_space<vmem>>, vector<1x1x16xf32>,
          %swap3A_301 = vector.shape_cast %swap3A_300 : vector<1x1x16xf32> to vector<16xf32>
          %swap3A_302 = vector.shape_cast %get3A_295 : vector<16xf32> to vector<1x1x16xf32>
          tpu.vector_store %arg7[%swap3A_297, %swap3A_298, %swap3A_299], %swap3A_302 {add = true, strides = array<i32>} : memref<3x200x128xf32, #tpu.memory_space<vmem>>, vector<1x1x16xf32>,
          %scan3A_303 = arith.constant 1 : i32
          %scan3A_304 = arith.addi %scan3A_143, %scan3A_303 : i32
          %mul3A_305 = arith.constant 1 : i32
          %mul3A_306 = arith.muli %scan3A_304, %mul3A_305 : i32
          %add3A_307 = arith.constant 0 : i32
          %add3A_308 = arith.addi %add3A_307, %mul3A_306 : i32
          %jit3A_309 = arith.constant 2 : i32
          %eq3A_310 = arith.constant 0 : i32
          %eq3A_311 = arith.cmpi eq, %jit3A_309, %eq3A_310 : i32
          %jit3A_312 = arith.constant 1 : i32
          %select_n3A_313 = arith.select %eq3A_311, %jit3A_312, %jit3A_309 : i32
          %rem3A_314 = arith.remsi %add3A_308, %select_n3A_313 : i32
          %ne3A_315 = arith.constant 0 : i32
          %ne3A_316 = arith.cmpi ne, %rem3A_314, %ne3A_315 : i32
          %lt3A_317 = arith.constant 0 : i32
          %lt3A_318 = arith.cmpi slt, %rem3A_314, %lt3A_317 : i32
          %lt3A_319 = arith.constant 0 : i32
          %lt3A_320 = arith.cmpi slt, %select_n3A_313, %lt3A_319 : i32
          %ne3A_321 = arith.xori %lt3A_318, %lt3A_320 : i1
          %and3A_322 = arith.andi %ne3A_321, %ne3A_316 : i1
          %add3A_323 = arith.addi %rem3A_314, %select_n3A_313 : i32
          %select_n3A_324 = arith.select %and3A_322, %add3A_323, %rem3A_314 : i32
          %mul3A_325 = arith.constant 64 : i32
          %mul3A_326 = arith.muli %select_n3A_324, %mul3A_325 : i32
          %jit3A_327 = arith.constant 2 : i32
          %div3A_328 = arith.divsi %add3A_308, %jit3A_327 : i32
          %sign3A_329 = arith.constant 0 : i32
          %sign3A_330 = arith.cmpi sgt, %add3A_308, %sign3A_329 : i32
          %sign3A_331 = arith.extui %sign3A_330 : i1 to i32
          %sign3A_332 = arith.constant 0 : i32
          %sign3A_333 = arith.cmpi slt, %add3A_308, %sign3A_332 : i32
          %sign3A_334 = arith.extui %sign3A_333 : i1 to i32
          %sign3A_335 = arith.subi %sign3A_331, %sign3A_334 : i32
          %sign3A_336 = arith.constant 0 : i32
          %sign3A_337 = arith.cmpi sgt, %jit3A_327, %sign3A_336 : i32
          %sign3A_338 = arith.extui %sign3A_337 : i1 to i32
          %sign3A_339 = arith.constant 0 : i32
          %sign3A_340 = arith.cmpi slt, %jit3A_327, %sign3A_339 : i32
          %sign3A_341 = arith.extui %sign3A_340 : i1 to i32
          %sign3A_342 = arith.subi %sign3A_338, %sign3A_341 : i32
          %ne3A_343 = arith.cmpi ne, %sign3A_335, %sign3A_342 : i32
          %rem3A_344 = arith.remsi %add3A_308, %jit3A_327 : i32
          %ne3A_345 = arith.constant 0 : i32
          %ne3A_346 = arith.cmpi ne, %rem3A_344, %ne3A_345 : i32
          %and3A_347 = arith.andi %ne3A_343, %ne3A_346 : i1
          %sub3A_348 = arith.constant 1 : i32
          %sub3A_349 = arith.subi %div3A_328, %sub3A_348 : i32
          %select_n3A_350 = arith.select %and3A_347, %sub3A_349, %div3A_328 : i32
          %add3A_351 = arith.constant 0 : i32
          %add3A_352 = arith.addi %mul3A_326, %add3A_351 : i32
          %get3A_353 = arith.index_cast %select_n3A_350 : i32 to index
          %get3A_354 = arith.index_cast %add3A_352 : i32 to index
          %get3A_355 = tpu.vector_load %arg8[%get3A_353, %get3A_354] {strides = array<i32>} : memref<100x128xf32, #tpu.memory_space<vmem>>, vector<1x16xf32>,
          %get3A_356 = vector.shape_cast %get3A_355 : vector<1x16xf32> to vector<16xf32>
          %swap3A_357 = arith.constant 2 : i32
          %swap3A_358 = arith.index_cast %swap3A_357 : i32 to index
          %swap3A_359 = arith.index_cast %add3A_308 : i32 to index
          %swap3A_360 = arith.constant 0 : index
          %swap3A_361 = tpu.vector_load %arg7[%swap3A_358, %swap3A_359, %swap3A_360] {strides = array<i32>} : memref<3x200x128xf32, #tpu.memory_space<vmem>>, vector<1x1x16xf32>,
          %swap3A_362 = vector.shape_cast %swap3A_361 : vector<1x1x16xf32> to vector<16xf32>
          %swap3A_363 = vector.shape_cast %get3A_356 : vector<16xf32> to vector<1x1x16xf32>
          tpu.vector_store %arg7[%swap3A_358, %swap3A_359, %swap3A_360], %swap3A_363 {add = true, strides = array<i32>} : memref<3x200x128xf32, #tpu.memory_space<vmem>>, vector<1x1x16xf32>,
          %jit3A_364 = arith.constant 2 : i32
          %div3A_365 = arith.divsi %add3A_308, %jit3A_364 : i32
          %sign3A_366 = arith.constant 0 : i32
          %sign3A_367 = arith.cmpi sgt, %add3A_308, %sign3A_366 : i32
          %sign3A_368 = arith.extui %sign3A_367 : i1 to i32
          %sign3A_369 = arith.constant 0 : i32
          %sign3A_370 = arith.cmpi slt, %add3A_308, %sign3A_369 : i32
          %sign3A_371 = arith.extui %sign3A_370 : i1 to i32
          %sign3A_372 = arith.subi %sign3A_368, %sign3A_371 : i32
          %sign3A_373 = arith.constant 0 : i32
          %sign3A_374 = arith.cmpi sgt, %jit3A_364, %sign3A_373 : i32
          %sign3A_375 = arith.extui %sign3A_374 : i1 to i32
          %sign3A_376 = arith.constant 0 : i32
          %sign3A_377 = arith.cmpi slt, %jit3A_364, %sign3A_376 : i32
          %sign3A_378 = arith.extui %sign3A_377 : i1 to i32
          %sign3A_379 = arith.subi %sign3A_375, %sign3A_378 : i32
          %ne3A_380 = arith.cmpi ne, %sign3A_372, %sign3A_379 : i32
          %rem3A_381 = arith.remsi %add3A_308, %jit3A_364 : i32
          %ne3A_382 = arith.constant 0 : i32
          %ne3A_383 = arith.cmpi ne, %rem3A_381, %ne3A_382 : i32
          %and3A_384 = arith.andi %ne3A_380, %ne3A_383 : i1
          %sub3A_385 = arith.constant 1 : i32
          %sub3A_386 = arith.subi %div3A_365, %sub3A_385 : i32
          %select_n3A_387 = arith.select %and3A_384, %sub3A_386, %div3A_365 : i32
          %add3A_388 = arith.constant 16 : i32
          %add3A_389 = arith.addi %mul3A_326, %add3A_388 : i32
          %get3A_390 = arith.index_cast %select_n3A_387 : i32 to index
          %get3A_391 = arith.index_cast %add3A_389 : i32 to index
          %get3A_392 = tpu.vector_load %arg8[%get3A_390, %get3A_391] {strides = array<i32>} : memref<100x128xf32, #tpu.memory_space<vmem>>, vector<1x16xf32>,
          %get3A_393 = vector.shape_cast %get3A_392 : vector<1x16xf32> to vector<16xf32>
          %swap3A_394 = arith.constant 2 : i32
          %swap3A_395 = arith.index_cast %swap3A_394 : i32 to index
          %swap3A_396 = arith.index_cast %add3A_308 : i32 to index
          %swap3A_397 = arith.constant 16 : index
          %swap3A_398 = tpu.vector_load %arg7[%swap3A_395, %swap3A_396, %swap3A_397] {strides = array<i32>} : memref<3x200x128xf32, #tpu.memory_space<vmem>>, vector<1x1x16xf32>,
          %swap3A_399 = vector.shape_cast %swap3A_398 : vector<1x1x16xf32> to vector<16xf32>
          %swap3A_400 = vector.shape_cast %get3A_393 : vector<16xf32> to vector<1x1x16xf32>
          tpu.vector_store %arg7[%swap3A_395, %swap3A_396, %swap3A_397], %swap3A_400 {add = true, strides = array<i32>} : memref<3x200x128xf32, #tpu.memory_space<vmem>>, vector<1x1x16xf32>,
          %jit3A_401 = arith.constant 2 : i32
          %div3A_402 = arith.divsi %add3A_308, %jit3A_401 : i32
          %sign3A_403 = arith.constant 0 : i32
          %sign3A_404 = arith.cmpi sgt, %add3A_308, %sign3A_403 : i32
          %sign3A_405 = arith.extui %sign3A_404 : i1 to i32
          %sign3A_406 = arith.constant 0 : i32
          %sign3A_407 = arith.cmpi slt, %add3A_308, %sign3A_406 : i32
          %sign3A_408 = arith.extui %sign3A_407 : i1 to i32
          %sign3A_409 = arith.subi %sign3A_405, %sign3A_408 : i32
          %sign3A_410 = arith.constant 0 : i32
          %sign3A_411 = arith.cmpi sgt, %jit3A_401, %sign3A_410 : i32
          %sign3A_412 = arith.extui %sign3A_411 : i1 to i32
          %sign3A_413 = arith.constant 0 : i32
          %sign3A_414 = arith.cmpi slt, %jit3A_401, %sign3A_413 : i32
          %sign3A_415 = arith.extui %sign3A_414 : i1 to i32
          %sign3A_416 = arith.subi %sign3A_412, %sign3A_415 : i32
          %ne3A_417 = arith.cmpi ne, %sign3A_409, %sign3A_416 : i32
          %rem3A_418 = arith.remsi %add3A_308, %jit3A_401 : i32
          %ne3A_419 = arith.constant 0 : i32
          %ne3A_420 = arith.cmpi ne, %rem3A_418, %ne3A_419 : i32
          %and3A_421 = arith.andi %ne3A_417, %ne3A_420 : i1
          %sub3A_422 = arith.constant 1 : i32
          %sub3A_423 = arith.subi %div3A_402, %sub3A_422 : i32
          %select_n3A_424 = arith.select %and3A_421, %sub3A_423, %div3A_402 : i32
          %add3A_425 = arith.constant 32 : i32
          %add3A_426 = arith.addi %mul3A_326, %add3A_425 : i32
          %get3A_427 = arith.index_cast %select_n3A_424 : i32 to index
          %get3A_428 = arith.index_cast %add3A_426 : i32 to index
          %get3A_429 = tpu.vector_load %arg8[%get3A_427, %get3A_428] {strides = array<i32>} : memref<100x128xf32, #tpu.memory_space<vmem>>, vector<1x16xf32>,
          %get3A_430 = vector.shape_cast %get3A_429 : vector<1x16xf32> to vector<16xf32>
          %swap3A_431 = arith.constant 2 : i32
          %swap3A_432 = arith.index_cast %swap3A_431 : i32 to index
          %swap3A_433 = arith.index_cast %add3A_308 : i32 to index
          %swap3A_434 = arith.constant 32 : index
          %swap3A_435 = tpu.vector_load %arg7[%swap3A_432, %swap3A_433, %swap3A_434] {strides = array<i32>} : memref<3x200x128xf32, #tpu.memory_space<vmem>>, vector<1x1x16xf32>,
          %swap3A_436 = vector.shape_cast %swap3A_435 : vector<1x1x16xf32> to vector<16xf32>
          %swap3A_437 = vector.shape_cast %get3A_430 : vector<16xf32> to vector<1x1x16xf32>
          tpu.vector_store %arg7[%swap3A_432, %swap3A_433, %swap3A_434], %swap3A_437 {add = true, strides = array<i32>} : memref<3x200x128xf32, #tpu.memory_space<vmem>>, vector<1x1x16xf32>,
          %jit3A_438 = arith.constant 2 : i32
          %div3A_439 = arith.divsi %add3A_308, %jit3A_438 : i32
          %sign3A_440 = arith.constant 0 : i32
          %sign3A_441 = arith.cmpi sgt, %add3A_308, %sign3A_440 : i32
          %sign3A_442 = arith.extui %sign3A_441 : i1 to i32
          %sign3A_443 = arith.constant 0 : i32
          %sign3A_444 = arith.cmpi slt, %add3A_308, %sign3A_443 : i32
          %sign3A_445 = arith.extui %sign3A_444 : i1 to i32
          %sign3A_446 = arith.subi %sign3A_442, %sign3A_445 : i32
          %sign3A_447 = arith.constant 0 : i32
          %sign3A_448 = arith.cmpi sgt, %jit3A_438, %sign3A_447 : i32
          %sign3A_449 = arith.extui %sign3A_448 : i1 to i32
          %sign3A_450 = arith.constant 0 : i32
          %sign3A_451 = arith.cmpi slt, %jit3A_438, %sign3A_450 : i32
          %sign3A_452 = arith.extui %sign3A_451 : i1 to i32
          %sign3A_453 = arith.subi %sign3A_449, %sign3A_452 : i32
          %ne3A_454 = arith.cmpi ne, %sign3A_446, %sign3A_453 : i32
          %rem3A_455 = arith.remsi %add3A_308, %jit3A_438 : i32
          %ne3A_456 = arith.constant 0 : i32
          %ne3A_457 = arith.cmpi ne, %rem3A_455, %ne3A_456 : i32
          %and3A_458 = arith.andi %ne3A_454, %ne3A_457 : i1
          %sub3A_459 = arith.constant 1 : i32
          %sub3A_460 = arith.subi %div3A_439, %sub3A_459 : i32
          %select_n3A_461 = arith.select %and3A_458, %sub3A_460, %div3A_439 : i32
          %add3A_462 = arith.constant 48 : i32
          %add3A_463 = arith.addi %mul3A_326, %add3A_462 : i32
          %get3A_464 = arith.index_cast %select_n3A_461 : i32 to index
          %get3A_465 = arith.index_cast %add3A_463 : i32 to index
          %get3A_466 = tpu.vector_load %arg8[%get3A_464, %get3A_465] {strides = array<i32>} : memref<100x128xf32, #tpu.memory_space<vmem>>, vector<1x16xf32>,
          %get3A_467 = vector.shape_cast %get3A_466 : vector<1x16xf32> to vector<16xf32>
          %swap3A_468 = arith.constant 2 : i32
          %swap3A_469 = arith.index_cast %swap3A_468 : i32 to index
          %swap3A_470 = arith.index_cast %add3A_308 : i32 to index
          %swap3A_471 = arith.constant 48 : index
          %swap3A_472 = tpu.vector_load %arg7[%swap3A_469, %swap3A_470, %swap3A_471] {strides = array<i32>} : memref<3x200x128xf32, #tpu.memory_space<vmem>>, vector<1x1x16xf32>,
          %swap3A_473 = vector.shape_cast %swap3A_472 : vector<1x1x16xf32> to vector<16xf32>
          %swap3A_474 = vector.shape_cast %get3A_467 : vector<16xf32> to vector<1x1x16xf32>
          tpu.vector_store %arg7[%swap3A_469, %swap3A_470, %swap3A_471], %swap3A_474 {add = true, strides = array<i32>} : memref<3x200x128xf32, #tpu.memory_space<vmem>>, vector<1x1x16xf32>,
          %scan3A_475 = arith.constant 2 : i32
          %scan3A_476 = arith.addi %scan3A_143, %scan3A_475 : i32
          %mul3A_477 = arith.constant 1 : i32
          %mul3A_478 = arith.muli %scan3A_476, %mul3A_477 : i32
          %add3A_479 = arith.constant 0 : i32
          %add3A_480 = arith.addi %add3A_479, %mul3A_478 : i32
          %jit3A_481 = arith.constant 2 : i32
          %eq3A_482 = arith.constant 0 : i32
          %eq3A_483 = arith.cmpi eq, %jit3A_481, %eq3A_482 : i32
          %jit3A_484 = arith.constant 1 : i32
          %select_n3A_485 = arith.select %eq3A_483, %jit3A_484, %jit3A_481 : i32
          %rem3A_486 = arith.remsi %add3A_480, %select_n3A_485 : i32
          %ne3A_487 = arith.constant 0 : i32
          %ne3A_488 = arith.cmpi ne, %rem3A_486, %ne3A_487 : i32
          %lt3A_489 = arith.constant 0 : i32
          %lt3A_490 = arith.cmpi slt, %rem3A_486, %lt3A_489 : i32
          %lt3A_491 = arith.constant 0 : i32
          %lt3A_492 = arith.cmpi slt, %select_n3A_485, %lt3A_491 : i32
          %ne3A_493 = arith.xori %lt3A_490, %lt3A_492 : i1
          %and3A_494 = arith.andi %ne3A_493, %ne3A_488 : i1
          %add3A_495 = arith.addi %rem3A_486, %select_n3A_485 : i32
          %select_n3A_496 = arith.select %and3A_494, %add3A_495, %rem3A_486 : i32
          %mul3A_497 = arith.constant 64 : i32
          %mul3A_498 = arith.muli %select_n3A_496, %mul3A_497 : i32
          %jit3A_499 = arith.constant 2 : i32
          %div3A_500 = arith.divsi %add3A_480, %jit3A_499 : i32
          %sign3A_501 = arith.constant 0 : i32
          %sign3A_502 = arith.cmpi sgt, %add3A_480, %sign3A_501 : i32
          %sign3A_503 = arith.extui %sign3A_502 : i1 to i32
          %sign3A_504 = arith.constant 0 : i32
          %sign3A_505 = arith.cmpi slt, %add3A_480, %sign3A_504 : i32
          %sign3A_506 = arith.extui %sign3A_505 : i1 to i32
          %sign3A_507 = arith.subi %sign3A_503, %sign3A_506 : i32
          %sign3A_508 = arith.constant 0 : i32
          %sign3A_509 = arith.cmpi sgt, %jit3A_499, %sign3A_508 : i32
          %sign3A_510 = arith.extui %sign3A_509 : i1 to i32
          %sign3A_511 = arith.constant 0 : i32
          %sign3A_512 = arith.cmpi slt, %jit3A_499, %sign3A_511 : i32
          %sign3A_513 = arith.extui %sign3A_512 : i1 to i32
          %sign3A_514 = arith.subi %sign3A_510, %sign3A_513 : i32
          %ne3A_515 = arith.cmpi ne, %sign3A_507, %sign3A_514 : i32
          %rem3A_516 = arith.remsi %add3A_480, %jit3A_499 : i32
          %ne3A_517 = arith.constant 0 : i32
          %ne3A_518 = arith.cmpi ne, %rem3A_516, %ne3A_517 : i32
          %and3A_519 = arith.andi %ne3A_515, %ne3A_518 : i1
          %sub3A_520 = arith.constant 1 : i32
          %sub3A_521 = arith.subi %div3A_500, %sub3A_520 : i32
          %select_n3A_522 = arith.select %and3A_519, %sub3A_521, %div3A_500 : i32
          %add3A_523 = arith.constant 0 : i32
          %add3A_524 = arith.addi %mul3A_498, %add3A_523 : i32
          %get3A_525 = arith.index_cast %select_n3A_522 : i32 to index
          %get3A_526 = arith.index_cast %add3A_524 : i32 to index
          %get3A_527 = tpu.vector_load %arg8[%get3A_525, %get3A_526] {strides = array<i32>} : memref<100x128xf32, #tpu.memory_space<vmem>>, vector<1x16xf32>,
          %get3A_528 = vector.shape_cast %get3A_527 : vector<1x16xf32> to vector<16xf32>
          %swap3A_529 = arith.constant 2 : i32
          %swap3A_530 = arith.index_cast %swap3A_529 : i32 to index
          %swap3A_531 = arith.index_cast %add3A_480 : i32 to index
          %swap3A_532 = arith.constant 0 : index
          %swap3A_533 = tpu.vector_load %arg7[%swap3A_530, %swap3A_531, %swap3A_532] {strides = array<i32>} : memref<3x200x128xf32, #tpu.memory_space<vmem>>, vector<1x1x16xf32>,
          %swap3A_534 = vector.shape_cast %swap3A_533 : vector<1x1x16xf32> to vector<16xf32>
          %swap3A_535 = vector.shape_cast %get3A_528 : vector<16xf32> to vector<1x1x16xf32>
          tpu.vector_store %arg7[%swap3A_530, %swap3A_531, %swap3A_532], %swap3A_535 {add = true, strides = array<i32>} : memref<3x200x128xf32, #tpu.memory_space<vmem>>, vector<1x1x16xf32>,
          %jit3A_536 = arith.constant 2 : i32
          %div3A_537 = arith.divsi %add3A_480, %jit3A_536 : i32
          %sign3A_538 = arith.constant 0 : i32
          %sign3A_539 = arith.cmpi sgt, %add3A_480, %sign3A_538 : i32
          %sign3A_540 = arith.extui %sign3A_539 : i1 to i32
          %sign3A_541 = arith.constant 0 : i32
          %sign3A_542 = arith.cmpi slt, %add3A_480, %sign3A_541 : i32
          %sign3A_543 = arith.extui %sign3A_542 : i1 to i32
          %sign3A_544 = arith.subi %sign3A_540, %sign3A_543 : i32
          %sign3A_545 = arith.constant 0 : i32
          %sign3A_546 = arith.cmpi sgt, %jit3A_536, %sign3A_545 : i32
          %sign3A_547 = arith.extui %sign3A_546 : i1 to i32
          %sign3A_548 = arith.constant 0 : i32
          %sign3A_549 = arith.cmpi slt, %jit3A_536, %sign3A_548 : i32
          %sign3A_550 = arith.extui %sign3A_549 : i1 to i32
          %sign3A_551 = arith.subi %sign3A_547, %sign3A_550 : i32
          %ne3A_552 = arith.cmpi ne, %sign3A_544, %sign3A_551 : i32
          %rem3A_553 = arith.remsi %add3A_480, %jit3A_536 : i32
          %ne3A_554 = arith.constant 0 : i32
          %ne3A_555 = arith.cmpi ne, %rem3A_553, %ne3A_554 : i32
          %and3A_556 = arith.andi %ne3A_552, %ne3A_555 : i1
          %sub3A_557 = arith.constant 1 : i32
          %sub3A_558 = arith.subi %div3A_537, %sub3A_557 : i32
          %select_n3A_559 = arith.select %and3A_556, %sub3A_558, %div3A_537 : i32
          %add3A_560 = arith.constant 16 : i32
          %add3A_561 = arith.addi %mul3A_498, %add3A_560 : i32
          %get3A_562 = arith.index_cast %select_n3A_559 : i32 to index
          %get3A_563 = arith.index_cast %add3A_561 : i32 to index
          %get3A_564 = tpu.vector_load %arg8[%get3A_562, %get3A_563] {strides = array<i32>} : memref<100x128xf32, #tpu.memory_space<vmem>>, vector<1x16xf32>,
          %get3A_565 = vector.shape_cast %get3A_564 : vector<1x16xf32> to vector<16xf32>
          %swap3A_566 = arith.constant 2 : i32
          %swap3A_567 = arith.index_cast %swap3A_566 : i32 to index
          %swap3A_568 = arith.index_cast %add3A_480 : i32 to index
          %swap3A_569 = arith.constant 16 : index
          %swap3A_570 = tpu.vector_load %arg7[%swap3A_567, %swap3A_568, %swap3A_569] {strides = array<i32>} : memref<3x200x128xf32, #tpu.memory_space<vmem>>, vector<1x1x16xf32>,
          %swap3A_571 = vector.shape_cast %swap3A_570 : vector<1x1x16xf32> to vector<16xf32>
          %swap3A_572 = vector.shape_cast %get3A_565 : vector<16xf32> to vector<1x1x16xf32>
          tpu.vector_store %arg7[%swap3A_567, %swap3A_568, %swap3A_569], %swap3A_572 {add = true, strides = array<i32>} : memref<3x200x128xf32, #tpu.memory_space<vmem>>, vector<1x1x16xf32>,
          %jit3A_573 = arith.constant 2 : i32
          %div3A_574 = arith.divsi %add3A_480, %jit3A_573 : i32
          %sign3A_575 = arith.constant 0 : i32
          %sign3A_576 = arith.cmpi sgt, %add3A_480, %sign3A_575 : i32
          %sign3A_577 = arith.extui %sign3A_576 : i1 to i32
          %sign3A_578 = arith.constant 0 : i32
          %sign3A_579 = arith.cmpi slt, %add3A_480, %sign3A_578 : i32
          %sign3A_580 = arith.extui %sign3A_579 : i1 to i32
          %sign3A_581 = arith.subi %sign3A_577, %sign3A_580 : i32
          %sign3A_582 = arith.constant 0 : i32
          %sign3A_583 = arith.cmpi sgt, %jit3A_573, %sign3A_582 : i32
          %sign3A_584 = arith.extui %sign3A_583 : i1 to i32
          %sign3A_585 = arith.constant 0 : i32
          %sign3A_586 = arith.cmpi slt, %jit3A_573, %sign3A_585 : i32
          %sign3A_587 = arith.extui %sign3A_586 : i1 to i32
          %sign3A_588 = arith.subi %sign3A_584, %sign3A_587 : i32
          %ne3A_589 = arith.cmpi ne, %sign3A_581, %sign3A_588 : i32
          %rem3A_590 = arith.remsi %add3A_480, %jit3A_573 : i32
          %ne3A_591 = arith.constant 0 : i32
          %ne3A_592 = arith.cmpi ne, %rem3A_590, %ne3A_591 : i32
          %and3A_593 = arith.andi %ne3A_589, %ne3A_592 : i1
          %sub3A_594 = arith.constant 1 : i32
          %sub3A_595 = arith.subi %div3A_574, %sub3A_594 : i32
          %select_n3A_596 = arith.select %and3A_593, %sub3A_595, %div3A_574 : i32
          %add3A_597 = arith.constant 32 : i32
          %add3A_598 = arith.addi %mul3A_498, %add3A_597 : i32
          %get3A_599 = arith.index_cast %select_n3A_596 : i32 to index
          %get3A_600 = arith.index_cast %add3A_598 : i32 to index
          %get3A_601 = tpu.vector_load %arg8[%get3A_599, %get3A_600] {strides = array<i32>} : memref<100x128xf32, #tpu.memory_space<vmem>>, vector<1x16xf32>,
          %get3A_602 = vector.shape_cast %get3A_601 : vector<1x16xf32> to vector<16xf32>
          %swap3A_603 = arith.constant 2 : i32
          %swap3A_604 = arith.index_cast %swap3A_603 : i32 to index
          %swap3A_605 = arith.index_cast %add3A_480 : i32 to index
          %swap3A_606 = arith.constant 32 : index
          %swap3A_607 = tpu.vector_load %arg7[%swap3A_604, %swap3A_605, %swap3A_606] {strides = array<i32>} : memref<3x200x128xf32, #tpu.memory_space<vmem>>, vector<1x1x16xf32>,
          %swap3A_608 = vector.shape_cast %swap3A_607 : vector<1x1x16xf32> to vector<16xf32>
          %swap3A_609 = vector.shape_cast %get3A_602 : vector<16xf32> to vector<1x1x16xf32>
          tpu.vector_store %arg7[%swap3A_604, %swap3A_605, %swap3A_606], %swap3A_609 {add = true, strides = array<i32>} : memref<3x200x128xf32, #tpu.memory_space<vmem>>, vector<1x1x16xf32>,
          %jit3A_610 = arith.constant 2 : i32
          %div3A_611 = arith.divsi %add3A_480, %jit3A_610 : i32
          %sign3A_612 = arith.constant 0 : i32
          %sign3A_613 = arith.cmpi sgt, %add3A_480, %sign3A_612 : i32
          %sign3A_614 = arith.extui %sign3A_613 : i1 to i32
          %sign3A_615 = arith.constant 0 : i32
          %sign3A_616 = arith.cmpi slt, %add3A_480, %sign3A_615 : i32
          %sign3A_617 = arith.extui %sign3A_616 : i1 to i32
          %sign3A_618 = arith.subi %sign3A_614, %sign3A_617 : i32
          %sign3A_619 = arith.constant 0 : i32
          %sign3A_620 = arith.cmpi sgt, %jit3A_610, %sign3A_619 : i32
          %sign3A_621 = arith.extui %sign3A_620 : i1 to i32
          %sign3A_622 = arith.constant 0 : i32
          %sign3A_623 = arith.cmpi slt, %jit3A_610, %sign3A_622 : i32
          %sign3A_624 = arith.extui %sign3A_623 : i1 to i32
          %sign3A_625 = arith.subi %sign3A_621, %sign3A_624 : i32
          %ne3A_626 = arith.cmpi ne, %sign3A_618, %sign3A_625 : i32
          %rem3A_627 = arith.remsi %add3A_480, %jit3A_610 : i32
          %ne3A_628 = arith.constant 0 : i32
          %ne3A_629 = arith.cmpi ne, %rem3A_627, %ne3A_628 : i32
          %and3A_630 = arith.andi %ne3A_626, %ne3A_629 : i1
          %sub3A_631 = arith.constant 1 : i32
          %sub3A_632 = arith.subi %div3A_611, %sub3A_631 : i32
          %select_n3A_633 = arith.select %and3A_630, %sub3A_632, %div3A_611 : i32
          %add3A_634 = arith.constant 48 : i32
          %add3A_635 = arith.addi %mul3A_498, %add3A_634 : i32
          %get3A_636 = arith.index_cast %select_n3A_633 : i32 to index
          %get3A_637 = arith.index_cast %add3A_635 : i32 to index
          %get3A_638 = tpu.vector_load %arg8[%get3A_636, %get3A_637] {strides = array<i32>} : memref<100x128xf32, #tpu.memory_space<vmem>>, vector<1x16xf32>,
          %get3A_639 = vector.shape_cast %get3A_638 : vector<1x16xf32> to vector<16xf32>
          %swap3A_640 = arith.constant 2 : i32
          %swap3A_641 = arith.index_cast %swap3A_640 : i32 to index
          %swap3A_642 = arith.index_cast %add3A_480 : i32 to index
          %swap3A_643 = arith.constant 48 : index
          %swap3A_644 = tpu.vector_load %arg7[%swap3A_641, %swap3A_642, %swap3A_643] {strides = array<i32>} : memref<3x200x128xf32, #tpu.memory_space<vmem>>, vector<1x1x16xf32>,
          %swap3A_645 = vector.shape_cast %swap3A_644 : vector<1x1x16xf32> to vector<16xf32>
          %swap3A_646 = vector.shape_cast %get3A_639 : vector<16xf32> to vector<1x1x16xf32>
          tpu.vector_store %arg7[%swap3A_641, %swap3A_642, %swap3A_643], %swap3A_646 {add = true, strides = array<i32>} : memref<3x200x128xf32, #tpu.memory_space<vmem>>, vector<1x1x16xf32>,
          %scan3A_647 = arith.constant 3 : i32
          %scan3A_648 = arith.addi %scan3A_143, %scan3A_647 : i32
          %mul3A_649 = arith.constant 1 : i32
          %mul3A_650 = arith.muli %scan3A_648, %mul3A_649 : i32
          %add3A_651 = arith.constant 0 : i32
          %add3A_652 = arith.addi %add3A_651, %mul3A_650 : i32
          %jit3A_653 = arith.constant 2 : i32
          %eq3A_654 = arith.constant 0 : i32
          %eq3A_655 = arith.cmpi eq, %jit3A_653, %eq3A_654 : i32
          %jit3A_656 = arith.constant 1 : i32
          %select_n3A_657 = arith.select %eq3A_655, %jit3A_656, %jit3A_653 : i32
          %rem3A_658 = arith.remsi %add3A_652, %select_n3A_657 : i32
          %ne3A_659 = arith.constant 0 : i32
          %ne3A_660 = arith.cmpi ne, %rem3A_658, %ne3A_659 : i32
          %lt3A_661 = arith.constant 0 : i32
          %lt3A_662 = arith.cmpi slt, %rem3A_658, %lt3A_661 : i32
          %lt3A_663 = arith.constant 0 : i32
          %lt3A_664 = arith.cmpi slt, %select_n3A_657, %lt3A_663 : i32
          %ne3A_665 = arith.xori %lt3A_662, %lt3A_664 : i1
          %and3A_666 = arith.andi %ne3A_665, %ne3A_660 : i1
          %add3A_667 = arith.addi %rem3A_658, %select_n3A_657 : i32
          %select_n3A_668 = arith.select %and3A_666, %add3A_667, %rem3A_658 : i32
          %mul3A_669 = arith.constant 64 : i32
          %mul3A_670 = arith.muli %select_n3A_668, %mul3A_669 : i32
          %jit3A_671 = arith.constant 2 : i32
          %div3A_672 = arith.divsi %add3A_652, %jit3A_671 : i32
          %sign3A_673 = arith.constant 0 : i32
          %sign3A_674 = arith.cmpi sgt, %add3A_652, %sign3A_673 : i32
          %sign3A_675 = arith.extui %sign3A_674 : i1 to i32
          %sign3A_676 = arith.constant 0 : i32
          %sign3A_677 = arith.cmpi slt, %add3A_652, %sign3A_676 : i32
          %sign3A_678 = arith.extui %sign3A_677 : i1 to i32
          %sign3A_679 = arith.subi %sign3A_675, %sign3A_678 : i32
          %sign3A_680 = arith.constant 0 : i32
          %sign3A_681 = arith.cmpi sgt, %jit3A_671, %sign3A_680 : i32
          %sign3A_682 = arith.extui %sign3A_681 : i1 to i32
          %sign3A_683 = arith.constant 0 : i32
          %sign3A_684 = arith.cmpi slt, %jit3A_671, %sign3A_683 : i32
          %sign3A_685 = arith.extui %sign3A_684 : i1 to i32
          %sign3A_686 = arith.subi %sign3A_682, %sign3A_685 : i32
          %ne3A_687 = arith.cmpi ne, %sign3A_679, %sign3A_686 : i32
          %rem3A_688 = arith.remsi %add3A_652, %jit3A_671 : i32
          %ne3A_689 = arith.constant 0 : i32
          %ne3A_690 = arith.cmpi ne, %rem3A_688, %ne3A_689 : i32
          %and3A_691 = arith.andi %ne3A_687, %ne3A_690 : i1
          %sub3A_692 = arith.constant 1 : i32
          %sub3A_693 = arith.subi %div3A_672, %sub3A_692 : i32
          %select_n3A_694 = arith.select %and3A_691, %sub3A_693, %div3A_672 : i32
          %add3A_695 = arith.constant 0 : i32
          %add3A_696 = arith.addi %mul3A_670, %add3A_695 : i32
          %get3A_697 = arith.index_cast %select_n3A_694 : i32 to index
          %get3A_698 = arith.index_cast %add3A_696 : i32 to index
          %get3A_699 = tpu.vector_load %arg8[%get3A_697, %get3A_698] {strides = array<i32>} : memref<100x128xf32, #tpu.memory_space<vmem>>, vector<1x16xf32>,
          %get3A_700 = vector.shape_cast %get3A_699 : vector<1x16xf32> to vector<16xf32>
          %swap3A_701 = arith.constant 2 : i32
          %swap3A_702 = arith.index_cast %swap3A_701 : i32 to index
          %swap3A_703 = arith.index_cast %add3A_652 : i32 to index
          %swap3A_704 = arith.constant 0 : index
          %swap3A_705 = tpu.vector_load %arg7[%swap3A_702, %swap3A_703, %swap3A_704] {strides = array<i32>} : memref<3x200x128xf32, #tpu.memory_space<vmem>>, vector<1x1x16xf32>,
          %swap3A_706 = vector.shape_cast %swap3A_705 : vector<1x1x16xf32> to vector<16xf32>
          %swap3A_707 = vector.shape_cast %get3A_700 : vector<16xf32> to vector<1x1x16xf32>
          tpu.vector_store %arg7[%swap3A_702, %swap3A_703, %swap3A_704], %swap3A_707 {add = true, strides = array<i32>} : memref<3x200x128xf32, #tpu.memory_space<vmem>>, vector<1x1x16xf32>,
          %jit3A_708 = arith.constant 2 : i32
          %div3A_709 = arith.divsi %add3A_652, %jit3A_708 : i32
          %sign3A_710 = arith.constant 0 : i32
          %sign3A_711 = arith.cmpi sgt, %add3A_652, %sign3A_710 : i32
          %sign3A_712 = arith.extui %sign3A_711 : i1 to i32
          %sign3A_713 = arith.constant 0 : i32
          %sign3A_714 = arith.cmpi slt, %add3A_652, %sign3A_713 : i32
          %sign3A_715 = arith.extui %sign3A_714 : i1 to i32
          %sign3A_716 = arith.subi %sign3A_712, %sign3A_715 : i32
          %sign3A_717 = arith.constant 0 : i32
          %sign3A_718 = arith.cmpi sgt, %jit3A_708, %sign3A_717 : i32
          %sign3A_719 = arith.extui %sign3A_718 : i1 to i32
          %sign3A_720 = arith.constant 0 : i32
          %sign3A_721 = arith.cmpi slt, %jit3A_708, %sign3A_720 : i32
          %sign3A_722 = arith.extui %sign3A_721 : i1 to i32
          %sign3A_723 = arith.subi %sign3A_719, %sign3A_722 : i32
          %ne3A_724 = arith.cmpi ne, %sign3A_716, %sign3A_723 : i32
          %rem3A_725 = arith.remsi %add3A_652, %jit3A_708 : i32
          %ne3A_726 = arith.constant 0 : i32
          %ne3A_727 = arith.cmpi ne, %rem3A_725, %ne3A_726 : i32
          %and3A_728 = arith.andi %ne3A_724, %ne3A_727 : i1
          %sub3A_729 = arith.constant 1 : i32
          %sub3A_730 = arith.subi %div3A_709, %sub3A_729 : i32
          %select_n3A_731 = arith.select %and3A_728, %sub3A_730, %div3A_709 : i32
          %add3A_732 = arith.constant 16 : i32
          %add3A_733 = arith.addi %mul3A_670, %add3A_732 : i32
          %get3A_734 = arith.index_cast %select_n3A_731 : i32 to index
          %get3A_735 = arith.index_cast %add3A_733 : i32 to index
          %get3A_736 = tpu.vector_load %arg8[%get3A_734, %get3A_735] {strides = array<i32>} : memref<100x128xf32, #tpu.memory_space<vmem>>, vector<1x16xf32>,
          %get3A_737 = vector.shape_cast %get3A_736 : vector<1x16xf32> to vector<16xf32>
          %swap3A_738 = arith.constant 2 : i32
          %swap3A_739 = arith.index_cast %swap3A_738 : i32 to index
          %swap3A_740 = arith.index_cast %add3A_652 : i32 to index
          %swap3A_741 = arith.constant 16 : index
          %swap3A_742 = tpu.vector_load %arg7[%swap3A_739, %swap3A_740, %swap3A_741] {strides = array<i32>} : memref<3x200x128xf32, #tpu.memory_space<vmem>>, vector<1x1x16xf32>,
          %swap3A_743 = vector.shape_cast %swap3A_742 : vector<1x1x16xf32> to vector<16xf32>
          %swap3A_744 = vector.shape_cast %get3A_737 : vector<16xf32> to vector<1x1x16xf32>
          tpu.vector_store %arg7[%swap3A_739, %swap3A_740, %swap3A_741], %swap3A_744 {add = true, strides = array<i32>} : memref<3x200x128xf32, #tpu.memory_space<vmem>>, vector<1x1x16xf32>,
          %jit3A_745 = arith.constant 2 : i32
          %div3A_746 = arith.divsi %add3A_652, %jit3A_745 : i32
          %sign3A_747 = arith.constant 0 : i32
          %sign3A_748 = arith.cmpi sgt, %add3A_652, %sign3A_747 : i32
          %sign3A_749 = arith.extui %sign3A_748 : i1 to i32
          %sign3A_750 = arith.constant 0 : i32
          %sign3A_751 = arith.cmpi slt, %add3A_652, %sign3A_750 : i32
          %sign3A_752 = arith.extui %sign3A_751 : i1 to i32
          %sign3A_753 = arith.subi %sign3A_749, %sign3A_752 : i32
          %sign3A_754 = arith.constant 0 : i32
          %sign3A_755 = arith.cmpi sgt, %jit3A_745, %sign3A_754 : i32
          %sign3A_756 = arith.extui %sign3A_755 : i1 to i32
          %sign3A_757 = arith.constant 0 : i32
          %sign3A_758 = arith.cmpi slt, %jit3A_745, %sign3A_757 : i32
          %sign3A_759 = arith.extui %sign3A_758 : i1 to i32
          %sign3A_760 = arith.subi %sign3A_756, %sign3A_759 : i32
          %ne3A_761 = arith.cmpi ne, %sign3A_753, %sign3A_760 : i32
          %rem3A_762 = arith.remsi %add3A_652, %jit3A_745 : i32
          %ne3A_763 = arith.constant 0 : i32
          %ne3A_764 = arith.cmpi ne, %rem3A_762, %ne3A_763 : i32
          %and3A_765 = arith.andi %ne3A_761, %ne3A_764 : i1
          %sub3A_766 = arith.constant 1 : i32
          %sub3A_767 = arith.subi %div3A_746, %sub3A_766 : i32
          %select_n3A_768 = arith.select %and3A_765, %sub3A_767, %div3A_746 : i32
          %add3A_769 = arith.constant 32 : i32
          %add3A_770 = arith.addi %mul3A_670, %add3A_769 : i32
          %get3A_771 = arith.index_cast %select_n3A_768 : i32 to index
          %get3A_772 = arith.index_cast %add3A_770 : i32 to index
          %get3A_773 = tpu.vector_load %arg8[%get3A_771, %get3A_772] {strides = array<i32>} : memref<100x128xf32, #tpu.memory_space<vmem>>, vector<1x16xf32>,
          %get3A_774 = vector.shape_cast %get3A_773 : vector<1x16xf32> to vector<16xf32>
          %swap3A_775 = arith.constant 2 : i32
          %swap3A_776 = arith.index_cast %swap3A_775 : i32 to index
          %swap3A_777 = arith.index_cast %add3A_652 : i32 to index
          %swap3A_778 = arith.constant 32 : index
          %swap3A_779 = tpu.vector_load %arg7[%swap3A_776, %swap3A_777, %swap3A_778] {strides = array<i32>} : memref<3x200x128xf32, #tpu.memory_space<vmem>>, vector<1x1x16xf32>,
          %swap3A_780 = vector.shape_cast %swap3A_779 : vector<1x1x16xf32> to vector<16xf32>
          %swap3A_781 = vector.shape_cast %get3A_774 : vector<16xf32> to vector<1x1x16xf32>
          tpu.vector_store %arg7[%swap3A_776, %swap3A_777, %swap3A_778], %swap3A_781 {add = true, strides = array<i32>} : memref<3x200x128xf32, #tpu.memory_space<vmem>>, vector<1x1x16xf32>,
          %jit3A_782 = arith.constant 2 : i32
          %div3A_783 = arith.divsi %add3A_652, %jit3A_782 : i32
          %sign3A_784 = arith.constant 0 : i32
          %sign3A_785 = arith.cmpi sgt, %add3A_652, %sign3A_784 : i32
          %sign3A_786 = arith.extui %sign3A_785 : i1 to i32
          %sign3A_787 = arith.constant 0 : i32
          %sign3A_788 = arith.cmpi slt, %add3A_652, %sign3A_787 : i32
          %sign3A_789 = arith.extui %sign3A_788 : i1 to i32
          %sign3A_790 = arith.subi %sign3A_786, %sign3A_789 : i32
          %sign3A_791 = arith.constant 0 : i32
          %sign3A_792 = arith.cmpi sgt, %jit3A_782, %sign3A_791 : i32
          %sign3A_793 = arith.extui %sign3A_792 : i1 to i32
          %sign3A_794 = arith.constant 0 : i32
          %sign3A_795 = arith.cmpi slt, %jit3A_782, %sign3A_794 : i32
          %sign3A_796 = arith.extui %sign3A_795 : i1 to i32
          %sign3A_797 = arith.subi %sign3A_793, %sign3A_796 : i32
          %ne3A_798 = arith.cmpi ne, %sign3A_790, %sign3A_797 : i32
          %rem3A_799 = arith.remsi %add3A_652, %jit3A_782 : i32
          %ne3A_800 = arith.constant 0 : i32
          %ne3A_801 = arith.cmpi ne, %rem3A_799, %ne3A_800 : i32
          %and3A_802 = arith.andi %ne3A_798, %ne3A_801 : i1
          %sub3A_803 = arith.constant 1 : i32
          %sub3A_804 = arith.subi %div3A_783, %sub3A_803 : i32
          %select_n3A_805 = arith.select %and3A_802, %sub3A_804, %div3A_783 : i32
          %add3A_806 = arith.constant 48 : i32
          %add3A_807 = arith.addi %mul3A_670, %add3A_806 : i32
          %get3A_808 = arith.index_cast %select_n3A_805 : i32 to index
          %get3A_809 = arith.index_cast %add3A_807 : i32 to index
          %get3A_810 = tpu.vector_load %arg8[%get3A_808, %get3A_809] {strides = array<i32>} : memref<100x128xf32, #tpu.memory_space<vmem>>, vector<1x16xf32>,
          %get3A_811 = vector.shape_cast %get3A_810 : vector<1x16xf32> to vector<16xf32>
          %swap3A_812 = arith.constant 2 : i32
          %swap3A_813 = arith.index_cast %swap3A_812 : i32 to index
          %swap3A_814 = arith.index_cast %add3A_652 : i32 to index
          %swap3A_815 = arith.constant 48 : index
          %swap3A_816 = tpu.vector_load %arg7[%swap3A_813, %swap3A_814, %swap3A_815] {strides = array<i32>} : memref<3x200x128xf32, #tpu.memory_space<vmem>>, vector<1x1x16xf32>,
          %swap3A_817 = vector.shape_cast %swap3A_816 : vector<1x1x16xf32> to vector<16xf32>
          %swap3A_818 = vector.shape_cast %get3A_811 : vector<16xf32> to vector<1x1x16xf32>
          tpu.vector_store %arg7[%swap3A_813, %swap3A_814, %swap3A_815], %swap3A_818 {add = true, strides = array<i32>} : memref<3x200x128xf32, #tpu.memory_space<vmem>>, vector<1x1x16xf32>,
          %scan3A_819 = arith.constant 4 : i32
          %scan3A_820 = arith.addi %scan3A_143, %scan3A_819 : i32
          %mul3A_821 = arith.constant 1 : i32
          %mul3A_822 = arith.muli %scan3A_820, %mul3A_821 : i32
          %add3A_823 = arith.constant 0 : i32
          %add3A_824 = arith.addi %add3A_823, %mul3A_822 : i32
          %jit3A_825 = arith.constant 2 : i32
          %eq3A_826 = arith.constant 0 : i32
          %eq3A_827 = arith.cmpi eq, %jit3A_825, %eq3A_826 : i32
          %jit3A_828 = arith.constant 1 : i32
          %select_n3A_829 = arith.select %eq3A_827, %jit3A_828, %jit3A_825 : i32
          %rem3A_830 = arith.remsi %add3A_824, %select_n3A_829 : i32
          %ne3A_831 = arith.constant 0 : i32
          %ne3A_832 = arith.cmpi ne, %rem3A_830, %ne3A_831 : i32
          %lt3A_833 = arith.constant 0 : i32
          %lt3A_834 = arith.cmpi slt, %rem3A_830, %lt3A_833 : i32
          %lt3A_835 = arith.constant 0 : i32
          %lt3A_836 = arith.cmpi slt, %select_n3A_829, %lt3A_835 : i32
          %ne3A_837 = arith.xori %lt3A_834, %lt3A_836 : i1
          %and3A_838 = arith.andi %ne3A_837, %ne3A_832 : i1
          %add3A_839 = arith.addi %rem3A_830, %select_n3A_829 : i32
          %select_n3A_840 = arith.select %and3A_838, %add3A_839, %rem3A_830 : i32
          %mul3A_841 = arith.constant 64 : i32
          %mul3A_842 = arith.muli %select_n3A_840, %mul3A_841 : i32
          %jit3A_843 = arith.constant 2 : i32
          %div3A_844 = arith.divsi %add3A_824, %jit3A_843 : i32
          %sign3A_845 = arith.constant 0 : i32
          %sign3A_846 = arith.cmpi sgt, %add3A_824, %sign3A_845 : i32
          %sign3A_847 = arith.extui %sign3A_846 : i1 to i32
          %sign3A_848 = arith.constant 0 : i32
          %sign3A_849 = arith.cmpi slt, %add3A_824, %sign3A_848 : i32
          %sign3A_850 = arith.extui %sign3A_849 : i1 to i32
          %sign3A_851 = arith.subi %sign3A_847, %sign3A_850 : i32
          %sign3A_852 = arith.constant 0 : i32
          %sign3A_853 = arith.cmpi sgt, %jit3A_843, %sign3A_852 : i32
          %sign3A_854 = arith.extui %sign3A_853 : i1 to i32
          %sign3A_855 = arith.constant 0 : i32
          %sign3A_856 = arith.cmpi slt, %jit3A_843, %sign3A_855 : i32
          %sign3A_857 = arith.extui %sign3A_856 : i1 to i32
          %sign3A_858 = arith.subi %sign3A_854, %sign3A_857 : i32
          %ne3A_859 = arith.cmpi ne, %sign3A_851, %sign3A_858 : i32
          %rem3A_860 = arith.remsi %add3A_824, %jit3A_843 : i32
          %ne3A_861 = arith.constant 0 : i32
          %ne3A_862 = arith.cmpi ne, %rem3A_860, %ne3A_861 : i32
          %and3A_863 = arith.andi %ne3A_859, %ne3A_862 : i1
          %sub3A_864 = arith.constant 1 : i32
          %sub3A_865 = arith.subi %div3A_844, %sub3A_864 : i32
          %select_n3A_866 = arith.select %and3A_863, %sub3A_865, %div3A_844 : i32
          %add3A_867 = arith.constant 0 : i32
          %add3A_868 = arith.addi %mul3A_842, %add3A_867 : i32
          %get3A_869 = arith.index_cast %select_n3A_866 : i32 to index
          %get3A_870 = arith.index_cast %add3A_868 : i32 to index
          %get3A_871 = tpu.vector_load %arg8[%get3A_869, %get3A_870] {strides = array<i32>} : memref<100x128xf32, #tpu.memory_space<vmem>>, vector<1x16xf32>,
          %get3A_872 = vector.shape_cast %get3A_871 : vector<1x16xf32> to vector<16xf32>
          %swap3A_873 = arith.constant 2 : i32
          %swap3A_874 = arith.index_cast %swap3A_873 : i32 to index
          %swap3A_875 = arith.index_cast %add3A_824 : i32 to index
          %swap3A_876 = arith.constant 0 : index
          %swap3A_877 = tpu.vector_load %arg7[%swap3A_874, %swap3A_875, %swap3A_876] {strides = array<i32>} : memref<3x200x128xf32, #tpu.memory_space<vmem>>, vector<1x1x16xf32>,
          %swap3A_878 = vector.shape_cast %swap3A_877 : vector<1x1x16xf32> to vector<16xf32>
          %swap3A_879 = vector.shape_cast %get3A_872 : vector<16xf32> to vector<1x1x16xf32>
          tpu.vector_store %arg7[%swap3A_874, %swap3A_875, %swap3A_876], %swap3A_879 {add = true, strides = array<i32>} : memref<3x200x128xf32, #tpu.memory_space<vmem>>, vector<1x1x16xf32>,
          %jit3A_880 = arith.constant 2 : i32
          %div3A_881 = arith.divsi %add3A_824, %jit3A_880 : i32
          %sign3A_882 = arith.constant 0 : i32
          %sign3A_883 = arith.cmpi sgt, %add3A_824, %sign3A_882 : i32
          %sign3A_884 = arith.extui %sign3A_883 : i1 to i32
          %sign3A_885 = arith.constant 0 : i32
          %sign3A_886 = arith.cmpi slt, %add3A_824, %sign3A_885 : i32
          %sign3A_887 = arith.extui %sign3A_886 : i1 to i32
          %sign3A_888 = arith.subi %sign3A_884, %sign3A_887 : i32
          %sign3A_889 = arith.constant 0 : i32
          %sign3A_890 = arith.cmpi sgt, %jit3A_880, %sign3A_889 : i32
          %sign3A_891 = arith.extui %sign3A_890 : i1 to i32
          %sign3A_892 = arith.constant 0 : i32
          %sign3A_893 = arith.cmpi slt, %jit3A_880, %sign3A_892 : i32
          %sign3A_894 = arith.extui %sign3A_893 : i1 to i32
          %sign3A_895 = arith.subi %sign3A_891, %sign3A_894 : i32
          %ne3A_896 = arith.cmpi ne, %sign3A_888, %sign3A_895 : i32
          %rem3A_897 = arith.remsi %add3A_824, %jit3A_880 : i32
          %ne3A_898 = arith.constant 0 : i32
          %ne3A_899 = arith.cmpi ne, %rem3A_897, %ne3A_898 : i32
          %and3A_900 = arith.andi %ne3A_896, %ne3A_899 : i1
          %sub3A_901 = arith.constant 1 : i32
          %sub3A_902 = arith.subi %div3A_881, %sub3A_901 : i32
          %select_n3A_903 = arith.select %and3A_900, %sub3A_902, %div3A_881 : i32
          %add3A_904 = arith.constant 16 : i32
          %add3A_905 = arith.addi %mul3A_842, %add3A_904 : i32
          %get3A_906 = arith.index_cast %select_n3A_903 : i32 to index
          %get3A_907 = arith.index_cast %add3A_905 : i32 to index
          %get3A_908 = tpu.vector_load %arg8[%get3A_906, %get3A_907] {strides = array<i32>} : memref<100x128xf32, #tpu.memory_space<vmem>>, vector<1x16xf32>,
          %get3A_909 = vector.shape_cast %get3A_908 : vector<1x16xf32> to vector<16xf32>
          %swap3A_910 = arith.constant 2 : i32
          %swap3A_911 = arith.index_cast %swap3A_910 : i32 to index
          %swap3A_912 = arith.index_cast %add3A_824 : i32 to index
          %swap3A_913 = arith.constant 16 : index
          %swap3A_914 = tpu.vector_load %arg7[%swap3A_911, %swap3A_912, %swap3A_913] {strides = array<i32>} : memref<3x200x128xf32, #tpu.memory_space<vmem>>, vector<1x1x16xf32>,
          %swap3A_915 = vector.shape_cast %swap3A_914 : vector<1x1x16xf32> to vector<16xf32>
          %swap3A_916 = vector.shape_cast %get3A_909 : vector<16xf32> to vector<1x1x16xf32>
          tpu.vector_store %arg7[%swap3A_911, %swap3A_912, %swap3A_913], %swap3A_916 {add = true, strides = array<i32>} : memref<3x200x128xf32, #tpu.memory_space<vmem>>, vector<1x1x16xf32>,
          %jit3A_917 = arith.constant 2 : i32
          %div3A_918 = arith.divsi %add3A_824, %jit3A_917 : i32
          %sign3A_919 = arith.constant 0 : i32
          %sign3A_920 = arith.cmpi sgt, %add3A_824, %sign3A_919 : i32
          %sign3A_921 = arith.extui %sign3A_920 : i1 to i32
          %sign3A_922 = arith.constant 0 : i32
          %sign3A_923 = arith.cmpi slt, %add3A_824, %sign3A_922 : i32
          %sign3A_924 = arith.extui %sign3A_923 : i1 to i32
          %sign3A_925 = arith.subi %sign3A_921, %sign3A_924 : i32
          %sign3A_926 = arith.constant 0 : i32
          %sign3A_927 = arith.cmpi sgt, %jit3A_917, %sign3A_926 : i32
          %sign3A_928 = arith.extui %sign3A_927 : i1 to i32
          %sign3A_929 = arith.constant 0 : i32
          %sign3A_930 = arith.cmpi slt, %jit3A_917, %sign3A_929 : i32
          %sign3A_931 = arith.extui %sign3A_930 : i1 to i32
          %sign3A_932 = arith.subi %sign3A_928, %sign3A_931 : i32
          %ne3A_933 = arith.cmpi ne, %sign3A_925, %sign3A_932 : i32
          %rem3A_934 = arith.remsi %add3A_824, %jit3A_917 : i32
          %ne3A_935 = arith.constant 0 : i32
          %ne3A_936 = arith.cmpi ne, %rem3A_934, %ne3A_935 : i32
          %and3A_937 = arith.andi %ne3A_933, %ne3A_936 : i1
          %sub3A_938 = arith.constant 1 : i32
          %sub3A_939 = arith.subi %div3A_918, %sub3A_938 : i32
          %select_n3A_940 = arith.select %and3A_937, %sub3A_939, %div3A_918 : i32
          %add3A_941 = arith.constant 32 : i32
          %add3A_942 = arith.addi %mul3A_842, %add3A_941 : i32
          %get3A_943 = arith.index_cast %select_n3A_940 : i32 to index
          %get3A_944 = arith.index_cast %add3A_942 : i32 to index
          %get3A_945 = tpu.vector_load %arg8[%get3A_943, %get3A_944] {strides = array<i32>} : memref<100x128xf32, #tpu.memory_space<vmem>>, vector<1x16xf32>,
          %get3A_946 = vector.shape_cast %get3A_945 : vector<1x16xf32> to vector<16xf32>
          %swap3A_947 = arith.constant 2 : i32
          %swap3A_948 = arith.index_cast %swap3A_947 : i32 to index
          %swap3A_949 = arith.index_cast %add3A_824 : i32 to index
          %swap3A_950 = arith.constant 32 : index
          %swap3A_951 = tpu.vector_load %arg7[%swap3A_948, %swap3A_949, %swap3A_950] {strides = array<i32>} : memref<3x200x128xf32, #tpu.memory_space<vmem>>, vector<1x1x16xf32>,
          %swap3A_952 = vector.shape_cast %swap3A_951 : vector<1x1x16xf32> to vector<16xf32>
          %swap3A_953 = vector.shape_cast %get3A_946 : vector<16xf32> to vector<1x1x16xf32>
          tpu.vector_store %arg7[%swap3A_948, %swap3A_949, %swap3A_950], %swap3A_953 {add = true, strides = array<i32>} : memref<3x200x128xf32, #tpu.memory_space<vmem>>, vector<1x1x16xf32>,
          %jit3A_954 = arith.constant 2 : i32
          %div3A_955 = arith.divsi %add3A_824, %jit3A_954 : i32
          %sign3A_956 = arith.constant 0 : i32
          %sign3A_957 = arith.cmpi sgt, %add3A_824, %sign3A_956 : i32
          %sign3A_958 = arith.extui %sign3A_957 : i1 to i32
          %sign3A_959 = arith.constant 0 : i32
          %sign3A_960 = arith.cmpi slt, %add3A_824, %sign3A_959 : i32
          %sign3A_961 = arith.extui %sign3A_960 : i1 to i32
          %sign3A_962 = arith.subi %sign3A_958, %sign3A_961 : i32
          %sign3A_963 = arith.constant 0 : i32
          %sign3A_964 = arith.cmpi sgt, %jit3A_954, %sign3A_963 : i32
          %sign3A_965 = arith.extui %sign3A_964 : i1 to i32
          %sign3A_966 = arith.constant 0 : i32
          %sign3A_967 = arith.cmpi slt, %jit3A_954, %sign3A_966 : i32
          %sign3A_968 = arith.extui %sign3A_967 : i1 to i32
          %sign3A_969 = arith.subi %sign3A_965, %sign3A_968 : i32
          %ne3A_970 = arith.cmpi ne, %sign3A_962, %sign3A_969 : i32
          %rem3A_971 = arith.remsi %add3A_824, %jit3A_954 : i32
          %ne3A_972 = arith.constant 0 : i32
          %ne3A_973 = arith.cmpi ne, %rem3A_971, %ne3A_972 : i32
          %and3A_974 = arith.andi %ne3A_970, %ne3A_973 : i1
          %sub3A_975 = arith.constant 1 : i32
          %sub3A_976 = arith.subi %div3A_955, %sub3A_975 : i32
          %select_n3A_977 = arith.select %and3A_974, %sub3A_976, %div3A_955 : i32
          %add3A_978 = arith.constant 48 : i32
          %add3A_979 = arith.addi %mul3A_842, %add3A_978 : i32
          %get3A_980 = arith.index_cast %select_n3A_977 : i32 to index
          %get3A_981 = arith.index_cast %add3A_979 : i32 to index
          %get3A_982 = tpu.vector_load %arg8[%get3A_980, %get3A_981] {strides = array<i32>} : memref<100x128xf32, #tpu.memory_space<vmem>>, vector<1x16xf32>,
          %get3A_983 = vector.shape_cast %get3A_982 : vector<1x16xf32> to vector<16xf32>
          %swap3A_984 = arith.constant 2 : i32
          %swap3A_985 = arith.index_cast %swap3A_984 : i32 to index
          %swap3A_986 = arith.index_cast %add3A_824 : i32 to index
          %swap3A_987 = arith.constant 48 : index
          %swap3A_988 = tpu.vector_load %arg7[%swap3A_985, %swap3A_986, %swap3A_987] {strides = array<i32>} : memref<3x200x128xf32, #tpu.memory_space<vmem>>, vector<1x1x16xf32>,
          %swap3A_989 = vector.shape_cast %swap3A_988 : vector<1x1x16xf32> to vector<16xf32>
          %swap3A_990 = vector.shape_cast %get3A_983 : vector<16xf32> to vector<1x1x16xf32>
          tpu.vector_store %arg7[%swap3A_985, %swap3A_986, %swap3A_987], %swap3A_990 {add = true, strides = array<i32>} : memref<3x200x128xf32, #tpu.memory_space<vmem>>, vector<1x1x16xf32>,
          %scan3A_991 = arith.constant 5 : i32
          %scan3A_992 = arith.addi %scan3A_143, %scan3A_991 : i32
          %mul3A_993 = arith.constant 1 : i32
          %mul3A_994 = arith.muli %scan3A_992, %mul3A_993 : i32
          %add3A_995 = arith.constant 0 : i32
          %add3A_996 = arith.addi %add3A_995, %mul3A_994 : i32
          %jit3A_997 = arith.constant 2 : i32
          %eq3A_998 = arith.constant 0 : i32
          %eq3A_999 = arith.cmpi eq, %jit3A_997, %eq3A_998 : i32
          %jit3A_1000 = arith.constant 1 : i32
          %select_n3A_1001 = arith.select %eq3A_999, %jit3A_1000, %jit3A_997 : i32
          %rem3A_1002 = arith.remsi %add3A_996, %select_n3A_1001 : i32
          %ne3A_1003 = arith.constant 0 : i32
          %ne3A_1004 = arith.cmpi ne, %rem3A_1002, %ne3A_1003 : i32
          %lt3A_1005 = arith.constant 0 : i32
          %lt3A_1006 = arith.cmpi slt, %rem3A_1002, %lt3A_1005 : i32
          %lt3A_1007 = arith.constant 0 : i32
          %lt3A_1008 = arith.cmpi slt, %select_n3A_1001, %lt3A_1007 : i32
          %ne3A_1009 = arith.xori %lt3A_1006, %lt3A_1008 : i1
          %and3A_1010 = arith.andi %ne3A_1009, %ne3A_1004 : i1
          %add3A_1011 = arith.addi %rem3A_1002, %select_n3A_1001 : i32
          %select_n3A_1012 = arith.select %and3A_1010, %add3A_1011, %rem3A_1002 : i32
          %mul3A_1013 = arith.constant 64 : i32
          %mul3A_1014 = arith.muli %select_n3A_1012, %mul3A_1013 : i32
          %jit3A_1015 = arith.constant 2 : i32
          %div3A_1016 = arith.divsi %add3A_996, %jit3A_1015 : i32
          %sign3A_1017 = arith.constant 0 : i32
          %sign3A_1018 = arith.cmpi sgt, %add3A_996, %sign3A_1017 : i32
          %sign3A_1019 = arith.extui %sign3A_1018 : i1 to i32
          %sign3A_1020 = arith.constant 0 : i32
          %sign3A_1021 = arith.cmpi slt, %add3A_996, %sign3A_1020 : i32
          %sign3A_1022 = arith.extui %sign3A_1021 : i1 to i32
          %sign3A_1023 = arith.subi %sign3A_1019, %sign3A_1022 : i32
          %sign3A_1024 = arith.constant 0 : i32
          %sign3A_1025 = arith.cmpi sgt, %jit3A_1015, %sign3A_1024 : i32
          %sign3A_1026 = arith.extui %sign3A_1025 : i1 to i32
          %sign3A_1027 = arith.constant 0 : i32
          %sign3A_1028 = arith.cmpi slt, %jit3A_1015, %sign3A_1027 : i32
          %sign3A_1029 = arith.extui %sign3A_1028 : i1 to i32
          %sign3A_1030 = arith.subi %sign3A_1026, %sign3A_1029 : i32
          %ne3A_1031 = arith.cmpi ne, %sign3A_1023, %sign3A_1030 : i32
          %rem3A_1032 = arith.remsi %add3A_996, %jit3A_1015 : i32
          %ne3A_1033 = arith.constant 0 : i32
          %ne3A_1034 = arith.cmpi ne, %rem3A_1032, %ne3A_1033 : i32
          %and3A_1035 = arith.andi %ne3A_1031, %ne3A_1034 : i1
          %sub3A_1036 = arith.constant 1 : i32
          %sub3A_1037 = arith.subi %div3A_1016, %sub3A_1036 : i32
          %select_n3A_1038 = arith.select %and3A_1035, %sub3A_1037, %div3A_1016 : i32
          %add3A_1039 = arith.constant 0 : i32
          %add3A_1040 = arith.addi %mul3A_1014, %add3A_1039 : i32
          %get3A_1041 = arith.index_cast %select_n3A_1038 : i32 to index
          %get3A_1042 = arith.index_cast %add3A_1040 : i32 to index
          %get3A_1043 = tpu.vector_load %arg8[%get3A_1041, %get3A_1042] {strides = array<i32>} : memref<100x128xf32, #tpu.memory_space<vmem>>, vector<1x16xf32>,
          %get3A_1044 = vector.shape_cast %get3A_1043 : vector<1x16xf32> to vector<16xf32>
          %swap3A_1045 = arith.constant 2 : i32
          %swap3A_1046 = arith.index_cast %swap3A_1045 : i32 to index
          %swap3A_1047 = arith.index_cast %add3A_996 : i32 to index
          %swap3A_1048 = arith.constant 0 : index
          %swap3A_1049 = tpu.vector_load %arg7[%swap3A_1046, %swap3A_1047, %swap3A_1048] {strides = array<i32>} : memref<3x200x128xf32, #tpu.memory_space<vmem>>, vector<1x1x16xf32>,
          %swap3A_1050 = vector.shape_cast %swap3A_1049 : vector<1x1x16xf32> to vector<16xf32>
          %swap3A_1051 = vector.shape_cast %get3A_1044 : vector<16xf32> to vector<1x1x16xf32>
          tpu.vector_store %arg7[%swap3A_1046, %swap3A_1047, %swap3A_1048], %swap3A_1051 {add = true, strides = array<i32>} : memref<3x200x128xf32, #tpu.memory_space<vmem>>, vector<1x1x16xf32>,
          %jit3A_1052 = arith.constant 2 : i32
          %div3A_1053 = arith.divsi %add3A_996, %jit3A_1052 : i32
          %sign3A_1054 = arith.constant 0 : i32
          %sign3A_1055 = arith.cmpi sgt, %add3A_996, %sign3A_1054 : i32
          %sign3A_1056 = arith.extui %sign3A_1055 : i1 to i32
          %sign3A_1057 = arith.constant 0 : i32
          %sign3A_1058 = arith.cmpi slt, %add3A_996, %sign3A_1057 : i32
          %sign3A_1059 = arith.extui %sign3A_1058 : i1 to i32
          %sign3A_1060 = arith.subi %sign3A_1056, %sign3A_1059 : i32
          %sign3A_1061 = arith.constant 0 : i32
          %sign3A_1062 = arith.cmpi sgt, %jit3A_1052, %sign3A_1061 : i32
          %sign3A_1063 = arith.extui %sign3A_1062 : i1 to i32
          %sign3A_1064 = arith.constant 0 : i32
          %sign3A_1065 = arith.cmpi slt, %jit3A_1052, %sign3A_1064 : i32
          %sign3A_1066 = arith.extui %sign3A_1065 : i1 to i32
          %sign3A_1067 = arith.subi %sign3A_1063, %sign3A_1066 : i32
          %ne3A_1068 = arith.cmpi ne, %sign3A_1060, %sign3A_1067 : i32
          %rem3A_1069 = arith.remsi %add3A_996, %jit3A_1052 : i32
          %ne3A_1070 = arith.constant 0 : i32
          %ne3A_1071 = arith.cmpi ne, %rem3A_1069, %ne3A_1070 : i32
          %and3A_1072 = arith.andi %ne3A_1068, %ne3A_1071 : i1
          %sub3A_1073 = arith.constant 1 : i32
          %sub3A_1074 = arith.subi %div3A_1053, %sub3A_1073 : i32
          %select_n3A_1075 = arith.select %and3A_1072, %sub3A_1074, %div3A_1053 : i32
          %add3A_1076 = arith.constant 16 : i32
          %add3A_1077 = arith.addi %mul3A_1014, %add3A_1076 : i32
          %get3A_1078 = arith.index_cast %select_n3A_1075 : i32 to index
          %get3A_1079 = arith.index_cast %add3A_1077 : i32 to index
          %get3A_1080 = tpu.vector_load %arg8[%get3A_1078, %get3A_1079] {strides = array<i32>} : memref<100x128xf32, #tpu.memory_space<vmem>>, vector<1x16xf32>,
          %get3A_1081 = vector.shape_cast %get3A_1080 : vector<1x16xf32> to vector<16xf32>
          %swap3A_1082 = arith.constant 2 : i32
          %swap3A_1083 = arith.index_cast %swap3A_1082 : i32 to index
          %swap3A_1084 = arith.index_cast %add3A_996 : i32 to index
          %swap3A_1085 = arith.constant 16 : index
          %swap3A_1086 = tpu.vector_load %arg7[%swap3A_1083, %swap3A_1084, %swap3A_1085] {strides = array<i32>} : memref<3x200x128xf32, #tpu.memory_space<vmem>>, vector<1x1x16xf32>,
          %swap3A_1087 = vector.shape_cast %swap3A_1086 : vector<1x1x16xf32> to vector<16xf32>
          %swap3A_1088 = vector.shape_cast %get3A_1081 : vector<16xf32> to vector<1x1x16xf32>
          tpu.vector_store %arg7[%swap3A_1083, %swap3A_1084, %swap3A_1085], %swap3A_1088 {add = true, strides = array<i32>} : memref<3x200x128xf32, #tpu.memory_space<vmem>>, vector<1x1x16xf32>,
          %jit3A_1089 = arith.constant 2 : i32
          %div3A_1090 = arith.divsi %add3A_996, %jit3A_1089 : i32
          %sign3A_1091 = arith.constant 0 : i32
          %sign3A_1092 = arith.cmpi sgt, %add3A_996, %sign3A_1091 : i32
          %sign3A_1093 = arith.extui %sign3A_1092 : i1 to i32
          %sign3A_1094 = arith.constant 0 : i32
          %sign3A_1095 = arith.cmpi slt, %add3A_996, %sign3A_1094 : i32
          %sign3A_1096 = arith.extui %sign3A_1095 : i1 to i32
          %sign3A_1097 = arith.subi %sign3A_1093, %sign3A_1096 : i32
          %sign3A_1098 = arith.constant 0 : i32
          %sign3A_1099 = arith.cmpi sgt, %jit3A_1089, %sign3A_1098 : i32
          %sign3A_1100 = arith.extui %sign3A_1099 : i1 to i32
          %sign3A_1101 = arith.constant 0 : i32
          %sign3A_1102 = arith.cmpi slt, %jit3A_1089, %sign3A_1101 : i32
          %sign3A_1103 = arith.extui %sign3A_1102 : i1 to i32
          %sign3A_1104 = arith.subi %sign3A_1100, %sign3A_1103 : i32
          %ne3A_1105 = arith.cmpi ne, %sign3A_1097, %sign3A_1104 : i32
          %rem3A_1106 = arith.remsi %add3A_996, %jit3A_1089 : i32
          %ne3A_1107 = arith.constant 0 : i32
          %ne3A_1108 = arith.cmpi ne, %rem3A_1106, %ne3A_1107 : i32
          %and3A_1109 = arith.andi %ne3A_1105, %ne3A_1108 : i1
          %sub3A_1110 = arith.constant 1 : i32
          %sub3A_1111 = arith.subi %div3A_1090, %sub3A_1110 : i32
          %select_n3A_1112 = arith.select %and3A_1109, %sub3A_1111, %div3A_1090 : i32
          %add3A_1113 = arith.constant 32 : i32
          %add3A_1114 = arith.addi %mul3A_1014, %add3A_1113 : i32
          %get3A_1115 = arith.index_cast %select_n3A_1112 : i32 to index
          %get3A_1116 = arith.index_cast %add3A_1114 : i32 to index
          %get3A_1117 = tpu.vector_load %arg8[%get3A_1115, %get3A_1116] {strides = array<i32>} : memref<100x128xf32, #tpu.memory_space<vmem>>, vector<1x16xf32>,
          %get3A_1118 = vector.shape_cast %get3A_1117 : vector<1x16xf32> to vector<16xf32>
          %swap3A_1119 = arith.constant 2 : i32
          %swap3A_1120 = arith.index_cast %swap3A_1119 : i32 to index
          %swap3A_1121 = arith.index_cast %add3A_996 : i32 to index
          %swap3A_1122 = arith.constant 32 : index
          %swap3A_1123 = tpu.vector_load %arg7[%swap3A_1120, %swap3A_1121, %swap3A_1122] {strides = array<i32>} : memref<3x200x128xf32, #tpu.memory_space<vmem>>, vector<1x1x16xf32>,
          %swap3A_1124 = vector.shape_cast %swap3A_1123 : vector<1x1x16xf32> to vector<16xf32>
          %swap3A_1125 = vector.shape_cast %get3A_1118 : vector<16xf32> to vector<1x1x16xf32>
          tpu.vector_store %arg7[%swap3A_1120, %swap3A_1121, %swap3A_1122], %swap3A_1125 {add = true, strides = array<i32>} : memref<3x200x128xf32, #tpu.memory_space<vmem>>, vector<1x1x16xf32>,
          %jit3A_1126 = arith.constant 2 : i32
          %div3A_1127 = arith.divsi %add3A_996, %jit3A_1126 : i32
          %sign3A_1128 = arith.constant 0 : i32
          %sign3A_1129 = arith.cmpi sgt, %add3A_996, %sign3A_1128 : i32
          %sign3A_1130 = arith.extui %sign3A_1129 : i1 to i32
          %sign3A_1131 = arith.constant 0 : i32
          %sign3A_1132 = arith.cmpi slt, %add3A_996, %sign3A_1131 : i32
          %sign3A_1133 = arith.extui %sign3A_1132 : i1 to i32
          %sign3A_1134 = arith.subi %sign3A_1130, %sign3A_1133 : i32
          %sign3A_1135 = arith.constant 0 : i32
          %sign3A_1136 = arith.cmpi sgt, %jit3A_1126, %sign3A_1135 : i32
          %sign3A_1137 = arith.extui %sign3A_1136 : i1 to i32
          %sign3A_1138 = arith.constant 0 : i32
          %sign3A_1139 = arith.cmpi slt, %jit3A_1126, %sign3A_1138 : i32
          %sign3A_1140 = arith.extui %sign3A_1139 : i1 to i32
          %sign3A_1141 = arith.subi %sign3A_1137, %sign3A_1140 : i32
          %ne3A_1142 = arith.cmpi ne, %sign3A_1134, %sign3A_1141 : i32
          %rem3A_1143 = arith.remsi %add3A_996, %jit3A_1126 : i32
          %ne3A_1144 = arith.constant 0 : i32
          %ne3A_1145 = arith.cmpi ne, %rem3A_1143, %ne3A_1144 : i32
          %and3A_1146 = arith.andi %ne3A_1142, %ne3A_1145 : i1
          %sub3A_1147 = arith.constant 1 : i32
          %sub3A_1148 = arith.subi %div3A_1127, %sub3A_1147 : i32
          %select_n3A_1149 = arith.select %and3A_1146, %sub3A_1148, %div3A_1127 : i32
          %add3A_1150 = arith.constant 48 : i32
          %add3A_1151 = arith.addi %mul3A_1014, %add3A_1150 : i32
          %get3A_1152 = arith.index_cast %select_n3A_1149 : i32 to index
          %get3A_1153 = arith.index_cast %add3A_1151 : i32 to index
          %get3A_1154 = tpu.vector_load %arg8[%get3A_1152, %get3A_1153] {strides = array<i32>} : memref<100x128xf32, #tpu.memory_space<vmem>>, vector<1x16xf32>,
          %get3A_1155 = vector.shape_cast %get3A_1154 : vector<1x16xf32> to vector<16xf32>
          %swap3A_1156 = arith.constant 2 : i32
          %swap3A_1157 = arith.index_cast %swap3A_1156 : i32 to index
          %swap3A_1158 = arith.index_cast %add3A_996 : i32 to index
          %swap3A_1159 = arith.constant 48 : index
          %swap3A_1160 = tpu.vector_load %arg7[%swap3A_1157, %swap3A_1158, %swap3A_1159] {strides = array<i32>} : memref<3x200x128xf32, #tpu.memory_space<vmem>>, vector<1x1x16xf32>,
          %swap3A_1161 = vector.shape_cast %swap3A_1160 : vector<1x1x16xf32> to vector<16xf32>
          %swap3A_1162 = vector.shape_cast %get3A_1155 : vector<16xf32> to vector<1x1x16xf32>
          tpu.vector_store %arg7[%swap3A_1157, %swap3A_1158, %swap3A_1159], %swap3A_1162 {add = true, strides = array<i32>} : memref<3x200x128xf32, #tpu.memory_space<vmem>>, vector<1x1x16xf32>,
          %scan3A_1163 = arith.constant 6 : i32
          %scan3A_1164 = arith.addi %scan3A_143, %scan3A_1163 : i32
          %mul3A_1165 = arith.constant 1 : i32
          %mul3A_1166 = arith.muli %scan3A_1164, %mul3A_1165 : i32
          %add3A_1167 = arith.constant 0 : i32
          %add3A_1168 = arith.addi %add3A_1167, %mul3A_1166 : i32
          %jit3A_1169 = arith.constant 2 : i32
          %eq3A_1170 = arith.constant 0 : i32
          %eq3A_1171 = arith.cmpi eq, %jit3A_1169, %eq3A_1170 : i32
          %jit3A_1172 = arith.constant 1 : i32
          %select_n3A_1173 = arith.select %eq3A_1171, %jit3A_1172, %jit3A_1169 : i32
          %rem3A_1174 = arith.remsi %add3A_1168, %select_n3A_1173 : i32
          %ne3A_1175 = arith.constant 0 : i32
          %ne3A_1176 = arith.cmpi ne, %rem3A_1174, %ne3A_1175 : i32
          %lt3A_1177 = arith.constant 0 : i32
          %lt3A_1178 = arith.cmpi slt, %rem3A_1174, %lt3A_1177 : i32
          %lt3A_1179 = arith.constant 0 : i32
          %lt3A_1180 = arith.cmpi slt, %select_n3A_1173, %lt3A_1179 : i32
          %ne3A_1181 = arith.xori %lt3A_1178, %lt3A_1180 : i1
          %and3A_1182 = arith.andi %ne3A_1181, %ne3A_1176 : i1
          %add3A_1183 = arith.addi %rem3A_1174, %select_n3A_1173 : i32
          %select_n3A_1184 = arith.select %and3A_1182, %add3A_1183, %rem3A_1174 : i32
          %mul3A_1185 = arith.constant 64 : i32
          %mul3A_1186 = arith.muli %select_n3A_1184, %mul3A_1185 : i32
          %jit3A_1187 = arith.constant 2 : i32
          %div3A_1188 = arith.divsi %add3A_1168, %jit3A_1187 : i32
          %sign3A_1189 = arith.constant 0 : i32
          %sign3A_1190 = arith.cmpi sgt, %add3A_1168, %sign3A_1189 : i32
          %sign3A_1191 = arith.extui %sign3A_1190 : i1 to i32
          %sign3A_1192 = arith.constant 0 : i32
          %sign3A_1193 = arith.cmpi slt, %add3A_1168, %sign3A_1192 : i32
          %sign3A_1194 = arith.extui %sign3A_1193 : i1 to i32
          %sign3A_1195 = arith.subi %sign3A_1191, %sign3A_1194 : i32
          %sign3A_1196 = arith.constant 0 : i32
          %sign3A_1197 = arith.cmpi sgt, %jit3A_1187, %sign3A_1196 : i32
          %sign3A_1198 = arith.extui %sign3A_1197 : i1 to i32
          %sign3A_1199 = arith.constant 0 : i32
          %sign3A_1200 = arith.cmpi slt, %jit3A_1187, %sign3A_1199 : i32
          %sign3A_1201 = arith.extui %sign3A_1200 : i1 to i32
          %sign3A_1202 = arith.subi %sign3A_1198, %sign3A_1201 : i32
          %ne3A_1203 = arith.cmpi ne, %sign3A_1195, %sign3A_1202 : i32
          %rem3A_1204 = arith.remsi %add3A_1168, %jit3A_1187 : i32
          %ne3A_1205 = arith.constant 0 : i32
          %ne3A_1206 = arith.cmpi ne, %rem3A_1204, %ne3A_1205 : i32
          %and3A_1207 = arith.andi %ne3A_1203, %ne3A_1206 : i1
          %sub3A_1208 = arith.constant 1 : i32
          %sub3A_1209 = arith.subi %div3A_1188, %sub3A_1208 : i32
          %select_n3A_1210 = arith.select %and3A_1207, %sub3A_1209, %div3A_1188 : i32
          %add3A_1211 = arith.constant 0 : i32
          %add3A_1212 = arith.addi %mul3A_1186, %add3A_1211 : i32
          %get3A_1213 = arith.index_cast %select_n3A_1210 : i32 to index
          %get3A_1214 = arith.index_cast %add3A_1212 : i32 to index
          %get3A_1215 = tpu.vector_load %arg8[%get3A_1213, %get3A_1214] {strides = array<i32>} : memref<100x128xf32, #tpu.memory_space<vmem>>, vector<1x16xf32>,
          %get3A_1216 = vector.shape_cast %get3A_1215 : vector<1x16xf32> to vector<16xf32>
          %swap3A_1217 = arith.constant 2 : i32
          %swap3A_1218 = arith.index_cast %swap3A_1217 : i32 to index
          %swap3A_1219 = arith.index_cast %add3A_1168 : i32 to index
          %swap3A_1220 = arith.constant 0 : index
          %swap3A_1221 = tpu.vector_load %arg7[%swap3A_1218, %swap3A_1219, %swap3A_1220] {strides = array<i32>} : memref<3x200x128xf32, #tpu.memory_space<vmem>>, vector<1x1x16xf32>,
          %swap3A_1222 = vector.shape_cast %swap3A_1221 : vector<1x1x16xf32> to vector<16xf32>
          %swap3A_1223 = vector.shape_cast %get3A_1216 : vector<16xf32> to vector<1x1x16xf32>
          tpu.vector_store %arg7[%swap3A_1218, %swap3A_1219, %swap3A_1220], %swap3A_1223 {add = true, strides = array<i32>} : memref<3x200x128xf32, #tpu.memory_space<vmem>>, vector<1x1x16xf32>,
          %jit3A_1224 = arith.constant 2 : i32
          %div3A_1225 = arith.divsi %add3A_1168, %jit3A_1224 : i32
          %sign3A_1226 = arith.constant 0 : i32
          %sign3A_1227 = arith.cmpi sgt, %add3A_1168, %sign3A_1226 : i32
          %sign3A_1228 = arith.extui %sign3A_1227 : i1 to i32
          %sign3A_1229 = arith.constant 0 : i32
          %sign3A_1230 = arith.cmpi slt, %add3A_1168, %sign3A_1229 : i32
          %sign3A_1231 = arith.extui %sign3A_1230 : i1 to i32
          %sign3A_1232 = arith.subi %sign3A_1228, %sign3A_1231 : i32
          %sign3A_1233 = arith.constant 0 : i32
          %sign3A_1234 = arith.cmpi sgt, %jit3A_1224, %sign3A_1233 : i32
          %sign3A_1235 = arith.extui %sign3A_1234 : i1 to i32
          %sign3A_1236 = arith.constant 0 : i32
          %sign3A_1237 = arith.cmpi slt, %jit3A_1224, %sign3A_1236 : i32
          %sign3A_1238 = arith.extui %sign3A_1237 : i1 to i32
          %sign3A_1239 = arith.subi %sign3A_1235, %sign3A_1238 : i32
          %ne3A_1240 = arith.cmpi ne, %sign3A_1232, %sign3A_1239 : i32
          %rem3A_1241 = arith.remsi %add3A_1168, %jit3A_1224 : i32
          %ne3A_1242 = arith.constant 0 : i32
          %ne3A_1243 = arith.cmpi ne, %rem3A_1241, %ne3A_1242 : i32
          %and3A_1244 = arith.andi %ne3A_1240, %ne3A_1243 : i1
          %sub3A_1245 = arith.constant 1 : i32
          %sub3A_1246 = arith.subi %div3A_1225, %sub3A_1245 : i32
          %select_n3A_1247 = arith.select %and3A_1244, %sub3A_1246, %div3A_1225 : i32
          %add3A_1248 = arith.constant 16 : i32
          %add3A_1249 = arith.addi %mul3A_1186, %add3A_1248 : i32
          %get3A_1250 = arith.index_cast %select_n3A_1247 : i32 to index
          %get3A_1251 = arith.index_cast %add3A_1249 : i32 to index
          %get3A_1252 = tpu.vector_load %arg8[%get3A_1250, %get3A_1251] {strides = array<i32>} : memref<100x128xf32, #tpu.memory_space<vmem>>, vector<1x16xf32>,
          %get3A_1253 = vector.shape_cast %get3A_1252 : vector<1x16xf32> to vector<16xf32>
          %swap3A_1254 = arith.constant 2 : i32
          %swap3A_1255 = arith.index_cast %swap3A_1254 : i32 to index
          %swap3A_1256 = arith.index_cast %add3A_1168 : i32 to index
          %swap3A_1257 = arith.constant 16 : index
          %swap3A_1258 = tpu.vector_load %arg7[%swap3A_1255, %swap3A_1256, %swap3A_1257] {strides = array<i32>} : memref<3x200x128xf32, #tpu.memory_space<vmem>>, vector<1x1x16xf32>,
          %swap3A_1259 = vector.shape_cast %swap3A_1258 : vector<1x1x16xf32> to vector<16xf32>
          %swap3A_1260 = vector.shape_cast %get3A_1253 : vector<16xf32> to vector<1x1x16xf32>
          tpu.vector_store %arg7[%swap3A_1255, %swap3A_1256, %swap3A_1257], %swap3A_1260 {add = true, strides = array<i32>} : memref<3x200x128xf32, #tpu.memory_space<vmem>>, vector<1x1x16xf32>,
          %jit3A_1261 = arith.constant 2 : i32
          %div3A_1262 = arith.divsi %add3A_1168, %jit3A_1261 : i32
          %sign3A_1263 = arith.constant 0 : i32
          %sign3A_1264 = arith.cmpi sgt, %add3A_1168, %sign3A_1263 : i32
          %sign3A_1265 = arith.extui %sign3A_1264 : i1 to i32
          %sign3A_1266 = arith.constant 0 : i32
          %sign3A_1267 = arith.cmpi slt, %add3A_1168, %sign3A_1266 : i32
          %sign3A_1268 = arith.extui %sign3A_1267 : i1 to i32
          %sign3A_1269 = arith.subi %sign3A_1265, %sign3A_1268 : i32
          %sign3A_1270 = arith.constant 0 : i32
          %sign3A_1271 = arith.cmpi sgt, %jit3A_1261, %sign3A_1270 : i32
          %sign3A_1272 = arith.extui %sign3A_1271 : i1 to i32
          %sign3A_1273 = arith.constant 0 : i32
          %sign3A_1274 = arith.cmpi slt, %jit3A_1261, %sign3A_1273 : i32
          %sign3A_1275 = arith.extui %sign3A_1274 : i1 to i32
          %sign3A_1276 = arith.subi %sign3A_1272, %sign3A_1275 : i32
          %ne3A_1277 = arith.cmpi ne, %sign3A_1269, %sign3A_1276 : i32
          %rem3A_1278 = arith.remsi %add3A_1168, %jit3A_1261 : i32
          %ne3A_1279 = arith.constant 0 : i32
          %ne3A_1280 = arith.cmpi ne, %rem3A_1278, %ne3A_1279 : i32
          %and3A_1281 = arith.andi %ne3A_1277, %ne3A_1280 : i1
          %sub3A_1282 = arith.constant 1 : i32
          %sub3A_1283 = arith.subi %div3A_1262, %sub3A_1282 : i32
          %select_n3A_1284 = arith.select %and3A_1281, %sub3A_1283, %div3A_1262 : i32
          %add3A_1285 = arith.constant 32 : i32
          %add3A_1286 = arith.addi %mul3A_1186, %add3A_1285 : i32
          %get3A_1287 = arith.index_cast %select_n3A_1284 : i32 to index
          %get3A_1288 = arith.index_cast %add3A_1286 : i32 to index
          %get3A_1289 = tpu.vector_load %arg8[%get3A_1287, %get3A_1288] {strides = array<i32>} : memref<100x128xf32, #tpu.memory_space<vmem>>, vector<1x16xf32>,
          %get3A_1290 = vector.shape_cast %get3A_1289 : vector<1x16xf32> to vector<16xf32>
          %swap3A_1291 = arith.constant 2 : i32
          %swap3A_1292 = arith.index_cast %swap3A_1291 : i32 to index
          %swap3A_1293 = arith.index_cast %add3A_1168 : i32 to index
          %swap3A_1294 = arith.constant 32 : index
          %swap3A_1295 = tpu.vector_load %arg7[%swap3A_1292, %swap3A_1293, %swap3A_1294] {strides = array<i32>} : memref<3x200x128xf32, #tpu.memory_space<vmem>>, vector<1x1x16xf32>,
          %swap3A_1296 = vector.shape_cast %swap3A_1295 : vector<1x1x16xf32> to vector<16xf32>
          %swap3A_1297 = vector.shape_cast %get3A_1290 : vector<16xf32> to vector<1x1x16xf32>
          tpu.vector_store %arg7[%swap3A_1292, %swap3A_1293, %swap3A_1294], %swap3A_1297 {add = true, strides = array<i32>} : memref<3x200x128xf32, #tpu.memory_space<vmem>>, vector<1x1x16xf32>,
          %jit3A_1298 = arith.constant 2 : i32
          %div3A_1299 = arith.divsi %add3A_1168, %jit3A_1298 : i32
          %sign3A_1300 = arith.constant 0 : i32
          %sign3A_1301 = arith.cmpi sgt, %add3A_1168, %sign3A_1300 : i32
          %sign3A_1302 = arith.extui %sign3A_1301 : i1 to i32
          %sign3A_1303 = arith.constant 0 : i32
          %sign3A_1304 = arith.cmpi slt, %add3A_1168, %sign3A_1303 : i32
          %sign3A_1305 = arith.extui %sign3A_1304 : i1 to i32
          %sign3A_1306 = arith.subi %sign3A_1302, %sign3A_1305 : i32
          %sign3A_1307 = arith.constant 0 : i32
          %sign3A_1308 = arith.cmpi sgt, %jit3A_1298, %sign3A_1307 : i32
          %sign3A_1309 = arith.extui %sign3A_1308 : i1 to i32
          %sign3A_1310 = arith.constant 0 : i32
          %sign3A_1311 = arith.cmpi slt, %jit3A_1298, %sign3A_1310 : i32
          %sign3A_1312 = arith.extui %sign3A_1311 : i1 to i32
          %sign3A_1313 = arith.subi %sign3A_1309, %sign3A_1312 : i32
          %ne3A_1314 = arith.cmpi ne, %sign3A_1306, %sign3A_1313 : i32
          %rem3A_1315 = arith.remsi %add3A_1168, %jit3A_1298 : i32
          %ne3A_1316 = arith.constant 0 : i32
          %ne3A_1317 = arith.cmpi ne, %rem3A_1315, %ne3A_1316 : i32
          %and3A_1318 = arith.andi %ne3A_1314, %ne3A_1317 : i1
          %sub3A_1319 = arith.constant 1 : i32
          %sub3A_1320 = arith.subi %div3A_1299, %sub3A_1319 : i32
          %select_n3A_1321 = arith.select %and3A_1318, %sub3A_1320, %div3A_1299 : i32
          %add3A_1322 = arith.constant 48 : i32
          %add3A_1323 = arith.addi %mul3A_1186, %add3A_1322 : i32
          %get3A_1324 = arith.index_cast %select_n3A_1321 : i32 to index
          %get3A_1325 = arith.index_cast %add3A_1323 : i32 to index
          %get3A_1326 = tpu.vector_load %arg8[%get3A_1324, %get3A_1325] {strides = array<i32>} : memref<100x128xf32, #tpu.memory_space<vmem>>, vector<1x16xf32>,
          %get3A_1327 = vector.shape_cast %get3A_1326 : vector<1x16xf32> to vector<16xf32>
          %swap3A_1328 = arith.constant 2 : i32
          %swap3A_1329 = arith.index_cast %swap3A_1328 : i32 to index
          %swap3A_1330 = arith.index_cast %add3A_1168 : i32 to index
          %swap3A_1331 = arith.constant 48 : index
          %swap3A_1332 = tpu.vector_load %arg7[%swap3A_1329, %swap3A_1330, %swap3A_1331] {strides = array<i32>} : memref<3x200x128xf32, #tpu.memory_space<vmem>>, vector<1x1x16xf32>,
          %swap3A_1333 = vector.shape_cast %swap3A_1332 : vector<1x1x16xf32> to vector<16xf32>
          %swap3A_1334 = vector.shape_cast %get3A_1327 : vector<16xf32> to vector<1x1x16xf32>
          tpu.vector_store %arg7[%swap3A_1329, %swap3A_1330, %swap3A_1331], %swap3A_1334 {add = true, strides = array<i32>} : memref<3x200x128xf32, #tpu.memory_space<vmem>>, vector<1x1x16xf32>,
          %scan3A_1335 = arith.constant 7 : i32
          %scan3A_1336 = arith.addi %scan3A_143, %scan3A_1335 : i32
          %mul3A_1337 = arith.constant 1 : i32
          %mul3A_1338 = arith.muli %scan3A_1336, %mul3A_1337 : i32
          %add3A_1339 = arith.constant 0 : i32
          %add3A_1340 = arith.addi %add3A_1339, %mul3A_1338 : i32
          %jit3A_1341 = arith.constant 2 : i32
          %eq3A_1342 = arith.constant 0 : i32
          %eq3A_1343 = arith.cmpi eq, %jit3A_1341, %eq3A_1342 : i32
          %jit3A_1344 = arith.constant 1 : i32
          %select_n3A_1345 = arith.select %eq3A_1343, %jit3A_1344, %jit3A_1341 : i32
          %rem3A_1346 = arith.remsi %add3A_1340, %select_n3A_1345 : i32
          %ne3A_1347 = arith.constant 0 : i32
          %ne3A_1348 = arith.cmpi ne, %rem3A_1346, %ne3A_1347 : i32
          %lt3A_1349 = arith.constant 0 : i32
          %lt3A_1350 = arith.cmpi slt, %rem3A_1346, %lt3A_1349 : i32
          %lt3A_1351 = arith.constant 0 : i32
          %lt3A_1352 = arith.cmpi slt, %select_n3A_1345, %lt3A_1351 : i32
          %ne3A_1353 = arith.xori %lt3A_1350, %lt3A_1352 : i1
          %and3A_1354 = arith.andi %ne3A_1353, %ne3A_1348 : i1
          %add3A_1355 = arith.addi %rem3A_1346, %select_n3A_1345 : i32
          %select_n3A_1356 = arith.select %and3A_1354, %add3A_1355, %rem3A_1346 : i32
          %mul3A_1357 = arith.constant 64 : i32
          %mul3A_1358 = arith.muli %select_n3A_1356, %mul3A_1357 : i32
          %jit3A_1359 = arith.constant 2 : i32
          %div3A_1360 = arith.divsi %add3A_1340, %jit3A_1359 : i32
          %sign3A_1361 = arith.constant 0 : i32
          %sign3A_1362 = arith.cmpi sgt, %add3A_1340, %sign3A_1361 : i32
          %sign3A_1363 = arith.extui %sign3A_1362 : i1 to i32
          %sign3A_1364 = arith.constant 0 : i32
          %sign3A_1365 = arith.cmpi slt, %add3A_1340, %sign3A_1364 : i32
          %sign3A_1366 = arith.extui %sign3A_1365 : i1 to i32
          %sign3A_1367 = arith.subi %sign3A_1363, %sign3A_1366 : i32
          %sign3A_1368 = arith.constant 0 : i32
          %sign3A_1369 = arith.cmpi sgt, %jit3A_1359, %sign3A_1368 : i32
          %sign3A_1370 = arith.extui %sign3A_1369 : i1 to i32
          %sign3A_1371 = arith.constant 0 : i32
          %sign3A_1372 = arith.cmpi slt, %jit3A_1359, %sign3A_1371 : i32
          %sign3A_1373 = arith.extui %sign3A_1372 : i1 to i32
          %sign3A_1374 = arith.subi %sign3A_1370, %sign3A_1373 : i32
          %ne3A_1375 = arith.cmpi ne, %sign3A_1367, %sign3A_1374 : i32
          %rem3A_1376 = arith.remsi %add3A_1340, %jit3A_1359 : i32
          %ne3A_1377 = arith.constant 0 : i32
          %ne3A_1378 = arith.cmpi ne, %rem3A_1376, %ne3A_1377 : i32
          %and3A_1379 = arith.andi %ne3A_1375, %ne3A_1378 : i1
          %sub3A_1380 = arith.constant 1 : i32
          %sub3A_1381 = arith.subi %div3A_1360, %sub3A_1380 : i32
          %select_n3A_1382 = arith.select %and3A_1379, %sub3A_1381, %div3A_1360 : i32
          %add3A_1383 = arith.constant 0 : i32
          %add3A_1384 = arith.addi %mul3A_1358, %add3A_1383 : i32
          %get3A_1385 = arith.index_cast %select_n3A_1382 : i32 to index
          %get3A_1386 = arith.index_cast %add3A_1384 : i32 to index
          %get3A_1387 = tpu.vector_load %arg8[%get3A_1385, %get3A_1386] {strides = array<i32>} : memref<100x128xf32, #tpu.memory_space<vmem>>, vector<1x16xf32>,
          %get3A_1388 = vector.shape_cast %get3A_1387 : vector<1x16xf32> to vector<16xf32>
          %swap3A_1389 = arith.constant 2 : i32
          %swap3A_1390 = arith.index_cast %swap3A_1389 : i32 to index
          %swap3A_1391 = arith.index_cast %add3A_1340 : i32 to index
          %swap3A_1392 = arith.constant 0 : index
          %swap3A_1393 = tpu.vector_load %arg7[%swap3A_1390, %swap3A_1391, %swap3A_1392] {strides = array<i32>} : memref<3x200x128xf32, #tpu.memory_space<vmem>>, vector<1x1x16xf32>,
          %swap3A_1394 = vector.shape_cast %swap3A_1393 : vector<1x1x16xf32> to vector<16xf32>
          %swap3A_1395 = vector.shape_cast %get3A_1388 : vector<16xf32> to vector<1x1x16xf32>
          tpu.vector_store %arg7[%swap3A_1390, %swap3A_1391, %swap3A_1392], %swap3A_1395 {add = true, strides = array<i32>} : memref<3x200x128xf32, #tpu.memory_space<vmem>>, vector<1x1x16xf32>,
          %jit3A_1396 = arith.constant 2 : i32
          %div3A_1397 = arith.divsi %add3A_1340, %jit3A_1396 : i32
          %sign3A_1398 = arith.constant 0 : i32
          %sign3A_1399 = arith.cmpi sgt, %add3A_1340, %sign3A_1398 : i32
          %sign3A_1400 = arith.extui %sign3A_1399 : i1 to i32
          %sign3A_1401 = arith.constant 0 : i32
          %sign3A_1402 = arith.cmpi slt, %add3A_1340, %sign3A_1401 : i32
          %sign3A_1403 = arith.extui %sign3A_1402 : i1 to i32
          %sign3A_1404 = arith.subi %sign3A_1400, %sign3A_1403 : i32
          %sign3A_1405 = arith.constant 0 : i32
          %sign3A_1406 = arith.cmpi sgt, %jit3A_1396, %sign3A_1405 : i32
          %sign3A_1407 = arith.extui %sign3A_1406 : i1 to i32
          %sign3A_1408 = arith.constant 0 : i32
          %sign3A_1409 = arith.cmpi slt, %jit3A_1396, %sign3A_1408 : i32
          %sign3A_1410 = arith.extui %sign3A_1409 : i1 to i32
          %sign3A_1411 = arith.subi %sign3A_1407, %sign3A_1410 : i32
          %ne3A_1412 = arith.cmpi ne, %sign3A_1404, %sign3A_1411 : i32
          %rem3A_1413 = arith.remsi %add3A_1340, %jit3A_1396 : i32
          %ne3A_1414 = arith.constant 0 : i32
          %ne3A_1415 = arith.cmpi ne, %rem3A_1413, %ne3A_1414 : i32
          %and3A_1416 = arith.andi %ne3A_1412, %ne3A_1415 : i1
          %sub3A_1417 = arith.constant 1 : i32
          %sub3A_1418 = arith.subi %div3A_1397, %sub3A_1417 : i32
          %select_n3A_1419 = arith.select %and3A_1416, %sub3A_1418, %div3A_1397 : i32
          %add3A_1420 = arith.constant 16 : i32
          %add3A_1421 = arith.addi %mul3A_1358, %add3A_1420 : i32
          %get3A_1422 = arith.index_cast %select_n3A_1419 : i32 to index
          %get3A_1423 = arith.index_cast %add3A_1421 : i32 to index
          %get3A_1424 = tpu.vector_load %arg8[%get3A_1422, %get3A_1423] {strides = array<i32>} : memref<100x128xf32, #tpu.memory_space<vmem>>, vector<1x16xf32>,
          %get3A_1425 = vector.shape_cast %get3A_1424 : vector<1x16xf32> to vector<16xf32>
          %swap3A_1426 = arith.constant 2 : i32
          %swap3A_1427 = arith.index_cast %swap3A_1426 : i32 to index
          %swap3A_1428 = arith.index_cast %add3A_1340 : i32 to index
          %swap3A_1429 = arith.constant 16 : index
          %swap3A_1430 = tpu.vector_load %arg7[%swap3A_1427, %swap3A_1428, %swap3A_1429] {strides = array<i32>} : memref<3x200x128xf32, #tpu.memory_space<vmem>>, vector<1x1x16xf32>,
          %swap3A_1431 = vector.shape_cast %swap3A_1430 : vector<1x1x16xf32> to vector<16xf32>
          %swap3A_1432 = vector.shape_cast %get3A_1425 : vector<16xf32> to vector<1x1x16xf32>
          tpu.vector_store %arg7[%swap3A_1427, %swap3A_1428, %swap3A_1429], %swap3A_1432 {add = true, strides = array<i32>} : memref<3x200x128xf32, #tpu.memory_space<vmem>>, vector<1x1x16xf32>,
          %jit3A_1433 = arith.constant 2 : i32
          %div3A_1434 = arith.divsi %add3A_1340, %jit3A_1433 : i32
          %sign3A_1435 = arith.constant 0 : i32
          %sign3A_1436 = arith.cmpi sgt, %add3A_1340, %sign3A_1435 : i32
          %sign3A_1437 = arith.extui %sign3A_1436 : i1 to i32
          %sign3A_1438 = arith.constant 0 : i32
          %sign3A_1439 = arith.cmpi slt, %add3A_1340, %sign3A_1438 : i32
          %sign3A_1440 = arith.extui %sign3A_1439 : i1 to i32
          %sign3A_1441 = arith.subi %sign3A_1437, %sign3A_1440 : i32
          %sign3A_1442 = arith.constant 0 : i32
          %sign3A_1443 = arith.cmpi sgt, %jit3A_1433, %sign3A_1442 : i32
          %sign3A_1444 = arith.extui %sign3A_1443 : i1 to i32
          %sign3A_1445 = arith.constant 0 : i32
          %sign3A_1446 = arith.cmpi slt, %jit3A_1433, %sign3A_1445 : i32
          %sign3A_1447 = arith.extui %sign3A_1446 : i1 to i32
          %sign3A_1448 = arith.subi %sign3A_1444, %sign3A_1447 : i32
          %ne3A_1449 = arith.cmpi ne, %sign3A_1441, %sign3A_1448 : i32
          %rem3A_1450 = arith.remsi %add3A_1340, %jit3A_1433 : i32
          %ne3A_1451 = arith.constant 0 : i32
          %ne3A_1452 = arith.cmpi ne, %rem3A_1450, %ne3A_1451 : i32
          %and3A_1453 = arith.andi %ne3A_1449, %ne3A_1452 : i1
          %sub3A_1454 = arith.constant 1 : i32
          %sub3A_1455 = arith.subi %div3A_1434, %sub3A_1454 : i32
          %select_n3A_1456 = arith.select %and3A_1453, %sub3A_1455, %div3A_1434 : i32
          %add3A_1457 = arith.constant 32 : i32
          %add3A_1458 = arith.addi %mul3A_1358, %add3A_1457 : i32
          %get3A_1459 = arith.index_cast %select_n3A_1456 : i32 to index
          %get3A_1460 = arith.index_cast %add3A_1458 : i32 to index
          %get3A_1461 = tpu.vector_load %arg8[%get3A_1459, %get3A_1460] {strides = array<i32>} : memref<100x128xf32, #tpu.memory_space<vmem>>, vector<1x16xf32>,
          %get3A_1462 = vector.shape_cast %get3A_1461 : vector<1x16xf32> to vector<16xf32>
          %swap3A_1463 = arith.constant 2 : i32
          %swap3A_1464 = arith.index_cast %swap3A_1463 : i32 to index
          %swap3A_1465 = arith.index_cast %add3A_1340 : i32 to index
          %swap3A_1466 = arith.constant 32 : index
          %swap3A_1467 = tpu.vector_load %arg7[%swap3A_1464, %swap3A_1465, %swap3A_1466] {strides = array<i32>} : memref<3x200x128xf32, #tpu.memory_space<vmem>>, vector<1x1x16xf32>,
          %swap3A_1468 = vector.shape_cast %swap3A_1467 : vector<1x1x16xf32> to vector<16xf32>
          %swap3A_1469 = vector.shape_cast %get3A_1462 : vector<16xf32> to vector<1x1x16xf32>
          tpu.vector_store %arg7[%swap3A_1464, %swap3A_1465, %swap3A_1466], %swap3A_1469 {add = true, strides = array<i32>} : memref<3x200x128xf32, #tpu.memory_space<vmem>>, vector<1x1x16xf32>,
          %jit3A_1470 = arith.constant 2 : i32
          %div3A_1471 = arith.divsi %add3A_1340, %jit3A_1470 : i32
          %sign3A_1472 = arith.constant 0 : i32
          %sign3A_1473 = arith.cmpi sgt, %add3A_1340, %sign3A_1472 : i32
          %sign3A_1474 = arith.extui %sign3A_1473 : i1 to i32
          %sign3A_1475 = arith.constant 0 : i32
          %sign3A_1476 = arith.cmpi slt, %add3A_1340, %sign3A_1475 : i32
          %sign3A_1477 = arith.extui %sign3A_1476 : i1 to i32
          %sign3A_1478 = arith.subi %sign3A_1474, %sign3A_1477 : i32
          %sign3A_1479 = arith.constant 0 : i32
          %sign3A_1480 = arith.cmpi sgt, %jit3A_1470, %sign3A_1479 : i32
          %sign3A_1481 = arith.extui %sign3A_1480 : i1 to i32
          %sign3A_1482 = arith.constant 0 : i32
          %sign3A_1483 = arith.cmpi slt, %jit3A_1470, %sign3A_1482 : i32
          %sign3A_1484 = arith.extui %sign3A_1483 : i1 to i32
          %sign3A_1485 = arith.subi %sign3A_1481, %sign3A_1484 : i32
          %ne3A_1486 = arith.cmpi ne, %sign3A_1478, %sign3A_1485 : i32
          %rem3A_1487 = arith.remsi %add3A_1340, %jit3A_1470 : i32
          %ne3A_1488 = arith.constant 0 : i32
          %ne3A_1489 = arith.cmpi ne, %rem3A_1487, %ne3A_1488 : i32
          %and3A_1490 = arith.andi %ne3A_1486, %ne3A_1489 : i1
          %sub3A_1491 = arith.constant 1 : i32
          %sub3A_1492 = arith.subi %div3A_1471, %sub3A_1491 : i32
          %select_n3A_1493 = arith.select %and3A_1490, %sub3A_1492, %div3A_1471 : i32
          %add3A_1494 = arith.constant 48 : i32
          %add3A_1495 = arith.addi %mul3A_1358, %add3A_1494 : i32
          %get3A_1496 = arith.index_cast %select_n3A_1493 : i32 to index
          %get3A_1497 = arith.index_cast %add3A_1495 : i32 to index
          %get3A_1498 = tpu.vector_load %arg8[%get3A_1496, %get3A_1497] {strides = array<i32>} : memref<100x128xf32, #tpu.memory_space<vmem>>, vector<1x16xf32>,
          %get3A_1499 = vector.shape_cast %get3A_1498 : vector<1x16xf32> to vector<16xf32>
          %swap3A_1500 = arith.constant 2 : i32
          %swap3A_1501 = arith.index_cast %swap3A_1500 : i32 to index
          %swap3A_1502 = arith.index_cast %add3A_1340 : i32 to index
          %swap3A_1503 = arith.constant 48 : index
          %swap3A_1504 = tpu.vector_load %arg7[%swap3A_1501, %swap3A_1502, %swap3A_1503] {strides = array<i32>} : memref<3x200x128xf32, #tpu.memory_space<vmem>>, vector<1x1x16xf32>,
          %swap3A_1505 = vector.shape_cast %swap3A_1504 : vector<1x1x16xf32> to vector<16xf32>
          %swap3A_1506 = vector.shape_cast %get3A_1499 : vector<16xf32> to vector<1x1x16xf32>
          tpu.vector_store %arg7[%swap3A_1501, %swap3A_1502, %swap3A_1503], %swap3A_1506 {add = true, strides = array<i32>} : memref<3x200x128xf32, #tpu.memory_space<vmem>>, vector<1x1x16xf32>,
        }
        %scan3A_121 = arith.constant 200 : i32
        %mul3A_122 = arith.constant 128 : i32
        %mul3A_123 = arith.muli %add3A, %mul3A_122 : i32
        %add3A_124 = arith.addi %mul3A_123, %add3A_91 : i32
        %mul3A_125 = arith.constant 200 : i32
        %mul3A_126 = arith.muli %add3A_124, %mul3A_125 : i32
        %dma_start3A_127 = arith.constant 2 : i32
        %dma_start3A_128 = arith.constant 2 : i32
        %dma_start3A_129 = arith.constant 0 : i32
        %dma_start3A_130 = arith.constant 0 : i32
        %dma_start3A_131 = tpu.memref_slice %arg7[%dma_start3A_127, %dma_start3A_129, %dma_start3A_130] : memref<3x200x128xf32, #tpu.memory_space<vmem>> -> memref<1x200x128xf32, #tpu.memory_space<vmem>>
        %dma_start3A_132 = tpu.memref_squeeze %dma_start3A_131 : memref<1x200x128xf32, #tpu.memory_space<vmem>> -> memref<200x128xf32, #tpu.memory_space<vmem>>
        %dma_start3A_133 = arith.constant 0 : i32
        %dma_start3A_134 = tpu.memref_slice %arg5[%mul3A_126, %dma_start3A_133] : memref<819200x128xf32, #tpu.memory_space<hbm>> -> memref<200x128xf32, #tpu.memory_space<hbm>>
        %dma_start3A_135 = tpu.memref_slice %arg10[%dma_start3A_128] : memref<3x!tpu.dma_semaphore, #tpu.memory_space<semaphore_mem>> -> memref<1x!tpu.dma_semaphore, #tpu.memory_space<semaphore_mem>>
        %dma_start3A_136 = tpu.memref_squeeze %dma_start3A_135 : memref<1x!tpu.dma_semaphore, #tpu.memory_space<semaphore_mem>> -> memref<!tpu.dma_semaphore, #tpu.memory_space<semaphore_mem>>
        %dma_start3A_137 = arith.constant 0 : i32
        %dma_start3A_138 = tpu.memref_slice %arg5[%mul3A_126, %dma_start3A_137] : memref<819200x128xf32, #tpu.memory_space<hbm>> -> memref<200x128xf32, #tpu.memory_space<hbm>>
        %dma_start3A_139 = arith.constant 0 : i32
        %dma_start3A_140 = arith.constant 0 : i32
        %dma_start3A_141 = tpu.memref_slice %arg7[%dma_start3A_127, %dma_start3A_139, %dma_start3A_140] : memref<3x200x128xf32, #tpu.memory_space<vmem>> -> memref<1x200x128xf32, #tpu.memory_space<vmem>>
        %dma_start3A_142 = tpu.memref_squeeze %dma_start3A_141 : memref<1x200x128xf32, #tpu.memory_space<vmem>> -> memref<200x128xf32, #tpu.memory_space<vmem>>
        tpu.enqueue_dma source(%dma_start3A_142 : memref<200x128xf32, #tpu.memory_space<vmem>>) target(%dma_start3A_138 : memref<200x128xf32, #tpu.memory_space<hbm>>) target_semaphore(%dma_start3A_136 : memref<!tpu.dma_semaphore, #tpu.memory_space<semaphore_mem>>)
      } else {
      }
    }
    %scan3A_20 = arith.constant 43 : i32
    %dma_wait3A = arith.constant 0 : i32
    %dma_wait3A_21 = arith.constant 0 : i32
    %dma_wait3A_22 = arith.constant 0 : i32
    %dma_wait3A_23 = arith.constant 0 : i32
    %dma_wait3A_24 = tpu.memref_slice %arg7[%dma_wait3A, %dma_wait3A_22, %dma_wait3A_23] : memref<3x200x128xf32, #tpu.memory_space<vmem>> -> memref<1x200x128xf32, #tpu.memory_space<vmem>>
    %dma_wait3A_25 = tpu.memref_squeeze %dma_wait3A_24 : memref<1x200x128xf32, #tpu.memory_space<vmem>> -> memref<200x128xf32, #tpu.memory_space<vmem>>
    %dma_wait3A_26 = arith.constant 0 : i32
    %dma_wait3A_27 = arith.constant 0 : i32
    %dma_wait3A_28 = tpu.memref_slice %arg5[%dma_wait3A_26, %dma_wait3A_27] : memref<819200x128xf32, #tpu.memory_space<hbm>> -> memref<200x128xf32, #tpu.memory_space<hbm>>
    %dma_wait3A_29 = tpu.memref_slice %arg10[%dma_wait3A_21] : memref<3x!tpu.dma_semaphore, #tpu.memory_space<semaphore_mem>> -> memref<1x!tpu.dma_semaphore, #tpu.memory_space<semaphore_mem>>
    %dma_wait3A_30 = tpu.memref_squeeze %dma_wait3A_29 : memref<1x!tpu.dma_semaphore, #tpu.memory_space<semaphore_mem>> -> memref<!tpu.dma_semaphore, #tpu.memory_space<semaphore_mem>>
    %dma_wait3A_31 = arith.constant 0 : i32
    %dma_wait3A_32 = arith.constant 0 : i32
    %dma_wait3A_33 = tpu.memref_slice %arg5[%dma_wait3A_31, %dma_wait3A_32] : memref<819200x128xf32, #tpu.memory_space<hbm>> -> memref<200x128xf32, #tpu.memory_space<hbm>>
    %dma_wait3A_34 = arith.constant 0 : i32
    %dma_wait3A_35 = arith.constant 0 : i32
    %dma_wait3A_36 = tpu.memref_slice %arg7[%dma_wait3A, %dma_wait3A_34, %dma_wait3A_35] : memref<3x200x128xf32, #tpu.memory_space<vmem>> -> memref<1x200x128xf32, #tpu.memory_space<vmem>>
    %dma_wait3A_37 = tpu.memref_squeeze %dma_wait3A_36 : memref<1x200x128xf32, #tpu.memory_space<vmem>> -> memref<200x128xf32, #tpu.memory_space<vmem>>
    tpu.wait_dma2 semaphore(%dma_wait3A_30 : memref<!tpu.dma_semaphore, #tpu.memory_space<semaphore_mem>>) src(%dma_wait3A_37 : memref<200x128xf32, #tpu.memory_space<vmem>>) dst(%dma_wait3A_33 : memref<200x128xf32, #tpu.memory_space<hbm>>)
    %dma_wait3A_38 = arith.constant 1 : i32
    %dma_wait3A_39 = arith.constant 1 : i32
    %dma_wait3A_40 = arith.constant 0 : i32
    %dma_wait3A_41 = arith.constant 0 : i32
    %dma_wait3A_42 = tpu.memref_slice %arg7[%dma_wait3A_38, %dma_wait3A_40, %dma_wait3A_41] : memref<3x200x128xf32, #tpu.memory_space<vmem>> -> memref<1x200x128xf32, #tpu.memory_space<vmem>>
    %dma_wait3A_43 = tpu.memref_squeeze %dma_wait3A_42 : memref<1x200x128xf32, #tpu.memory_space<vmem>> -> memref<200x128xf32, #tpu.memory_space<vmem>>
    %dma_wait3A_44 = arith.constant 0 : i32
    %dma_wait3A_45 = arith.constant 0 : i32
    %dma_wait3A_46 = tpu.memref_slice %arg5[%dma_wait3A_44, %dma_wait3A_45] : memref<819200x128xf32, #tpu.memory_space<hbm>> -> memref<200x128xf32, #tpu.memory_space<hbm>>
    %dma_wait3A_47 = tpu.memref_slice %arg10[%dma_wait3A_39] : memref<3x!tpu.dma_semaphore, #tpu.memory_space<semaphore_mem>> -> memref<1x!tpu.dma_semaphore, #tpu.memory_space<semaphore_mem>>
    %dma_wait3A_48 = tpu.memref_squeeze %dma_wait3A_47 : memref<1x!tpu.dma_semaphore, #tpu.memory_space<semaphore_mem>> -> memref<!tpu.dma_semaphore, #tpu.memory_space<semaphore_mem>>
    %dma_wait3A_49 = arith.constant 0 : i32
    %dma_wait3A_50 = arith.constant 0 : i32
    %dma_wait3A_51 = tpu.memref_slice %arg5[%dma_wait3A_49, %dma_wait3A_50] : memref<819200x128xf32, #tpu.memory_space<hbm>> -> memref<200x128xf32, #tpu.memory_space<hbm>>
    %dma_wait3A_52 = arith.constant 0 : i32
    %dma_wait3A_53 = arith.constant 0 : i32
    %dma_wait3A_54 = tpu.memref_slice %arg7[%dma_wait3A_38, %dma_wait3A_52, %dma_wait3A_53] : memref<3x200x128xf32, #tpu.memory_space<vmem>> -> memref<1x200x128xf32, #tpu.memory_space<vmem>>
    %dma_wait3A_55 = tpu.memref_squeeze %dma_wait3A_54 : memref<1x200x128xf32, #tpu.memory_space<vmem>> -> memref<200x128xf32, #tpu.memory_space<vmem>>
    tpu.wait_dma2 semaphore(%dma_wait3A_48 : memref<!tpu.dma_semaphore, #tpu.memory_space<semaphore_mem>>) src(%dma_wait3A_55 : memref<200x128xf32, #tpu.memory_space<vmem>>) dst(%dma_wait3A_51 : memref<200x128xf32, #tpu.memory_space<hbm>>)
    %dma_wait3A_56 = arith.constant 2 : i32
    %dma_wait3A_57 = arith.constant 2 : i32
    %dma_wait3A_58 = arith.constant 0 : i32
    %dma_wait3A_59 = arith.constant 0 : i32
    %dma_wait3A_60 = tpu.memref_slice %arg7[%dma_wait3A_56, %dma_wait3A_58, %dma_wait3A_59] : memref<3x200x128xf32, #tpu.memory_space<vmem>> -> memref<1x200x128xf32, #tpu.memory_space<vmem>>
    %dma_wait3A_61 = tpu.memref_squeeze %dma_wait3A_60 : memref<1x200x128xf32, #tpu.memory_space<vmem>> -> memref<200x128xf32, #tpu.memory_space<vmem>>
    %dma_wait3A_62 = arith.constant 0 : i32
    %dma_wait3A_63 = arith.constant 0 : i32
    %dma_wait3A_64 = tpu.memref_slice %arg5[%dma_wait3A_62, %dma_wait3A_63] : memref<819200x128xf32, #tpu.memory_space<hbm>> -> memref<200x128xf32, #tpu.memory_space<hbm>>
    %dma_wait3A_65 = tpu.memref_slice %arg10[%dma_wait3A_57] : memref<3x!tpu.dma_semaphore, #tpu.memory_space<semaphore_mem>> -> memref<1x!tpu.dma_semaphore, #tpu.memory_space<semaphore_mem>>
    %dma_wait3A_66 = tpu.memref_squeeze %dma_wait3A_65 : memref<1x!tpu.dma_semaphore, #tpu.memory_space<semaphore_mem>> -> memref<!tpu.dma_semaphore, #tpu.memory_space<semaphore_mem>>
    %dma_wait3A_67 = arith.constant 0 : i32
    %dma_wait3A_68 = arith.constant 0 : i32
    %dma_wait3A_69 = tpu.memref_slice %arg5[%dma_wait3A_67, %dma_wait3A_68] : memref<819200x128xf32, #tpu.memory_space<hbm>> -> memref<200x128xf32, #tpu.memory_space<hbm>>
    %dma_wait3A_70 = arith.constant 0 : i32
    %dma_wait3A_71 = arith.constant 0 : i32
    %dma_wait3A_72 = tpu.memref_slice %arg7[%dma_wait3A_56, %dma_wait3A_70, %dma_wait3A_71] : memref<3x200x128xf32, #tpu.memory_space<vmem>> -> memref<1x200x128xf32, #tpu.memory_space<vmem>>
    %dma_wait3A_73 = tpu.memref_squeeze %dma_wait3A_72 : memref<1x200x128xf32, #tpu.memory_space<vmem>> -> memref<200x128xf32, #tpu.memory_space<vmem>>
    tpu.wait_dma2 semaphore(%dma_wait3A_66 : memref<!tpu.dma_semaphore, #tpu.memory_space<semaphore_mem>>) src(%dma_wait3A_73 : memref<200x128xf32, #tpu.memory_space<vmem>>) dst(%dma_wait3A_69 : memref<200x128xf32, #tpu.memory_space<hbm>>)
    return
  }
}

</mosaic_0001>

<sc_bundles>
// kernel: kernel.3.cloned.1.call-start
scs
__scs_entry_jumppad:
0x0: {  	(pc) =	sbr.rel $0x88, $3  }
0x1: {  	(tag) =	ssettag $0x0;
	lr =	simm.s32 $0x1  }
0x2: {  	[smem:$0x3F9E] =	sst lr;
	_ =	strace $0xD0000000  }
0x3: {  	_ = 	snop  }
0x4: {  	_ = 	snop  }
0x5: {  	_ = 	snop  }
0x6: {  	_ = 	snop  }
0x7: {  	_ = 	snop  }
__scs_overlays_trampoline_lowered:
0x8: {  	[smem:$0x3FAD] =	sst s0  }
0x9: {  	[smem:$0x3FAE] =	sst s1  }
0xa: {  	[smem:$0x3FAF] =	sst s2  }
0xb: {  	[smem:$0x3FB0] =	sst s3  }
0xc: {  	[smem:$0x3FB1] =	sst s4  }
0xd: {  	[smem:$0x3FB2] =	sst s5  }
0xe: {  	[smem:$0x3FB3] =	sst s6  }
0xf: {  	[smem:$0x3FB4] =	sst s7  }
0x10: {  	[smem:$0x3FB5] =	sst s8  }
0x11: {  	[smem:$0x3FB6] =	sst s9;
	s0 =	simm.s32 @!p0 $0x0  }
0x12: {  	s1 =	sld [smem:$0x3F9C];
	s0 =	simm.s32 @p0 $0x1  }
0x13: {  	[smem:$0x3FB7] =	sst s0;
	s0 =	simm.s32 @!p1 $0x0  }
0x14: {  	s2 =	sld [smem:$0x3F9B];
	s0 =	simm.s32 @p1 $0x1  }
0x15: {  	[smem:$0x3FB8] =	sst s0;
	s0 =	simm.s32 @!p2 $0x0  }
0x16: {  	s3 =	sld [smem:$0x3FDB];
	s0 =	simm.s32 @p2 $0x1  }
0x17: {  	s4 =	simm.s32 $0x1BF5;
	[smem:$0x3FBA] =	sst s0  }
0x18: {  	s0 =	sld [smem:$0x3F9D];
	_ =	swait.ge [sflag:s4], $0x0  }
0x19: {  	s7 =	sld [smem:$0x3F9E]  }
0x1a: {  	s8 =	sadd.s32 $0xFFFFE003, lr  }
0x1b: {  	s9 =	sadd.s32 $0xFFFFFEF7, lr;
	s5 =	simm.s32 $0xFFFFFFFF;
	p2 =	slt.u32 s8, $0xFFFFF086  }
0x1c: {  	p1 =	slt.u32 s9, $0xF7A;
	s5 =	simm.s32 @!p2 $0x0  }
0x1d: {  	s5 =	simm.s32 @p1 $0x1;
	p0 =	seq.s32 s7, s2  }
0x1e: {  	s7 =	smul.u32 @!p0 $0xF7A, s2;
	p2 =	seq.s32 @!p0 s5, $0x0  }
0x1f: {  	s9 =	smul.u32 $0xF7A, s1;
	s8 =	simm.s32 @!p0 $0x1BF5;
	p2 =	por !p2, p0  }
0x20: {  	[sflag:s8] =	ssyncset.s32 @!p0 $0xFFFFF086;
	s6 =	sadd.s32 @!p0 s3, s7;
	s7 =	simm.s32 @!p0 $0x108  }
0x21: {  	s3 =	sadd.s32 s3, s9;
	s6 =	sadd.s32 @!p0 $0x88, s6;
	s7 =	simm.s32 @p2 $0x1082  }
0x22: {  	[simem:s7], [sflag:s8] =	dma.local @!p0 [hbm:s6], $0xF7A  }
0x23: {  	s9 =	sor.u32 $0xD0000000, s2;
	s6 =	simm.s32 $0x108;
	_ =	swait.ge @!p0 [sflag:s8], $0x0  }
0x24: {  	s3 =	sadd.s32 $0x88, s3;
	s6 =	simm.s32 @!p1 $0x1082;
	[sflag:s4] =	ssyncset.s32 $0xFFFFF086  }
0x25: {  	[simem:s6], [sflag:s4] =	dma.local [hbm:s3], $0xF7A  }
0x26: {  	[smem:$0x3F9E] =	sst s1;
	(tag) =	ssettag s2;
	_ =	strace s9  }
0x27: {  	s1 =	sld [smem:$0x3FAE]  }
0x28: {  	s2 =	sld [smem:$0x3FAF]  }
0x29: {  	s4 =	sld [smem:$0x3FB1]  }
0x2a: {  	p0 =	seq.s32 s5, $0x0;
	s5 =	sld [smem:$0x3FB2]  }
0x2b: {  	s6 =	sld [smem:$0x3FB3]  }
0x2c: {  	s7 =	sld [smem:$0x3FB4]  }
0x2d: {  	s3 =	simm.s32 $0x108;
	s8 =	sld [smem:$0x3FB5]  }
0x2e: {  	s3 =	simm.s32 @!p0 $0x1082;
	s9 =	sld [smem:$0x3FB6]  }
0x2f: {  	lr =	sadd.s32 s0, s3;
	s0 =	sld [smem:$0x3FAD]  }
0x30: {  	s3 =	sld [smem:$0x3FB0]  }
0x31: {  	[smem:$0x3FB9] =	sst s10  }
0x32: {  	s10 =	sld [smem:$0x3FB7];
	_ =	sdelay $0x3  }
0x33: {  	p0 =	seq.s32 s10, $0x1;
	s10 =	sld [smem:$0x3FB9];
	_ =	sdelay $0x3  }
0x34: {  	[smem:$0x3FB9] =	sst s10  }
0x35: {  	s10 =	sld [smem:$0x3FB8];
	_ =	sdelay $0x3  }
0x36: {  	p1 =	seq.s32 s10, $0x1;
	s10 =	sld [smem:$0x3FB9];
	_ =	sdelay $0x3  }
0x37: {  	[smem:$0x3FB9] =	sst s10  }
0x38: {  	s10 =	sld [smem:$0x3FBA]  }
0x39: {  	_ = 	snop;
	(pc) =	sbr.ind lr, $3  }
0x3a: {  	_ = 	snop  }
0x3b: {  	_ = 	snop  }
0x3c: {  	p2 =	seq.s32 s10, $0x1;
	s10 =	sld [smem:$0x3FB9]  }
0x3d: {  	_ =	shalt  }
0x3e: {  	_ =	shalt  }
0x3f: {  	_ =	shalt  }
0x40: {  	_ =	shalt  }
0x41: {  	_ =	shalt  }
0x42: {  	_ =	shalt  }
0x43: {  	_ =	shalt  }
0x44: {  	_ =	shalt  }
0x45: {  	_ =	shalt  }
0x46: {  	_ =	shalt  }
0x47: {  	_ =	shalt  }
0x48: {  	_ =	shalt  }
0x49: {  	_ =	shalt  }
0x4a: {  	_ =	shalt  }
0x4b: {  	_ =	shalt  }
0x4c: {  	_ =	shalt  }
0x4d: {  	_ =	shalt  }
0x4e: {  	_ =	shalt  }
0x4f: {  	_ =	shalt  }
0x50: {  	_ =	shalt  }
0x51: {  	_ =	shalt  }
0x52: {  	_ =	shalt  }
0x53: {  	_ =	shalt  }
0x54: {  	_ =	shalt  }
0x55: {  	_ =	shalt  }
0x56: {  	_ =	shalt  }
0x57: {  	_ =	shalt  }
0x58: {  	_ =	shalt  }
0x59: {  	_ =	shalt  }
0x5a: {  	_ =	shalt  }
0x5b: {  	_ =	shalt  }
0x5c: {  	_ =	shalt  }
0x5d: {  	_ =	shalt  }
0x5e: {  	_ =	shalt  }
0x5f: {  	_ =	shalt  }
0x60: {  	_ =	shalt  }
0x61: {  	_ =	shalt  }
0x62: {  	_ =	shalt  }
0x63: {  	_ =	shalt  }
0x64: {  	_ =	shalt  }
0x65: {  	_ =	shalt  }
0x66: {  	_ =	shalt  }
0x67: {  	_ =	shalt  }
0x68: {  	_ =	shalt  }
0x69: {  	_ =	shalt  }
0x6a: {  	_ =	shalt  }
0x6b: {  	_ =	shalt  }
0x6c: {  	_ =	shalt  }
0x6d: {  	_ =	shalt  }
0x6e: {  	_ =	shalt  }
0x6f: {  	_ =	shalt  }
0x70: {  	_ =	shalt  }
0x71: {  	_ =	shalt  }
0x72: {  	_ =	shalt  }
0x73: {  	_ =	shalt  }
0x74: {  	_ =	shalt  }
0x75: {  	_ =	shalt  }
0x76: {  	_ =	shalt  }
0x77: {  	_ =	shalt  }
0x78: {  	_ =	shalt  }
0x79: {  	_ =	shalt  }
0x7a: {  	_ =	shalt  }
0x7b: {  	_ =	shalt  }
0x7c: {  	_ =	shalt  }
0x7d: {  	_ =	shalt  }
0x7e: {  	_ =	shalt  }
0x7f: {  	_ =	shalt  }
0x80: {  	_ =	shalt  }
0x81: {  	_ =	shalt  }
0x82: {  	_ =	shalt  }
0x83: {  	_ =	shalt  }
0x84: {  	_ =	shalt  }
0x85: {  	_ =	shalt  }
0x86: {  	_ =	shalt  }
0x87: {  	_ =	shalt  }
.Lfunc_end0:
.L_simem_size_0:
called_computation.1_lowered:
.L_overlay_start_0:
0x88: {  	s2 =	sld [smem:$0x3FD9]  }
0x89: {  	s3 =	sld [smem:$0x3FFE];
	_ =	sdelay $0x1  }
0x8a: {  	s1 =	srdreg.scid  }
0x8b: {  	s0 =	sand.u32 $0x1, s1  }
0x8c: {  	s17 =	sshll.u32 s0, $0xA;
	s2 =	sadd.s32 s3, s2  }
0x8d: {  	s2 =	sadd.s32 s2, s17  }
0x8e: {  	[smem:$0x3FC5] =	sst s2  }
0x8f: {  	_ = 	snop  }
0x90: {  	s2 =	sld [smem:$0x3FD0];
	(tm) =	ssettm $0x1  }
0x91: {  	s18 =	sld [smem:$0x3FFB];
	_ =	sdelay $0x3  }
0x92: {  	_ =	strace s18  }
0x93: {  	s3 =	sld [smem:$0x3FFC];
	_ =	sdelay $0x3  }
0x94: {  	_ =	strace s3  }
0x95: {  	s3 =	sld [smem:$0x3FFD];
	_ =	sdelay $0x3  }
0x96: {  	_ =	strace s3  }
0x97: {  	_ =	strace $0x8FFFFFFF  }
0x98: {  	s19 =	sld [smem:$0x3FDB];
	_ =	sdelay $0x1  }
0x99: {  	s4 =	simm.s32 $_scs_section_size  }
0x9a: {  	s5 =	simm.s32 $_size__tile_overlayer_lowered;
	s6 =	simm.s32 $_tile_overlayer_lowered  }
0x9b: {  	s22 =	simm.s32 $0x1BFF;
	s21 =	sshll.u32 s6, $0x1;
	s3 =	sadd.s32 s4, s19  }
0x9c: {  	s7 =	simm.s32 $0x0;
	s20 =	sshll.u32 s5, $0x1;
	s5 =	sadd.s32 s21, s3  }
0x9d: {  	[timem:s7], [sflag:s22] =	dma.local [hbm:s5], s20  }
0x9e: {  	_ =	swait.ge [sflag:s22], s20  }
0x9f: {  	s4 =	ssub.s32 $0x0, s20;
	[sflag:s22] =	ssyncset.done $0x0  }
0xa0: {  	[sflag:s22] =	ssyncadd.s32 s4;
	_ =	sdelay $0x1  }
0xa1: {  	s23 =	simm.s32 $0x1B8B  }
0xa2: {  	_ =	swait.ge [sflag:s23], $0x1  }
0xa3: {  	[sflag:s23] =	ssyncset.done $0x0  }
0xa4: {  	s25 =	simm.s32 $0x1B8E;
	s24 =	sld [smem:$0x3FFE];
	[sflag:s23] =	ssyncadd.s32 $0xFFFFFFFF  }
0xa5: {  	s26 =	simm.s32 $execute0_lowered;
	[smem:$0x3FD2] =	sst s25  }
0xa6: {  	s5 =	sshll.u32 s26, $0x1;
	_ =	strace $0x80000046;
	[dreg:$0x1] =	wrdreg $0xFFFFFFFF  }
0xa7: {  	s28 =	simm.s32 $_size_execute0_lowered;
	s3 =	sadd.s32 s3, s5;
	[dreg:$0x0] =	wrdreg $0x0  }
0xa8: {  	s5 =	sshll.u32 s28, $0x1;
	[dreg:$0x2] =	wrdreg s3  }
0xa9: {  	[dreg:$0x3] =	wrdreg s5  }
0xaa: {  	[dreg:$0x4] =	wrdreg $0xC0  }
0xab: {  	_ =	task [dreg:s7], $0x5FFFF  }
0xac: {  	[dreg:$0x1] =	wrdreg $0xFFFFFFFF  }
0xad: {  	[dreg:$0x0] =	wrdreg $0x60  }
0xae: {  	[dreg:$0x2] =	wrdreg s2  }
0xaf: {  	[dreg:$0x3] =	wrdreg s24  }
0xb0: {  	[dreg:$0x4] =	wrdreg $0x9  }
0xb1: {  	_ =	task.clear_ibuf [dreg:s7], $0x5FFFF;
	_ =	strace $0x90000046  }
0xb2: {  	s29 =	simm.s32 $0x9;
	_ =	strace $0x80000048  }
0xb3: {  	_ =	swait.ge [sflag:s29], $0x1  }
0xb4: {  	[sflag:s29] =	ssyncadd.s32 $0xFFFFFFFF  }
0xb5: {  	_ =	strace $0x90000048  }
0xb6: {  	_ =	sfence  }
0xb7: {  	s30 =	sld [smem:$0x0];
	_ =	sdelay $0x2  }
0xb8: {  	s31 =	sshll.u32 s1, $0xD;
	s1 =	sshrl.u32 s1, $0x2  }
0xb9: {  	s3 =	sand.u32 $0x4000, s31;
	s1 =	sadd.s32 s1, s30  }
0xba: {  	s0 =	sor.u32 s3, s0;
	s1 =	sshll.u32 s1, $0x11  }
0xbb: {  	s0 =	sor.u32 s1, s0  }
0xbc: {  	s0 =	sadd.s32 $0x8F2B, s0  }
0xbd: {  	[sflag:s0] =	ssyncadd.remote.s32 $0x1  }
0xbe: {  	_ =	sfence.sel $0xFFFF  }
0xbf: {  	[dreg:$0x0] =	wrdreg $0xFFFFFFFF;
	(pc) =	sbr.abs _section_cstart, $3  }
0xc0: {  	[dreg:$0x1] =	wrdreg $0xFFFFFFFF  }
0xc1: {  	_ =	task.clear_ibuf [dreg:s7], $0x2FFFF;
	_ =	strace $0x9FFFFFFF  }
0xc2: {  	(tm) =	ssettm $0x7FFFFFFF  }
0xc3: {  	_ =	shalt  }
tec
execute0_lowered:
.L_overlay_start_1:
0x0: {  	(tag) =	ssettag $0x1  }
0x1: {  	s7 =	rddreg [dreg:$0x0]  }
0x2: {  	s5 =	rddreg [dreg:$0x1]  }
0x3: {  	s0 =	rddreg [dreg:$0x2];
	s2 =	simm.s32 $0x0  }
0x4: {  	s3 =	srdreg.scid;
	s1 =	stileid.u32;
	s12 =	simm.s32 $0x7  }
0x5: {  	s13 =	simm.s32 $0xC8;
	s14 =	simm.s32 $0x6400;
	s15 =	simm.s32 $0xC800  }
0x6: {  	s16 =	simm.s32 $0x1;
	s17 =	simm.s32 $0x12C00;
	s18 =	simm.s32 $0x2  }
0x7: {  	s19 =	simm.s32 $0x4;
	s20 =	simm.s32 $0x5;
	s21 =	simm.s32 $0x6  }
0x8: {  	s22 =	simm.s32 $0x3;
	s23 =	simm.s32 $0x0;
	[smem:$0x7FF] =	sst s2  }
0x9: {  	s6 =	sand.u32 $0x1, s3;
	s4 =	sshll.u32 s1, $0x1;
	s3 =	sadd.s32 $0xF43800, s5  }
.Ltmp0:
0xa: {  	_ =	strace $0x80000047;
	s8 =	sor.u32 s6, s4;
	(pc) =	sbr.rel .LBB2_1-.Ltmp0, $4  }
0xb: {  	s4 =	sadd.s32 $0xF43000, s5;
	s9 =	ssub.s32 $0x2, s6;
	s5 =	sadd.s32 $0xC00, s5  }
0xc: {  	s10 =	smul.u32 $0xC80, s8;
	s11 =	sshrl.u32 s9, $0x1;
	s6 =	sshll.u32 s8, $0x7  }
0xd: {  	s11 =	ssub.s32 s9, s11;
	s8 =	sor.u32 $0x1, s6;
	s9 =	sor.u32 $0x2, s6  }
0xe: {  	s7 =	sadd.s32 s7, s10;
	s10 =	smax.u32 s11, $0x1;
	s11 =	simm.s32 $0x19000  }
.LBB2_14:
0xf: {  	s23 =	sadd.s32 $0x1, s23  }
0x10: {  	_ =	swait.ge [sflag:s20], $0x6400;
	p0 =	sne.s32 s23, s10  }
.Ltmp1:
0x11: {  	[sflag:s20] =	ssyncset.done $0x0;
	(pc) =	sbr.rel @!p0 .LBB2_15-.Ltmp1, $4  }
0x12: {  	[sflag:s20] =	ssyncadd.s32 $0xFFFF9C00  }
0x13: {  	_ =	swait.ge [sflag:s21], $0x6400  }
0x14: {  	[sflag:s21] =	ssyncset.done $0x0  }
0x15: {  	[sflag:s21] =	ssyncadd.s32 $0xFFFF9C00  }
.LBB2_1:
0x16: {  	[tilespmem:s11], [sflag:$0x7] =	stream.linear.gather [hbm4b:s4+s2], $0x3200, $0x38;
	[tilespmem:$0x1C400] =	vst v63  }
0x17: {  	_ =	swait.ge [sflag:s12], $0x3200  }
0x18: {  	[sflag:s12] =	ssyncset.done $0x0  }
0x19: {  	[sflag:s12] =	ssyncadd.s32 $0xFFFFCE00  }
0x1a: {  	[tilespmem:s2], [sflag:$0x7] =	stream.linear.gather [hbm4b:s7+s2], $0x6400, $0x38;
	[tilespmem:$0x1C400] =	vst v63  }
0x1b: {  	_ =	swait.ge [sflag:s12], $0x6400  }
0x1c: {  	[sflag:s12] =	ssyncset.done $0x0  }
0x1d: {  	s24 =	simm.s32 $0x0;
	[sflag:s12] =	ssyncadd.s32 $0xFFFF9C00  }
0x1e: {  	[tilespmem:s14], [sflag:$0x1] =	stream.indirect.gather [hbm4b:s3+s13], $0x80, s2, s13, $0xb8;
	[tilespmem:$0x1C400] =	vst v63  }
.LBB2_2:
0x1f: {  	p0 =	seq.s32 s24, $0x0  }
0x20: {  	s26 =	smul.u32 $0x960, s24;
	s25 =	simm.s32 @!p0 $0x5  }
0x21: {  	_ =	swait.ge @!p0 [sflag:s25], $0x6400  }
0x22: {  	s26 =	sshra.s32 s26, $0x2;
	[sflag:s25] =	ssyncset.done @!p0 $0x0  }
0x23: {  	s31 =	sadd.s32 $0xC8, s26;
	[sflag:s25] =	ssyncadd.s32 @!p0 $0xFFFF9C00  }
0x24: {  	[tilespmem:s15], [sflag:$0x2] =	stream.indirect.gather [hbm4b:s3+s13], $0x80, s31, s13, $0xb8;
	[tilespmem:$0x1C400] =	vst v63  }
0x25: {  	_ =	swait.ge [sflag:s16], $0x6400  }
0x26: {  	[sflag:s16] =	ssyncset.done $0x0  }
0x27: {  	s31 =	simm.s32 $0x19100;
	[sflag:s16] =	ssyncadd.s32 $0xFFFF9C00  }
0x28: {  	v0 =	vld [tilespmem:s31+$0xFFFFFF00];
	_ =	sdelay $0x3  }
0x29: {  	s28 =	simm.s32 $0x6400  }
0x2a: {  	[tilespmem:s28+$0x0] =	vst.add.f32.msk $0xffff, v0  }
0x2b: {  	v0 =	vld [tilespmem:s31+$0xFFFFFF10];
	_ =	sdelay $0x4  }
0x2c: {  	[tilespmem:s28+$0x10] =	vst.add.f32.msk $0xffff, v0  }
0x2d: {  	v0 =	vld [tilespmem:s31+$0xFFFFFF20];
	_ =	sdelay $0x4  }
0x2e: {  	[tilespmem:s28+$0x20] =	vst.add.f32.msk $0xffff, v0  }
0x2f: {  	v0 =	vld [tilespmem:s31+$0xFFFFFF30];
	_ =	sdelay $0x4  }
0x30: {  	[tilespmem:s28+$0x30] =	vst.add.f32.msk $0xffff, v0  }
0x31: {  	v0 =	vld [tilespmem:s31+$0xFFFFFF40];
	_ =	sdelay $0x4  }
0x32: {  	[tilespmem:s28+$0x80] =	vst.add.f32.msk $0xffff, v0  }
0x33: {  	v0 =	vld [tilespmem:s31+$0xFFFFFF50];
	_ =	sdelay $0x4  }
0x34: {  	[tilespmem:s28+$0x90] =	vst.add.f32.msk $0xffff, v0  }
0x35: {  	v0 =	vld [tilespmem:s31+$0xFFFFFF60];
	_ =	sdelay $0x4  }
0x36: {  	[tilespmem:s28+$0xA0] =	vst.add.f32.msk $0xffff, v0  }
0x37: {  	v0 =	vld [tilespmem:s31+$0xFFFFFF70];
	_ =	sdelay $0x4  }
0x38: {  	[tilespmem:s28+$0xB0] =	vst.add.f32.msk $0xffff, v0  }
0x39: {  	v0 =	vld [tilespmem:s31+$0xFFFFFF80];
	_ =	sdelay $0x4  }
0x3a: {  	[tilespmem:s28+$0x100] =	vst.add.f32.msk $0xffff, v0  }
0x3b: {  	v0 =	vld [tilespmem:s31+$0xFFFFFF90];
	_ =	sdelay $0x4  }
0x3c: {  	[tilespmem:s28+$0x110] =	vst.add.f32.msk $0xffff, v0  }
0x3d: {  	v0 =	vld [tilespmem:s31+$0xFFFFFFA0];
	_ =	sdelay $0x4  }
0x3e: {  	[tilespmem:s28+$0x120] =	vst.add.f32.msk $0xffff, v0  }
0x3f: {  	v0 =	vld [tilespmem:s31+$0xFFFFFFB0];
	_ =	sdelay $0x4  }
0x40: {  	[tilespmem:s28+$0x130] =	vst.add.f32.msk $0xffff, v0  }
0x41: {  	v0 =	vld [tilespmem:s31+$0xFFFFFFC0];
	_ =	sdelay $0x4  }
0x42: {  	[tilespmem:s28+$0x180] =	vst.add.f32.msk $0xffff, v0  }
0x43: {  	v0 =	vld [tilespmem:s31+$0xFFFFFFD0];
	_ =	sdelay $0x4  }
0x44: {  	[tilespmem:s28+$0x190] =	vst.add.f32.msk $0xffff, v0  }
0x45: {  	v0 =	vld [tilespmem:s31+$0xFFFFFFE0];
	_ =	sdelay $0x4  }
0x46: {  	[tilespmem:s28+$0x1A0] =	vst.add.f32.msk $0xffff, v0  }
0x47: {  	v0 =	vld [tilespmem:s31+$0xFFFFFFF0];
	_ =	sdelay $0x4  }
0x48: {  	[tilespmem:s28+$0x1B0] =	vst.add.f32.msk $0xffff, v0  }
0x49: {  	v0 =	vld [tilespmem:s31+$0x0];
	_ =	sdelay $0x4  }
0x4a: {  	[tilespmem:s28+$0x200] =	vst.add.f32.msk $0xffff, v0  }
0x4b: {  	v0 =	vld [tilespmem:s31+$0x10];
	_ =	sdelay $0x4  }
0x4c: {  	[tilespmem:s28+$0x210] =	vst.add.f32.msk $0xffff, v0  }
0x4d: {  	v0 =	vld [tilespmem:s31+$0x20];
	_ =	sdelay $0x4  }
0x4e: {  	[tilespmem:s28+$0x220] =	vst.add.f32.msk $0xffff, v0  }
0x4f: {  	v0 =	vld [tilespmem:s31+$0x30];
	_ =	sdelay $0x4  }
0x50: {  	[tilespmem:s28+$0x230] =	vst.add.f32.msk $0xffff, v0  }
0x51: {  	v0 =	vld [tilespmem:s31+$0x40];
	_ =	sdelay $0x4  }
0x52: {  	[tilespmem:s28+$0x280] =	vst.add.f32.msk $0xffff, v0  }
0x53: {  	v0 =	vld [tilespmem:s31+$0x50];
	_ =	sdelay $0x4  }
0x54: {  	[tilespmem:s28+$0x290] =	vst.add.f32.msk $0xffff, v0  }
0x55: {  	v0 =	vld [tilespmem:s31+$0x60];
	_ =	sdelay $0x4  }
0x56: {  	[tilespmem:s28+$0x2A0] =	vst.add.f32.msk $0xffff, v0  }
0x57: {  	v0 =	vld [tilespmem:s31+$0x70];
	_ =	sdelay $0x4  }
0x58: {  	[tilespmem:s28+$0x2B0] =	vst.add.f32.msk $0xffff, v0  }
0x59: {  	v0 =	vld [tilespmem:s31+$0x80];
	_ =	sdelay $0x4  }
0x5a: {  	[tilespmem:s28+$0x300] =	vst.add.f32.msk $0xffff, v0  }
0x5b: {  	v0 =	vld [tilespmem:s31+$0x90];
	_ =	sdelay $0x4  }
0x5c: {  	[tilespmem:s28+$0x310] =	vst.add.f32.msk $0xffff, v0  }
0x5d: {  	v0 =	vld [tilespmem:s31+$0xA0];
	_ =	sdelay $0x4  }
0x5e: {  	[tilespmem:s28+$0x320] =	vst.add.f32.msk $0xffff, v0  }
0x5f: {  	v0 =	vld [tilespmem:s31+$0xB0];
	_ =	sdelay $0x4  }
0x60: {  	[tilespmem:s28+$0x330] =	vst.add.f32.msk $0xffff, v0  }
0x61: {  	v0 =	vld [tilespmem:s31+$0xC0];
	_ =	sdelay $0x4  }
0x62: {  	[tilespmem:s28+$0x380] =	vst.add.f32.msk $0xffff, v0  }
0x63: {  	v0 =	vld [tilespmem:s31+$0xD0];
	_ =	sdelay $0x4  }
0x64: {  	[tilespmem:s28+$0x390] =	vst.add.f32.msk $0xffff, v0  }
0x65: {  	v0 =	vld [tilespmem:s31+$0xE0];
	_ =	sdelay $0x4  }
0x66: {  	[tilespmem:s28+$0x3A0] =	vst.add.f32.msk $0xffff, v0  }
0x67: {  	v0 =	vld [tilespmem:s31+$0xF0];
	_ =	sdelay $0x4  }
0x68: {  	s29 =	simm.s32 $0x0;
	s30 =	simm.s32 $0x19300;
	s25 =	smul.u32 $0x3, s24;
	[tilespmem:s28+$0x3B0] =	vst.add.f32.msk $0xffff, v0  }
.LBB2_3:
0x69: {  	v0 =	vld [tilespmem:s30+$0xFFFFFF00];
	s29 =	sadd.s32 $0x8, s29  }
0x6a: {  	p1 =	slt.u32 s29, $0xC0;
	_ =	sdelay $0x2  }
0x6b: {  	s28 =	sadd.s32 $0x400, s28  }
0x6c: {  	[tilespmem:s28+$0x0] =	vst.add.f32.msk $0xffff, v0  }
0x6d: {  	v0 =	vld [tilespmem:s30+$0xFFFFFF10];
	_ =	sdelay $0x4  }
0x6e: {  	[tilespmem:s28+$0x10] =	vst.add.f32.msk $0xffff, v0  }
0x6f: {  	v0 =	vld [tilespmem:s30+$0xFFFFFF20];
	_ =	sdelay $0x4  }
0x70: {  	[tilespmem:s28+$0x20] =	vst.add.f32.msk $0xffff, v0  }
0x71: {  	v0 =	vld [tilespmem:s30+$0xFFFFFF30];
	_ =	sdelay $0x4  }
0x72: {  	[tilespmem:s28+$0x30] =	vst.add.f32.msk $0xffff, v0  }
0x73: {  	v0 =	vld [tilespmem:s30+$0xFFFFFF40];
	_ =	sdelay $0x4  }
0x74: {  	[tilespmem:s28+$0x80] =	vst.add.f32.msk $0xffff, v0  }
0x75: {  	v0 =	vld [tilespmem:s30+$0xFFFFFF50];
	_ =	sdelay $0x4  }
0x76: {  	[tilespmem:s28+$0x90] =	vst.add.f32.msk $0xffff, v0  }
0x77: {  	v0 =	vld [tilespmem:s30+$0xFFFFFF60];
	_ =	sdelay $0x4  }
0x78: {  	[tilespmem:s28+$0xA0] =	vst.add.f32.msk $0xffff, v0  }
0x79: {  	v0 =	vld [tilespmem:s30+$0xFFFFFF70];
	_ =	sdelay $0x4  }
0x7a: {  	[tilespmem:s28+$0xB0] =	vst.add.f32.msk $0xffff, v0  }
0x7b: {  	v0 =	vld [tilespmem:s30+$0xFFFFFF80];
	_ =	sdelay $0x4  }
0x7c: {  	[tilespmem:s28+$0x100] =	vst.add.f32.msk $0xffff, v0  }
0x7d: {  	v0 =	vld [tilespmem:s30+$0xFFFFFF90];
	_ =	sdelay $0x4  }
0x7e: {  	[tilespmem:s28+$0x110] =	vst.add.f32.msk $0xffff, v0  }
0x7f: {  	v0 =	vld [tilespmem:s30+$0xFFFFFFA0];
	_ =	sdelay $0x4  }
0x80: {  	[tilespmem:s28+$0x120] =	vst.add.f32.msk $0xffff, v0  }
0x81: {  	v0 =	vld [tilespmem:s30+$0xFFFFFFB0];
	_ =	sdelay $0x4  }
0x82: {  	[tilespmem:s28+$0x130] =	vst.add.f32.msk $0xffff, v0  }
0x83: {  	v0 =	vld [tilespmem:s30+$0xFFFFFFC0];
	_ =	sdelay $0x4  }
0x84: {  	[tilespmem:s28+$0x180] =	vst.add.f32.msk $0xffff, v0  }
0x85: {  	v0 =	vld [tilespmem:s30+$0xFFFFFFD0];
	_ =	sdelay $0x4  }
0x86: {  	[tilespmem:s28+$0x190] =	vst.add.f32.msk $0xffff, v0  }
0x87: {  	v0 =	vld [tilespmem:s30+$0xFFFFFFE0];
	_ =	sdelay $0x4  }
0x88: {  	[tilespmem:s28+$0x1A0] =	vst.add.f32.msk $0xffff, v0  }
0x89: {  	v0 =	vld [tilespmem:s30+$0xFFFFFFF0];
	_ =	sdelay $0x4  }
0x8a: {  	[tilespmem:s28+$0x1B0] =	vst.add.f32.msk $0xffff, v0  }
0x8b: {  	v0 =	vld [tilespmem:s30+$0x0];
	_ =	sdelay $0x4  }
0x8c: {  	[tilespmem:s28+$0x200] =	vst.add.f32.msk $0xffff, v0  }
0x8d: {  	v0 =	vld [tilespmem:s30+$0x10];
	_ =	sdelay $0x4  }
0x8e: {  	[tilespmem:s28+$0x210] =	vst.add.f32.msk $0xffff, v0  }
0x8f: {  	v0 =	vld [tilespmem:s30+$0x20];
	_ =	sdelay $0x4  }
0x90: {  	[tilespmem:s28+$0x220] =	vst.add.f32.msk $0xffff, v0  }
0x91: {  	v0 =	vld [tilespmem:s30+$0x30];
	_ =	sdelay $0x4  }
0x92: {  	[tilespmem:s28+$0x230] =	vst.add.f32.msk $0xffff, v0  }
0x93: {  	v0 =	vld [tilespmem:s30+$0x40];
	_ =	sdelay $0x4  }
0x94: {  	[tilespmem:s28+$0x280] =	vst.add.f32.msk $0xffff, v0  }
0x95: {  	v0 =	vld [tilespmem:s30+$0x50];
	_ =	sdelay $0x4  }
0x96: {  	[tilespmem:s28+$0x290] =	vst.add.f32.msk $0xffff, v0  }
0x97: {  	v0 =	vld [tilespmem:s30+$0x60];
	_ =	sdelay $0x4  }
0x98: {  	[tilespmem:s28+$0x2A0] =	vst.add.f32.msk $0xffff, v0  }
0x99: {  	v0 =	vld [tilespmem:s30+$0x70];
	_ =	sdelay $0x4  }
0x9a: {  	[tilespmem:s28+$0x2B0] =	vst.add.f32.msk $0xffff, v0  }
0x9b: {  	v0 =	vld [tilespmem:s30+$0x80];
	_ =	sdelay $0x4  }
0x9c: {  	[tilespmem:s28+$0x300] =	vst.add.f32.msk $0xffff, v0  }
0x9d: {  	v0 =	vld [tilespmem:s30+$0x90];
	_ =	sdelay $0x4  }
0x9e: {  	[tilespmem:s28+$0x310] =	vst.add.f32.msk $0xffff, v0  }
0x9f: {  	v0 =	vld [tilespmem:s30+$0xA0];
	_ =	sdelay $0x4  }
0xa0: {  	[tilespmem:s28+$0x320] =	vst.add.f32.msk $0xffff, v0  }
0xa1: {  	v0 =	vld [tilespmem:s30+$0xB0];
	_ =	sdelay $0x4  }
0xa2: {  	[tilespmem:s28+$0x330] =	vst.add.f32.msk $0xffff, v0  }
0xa3: {  	v0 =	vld [tilespmem:s30+$0xC0];
	_ =	sdelay $0x4  }
0xa4: {  	[tilespmem:s28+$0x380] =	vst.add.f32.msk $0xffff, v0  }
0xa5: {  	v0 =	vld [tilespmem:s30+$0xD0];
	_ =	sdelay $0x4  }
0xa6: {  	[tilespmem:s28+$0x390] =	vst.add.f32.msk $0xffff, v0  }
0xa7: {  	v0 =	vld [tilespmem:s30+$0xE0];
	_ =	sdelay $0x4  }
0xa8: {  	[tilespmem:s28+$0x3A0] =	vst.add.f32.msk $0xffff, v0  }
0xa9: {  	v0 =	vld [tilespmem:s30+$0xF0]  }
.Ltmp2:
0xaa: {  	(pc) =	sbr.rel @p1 .LBB2_3-.Ltmp2, $2  }
0xab: {  	_ =	sdelay $0x2  }
0xac: {  	s30 =	sadd.s32 $0x200, s30;
	[tilespmem:s28+$0x3B0] =	vst.add.f32.msk $0xffff, v0  }
.Ltmp3:
0xad: {  	s28 =	sadd.s32 s6, s25;
	(pc) =	sbr.rel @p0 .LBB2_7-.Ltmp3, $3  }
0xae: {  	s28 =	smul.u32 $0xC80, s28;
	_ =	sdelay $0x1  }
0xaf: {  	s28 =	sadd.s32 s5, s28  }
0xb0: {  	[hbm4b:s28+s2] =	stream.linear.scatter [tilespmem:s14], [sflag:$0x4], $0x6400, $0x38;
	[tilespmem:$0x1C400] =	vst v63  }
0xb1: {  	p0 =	seq.s32 s24, $0x2A  }
.Ltmp4:
0xb2: {  	_ = 	snop;
	(pc) =	sbr.rel @p0 .LBB2_8-.Ltmp4, $1  }
0xb3: {  	_ =	sdelay $0x3  }
0xb4: {  	_ =	swait.ge [sflag:s21], $0x6400  }
0xb5: {  	[sflag:s21] =	ssyncset.done $0x0  }
0xb6: {  	[sflag:s21] =	ssyncadd.s32 $0xFFFF9C00  }
.LBB2_7:
0xb7: {  	s28 =	sadd.s32 $0x190, s26  }
0xb8: {  	[tilespmem:s17], [sflag:$0x3] =	stream.indirect.gather [hbm4b:s3+s13], $0x80, s28, s13, $0xb8;
	[tilespmem:$0x1C400] =	vst v63  }
.LBB2_8:
0xb9: {  	_ =	swait.ge [sflag:s18], $0x6400  }
0xba: {  	[sflag:s18] =	ssyncset.done $0x0  }
0xbb: {  	s29 =	simm.s32 $0x19100;
	[sflag:s18] =	ssyncadd.s32 $0xFFFF9C00  }
0xbc: {  	v0 =	vld [tilespmem:s29+$0xFFFFFF00];
	_ =	sdelay $0x3  }
0xbd: {  	s28 =	simm.s32 $0xC800  }
0xbe: {  	[tilespmem:s28+$0x0] =	vst.add.f32.msk $0xffff, v0  }
0xbf: {  	v0 =	vld [tilespmem:s29+$0xFFFFFF10];
	_ =	sdelay $0x4  }
0xc0: {  	[tilespmem:s28+$0x10] =	vst.add.f32.msk $0xffff, v0  }
0xc1: {  	v0 =	vld [tilespmem:s29+$0xFFFFFF20];
	_ =	sdelay $0x4  }
0xc2: {  	[tilespmem:s28+$0x20] =	vst.add.f32.msk $0xffff, v0  }
0xc3: {  	v0 =	vld [tilespmem:s29+$0xFFFFFF30];
	_ =	sdelay $0x4  }
0xc4: {  	[tilespmem:s28+$0x30] =	vst.add.f32.msk $0xffff, v0  }
0xc5: {  	v0 =	vld [tilespmem:s29+$0xFFFFFF40];
	_ =	sdelay $0x4  }
0xc6: {  	[tilespmem:s28+$0x80] =	vst.add.f32.msk $0xffff, v0  }
0xc7: {  	v0 =	vld [tilespmem:s29+$0xFFFFFF50];
	_ =	sdelay $0x4  }
0xc8: {  	[tilespmem:s28+$0x90] =	vst.add.f32.msk $0xffff, v0  }
0xc9: {  	v0 =	vld [tilespmem:s29+$0xFFFFFF60];
	_ =	sdelay $0x4  }
0xca: {  	[tilespmem:s28+$0xA0] =	vst.add.f32.msk $0xffff, v0  }
0xcb: {  	v0 =	vld [tilespmem:s29+$0xFFFFFF70];
	_ =	sdelay $0x4  }
0xcc: {  	[tilespmem:s28+$0xB0] =	vst.add.f32.msk $0xffff, v0  }
0xcd: {  	v0 =	vld [tilespmem:s29+$0xFFFFFF80];
	_ =	sdelay $0x4  }
0xce: {  	[tilespmem:s28+$0x100] =	vst.add.f32.msk $0xffff, v0  }
0xcf: {  	v0 =	vld [tilespmem:s29+$0xFFFFFF90];
	_ =	sdelay $0x4  }
0xd0: {  	[tilespmem:s28+$0x110] =	vst.add.f32.msk $0xffff, v0  }
0xd1: {  	v0 =	vld [tilespmem:s29+$0xFFFFFFA0];
	_ =	sdelay $0x4  }
0xd2: {  	[tilespmem:s28+$0x120] =	vst.add.f32.msk $0xffff, v0  }
0xd3: {  	v0 =	vld [tilespmem:s29+$0xFFFFFFB0];
	_ =	sdelay $0x4  }
0xd4: {  	[tilespmem:s28+$0x130] =	vst.add.f32.msk $0xffff, v0  }
0xd5: {  	v0 =	vld [tilespmem:s29+$0xFFFFFFC0];
	_ =	sdelay $0x4  }
0xd6: {  	[tilespmem:s28+$0x180] =	vst.add.f32.msk $0xffff, v0  }
0xd7: {  	v0 =	vld [tilespmem:s29+$0xFFFFFFD0];
	_ =	sdelay $0x4  }
0xd8: {  	[tilespmem:s28+$0x190] =	vst.add.f32.msk $0xffff, v0  }
0xd9: {  	v0 =	vld [tilespmem:s29+$0xFFFFFFE0];
	_ =	sdelay $0x4  }
0xda: {  	[tilespmem:s28+$0x1A0] =	vst.add.f32.msk $0xffff, v0  }
0xdb: {  	v0 =	vld [tilespmem:s29+$0xFFFFFFF0];
	_ =	sdelay $0x4  }
0xdc: {  	[tilespmem:s28+$0x1B0] =	vst.add.f32.msk $0xffff, v0  }
0xdd: {  	v0 =	vld [tilespmem:s29+$0x0];
	_ =	sdelay $0x4  }
0xde: {  	[tilespmem:s28+$0x200] =	vst.add.f32.msk $0xffff, v0  }
0xdf: {  	v0 =	vld [tilespmem:s29+$0x10];
	_ =	sdelay $0x4  }
0xe0: {  	[tilespmem:s28+$0x210] =	vst.add.f32.msk $0xffff, v0  }
0xe1: {  	v0 =	vld [tilespmem:s29+$0x20];
	_ =	sdelay $0x4  }
0xe2: {  	[tilespmem:s28+$0x220] =	vst.add.f32.msk $0xffff, v0  }
0xe3: {  	v0 =	vld [tilespmem:s29+$0x30];
	_ =	sdelay $0x4  }
0xe4: {  	[tilespmem:s28+$0x230] =	vst.add.f32.msk $0xffff, v0  }
0xe5: {  	v0 =	vld [tilespmem:s29+$0x40];
	_ =	sdelay $0x4  }
0xe6: {  	[tilespmem:s28+$0x280] =	vst.add.f32.msk $0xffff, v0  }
0xe7: {  	v0 =	vld [tilespmem:s29+$0x50];
	_ =	sdelay $0x4  }
0xe8: {  	[tilespmem:s28+$0x290] =	vst.add.f32.msk $0xffff, v0  }
0xe9: {  	v0 =	vld [tilespmem:s29+$0x60];
	_ =	sdelay $0x4  }
0xea: {  	[tilespmem:s28+$0x2A0] =	vst.add.f32.msk $0xffff, v0  }
0xeb: {  	v0 =	vld [tilespmem:s29+$0x70];
	_ =	sdelay $0x4  }
0xec: {  	[tilespmem:s28+$0x2B0] =	vst.add.f32.msk $0xffff, v0  }
0xed: {  	v0 =	vld [tilespmem:s29+$0x80];
	_ =	sdelay $0x4  }
0xee: {  	[tilespmem:s28+$0x300] =	vst.add.f32.msk $0xffff, v0  }
0xef: {  	v0 =	vld [tilespmem:s29+$0x90];
	_ =	sdelay $0x4  }
0xf0: {  	[tilespmem:s28+$0x310] =	vst.add.f32.msk $0xffff, v0  }
0xf1: {  	v0 =	vld [tilespmem:s29+$0xA0];
	_ =	sdelay $0x4  }
0xf2: {  	[tilespmem:s28+$0x320] =	vst.add.f32.msk $0xffff, v0  }
0xf3: {  	v0 =	vld [tilespmem:s29+$0xB0];
	_ =	sdelay $0x4  }
0xf4: {  	[tilespmem:s28+$0x330] =	vst.add.f32.msk $0xffff, v0  }
0xf5: {  	v0 =	vld [tilespmem:s29+$0xC0];
	_ =	sdelay $0x4  }
0xf6: {  	[tilespmem:s28+$0x380] =	vst.add.f32.msk $0xffff, v0  }
0xf7: {  	v0 =	vld [tilespmem:s29+$0xD0];
	_ =	sdelay $0x4  }
0xf8: {  	[tilespmem:s28+$0x390] =	vst.add.f32.msk $0xffff, v0  }
0xf9: {  	v0 =	vld [tilespmem:s29+$0xE0];
	_ =	sdelay $0x4  }
0xfa: {  	[tilespmem:s28+$0x3A0] =	vst.add.f32.msk $0xffff, v0  }
0xfb: {  	v0 =	vld [tilespmem:s29+$0xF0];
	_ =	sdelay $0x4  }
0xfc: {  	s30 =	simm.s32 $0x19300;
	s29 =	simm.s32 $0x0;
	[tilespmem:s28+$0x3B0] =	vst.add.f32.msk $0xffff, v0  }
.LBB2_9:
0xfd: {  	v0 =	vld [tilespmem:s30+$0xFFFFFF00];
	s29 =	sadd.s32 $0x8, s29  }
0xfe: {  	p0 =	slt.u32 s29, $0xC0;
	_ =	sdelay $0x2  }
0xff: {  	s28 =	sadd.s32 $0x400, s28  }
0x100: {  	[tilespmem:s28+$0x0] =	vst.add.f32.msk $0xffff, v0  }
0x101: {  	v0 =	vld [tilespmem:s30+$0xFFFFFF10];
	_ =	sdelay $0x4  }
0x102: {  	[tilespmem:s28+$0x10] =	vst.add.f32.msk $0xffff, v0  }
0x103: {  	v0 =	vld [tilespmem:s30+$0xFFFFFF20];
	_ =	sdelay $0x4  }
0x104: {  	[tilespmem:s28+$0x20] =	vst.add.f32.msk $0xffff, v0  }
0x105: {  	v0 =	vld [tilespmem:s30+$0xFFFFFF30];
	_ =	sdelay $0x4  }
0x106: {  	[tilespmem:s28+$0x30] =	vst.add.f32.msk $0xffff, v0  }
0x107: {  	v0 =	vld [tilespmem:s30+$0xFFFFFF40];
	_ =	sdelay $0x4  }
0x108: {  	[tilespmem:s28+$0x80] =	vst.add.f32.msk $0xffff, v0  }
0x109: {  	v0 =	vld [tilespmem:s30+$0xFFFFFF50];
	_ =	sdelay $0x4  }
0x10a: {  	[tilespmem:s28+$0x90] =	vst.add.f32.msk $0xffff, v0  }
0x10b: {  	v0 =	vld [tilespmem:s30+$0xFFFFFF60];
	_ =	sdelay $0x4  }
0x10c: {  	[tilespmem:s28+$0xA0] =	vst.add.f32.msk $0xffff, v0  }
0x10d: {  	v0 =	vld [tilespmem:s30+$0xFFFFFF70];
	_ =	sdelay $0x4  }
0x10e: {  	[tilespmem:s28+$0xB0] =	vst.add.f32.msk $0xffff, v0  }
0x10f: {  	v0 =	vld [tilespmem:s30+$0xFFFFFF80];
	_ =	sdelay $0x4  }
0x110: {  	[tilespmem:s28+$0x100] =	vst.add.f32.msk $0xffff, v0  }
0x111: {  	v0 =	vld [tilespmem:s30+$0xFFFFFF90];
	_ =	sdelay $0x4  }
0x112: {  	[tilespmem:s28+$0x110] =	vst.add.f32.msk $0xffff, v0  }
0x113: {  	v0 =	vld [tilespmem:s30+$0xFFFFFFA0];
	_ =	sdelay $0x4  }
0x114: {  	[tilespmem:s28+$0x120] =	vst.add.f32.msk $0xffff, v0  }
0x115: {  	v0 =	vld [tilespmem:s30+$0xFFFFFFB0];
	_ =	sdelay $0x4  }
0x116: {  	[tilespmem:s28+$0x130] =	vst.add.f32.msk $0xffff, v0  }
0x117: {  	v0 =	vld [tilespmem:s30+$0xFFFFFFC0];
	_ =	sdelay $0x4  }
0x118: {  	[tilespmem:s28+$0x180] =	vst.add.f32.msk $0xffff, v0  }
0x119: {  	v0 =	vld [tilespmem:s30+$0xFFFFFFD0];
	_ =	sdelay $0x4  }
0x11a: {  	[tilespmem:s28+$0x190] =	vst.add.f32.msk $0xffff, v0  }
0x11b: {  	v0 =	vld [tilespmem:s30+$0xFFFFFFE0];
	_ =	sdelay $0x4  }
0x11c: {  	[tilespmem:s28+$0x1A0] =	vst.add.f32.msk $0xffff, v0  }
0x11d: {  	v0 =	vld [tilespmem:s30+$0xFFFFFFF0];
	_ =	sdelay $0x4  }
0x11e: {  	[tilespmem:s28+$0x1B0] =	vst.add.f32.msk $0xffff, v0  }
0x11f: {  	v0 =	vld [tilespmem:s30+$0x0];
	_ =	sdelay $0x4  }
0x120: {  	[tilespmem:s28+$0x200] =	vst.add.f32.msk $0xffff, v0  }
0x121: {  	v0 =	vld [tilespmem:s30+$0x10];
	_ =	sdelay $0x4  }
0x122: {  	[tilespmem:s28+$0x210] =	vst.add.f32.msk $0xffff, v0  }
0x123: {  	v0 =	vld [tilespmem:s30+$0x20];
	_ =	sdelay $0x4  }
0x124: {  	[tilespmem:s28+$0x220] =	vst.add.f32.msk $0xffff, v0  }
0x125: {  	v0 =	vld [tilespmem:s30+$0x30];
	_ =	sdelay $0x4  }
0x126: {  	[tilespmem:s28+$0x230] =	vst.add.f32.msk $0xffff, v0  }
0x127: {  	v0 =	vld [tilespmem:s30+$0x40];
	_ =	sdelay $0x4  }
0x128: {  	[tilespmem:s28+$0x280] =	vst.add.f32.msk $0xffff, v0  }
0x129: {  	v0 =	vld [tilespmem:s30+$0x50];
	_ =	sdelay $0x4  }
0x12a: {  	[tilespmem:s28+$0x290] =	vst.add.f32.msk $0xffff, v0  }
0x12b: {  	v0 =	vld [tilespmem:s30+$0x60];
	_ =	sdelay $0x4  }
0x12c: {  	[tilespmem:s28+$0x2A0] =	vst.add.f32.msk $0xffff, v0  }
0x12d: {  	v0 =	vld [tilespmem:s30+$0x70];
	_ =	sdelay $0x4  }
0x12e: {  	[tilespmem:s28+$0x2B0] =	vst.add.f32.msk $0xffff, v0  }
0x12f: {  	v0 =	vld [tilespmem:s30+$0x80];
	_ =	sdelay $0x4  }
0x130: {  	[tilespmem:s28+$0x300] =	vst.add.f32.msk $0xffff, v0  }
0x131: {  	v0 =	vld [tilespmem:s30+$0x90];
	_ =	sdelay $0x4  }
0x132: {  	[tilespmem:s28+$0x310] =	vst.add.f32.msk $0xffff, v0  }
0x133: {  	v0 =	vld [tilespmem:s30+$0xA0];
	_ =	sdelay $0x4  }
0x134: {  	[tilespmem:s28+$0x320] =	vst.add.f32.msk $0xffff, v0  }
0x135: {  	v0 =	vld [tilespmem:s30+$0xB0];
	_ =	sdelay $0x4  }
0x136: {  	[tilespmem:s28+$0x330] =	vst.add.f32.msk $0xffff, v0  }
0x137: {  	v0 =	vld [tilespmem:s30+$0xC0];
	_ =	sdelay $0x4  }
0x138: {  	[tilespmem:s28+$0x380] =	vst.add.f32.msk $0xffff, v0  }
0x139: {  	v0 =	vld [tilespmem:s30+$0xD0];
	_ =	sdelay $0x4  }
0x13a: {  	[tilespmem:s28+$0x390] =	vst.add.f32.msk $0xffff, v0  }
0x13b: {  	v0 =	vld [tilespmem:s30+$0xE0];
	_ =	sdelay $0x4  }
0x13c: {  	[tilespmem:s28+$0x3A0] =	vst.add.f32.msk $0xffff, v0  }
0x13d: {  	v0 =	vld [tilespmem:s30+$0xF0]  }
.Ltmp5:
0x13e: {  	(pc) =	sbr.rel @p0 .LBB2_9-.Ltmp5, $2  }
0x13f: {  	_ =	sdelay $0x2  }
0x140: {  	s30 =	sadd.s32 $0x200, s30;
	[tilespmem:s28+$0x3B0] =	vst.add.f32.msk $0xffff, v0  }
0x141: {  	s28 =	sadd.s32 s25, s8  }
0x142: {  	s28 =	smul.u32 $0xC80, s28  }
0x143: {  	p0 =	seq.s32 s24, $0x2A  }
.Ltmp6:
0x144: {  	s28 =	sadd.s32 s5, s28;
	(pc) =	sbr.rel @p0 .LBB2_14-.Ltmp6, $4  }
0x145: {  	[hbm4b:s28+s2] =	stream.linear.scatter [tilespmem:s15], [sflag:$0x5], $0x6400, $0x38;
	[tilespmem:$0x1C400] =	vst v63  }
0x146: {  	_ =	swait.ge [sflag:s19], $0x6400  }
0x147: {  	[sflag:s19] =	ssyncset.done $0x0  }
0x148: {  	[sflag:s19] =	ssyncadd.s32 $0xFFFF9C00  }
0x149: {  	s26 =	sadd.s32 $0x258, s26  }
0x14a: {  	[tilespmem:s14], [sflag:$0x1] =	stream.indirect.gather [hbm4b:s3+s13], $0x80, s26, s13, $0xb8;
	[tilespmem:$0x1C400] =	vst v63  }
0x14b: {  	_ =	swait.ge [sflag:s22], $0x6400  }
0x14c: {  	[sflag:s22] =	ssyncset.done $0x0  }
0x14d: {  	s28 =	simm.s32 $0x19100;
	[sflag:s22] =	ssyncadd.s32 $0xFFFF9C00  }
0x14e: {  	v0 =	vld [tilespmem:s28+$0xFFFFFF00];
	_ =	sdelay $0x3  }
0x14f: {  	s26 =	simm.s32 $0x12C00  }
0x150: {  	[tilespmem:s26+$0x0] =	vst.add.f32.msk $0xffff, v0  }
0x151: {  	v0 =	vld [tilespmem:s28+$0xFFFFFF10];
	_ =	sdelay $0x4  }
0x152: {  	[tilespmem:s26+$0x10] =	vst.add.f32.msk $0xffff, v0  }
0x153: {  	v0 =	vld [tilespmem:s28+$0xFFFFFF20];
	_ =	sdelay $0x4  }
0x154: {  	[tilespmem:s26+$0x20] =	vst.add.f32.msk $0xffff, v0  }
0x155: {  	v0 =	vld [tilespmem:s28+$0xFFFFFF30];
	_ =	sdelay $0x4  }
0x156: {  	[tilespmem:s26+$0x30] =	vst.add.f32.msk $0xffff, v0  }
0x157: {  	v0 =	vld [tilespmem:s28+$0xFFFFFF40];
	_ =	sdelay $0x4  }
0x158: {  	[tilespmem:s26+$0x80] =	vst.add.f32.msk $0xffff, v0  }
0x159: {  	v0 =	vld [tilespmem:s28+$0xFFFFFF50];
	_ =	sdelay $0x4  }
0x15a: {  	[tilespmem:s26+$0x90] =	vst.add.f32.msk $0xffff, v0  }
0x15b: {  	v0 =	vld [tilespmem:s28+$0xFFFFFF60];
	_ =	sdelay $0x4  }
0x15c: {  	[tilespmem:s26+$0xA0] =	vst.add.f32.msk $0xffff, v0  }
0x15d: {  	v0 =	vld [tilespmem:s28+$0xFFFFFF70];
	_ =	sdelay $0x4  }
0x15e: {  	[tilespmem:s26+$0xB0] =	vst.add.f32.msk $0xffff, v0  }
0x15f: {  	v0 =	vld [tilespmem:s28+$0xFFFFFF80];
	_ =	sdelay $0x4  }
0x160: {  	[tilespmem:s26+$0x100] =	vst.add.f32.msk $0xffff, v0  }
0x161: {  	v0 =	vld [tilespmem:s28+$0xFFFFFF90];
	_ =	sdelay $0x4  }
0x162: {  	[tilespmem:s26+$0x110] =	vst.add.f32.msk $0xffff, v0  }
0x163: {  	v0 =	vld [tilespmem:s28+$0xFFFFFFA0];
	_ =	sdelay $0x4  }
0x164: {  	[tilespmem:s26+$0x120] =	vst.add.f32.msk $0xffff, v0  }
0x165: {  	v0 =	vld [tilespmem:s28+$0xFFFFFFB0];
	_ =	sdelay $0x4  }
0x166: {  	[tilespmem:s26+$0x130] =	vst.add.f32.msk $0xffff, v0  }
0x167: {  	v0 =	vld [tilespmem:s28+$0xFFFFFFC0];
	_ =	sdelay $0x4  }
0x168: {  	[tilespmem:s26+$0x180] =	vst.add.f32.msk $0xffff, v0  }
0x169: {  	v0 =	vld [tilespmem:s28+$0xFFFFFFD0];
	_ =	sdelay $0x4  }
0x16a: {  	[tilespmem:s26+$0x190] =	vst.add.f32.msk $0xffff, v0  }
0x16b: {  	v0 =	vld [tilespmem:s28+$0xFFFFFFE0];
	_ =	sdelay $0x4  }
0x16c: {  	[tilespmem:s26+$0x1A0] =	vst.add.f32.msk $0xffff, v0  }
0x16d: {  	v0 =	vld [tilespmem:s28+$0xFFFFFFF0];
	_ =	sdelay $0x4  }
0x16e: {  	[tilespmem:s26+$0x1B0] =	vst.add.f32.msk $0xffff, v0  }
0x16f: {  	v0 =	vld [tilespmem:s28+$0x0];
	_ =	sdelay $0x4  }
0x170: {  	[tilespmem:s26+$0x200] =	vst.add.f32.msk $0xffff, v0  }
0x171: {  	v0 =	vld [tilespmem:s28+$0x10];
	_ =	sdelay $0x4  }
0x172: {  	[tilespmem:s26+$0x210] =	vst.add.f32.msk $0xffff, v0  }
0x173: {  	v0 =	vld [tilespmem:s28+$0x20];
	_ =	sdelay $0x4  }
0x174: {  	[tilespmem:s26+$0x220] =	vst.add.f32.msk $0xffff, v0  }
0x175: {  	v0 =	vld [tilespmem:s28+$0x30];
	_ =	sdelay $0x4  }
0x176: {  	[tilespmem:s26+$0x230] =	vst.add.f32.msk $0xffff, v0  }
0x177: {  	v0 =	vld [tilespmem:s28+$0x40];
	_ =	sdelay $0x4  }
0x178: {  	[tilespmem:s26+$0x280] =	vst.add.f32.msk $0xffff, v0  }
0x179: {  	v0 =	vld [tilespmem:s28+$0x50];
	_ =	sdelay $0x4  }
0x17a: {  	[tilespmem:s26+$0x290] =	vst.add.f32.msk $0xffff, v0  }
0x17b: {  	v0 =	vld [tilespmem:s28+$0x60];
	_ =	sdelay $0x4  }
0x17c: {  	[tilespmem:s26+$0x2A0] =	vst.add.f32.msk $0xffff, v0  }
0x17d: {  	v0 =	vld [tilespmem:s28+$0x70];
	_ =	sdelay $0x4  }
0x17e: {  	[tilespmem:s26+$0x2B0] =	vst.add.f32.msk $0xffff, v0  }
0x17f: {  	v0 =	vld [tilespmem:s28+$0x80];
	_ =	sdelay $0x4  }
0x180: {  	[tilespmem:s26+$0x300] =	vst.add.f32.msk $0xffff, v0  }
0x181: {  	v0 =	vld [tilespmem:s28+$0x90];
	_ =	sdelay $0x4  }
0x182: {  	[tilespmem:s26+$0x310] =	vst.add.f32.msk $0xffff, v0  }
0x183: {  	v0 =	vld [tilespmem:s28+$0xA0];
	_ =	sdelay $0x4  }
0x184: {  	[tilespmem:s26+$0x320] =	vst.add.f32.msk $0xffff, v0  }
0x185: {  	v0 =	vld [tilespmem:s28+$0xB0];
	_ =	sdelay $0x4  }
0x186: {  	[tilespmem:s26+$0x330] =	vst.add.f32.msk $0xffff, v0  }
0x187: {  	v0 =	vld [tilespmem:s28+$0xC0];
	_ =	sdelay $0x4  }
0x188: {  	[tilespmem:s26+$0x380] =	vst.add.f32.msk $0xffff, v0  }
0x189: {  	v0 =	vld [tilespmem:s28+$0xD0];
	_ =	sdelay $0x4  }
0x18a: {  	[tilespmem:s26+$0x390] =	vst.add.f32.msk $0xffff, v0  }
0x18b: {  	v0 =	vld [tilespmem:s28+$0xE0];
	_ =	sdelay $0x4  }
0x18c: {  	[tilespmem:s26+$0x3A0] =	vst.add.f32.msk $0xffff, v0  }
0x18d: {  	v0 =	vld [tilespmem:s28+$0xF0];
	_ =	sdelay $0x4  }
0x18e: {  	s29 =	simm.s32 $0x19300;
	s28 =	simm.s32 $0x0;
	[tilespmem:s26+$0x3B0] =	vst.add.f32.msk $0xffff, v0  }
.LBB2_12:
0x18f: {  	v0 =	vld [tilespmem:s29+$0xFFFFFF00];
	s28 =	sadd.s32 $0x8, s28  }
0x190: {  	p0 =	slt.u32 s28, $0xC0;
	_ =	sdelay $0x2  }
0x191: {  	s26 =	sadd.s32 $0x400, s26  }
0x192: {  	[tilespmem:s26+$0x0] =	vst.add.f32.msk $0xffff, v0  }
0x193: {  	v0 =	vld [tilespmem:s29+$0xFFFFFF10];
	_ =	sdelay $0x4  }
0x194: {  	[tilespmem:s26+$0x10] =	vst.add.f32.msk $0xffff, v0  }
0x195: {  	v0 =	vld [tilespmem:s29+$0xFFFFFF20];
	_ =	sdelay $0x4  }
0x196: {  	[tilespmem:s26+$0x20] =	vst.add.f32.msk $0xffff, v0  }
0x197: {  	v0 =	vld [tilespmem:s29+$0xFFFFFF30];
	_ =	sdelay $0x4  }
0x198: {  	[tilespmem:s26+$0x30] =	vst.add.f32.msk $0xffff, v0  }
0x199: {  	v0 =	vld [tilespmem:s29+$0xFFFFFF40];
	_ =	sdelay $0x4  }
0x19a: {  	[tilespmem:s26+$0x80] =	vst.add.f32.msk $0xffff, v0  }
0x19b: {  	v0 =	vld [tilespmem:s29+$0xFFFFFF50];
	_ =	sdelay $0x4  }
0x19c: {  	[tilespmem:s26+$0x90] =	vst.add.f32.msk $0xffff, v0  }
0x19d: {  	v0 =	vld [tilespmem:s29+$0xFFFFFF60];
	_ =	sdelay $0x4  }
0x19e: {  	[tilespmem:s26+$0xA0] =	vst.add.f32.msk $0xffff, v0  }
0x19f: {  	v0 =	vld [tilespmem:s29+$0xFFFFFF70];
	_ =	sdelay $0x4  }
0x1a0: {  	[tilespmem:s26+$0xB0] =	vst.add.f32.msk $0xffff, v0  }
0x1a1: {  	v0 =	vld [tilespmem:s29+$0xFFFFFF80];
	_ =	sdelay $0x4  }
0x1a2: {  	[tilespmem:s26+$0x100] =	vst.add.f32.msk $0xffff, v0  }
0x1a3: {  	v0 =	vld [tilespmem:s29+$0xFFFFFF90];
	_ =	sdelay $0x4  }
0x1a4: {  	[tilespmem:s26+$0x110] =	vst.add.f32.msk $0xffff, v0  }
0x1a5: {  	v0 =	vld [tilespmem:s29+$0xFFFFFFA0];
	_ =	sdelay $0x4  }
0x1a6: {  	[tilespmem:s26+$0x120] =	vst.add.f32.msk $0xffff, v0  }
0x1a7: {  	v0 =	vld [tilespmem:s29+$0xFFFFFFB0];
	_ =	sdelay $0x4  }
0x1a8: {  	[tilespmem:s26+$0x130] =	vst.add.f32.msk $0xffff, v0  }
0x1a9: {  	v0 =	vld [tilespmem:s29+$0xFFFFFFC0];
	_ =	sdelay $0x4  }
0x1aa: {  	[tilespmem:s26+$0x180] =	vst.add.f32.msk $0xffff, v0  }
0x1ab: {  	v0 =	vld [tilespmem:s29+$0xFFFFFFD0];
	_ =	sdelay $0x4  }
0x1ac: {  	[tilespmem:s26+$0x190] =	vst.add.f32.msk $0xffff, v0  }
0x1ad: {  	v0 =	vld [tilespmem:s29+$0xFFFFFFE0];
	_ =	sdelay $0x4  }
0x1ae: {  	[tilespmem:s26+$0x1A0] =	vst.add.f32.msk $0xffff, v0  }
0x1af: {  	v0 =	vld [tilespmem:s29+$0xFFFFFFF0];
	_ =	sdelay $0x4  }
0x1b0: {  	[tilespmem:s26+$0x1B0] =	vst.add.f32.msk $0xffff, v0  }
0x1b1: {  	v0 =	vld [tilespmem:s29+$0x0];
	_ =	sdelay $0x4  }
0x1b2: {  	[tilespmem:s26+$0x200] =	vst.add.f32.msk $0xffff, v0  }
0x1b3: {  	v0 =	vld [tilespmem:s29+$0x10];
	_ =	sdelay $0x4  }
0x1b4: {  	[tilespmem:s26+$0x210] =	vst.add.f32.msk $0xffff, v0  }
0x1b5: {  	v0 =	vld [tilespmem:s29+$0x20];
	_ =	sdelay $0x4  }
0x1b6: {  	[tilespmem:s26+$0x220] =	vst.add.f32.msk $0xffff, v0  }
0x1b7: {  	v0 =	vld [tilespmem:s29+$0x30];
	_ =	sdelay $0x4  }
0x1b8: {  	[tilespmem:s26+$0x230] =	vst.add.f32.msk $0xffff, v0  }
0x1b9: {  	v0 =	vld [tilespmem:s29+$0x40];
	_ =	sdelay $0x4  }
0x1ba: {  	[tilespmem:s26+$0x280] =	vst.add.f32.msk $0xffff, v0  }
0x1bb: {  	v0 =	vld [tilespmem:s29+$0x50];
	_ =	sdelay $0x4  }
0x1bc: {  	[tilespmem:s26+$0x290] =	vst.add.f32.msk $0xffff, v0  }
0x1bd: {  	v0 =	vld [tilespmem:s29+$0x60];
	_ =	sdelay $0x4  }
0x1be: {  	[tilespmem:s26+$0x2A0] =	vst.add.f32.msk $0xffff, v0  }
0x1bf: {  	v0 =	vld [tilespmem:s29+$0x70];
	_ =	sdelay $0x4  }
0x1c0: {  	[tilespmem:s26+$0x2B0] =	vst.add.f32.msk $0xffff, v0  }
0x1c1: {  	v0 =	vld [tilespmem:s29+$0x80];
	_ =	sdelay $0x4  }
0x1c2: {  	[tilespmem:s26+$0x300] =	vst.add.f32.msk $0xffff, v0  }
0x1c3: {  	v0 =	vld [tilespmem:s29+$0x90];
	_ =	sdelay $0x4  }
0x1c4: {  	[tilespmem:s26+$0x310] =	vst.add.f32.msk $0xffff, v0  }
0x1c5: {  	v0 =	vld [tilespmem:s29+$0xA0];
	_ =	sdelay $0x4  }
0x1c6: {  	[tilespmem:s26+$0x320] =	vst.add.f32.msk $0xffff, v0  }
0x1c7: {  	v0 =	vld [tilespmem:s29+$0xB0];
	_ =	sdelay $0x4  }
0x1c8: {  	[tilespmem:s26+$0x330] =	vst.add.f32.msk $0xffff, v0  }
0x1c9: {  	v0 =	vld [tilespmem:s29+$0xC0];
	_ =	sdelay $0x4  }
0x1ca: {  	[tilespmem:s26+$0x380] =	vst.add.f32.msk $0xffff, v0  }
0x1cb: {  	v0 =	vld [tilespmem:s29+$0xD0];
	_ =	sdelay $0x4  }
0x1cc: {  	[tilespmem:s26+$0x390] =	vst.add.f32.msk $0xffff, v0  }
0x1cd: {  	v0 =	vld [tilespmem:s29+$0xE0];
	_ =	sdelay $0x4  }
0x1ce: {  	[tilespmem:s26+$0x3A0] =	vst.add.f32.msk $0xffff, v0  }
0x1cf: {  	v0 =	vld [tilespmem:s29+$0xF0]  }
.Ltmp7:
0x1d0: {  	(pc) =	sbr.rel @p0 .LBB2_12-.Ltmp7, $2  }
0x1d1: {  	_ =	sdelay $0x2  }
0x1d2: {  	s29 =	sadd.s32 $0x200, s29;
	[tilespmem:s26+$0x3B0] =	vst.add.f32.msk $0xffff, v0  }
.Ltmp8:
0x1d3: {  	s25 =	sadd.s32 s25, s9;
	(pc) =	sbr.rel .LBB2_2-.Ltmp8, $3  }
0x1d4: {  	s25 =	smul.u32 $0xC80, s25;
	_ =	sdelay $0x1  }
0x1d5: {  	s24 =	sadd.s32 $0x1, s24;
	s25 =	sadd.s32 s5, s25  }
0x1d6: {  	[hbm4b:s25+s2] =	stream.linear.scatter [tilespmem:s17], [sflag:$0x6], $0x6400, $0x38;
	[tilespmem:$0x1C400] =	vst v63  }
.LBB2_15:
0x1d7: {  	_ =	sfence.sel $0x180000  }
0x1d8: {  	[bflag:$0x0] =	sbarrier.arrive $0xFFFF  }
0x1d9: {  	p0 =	sne.s32 s1, $0x0;
	_ =	strace $0x90000047  }
0x1da: {  	s0 =	sadd.s32 @!p0 $0x100000, s0;
	[bflag:$0x2] =	sbarrier.arrive $0xFFFF  }
0x1db: {  	[sflag:s0] =	ssyncadd.tile.s32 @!p0 $0x1;
	_ =	shalt  }
.Lfunc_end2:
_tile_overlayer_lowered:
.L_overlay_start_2:
0x1dc: {  	(tag) =	ssettag $0x2  }
0x1dd: {  	s0 =	rddreg [dreg:$0x0];
	s2 =	stileid.u32  }
0x1de: {  	s1 =	rddreg [dreg:$0x1];
	p0 =	sne.s32 s2, $0x0  }
0x1df: {  	s3 =	rddreg [dreg:$0x2];
	[bflag:$0x3] =	sbarrier.arrive $0xFFFF;
	s2 =	simm.s32 @!p0 $0x1C07  }
0x1e0: {  	[timem:s3], [sflag:s2] =	dma.local @!p0 [hbm:s0], s1  }
0x1e1: {  	s0 =	simm.s32 @!p0 $0x7  }
0x1e2: {  	_ =	swait.ge @!p0 [sflag:s0], s1  }
0x1e3: {  	s1 =	ssub.s32 @!p0 $0x0, s1;
	[sflag:s0] =	ssyncset.done @!p0 $0x0  }
0x1e4: {  	[sflag:s0] =	ssyncadd.s32 @!p0 s1  }
0x1e5: {  	[bflag:$0x3] =	sbarrier.arrive $0xFFFF  }
0x1e6: {  	_ =	shalt  }

// kernel: sparse-core-data-format-call.cloned.1.call-start
scs
called_computation_lowered:
.L_overlay_start_0:
0x0: {  	s2 =	sld [smem:$0x3FD9]  }
0x1: {  	s3 =	sld [smem:$0x3FFE];
	_ =	sdelay $0x1  }
0x2: {  	s1 =	srdreg.scid  }
0x3: {  	s0 =	sand.u32 $0x1, s1  }
0x4: {  	s18 =	sshll.u32 s0, $0xA;
	s2 =	sadd.s32 s3, s2  }
0x5: {  	s2 =	sadd.s32 s2, s18  }
0x6: {  	[smem:$0x3FC5] =	sst s2  }
0x7: {  	_ = 	snop  }
0x8: {  	s2 =	sld [smem:$0x3FD0];
	(tm) =	ssettm $0x1  }
0x9: {  	s19 =	sld [smem:$0x3FFB];
	_ =	sdelay $0x3  }
0xa: {  	_ =	strace s19  }
0xb: {  	s3 =	sld [smem:$0x3FFC];
	_ =	sdelay $0x3  }
0xc: {  	_ =	strace s3  }
0xd: {  	s3 =	sld [smem:$0x3FFD];
	_ =	sdelay $0x3  }
0xe: {  	_ =	strace s3  }
0xf: {  	_ =	strace $0x8FFFFFFF  }
0x10: {  	s20 =	sld [smem:$0x3FDB];
	_ =	sdelay $0x1  }
0x11: {  	s4 =	simm.s32 $_scs_section_size  }
0x12: {  	s5 =	simm.s32 $_size__tile_overlayer_lowered;
	s6 =	simm.s32 $_tile_overlayer_lowered  }
0x13: {  	s23 =	simm.s32 $0x1BFF;
	s22 =	sshll.u32 s6, $0x1;
	s3 =	sadd.s32 s4, s20  }
0x14: {  	s7 =	simm.s32 $0x0;
	s21 =	sshll.u32 s5, $0x1;
	s5 =	sadd.s32 s22, s3  }
0x15: {  	[timem:s7], [sflag:s23] =	dma.local [hbm:s5], s21  }
0x16: {  	_ =	swait.ge [sflag:s23], s21  }
0x17: {  	s4 =	ssub.s32 $0x0, s21;
	[sflag:s23] =	ssyncset.done $0x0  }
0x18: {  	[sflag:s23] =	ssyncadd.s32 s4;
	_ =	sdelay $0x1  }
0x19: {  	s24 =	simm.s32 $0x1B8B  }
0x1a: {  	_ =	swait.ge [sflag:s24], $0x1  }
0x1b: {  	[sflag:s24] =	ssyncset.done $0x0  }
0x1c: {  	s26 =	simm.s32 $0x1B8E;
	s25 =	sld [smem:$0x3FFE];
	[sflag:s24] =	ssyncadd.s32 $0xFFFFFFFF  }
0x1d: {  	s27 =	simm.s32 $execute0_lowered;
	[smem:$0x3FD2] =	sst s26  }
0x1e: {  	s5 =	sshll.u32 s27, $0x1;
	_ =	strace $0x80000049;
	[dreg:$0x1] =	wrdreg $0xFFFFFFFF  }
0x1f: {  	s28 =	simm.s32 $_size_execute0_lowered;
	s3 =	sadd.s32 s3, s5;
	[dreg:$0x0] =	wrdreg $0x0  }
0x20: {  	s5 =	sshll.u32 s28, $0x1;
	[dreg:$0x2] =	wrdreg s3  }
0x21: {  	[dreg:$0x3] =	wrdreg s5  }
0x22: {  	[dreg:$0x4] =	wrdreg $0xC0  }
0x23: {  	_ =	task [dreg:s7], $0x5FFFF  }
0x24: {  	[dreg:$0x1] =	wrdreg $0xFFFFFFFF  }
0x25: {  	[dreg:$0x0] =	wrdreg $0x60  }
0x26: {  	[dreg:$0x2] =	wrdreg s25  }
0x27: {  	[dreg:$0x3] =	wrdreg s2  }
0x28: {  	[dreg:$0x4] =	wrdreg $0x9  }
0x29: {  	_ =	task.clear_ibuf [dreg:s7], $0x5FFFF;
	_ =	strace $0x90000049  }
0x2a: {  	s29 =	simm.s32 $0x9;
	_ =	strace $0x8000004B  }
0x2b: {  	_ =	swait.ge [sflag:s29], $0x1  }
0x2c: {  	[sflag:s29] =	ssyncadd.s32 $0xFFFFFFFF  }
0x2d: {  	_ =	strace $0x9000004B  }
0x2e: {  	_ =	sfence  }
0x2f: {  	s30 =	sld [smem:$0x0];
	_ =	sdelay $0x2  }
0x30: {  	s31 =	sshll.u32 s1, $0xD;
	s1 =	sshrl.u32 s1, $0x2  }
0x31: {  	s3 =	sand.u32 $0x4000, s31;
	s1 =	sadd.s32 s1, s30  }
0x32: {  	s0 =	sor.u32 s3, s0;
	s1 =	sshll.u32 s1, $0x11  }
0x33: {  	s0 =	sor.u32 s1, s0  }
0x34: {  	s0 =	sadd.s32 $0x8F2B, s0  }
0x35: {  	[sflag:s0] =	ssyncadd.remote.s32 $0x1  }
0x36: {  	_ =	sfence.sel $0xFFFF  }
0x37: {  	[dreg:$0x0] =	wrdreg $0xFFFFFFFF;
	(pc) =	sbr.abs _section_cstart, $3  }
0x38: {  	[dreg:$0x1] =	wrdreg $0xFFFFFFFF  }
0x39: {  	_ =	task.clear_ibuf [dreg:s7], $0x2FFFF;
	_ =	strace $0x9FFFFFFF  }
0x3a: {  	(tm) =	ssettm $0x7FFFFFFF  }
0x3b: {  	_ =	shalt  }
tec
execute0_lowered:
.L_overlay_start_1:
0x0: {  	(tag) =	ssettag $0x1  }
0x1: {  	s0 =	srdreg.scid  }
0x2: {  	s1 =	sshll.u32 s0, $0x4  }
0x3: {  	s0 =	stileid.u32;
	s1 =	sand.u32 $0x10, s1  }
0x4: {  	s1 =	sor.u32 s0, s1  }
0x5: {  	s6 =	rddreg [dreg:$0x0];
	s4 =	simm.s32 $0x1;
	s2 =	sshll.u32 s1, $0x7  }
0x6: {  	s7 =	simm.s32 $0x2;
	s12 =	simm.s32 $0x0;
	s1 =	ssub.s32 $0x1000, s2  }
0x7: {  	s8 =	simm.s32 $0x8000;
	s13 =	simm.s32 $0x0;
	s3 =	sand.u32 $0xF80, s1  }
0x8: {  	s9 =	simm.s32 $0x0;
	s5 =	sshrl.u32 s1, $0xC;
	p0 =	sne.s32 s3, $0x0  }
.Ltmp0:
0x9: {  	s1 =	rddreg [dreg:$0x2];
	s4 =	simm.s32 @!p0 $0x0;
	(pc) =	sbr.rel .LBB1_1-.Ltmp0, $4  }
0xa: {  	s11 =	simm.s32 $0x0;
	s3 =	rddreg [dreg:$0x1];
	s5 =	sadd.s32 s4, s5  }
0xb: {  	_ =	strace $0x8000004A;
	s4 =	simm.s32 $0x1;
	s5 =	smul.u32 $0xC8, s5  }
0xc: {  	s6 =	sadd.s32 $0xC00, s6;
	s10 =	smov.u32 s2;
	[sflag:s4] =	ssyncpa.u1 $0x0  }
0xd: {  	p0 =	por $0x0, $0x0;
	[sflag:s7] =	ssyncpa.u1 $0x0;
	s7 =	sor.u32 $0x1, s5  }
.LBB1_4:
0xe: {  	s16 =	sshll.u32 s13, $0x3;
	s17 =	sand.u32 $0x78, s13  }
0xf: {  	s30 =	sand.u32 $0x7E00, s13;
	s12 =	sshll.u32 s12, $0xF;
	s16 =	sand.u32 $0xC00, s16  }
0x10: {  	[tilespmem:s15+$0x810 ss:$0x81] =	vst.msk $0xffff, v2;
	s31 =	sand.u32 $0x7, s13;
	s16 =	sor.u32 s17, s16;
	s17 =	sadd.s32 s3, s30  }
0x11: {  	[tilespmem:s15+$0x1020 ss:$0x81] =	vst.msk $0xffff, v0;
	s13 =	sshll.u32 s31, $0x12;
	s12 =	sadd.s32 s12, s17;
	s16 =	sshrl.u32 s16, $0x3  }
0x12: {  	[tilespmem:s15+$0x0 ss:$0x81] =	vst.msk $0xffff, v1;
	s13 =	sor.u32 $0x400, s13;
	s12 =	sadd.s32 s16, s12  }
0x13: {  	[hbm4b:s12+s13] =	stream.strided.scatter [tilespmem:s14], [sflag:$0x2], $0x2000, s8, s13, $0x20;
	[tilespmem:$0x8080] =	vst v63  }
.LBB1_5:
0x14: {  	s14 =	sadd.s32 $0x1, s9  }
0x15: {  	s12 =	sadd.s32 $0x1000, s10;
	s16 =	smov.u32 s10;
	p2 =	sgt.s32 s14, $0xC7  }
0x16: {  	s16 =	smov.u32 @p2 s12  }
0x17: {  	s14 =	simm.s32 @p2 $0x0;
	p2 =	sgt.s32 s16, $0xFFF  }
0x18: {  	s16 =	smov.u32 @p2 s2;
	p2 =	sne.s32 s11, s7  }
.Ltmp1:
0x19: {  	p1 =	slt.u32 s11, $0x2;
	(pc) =	sbr.rel @!p2 .LBB1_6-.Ltmp1, $4  }
0x1a: {  	s15 =	simm.s32 @!p1 $0x2  }
0x1b: {  	s13 =	smov.u32 s10;
	p0 =	por !p0, !p0;
	_ =	swait.ge @!p1 [sflag:s15], $0x2000  }
0x1c: {  	s12 =	smov.u32 s9;
	[sflag:s15] =	ssyncset.done @!p1 $0x0;
	s9 =	smov.u32 s14  }
0x1d: {  	s11 =	sadd.s32 $0x1, s11;
	[sflag:s15] =	ssyncadd.s32 @!p1 $0xFFFFE000;
	s10 =	smov.u32 s16  }
.LBB1_1:
0x1e: {  	p1 =	sge.u32 s11, s5  }
0x1f: {  	s14 =	sand.u32 @!p1 $0x1FFFFFF, s9  }
0x20: {  	s15 =	smulhi.u32 @!p1 $0x147AE15, s14;
	_ =	sdelay $0x1  }
0x21: {  	s15 =	smul.u32 @!p1 $0xC8, s15  }
0x22: {  	s16 =	sxor.u32 @!p1 $0xFFFFFFFF, s11;
	s17 =	smul.u32 @!p1 $0xC80, s10  }
0x23: {  	s31 =	sadd.s32 $0xFFFFFFFF, s11;
	s16 =	sshll.u32 @!p1 s16, $0xD;
	s14 =	ssub.s32 @!p1 s14, s15  }
0x24: {  	s15 =	sand.u32 @!p1 $0x2000, s16;
	s16 =	sadd.s32 @!p1 s6, s17;
	s14 =	sshll.u32 @!p1 s14, $0x4  }
0x25: {  	s17 =	simm.s32 @!p1 $0x6400;
	s14 =	sadd.s32 @!p1 s14, s16;
	s16 =	simm.s32 @!p1 $0x40  }
0x26: {  	[tilespmem:s15], [sflag:$0x1] =	stream.strided.gather @!p1 [hbm4b:s14+s16], $0x2000, s17, s16, $0x38;
	[tilespmem:$0x8080] =	vst v63  }
0x27: {  	p1 =	sge.u32 s31, s5  }
.Ltmp2:
0x28: {  	_ = 	snop;
	(pc) =	sbr.rel @p1 .LBB1_5-.Ltmp2, $1  }
0x29: {  	_ =	sdelay $0x3  }
0x2a: {  	s14 =	simm.s32 $0x1  }
0x2b: {  	_ =	swait.ge [sflag:s4], $0x2000;
	s14 =	simm.s32 @!p0 $0x0  }
0x2c: {  	[sflag:s4] =	ssyncset.done $0x0;
	s15 =	sshll.u32 s14, $0xD  }
0x2d: {  	[sflag:s4] =	ssyncadd.s32 $0xFFFFE000;
	s18 =	sor.u32 $0x20, s15  }
0x2e: {  	s14 =	smul.u32 $0x8100, s14;
	v3 =	vld [tilespmem:s18+$0x10]  }
0x2f: {  	s30 =	sand.u32 $0x1, s11;
	v2 =	vld [tilespmem:s18+$0xFFFFFFF0]  }
0x30: {  	s15 =	smul.u32 $0x8100, s30;
	s14 =	sshrl.u32 s14, $0x2;
	v0 =	vld [tilespmem:s18+$0x0]  }
0x31: {  	v1 =	vld [tilespmem:s18+$0xFFFFFFE0];
	s16 =	sor.u32 $0x4000, s14  }
0x32: {  	s31 =	sshrl.u32 s15, $0x2;
	s15 =	sadd.s32 $0x0, s16  }
0x33: {  	s17 =	simm.s32 $0x4;
	s18 =	sadd.s32 $0x40, s18;
	s14 =	sor.u32 $0x4000, s31;
	[tilespmem:s15+$0x1830 ss:$0x81] =	vst.msk $0xffff, v3  }
.LBB1_3:
0x34: {  	v3 =	vld [tilespmem:s18+$0x10];
	p1 =	sne.s32 s17, $0x1FC;
	[tilespmem:s15+$0x810 ss:$0x81] =	vst.msk $0xffff, v2;
	s19 =	smov.u32 s17;
	s17 =	sadd.s32 $0x4, s17  }
.Ltmp3:
0x35: {  	v2 =	vld [tilespmem:s18+$0xFFFFFFF0];
	[tilespmem:s15+$0x1020 ss:$0x81] =	vst.msk $0xffff, v0;
	(pc) =	sbr.rel @p1 .LBB1_3-.Ltmp3, $4  }
0x36: {  	v0 =	vld [tilespmem:s18+$0x0];
	[tilespmem:s15+$0x0 ss:$0x81] =	vst.msk $0xffff, v1  }
0x37: {  	s15 =	sshra.s32 s19, $0x2;
	v1 =	vld [tilespmem:s18+$0xFFFFFFE0]  }
0x38: {  	s15 =	sadd.s32 s15, s16  }
0x39: {  	s18 =	sadd.s32 $0x40, s18;
	[tilespmem:s15+$0x1830 ss:$0x81] =	vst.msk $0xffff, v3  }
.Ltmp4:
0x3a: {  	_ = 	snop;
	(pc) =	sbr.rel .LBB1_4-.Ltmp4, $1  }
0x3b: {  	_ =	sdelay $0x3  }
.LBB1_6:
0x3c: {  	_ =	sfence.sel $0x180000  }
0x3d: {  	s2 =	simm.s32 $0x1;
	[bflag:$0x0] =	sbarrier.arrive $0xFFFF  }
0x3e: {  	s31 =	simm.s32 $0x2;
	[sflag:s2] =	ssyncpa.u1 $0x1  }
0x3f: {  	[sflag:s31] =	ssyncpa.u1 $0x1  }
0x40: {  	p0 =	sne.s32 s0, $0x0;
	_ =	strace $0x9000004A  }
0x41: {  	s0 =	sadd.s32 @!p0 $0x100000, s1;
	[bflag:$0x2] =	sbarrier.arrive $0xFFFF  }
0x42: {  	[sflag:s0] =	ssyncadd.tile.s32 @!p0 $0x1;
	_ =	shalt  }
.Lfunc_end1:
_tile_overlayer_lowered:
.L_overlay_start_2:
0x43: {  	(tag) =	ssettag $0x2  }
0x44: {  	s0 =	rddreg [dreg:$0x0];
	s2 =	stileid.u32  }
0x45: {  	s1 =	rddreg [dreg:$0x1];
	p0 =	sne.s32 s2, $0x0  }
0x46: {  	s3 =	rddreg [dreg:$0x2];
	[bflag:$0x3] =	sbarrier.arrive $0xFFFF;
	s2 =	simm.s32 @!p0 $0x1C01  }
0x47: {  	[timem:s3], [sflag:s2] =	dma.local @!p0 [hbm:s0], s1  }
0x48: {  	s0 =	simm.s32 @!p0 $0x1  }
0x49: {  	_ =	swait.ge @!p0 [sflag:s0], s1  }
0x4a: {  	s1 =	ssub.s32 @!p0 $0x0, s1;
	[sflag:s0] =	ssyncset.done @!p0 $0x0  }
0x4b: {  	[sflag:s0] =	ssyncadd.s32 @!p0 s1  }
0x4c: {  	[bflag:$0x3] =	sbarrier.arrive $0xFFFF  }
0x4d: {  	_ =	shalt  }

</sc_bundles>
